<compile_context>
chip_gen: v7x
topology: tpu7x:2x2x1
jax: 0.10.2.dev20260603
libtpu: 0.0.44.dev20260713+nightly
codegen_flags: <defaults>
</compile_context>

<pallas_src>
import jax
import jax.numpy as jnp
from jax import lax
from jax.experimental import pallas as pl
from jax.experimental.pallas import tpu as pltpu
from jax.experimental.pallas import tpu_sc as plsc

RADIUS_ = 0.07
K_ = 10
NC_ = 2
NS_ = 16
L_ = 16
B_ = 8
N_ = 2048
NW_ = NC_ * NS_
ROWS_PER_W_ = (B_ * N_) // NW_
GROUPS_PER_W_ = ROWS_PER_W_ // L_
SPLIT_ = N_ // ROWS_PER_W_
NB_ = 128
MARG_ = 22
NCH_ = N_ // L_


def _round_bf16(v):
    u = lax.bitcast_convert_type(v, jnp.int32)
    lsb = lax.shift_right_logical(u, jnp.int32(16)) & jnp.int32(1)
    u = (u + jnp.int32(0x7FFF) + lsb) & jnp.int32(-65536)
    return lax.bitcast_convert_type(u, jnp.float32)


def _sc_body(full_hbm, out_hbm, ptsf, sxf, sxb, syb, szb, ssq, bkt, accv,
             smem):
    wid = lax.axis_index("s") * NC_ + lax.axis_index("c")
    b = wid // SPLIT_
    row_start = (wid % SPLIT_) * ROWS_PER_W_

    pltpu.sync_copy(full_hbm.at[pl.ds(b * 3 * N_, 3 * N_)], ptsf)

    lanes = lax.iota(jnp.int32, L_)
    r2 = jnp.float32(RADIUS_ * RADIUS_)
    radius = jnp.float32(RADIUS_)
    zero = jnp.zeros((L_,), jnp.float32)

    def zero_cnt(i, _):
        smem[i] = 0
        return 0

    lax.fori_loop(0, NB_, zero_cnt, 0)

    def hist_body(c, _):
        jc = c * L_
        xv = ptsf[pl.ds(jc, L_)]
        bk = jnp.clip((xv * jnp.float32(NB_)).astype(jnp.int32), 0, NB_ - 1)
        bkt[pl.ds(jc, L_)] = bk
        for t in range(L_):
            bb = bk[t]
            smem[bb] = smem[bb] + 1
        return 0

    lax.fori_loop(0, NCH_, hist_body, 0)

    def prefix_body(i, run):
        cnt = smem[i]
        smem[NB_ + i] = run
        smem[i] = 0
        return run + cnt

    total = lax.fori_loop(0, NB_, prefix_body, 0)
    smem[2 * NB_] = total

    def place_body(c, _):
        jc = c * L_
        xv = ptsf[pl.ds(jc, L_)]
        yv = ptsf[pl.ds(N_ + jc, L_)]
        zv = ptsf[pl.ds(2 * N_ + jc, L_)]
        bk = bkt[pl.ds(jc, L_)]
        pos = jnp.zeros((L_,), jnp.int32)
        for t in range(L_):
            bb = bk[t]
            p = smem[NB_ + bb] + smem[bb]
            smem[bb] = smem[bb] + 1
            pos = jnp.where(lanes == t, p, pos)
        plsc.store_scatter(sxf, [pos], xv)
        plsc.store_scatter(sxb, [pos], _round_bf16(xv))
        plsc.store_scatter(syb, [pos], _round_bf16(yv))
        plsc.store_scatter(szb, [pos], _round_bf16(zv))
        plsc.store_scatter(ssq, [pos], xv * xv + yv * yv + zv * zv)
        return 0

    lax.fori_loop(0, NCH_, place_body, 0)

    def group_body(g, acc):
        gb = row_start + g * L_
        rxf = sxf[pl.ds(gb, L_)]
        rxb = sxb[pl.ds(gb, L_)]
        ryb = syb[pl.ds(gb, L_)]
        rzb = szb[pl.ds(gb, L_)]
        sqr = ssq[pl.ds(gb, L_)]

        b_lo = jnp.clip((rxf[0] * jnp.float32(NB_)).astype(jnp.int32),
                        0, NB_ - 1)
        b_hi = jnp.clip((rxf[L_ - 1] * jnp.float32(NB_)).astype(jnp.int32),
                        0, NB_ - 1)
        j0 = smem[NB_ + jnp.maximum(b_lo - MARG_, 0)]
        j1 = smem[NB_ + jnp.minimum(b_hi + MARG_ + 1, NB_)]
        c0 = lax.shift_right_logical(j0, 4)
        c1 = lax.shift_right_logical(j1 + (L_ - 1), 4)

        def chunk_body(c, carry):
            tops = carry
            jc = c * L_
            xvb = sxb[pl.ds(jc, L_)]
            yvb = syb[pl.ds(jc, L_)]
            zvb = szb[pl.ds(jc, L_)]
            sqv = ssq[pl.ds(jc, L_)]

            def pair_d2(t):
                inner = rxb * xvb[t] + ryb * yvb[t] + rzb * zvb[t]
                return (sqr + sqv[t]) - (inner + inner)

            dmin = pair_d2(0)
            for t in range(1, L_):
                dmin = jnp.minimum(dmin, pair_d2(t))
            any_hit = plsc.all_reduce_population_count(dmin < r2)[0] > 0

            def chunk_slow(tps):
                for t in range(L_):
                    d2 = pair_d2(t)
                    mask = d2 < r2
                    d2s = jnp.maximum(d2, jnp.float32(1e-12))
                    i = lax.bitcast_convert_type(d2s, jnp.int32)
                    i = jnp.int32(0x5F3759DF) - lax.shift_right_arithmetic(
                        i, jnp.int32(1))
                    y = lax.bitcast_convert_type(i, jnp.float32)
                    h2 = jnp.float32(0.5) * d2s
                    y = y * (jnp.float32(1.5) - h2 * y * y)
                    dist = d2s * y
                    h = jnp.where(mask, jnp.maximum(radius - dist, 0.0), 0.0)
                    new = []
                    for tv in tps:
                        big = jnp.maximum(tv, h)
                        h = jnp.minimum(tv, h)
                        new.append(big)
                    tps = tuple(new)
                return tps

            return lax.cond(any_hit, chunk_slow, lambda tps: tps, tops)

        tops0 = tuple(zero for _ in range(K_ + 1))
        tops = lax.fori_loop(c0, c1, chunk_body, tops0)
        contrib = tops[1]
        for k in range(2, K_ + 1):
            contrib = contrib + tops[k]
        return acc + contrib

    acc = lax.fori_loop(0, GROUPS_PER_W_, group_body, zero)
    accv[...] = acc
    pltpu.sync_copy(accv, out_hbm.at[pl.ds(wid * L_, L_)])


@jax.jit
def kernel(point_cloud):
    flat_full = point_cloud.transpose(0, 2, 1).reshape(-1)
    mesh = plsc.VectorSubcoreMesh(core_axis_name="c", subcore_axis_name="s",
                                  num_cores=NC_, num_subcores=NS_)
    partials = pl.kernel(
        _sc_body,
        out_type=jax.ShapeDtypeStruct((NW_ * L_,), jnp.float32),
        mesh=mesh,
        compiler_params=pltpu.CompilerParams(needs_layout_passes=False),
        scratch_types=[
            pltpu.VMEM((3 * N_,), jnp.float32),
            pltpu.VMEM((N_,), jnp.float32),
            pltpu.VMEM((N_,), jnp.float32),
            pltpu.VMEM((N_,), jnp.float32),
            pltpu.VMEM((N_,), jnp.float32),
            pltpu.VMEM((N_,), jnp.float32),
            pltpu.VMEM((N_,), jnp.int32),
            pltpu.VMEM((L_,), jnp.float32),
            pltpu.SMEM((2 * NB_ + 1,), jnp.int32),
        ],
    )(flat_full)
    return jnp.sum(partials) / jnp.float32(B_ * N_ * K_)

# --- scband reference (transcript-rebuilt; emitter-appended) ---
"""Pipeline reference for scband-repulsion-loss-20409684590746 (READ-ONLY COPY).

The authoritative reference and input builder live on the scoring server;
editing this copy changes nothing except your own understanding.
"""

import jax, jax.numpy as jnp
import numpy as np

RADIUS = 0.07
K = 10

def setup_inputs(seed: int = 0) -> dict:
    key = jax.random.key(seed)
    point_cloud = jax.random.uniform(key, (8, 2048, 3), dtype=jnp.float32)
    return {"point_cloud": point_cloud}

def _pairwise_dist(x):
    # Euclidean cdist(x, x) per batch, matmul formulation
    sq = jnp.sum(x * x, axis=-1)  # (B, N)
    inner = jnp.einsum('bnd,bmd->bnm', x, x)  # (B, N, N)
    d2 = sq[:, :, None] + sq[:, None, :] - 2.0 * inner
    d2 = jnp.maximum(d2, 0.0)
    d2_safe = jnp.where(d2 > 1e-12, d2, 1e-12)
    return jnp.sqrt(d2_safe)

def reference(point_cloud):
    dist = _pairwise_dist(point_cloud)  # (B, N, N)
    # torch.topk(..., largest=False) == smallest k+1, ascending
    neg_vals, _ = jax.lax.top_k(-dist, K + 1)
    knn_dist = -neg_vals  # ascending smallest distances, (B, N, K+1)
    knn_dist = knn_dist[:, :, 1:]  # drop self-distance
    repulsion = jnp.clip(RADIUS - knn_dist, 0.0, None)
    loss = jnp.mean(repulsion)
    return loss

if __name__ == "__main__":
    import jax
    _d = setup_inputs()
    print(jax.jit(kernel)(*tuple(_d.values())))

</pallas_src>

<mosaic_0001>
#map = affine_map<(d0, d1) -> (0)>
module attributes {stable_mosaic.version = 14 : i64} {
  func.func @_sc_body(%arg0: i32, %arg1: i32, %arg2: memref<49152xf32, #tpu.memory_space<hbm>>, %arg3: memref<512xf32, #tpu.memory_space<hbm>>, %arg4: memref<6144xf32, #tpu.memory_space<vmem>>, %arg5: memref<2048xf32, #tpu.memory_space<vmem>>, %arg6: memref<2048xf32, #tpu.memory_space<vmem>>, %arg7: memref<2048xf32, #tpu.memory_space<vmem>>, %arg8: memref<2048xf32, #tpu.memory_space<vmem>>, %arg9: memref<2048xf32, #tpu.memory_space<vmem>>, %arg10: memref<2048xi32, #tpu.memory_space<vmem>>, %arg11: memref<16xf32, #tpu.memory_space<vmem>>, %arg12: memref<257xi32, #tpu.memory_space<smem>>) attributes {dimension_semantics = [#tpu.dimension_semantics<core_parallel>, #tpu.dimension_semantics<subcore_parallel>], iteration_bounds = array<i64: 2, 16>, scalar_prefetch = 0 : i64, scratch_operands = 9 : i64, tpu.core_type = #tpu.core_type<sc_vector_subcore>, window_params = [{transform_indices = #map}, {transform_indices = #map}]} {
    %mul3A = arith.constant 2 : i32
    %mul3A_0 = arith.muli %arg1, %mul3A : i32
    %add3A = arith.addi %mul3A_0, %arg0 : i32
    %jit3A = arith.constant 4 : i32
    %div3A = arith.divsi %add3A, %jit3A : i32
    %sign3A = arith.constant 0 : i32
    %sign3A_1 = arith.cmpi sgt, %add3A, %sign3A : i32
    %sign3A_2 = arith.extui %sign3A_1 : i1 to i32
    %sign3A_3 = arith.constant 0 : i32
    %sign3A_4 = arith.cmpi slt, %add3A, %sign3A_3 : i32
    %sign3A_5 = arith.extui %sign3A_4 : i1 to i32
    %sign3A_6 = arith.subi %sign3A_2, %sign3A_5 : i32
    %sign3A_7 = arith.constant 0 : i32
    %sign3A_8 = arith.cmpi sgt, %jit3A, %sign3A_7 : i32
    %sign3A_9 = arith.extui %sign3A_8 : i1 to i32
    %sign3A_10 = arith.constant 0 : i32
    %sign3A_11 = arith.cmpi slt, %jit3A, %sign3A_10 : i32
    %sign3A_12 = arith.extui %sign3A_11 : i1 to i32
    %sign3A_13 = arith.subi %sign3A_9, %sign3A_12 : i32
    %ne3A = arith.cmpi ne, %sign3A_6, %sign3A_13 : i32
    %rem3A = arith.remsi %add3A, %jit3A : i32
    %ne3A_14 = arith.constant 0 : i32
    %ne3A_15 = arith.cmpi ne, %rem3A, %ne3A_14 : i32
    %and3A = arith.andi %ne3A, %ne3A_15 : i1
    %sub3A = arith.constant 1 : i32
    %sub3A_16 = arith.subi %div3A, %sub3A : i32
    %select_n3A = arith.select %and3A, %sub3A_16, %div3A : i32
    %jit3A_17 = arith.constant 4 : i32
    %eq3A = arith.constant 0 : i32
    %eq3A_18 = arith.cmpi eq, %jit3A_17, %eq3A : i32
    %jit3A_19 = arith.constant 1 : i32
    %select_n3A_20 = arith.select %eq3A_18, %jit3A_19, %jit3A_17 : i32
    %rem3A_21 = arith.remsi %add3A, %select_n3A_20 : i32
    %ne3A_22 = arith.constant 0 : i32
    %ne3A_23 = arith.cmpi ne, %rem3A_21, %ne3A_22 : i32
    %lt3A = arith.constant 0 : i32
    %lt3A_24 = arith.cmpi slt, %rem3A_21, %lt3A : i32
    %lt3A_25 = arith.constant 0 : i32
    %lt3A_26 = arith.cmpi slt, %select_n3A_20, %lt3A_25 : i32
    %ne3A_27 = arith.xori %lt3A_24, %lt3A_26 : i1
    %and3A_28 = arith.andi %ne3A_27, %ne3A_23 : i1
    %add3A_29 = arith.addi %rem3A_21, %select_n3A_20 : i32
    %select_n3A_30 = arith.select %and3A_28, %add3A_29, %rem3A_21 : i32
    %mul3A_31 = arith.constant 512 : i32
    %mul3A_32 = arith.muli %select_n3A_30, %mul3A_31 : i32
    %mul3A_33 = arith.constant 3 : i32
    %mul3A_34 = arith.muli %select_n3A, %mul3A_33 : i32
    %mul3A_35 = arith.constant 2048 : i32
    %mul3A_36 = arith.muli %mul3A_34, %mul3A_35 : i32
    "tpu.region"() ({
      %run_scoped3A = tpu.sem_alloc : memref<!tpu.dma_semaphore, #tpu.memory_space<semaphore_mem>>
      %dma_start3A = tpu.memref_slice %arg2[%mul3A_36] : memref<49152xf32, #tpu.memory_space<hbm>> -> memref<6144xf32, #tpu.memory_space<hbm>>
      %dma_start3A_79 = tpu.memref_slice %arg2[%mul3A_36] : memref<49152xf32, #tpu.memory_space<hbm>> -> memref<6144xf32, #tpu.memory_space<hbm>>
      tpu.enqueue_dma source(%dma_start3A_79 : memref<6144xf32, #tpu.memory_space<hbm>>) target(%arg4 : memref<6144xf32, #tpu.memory_space<vmem>>) target_semaphore(%run_scoped3A : memref<!tpu.dma_semaphore, #tpu.memory_space<semaphore_mem>>)
      %dma_wait3A = tpu.memref_slice %arg2[%mul3A_36] : memref<49152xf32, #tpu.memory_space<hbm>> -> memref<6144xf32, #tpu.memory_space<hbm>>
      %dma_wait3A_80 = tpu.memref_slice %arg2[%mul3A_36] : memref<49152xf32, #tpu.memory_space<hbm>> -> memref<6144xf32, #tpu.memory_space<hbm>>
      tpu.wait_dma2 semaphore(%run_scoped3A : memref<!tpu.dma_semaphore, #tpu.memory_space<semaphore_mem>>) src(%dma_wait3A_80 : memref<6144xf32, #tpu.memory_space<hbm>>) dst(%arg4 : memref<6144xf32, #tpu.memory_space<vmem>>)
      tpu.yield
    }) : () -> ()
    %iota3A = tpu.iota {dimensions = array<i32: 0>} : vector<16xi32>
    %broadcast_in_dim3A = arith.constant 0.000000e+00 : f32
    %broadcast_in_dim3A_37 = vector.broadcast %broadcast_in_dim3A : f32 to vector<16xf32>
    %scan3A = arith.constant 0 : i32
    %scan3A_38 = arith.constant 0 : i32
    %scan3A_39 = arith.constant 128 : i32
    %scan3A_40 = arith.addi %scan3A_38, %scan3A_39 : i32
    %scan3A_41 = arith.constant 1 : i32
    %scan3A_42 = scf.for %scan3A_79 = %scan3A_38 to %scan3A_40 step %scan3A_41 iter_args(%scan3A_80 = %scan3A) -> (i32)  : i32 {
      %swap3A_81 = arith.constant 0 : i32
      %swap3A_82 = arith.index_cast %scan3A_79 : i32 to index
      %swap3A_83 = memref.load %arg12[%swap3A_82] : memref<257xi32, #tpu.memory_space<smem>>
      memref.store %swap3A_81, %arg12[%swap3A_82] : memref<257xi32, #tpu.memory_space<smem>>
      %scan3A_84 = arith.constant 0 : i32
      scf.yield %scan3A_84 : i32
    }
    %scan3A_43 = arith.constant 128 : i32
    %scan3A_44 = arith.constant 0 : i32
    %scan3A_45 = arith.constant 0 : i32
    %scan3A_46 = arith.constant 128 : i32
    %scan3A_47 = arith.addi %scan3A_45, %scan3A_46 : i32
    %scan3A_48 = arith.constant 1 : i32
    %scan3A_49 = scf.for %scan3A_79 = %scan3A_45 to %scan3A_47 step %scan3A_48 iter_args(%scan3A_80 = %scan3A_44) -> (i32)  : i32 {
      %mul3A_81 = arith.constant 16 : i32
      %mul3A_82 = arith.muli %scan3A_79, %mul3A_81 : i32
      %get3A = arith.index_cast %mul3A_82 : i32 to index
      %get3A_83 = tpu.vector_load %arg4[%get3A] {strides = array<i32>} : memref<6144xf32, #tpu.memory_space<vmem>>, vector<16xf32>,
      %mul3A_84 = arith.constant 1.280000e+02 : f32
      %mul3A_85 = vector.broadcast %mul3A_84 : f32 to vector<16xf32>
      %mul3A_86 = arith.mulf %get3A_83, %mul3A_85 : vector<16xf32>
      %convert_element_type3A = arith.fptosi %mul3A_86 : vector<16xf32> to vector<16xi32>
      %jit3A_87 = arith.constant 0 : i32
      %jit3A_88 = arith.constant 127 : i32
      %max3A = vector.broadcast %jit3A_87 : i32 to vector<16xi32>
      %max3A_89 = arith.maxsi %max3A, %convert_element_type3A : vector<16xi32>
      %min3A = vector.broadcast %jit3A_88 : i32 to vector<16xi32>
      %min3A_90 = arith.minsi %min3A, %max3A_89 : vector<16xi32>
      %swap3A_91 = arith.index_cast %mul3A_82 : i32 to index
      %swap3A_92 = tpu.vector_load %arg10[%swap3A_91] {strides = array<i32>} : memref<2048xi32, #tpu.memory_space<vmem>>, vector<16xi32>,
      tpu.vector_store %arg10[%swap3A_91], %min3A_90 {strides = array<i32>} : memref<2048xi32, #tpu.memory_space<vmem>>, vector<16xi32>,
      %slice3A = vector.extract_strided_slice %min3A_90 {offsets = [0], sizes = [1], strides = [1]} : vector<16xi32> to vector<1xi32>
      %squeeze3A = vector.extract %slice3A[0] : i32 from vector<1xi32>
      %get3A_93 = arith.index_cast %squeeze3A : i32 to index
      %get3A_94 = memref.load %arg12[%get3A_93] : memref<257xi32, #tpu.memory_space<smem>>
      %add3A_95 = arith.constant 1 : i32
      %add3A_96 = arith.addi %get3A_94, %add3A_95 : i32
      %swap3A_97 = arith.index_cast %squeeze3A : i32 to index
      %swap3A_98 = memref.load %arg12[%swap3A_97] : memref<257xi32, #tpu.memory_space<smem>>
      memref.store %add3A_96, %arg12[%swap3A_97] : memref<257xi32, #tpu.memory_space<smem>>
      %slice3A_99 = vector.extract_strided_slice %min3A_90 {offsets = [1], sizes = [1], strides = [1]} : vector<16xi32> to vector<1xi32>
      %squeeze3A_100 = vector.extract %slice3A_99[0] : i32 from vector<1xi32>
      %get3A_101 = arith.index_cast %squeeze3A_100 : i32 to index
      %get3A_102 = memref.load %arg12[%get3A_101] : memref<257xi32, #tpu.memory_space<smem>>
      %add3A_103 = arith.constant 1 : i32
      %add3A_104 = arith.addi %get3A_102, %add3A_103 : i32
      %swap3A_105 = arith.index_cast %squeeze3A_100 : i32 to index
      %swap3A_106 = memref.load %arg12[%swap3A_105] : memref<257xi32, #tpu.memory_space<smem>>
      memref.store %add3A_104, %arg12[%swap3A_105] : memref<257xi32, #tpu.memory_space<smem>>
      %slice3A_107 = vector.extract_strided_slice %min3A_90 {offsets = [2], sizes = [1], strides = [1]} : vector<16xi32> to vector<1xi32>
      %squeeze3A_108 = vector.extract %slice3A_107[0] : i32 from vector<1xi32>
      %get3A_109 = arith.index_cast %squeeze3A_108 : i32 to index
      %get3A_110 = memref.load %arg12[%get3A_109] : memref<257xi32, #tpu.memory_space<smem>>
      %add3A_111 = arith.constant 1 : i32
      %add3A_112 = arith.addi %get3A_110, %add3A_111 : i32
      %swap3A_113 = arith.index_cast %squeeze3A_108 : i32 to index
      %swap3A_114 = memref.load %arg12[%swap3A_113] : memref<257xi32, #tpu.memory_space<smem>>
      memref.store %add3A_112, %arg12[%swap3A_113] : memref<257xi32, #tpu.memory_space<smem>>
      %slice3A_115 = vector.extract_strided_slice %min3A_90 {offsets = [3], sizes = [1], strides = [1]} : vector<16xi32> to vector<1xi32>
      %squeeze3A_116 = vector.extract %slice3A_115[0] : i32 from vector<1xi32>
      %get3A_117 = arith.index_cast %squeeze3A_116 : i32 to index
      %get3A_118 = memref.load %arg12[%get3A_117] : memref<257xi32, #tpu.memory_space<smem>>
      %add3A_119 = arith.constant 1 : i32
      %add3A_120 = arith.addi %get3A_118, %add3A_119 : i32
      %swap3A_121 = arith.index_cast %squeeze3A_116 : i32 to index
      %swap3A_122 = memref.load %arg12[%swap3A_121] : memref<257xi32, #tpu.memory_space<smem>>
      memref.store %add3A_120, %arg12[%swap3A_121] : memref<257xi32, #tpu.memory_space<smem>>
      %slice3A_123 = vector.extract_strided_slice %min3A_90 {offsets = [4], sizes = [1], strides = [1]} : vector<16xi32> to vector<1xi32>
      %squeeze3A_124 = vector.extract %slice3A_123[0] : i32 from vector<1xi32>
      %get3A_125 = arith.index_cast %squeeze3A_124 : i32 to index
      %get3A_126 = memref.load %arg12[%get3A_125] : memref<257xi32, #tpu.memory_space<smem>>
      %add3A_127 = arith.constant 1 : i32
      %add3A_128 = arith.addi %get3A_126, %add3A_127 : i32
      %swap3A_129 = arith.index_cast %squeeze3A_124 : i32 to index
      %swap3A_130 = memref.load %arg12[%swap3A_129] : memref<257xi32, #tpu.memory_space<smem>>
      memref.store %add3A_128, %arg12[%swap3A_129] : memref<257xi32, #tpu.memory_space<smem>>
      %slice3A_131 = vector.extract_strided_slice %min3A_90 {offsets = [5], sizes = [1], strides = [1]} : vector<16xi32> to vector<1xi32>
      %squeeze3A_132 = vector.extract %slice3A_131[0] : i32 from vector<1xi32>
      %get3A_133 = arith.index_cast %squeeze3A_132 : i32 to index
      %get3A_134 = memref.load %arg12[%get3A_133] : memref<257xi32, #tpu.memory_space<smem>>
      %add3A_135 = arith.constant 1 : i32
      %add3A_136 = arith.addi %get3A_134, %add3A_135 : i32
      %swap3A_137 = arith.index_cast %squeeze3A_132 : i32 to index
      %swap3A_138 = memref.load %arg12[%swap3A_137] : memref<257xi32, #tpu.memory_space<smem>>
      memref.store %add3A_136, %arg12[%swap3A_137] : memref<257xi32, #tpu.memory_space<smem>>
      %slice3A_139 = vector.extract_strided_slice %min3A_90 {offsets = [6], sizes = [1], strides = [1]} : vector<16xi32> to vector<1xi32>
      %squeeze3A_140 = vector.extract %slice3A_139[0] : i32 from vector<1xi32>
      %get3A_141 = arith.index_cast %squeeze3A_140 : i32 to index
      %get3A_142 = memref.load %arg12[%get3A_141] : memref<257xi32, #tpu.memory_space<smem>>
      %add3A_143 = arith.constant 1 : i32
      %add3A_144 = arith.addi %get3A_142, %add3A_143 : i32
      %swap3A_145 = arith.index_cast %squeeze3A_140 : i32 to index
      %swap3A_146 = memref.load %arg12[%swap3A_145] : memref<257xi32, #tpu.memory_space<smem>>
      memref.store %add3A_144, %arg12[%swap3A_145] : memref<257xi32, #tpu.memory_space<smem>>
      %slice3A_147 = vector.extract_strided_slice %min3A_90 {offsets = [7], sizes = [1], strides = [1]} : vector<16xi32> to vector<1xi32>
      %squeeze3A_148 = vector.extract %slice3A_147[0] : i32 from vector<1xi32>
      %get3A_149 = arith.index_cast %squeeze3A_148 : i32 to index
      %get3A_150 = memref.load %arg12[%get3A_149] : memref<257xi32, #tpu.memory_space<smem>>
      %add3A_151 = arith.constant 1 : i32
      %add3A_152 = arith.addi %get3A_150, %add3A_151 : i32
      %swap3A_153 = arith.index_cast %squeeze3A_148 : i32 to index
      %swap3A_154 = memref.load %arg12[%swap3A_153] : memref<257xi32, #tpu.memory_space<smem>>
      memref.store %add3A_152, %arg12[%swap3A_153] : memref<257xi32, #tpu.memory_space<smem>>
      %slice3A_155 = vector.extract_strided_slice %min3A_90 {offsets = [8], sizes = [1], strides = [1]} : vector<16xi32> to vector<1xi32>
      %squeeze3A_156 = vector.extract %slice3A_155[0] : i32 from vector<1xi32>
      %get3A_157 = arith.index_cast %squeeze3A_156 : i32 to index
      %get3A_158 = memref.load %arg12[%get3A_157] : memref<257xi32, #tpu.memory_space<smem>>
      %add3A_159 = arith.constant 1 : i32
      %add3A_160 = arith.addi %get3A_158, %add3A_159 : i32
      %swap3A_161 = arith.index_cast %squeeze3A_156 : i32 to index
      %swap3A_162 = memref.load %arg12[%swap3A_161] : memref<257xi32, #tpu.memory_space<smem>>
      memref.store %add3A_160, %arg12[%swap3A_161] : memref<257xi32, #tpu.memory_space<smem>>
      %slice3A_163 = vector.extract_strided_slice %min3A_90 {offsets = [9], sizes = [1], strides = [1]} : vector<16xi32> to vector<1xi32>
      %squeeze3A_164 = vector.extract %slice3A_163[0] : i32 from vector<1xi32>
      %get3A_165 = arith.index_cast %squeeze3A_164 : i32 to index
      %get3A_166 = memref.load %arg12[%get3A_165] : memref<257xi32, #tpu.memory_space<smem>>
      %add3A_167 = arith.constant 1 : i32
      %add3A_168 = arith.addi %get3A_166, %add3A_167 : i32
      %swap3A_169 = arith.index_cast %squeeze3A_164 : i32 to index
      %swap3A_170 = memref.load %arg12[%swap3A_169] : memref<257xi32, #tpu.memory_space<smem>>
      memref.store %add3A_168, %arg12[%swap3A_169] : memref<257xi32, #tpu.memory_space<smem>>
      %slice3A_171 = vector.extract_strided_slice %min3A_90 {offsets = [10], sizes = [1], strides = [1]} : vector<16xi32> to vector<1xi32>
      %squeeze3A_172 = vector.extract %slice3A_171[0] : i32 from vector<1xi32>
      %get3A_173 = arith.index_cast %squeeze3A_172 : i32 to index
      %get3A_174 = memref.load %arg12[%get3A_173] : memref<257xi32, #tpu.memory_space<smem>>
      %add3A_175 = arith.constant 1 : i32
      %add3A_176 = arith.addi %get3A_174, %add3A_175 : i32
      %swap3A_177 = arith.index_cast %squeeze3A_172 : i32 to index
      %swap3A_178 = memref.load %arg12[%swap3A_177] : memref<257xi32, #tpu.memory_space<smem>>
      memref.store %add3A_176, %arg12[%swap3A_177] : memref<257xi32, #tpu.memory_space<smem>>
      %slice3A_179 = vector.extract_strided_slice %min3A_90 {offsets = [11], sizes = [1], strides = [1]} : vector<16xi32> to vector<1xi32>
      %squeeze3A_180 = vector.extract %slice3A_179[0] : i32 from vector<1xi32>
      %get3A_181 = arith.index_cast %squeeze3A_180 : i32 to index
      %get3A_182 = memref.load %arg12[%get3A_181] : memref<257xi32, #tpu.memory_space<smem>>
      %add3A_183 = arith.constant 1 : i32
      %add3A_184 = arith.addi %get3A_182, %add3A_183 : i32
      %swap3A_185 = arith.index_cast %squeeze3A_180 : i32 to index
      %swap3A_186 = memref.load %arg12[%swap3A_185] : memref<257xi32, #tpu.memory_space<smem>>
      memref.store %add3A_184, %arg12[%swap3A_185] : memref<257xi32, #tpu.memory_space<smem>>
      %slice3A_187 = vector.extract_strided_slice %min3A_90 {offsets = [12], sizes = [1], strides = [1]} : vector<16xi32> to vector<1xi32>
      %squeeze3A_188 = vector.extract %slice3A_187[0] : i32 from vector<1xi32>
      %get3A_189 = arith.index_cast %squeeze3A_188 : i32 to index
      %get3A_190 = memref.load %arg12[%get3A_189] : memref<257xi32, #tpu.memory_space<smem>>
      %add3A_191 = arith.constant 1 : i32
      %add3A_192 = arith.addi %get3A_190, %add3A_191 : i32
      %swap3A_193 = arith.index_cast %squeeze3A_188 : i32 to index
      %swap3A_194 = memref.load %arg12[%swap3A_193] : memref<257xi32, #tpu.memory_space<smem>>
      memref.store %add3A_192, %arg12[%swap3A_193] : memref<257xi32, #tpu.memory_space<smem>>
      %slice3A_195 = vector.extract_strided_slice %min3A_90 {offsets = [13], sizes = [1], strides = [1]} : vector<16xi32> to vector<1xi32>
      %squeeze3A_196 = vector.extract %slice3A_195[0] : i32 from vector<1xi32>
      %get3A_197 = arith.index_cast %squeeze3A_196 : i32 to index
      %get3A_198 = memref.load %arg12[%get3A_197] : memref<257xi32, #tpu.memory_space<smem>>
      %add3A_199 = arith.constant 1 : i32
      %add3A_200 = arith.addi %get3A_198, %add3A_199 : i32
      %swap3A_201 = arith.index_cast %squeeze3A_196 : i32 to index
      %swap3A_202 = memref.load %arg12[%swap3A_201] : memref<257xi32, #tpu.memory_space<smem>>
      memref.store %add3A_200, %arg12[%swap3A_201] : memref<257xi32, #tpu.memory_space<smem>>
      %slice3A_203 = vector.extract_strided_slice %min3A_90 {offsets = [14], sizes = [1], strides = [1]} : vector<16xi32> to vector<1xi32>
      %squeeze3A_204 = vector.extract %slice3A_203[0] : i32 from vector<1xi32>
      %get3A_205 = arith.index_cast %squeeze3A_204 : i32 to index
      %get3A_206 = memref.load %arg12[%get3A_205] : memref<257xi32, #tpu.memory_space<smem>>
      %add3A_207 = arith.constant 1 : i32
      %add3A_208 = arith.addi %get3A_206, %add3A_207 : i32
      %swap3A_209 = arith.index_cast %squeeze3A_204 : i32 to index
      %swap3A_210 = memref.load %arg12[%swap3A_209] : memref<257xi32, #tpu.memory_space<smem>>
      memref.store %add3A_208, %arg12[%swap3A_209] : memref<257xi32, #tpu.memory_space<smem>>
      %slice3A_211 = vector.extract_strided_slice %min3A_90 {offsets = [15], sizes = [1], strides = [1]} : vector<16xi32> to vector<1xi32>
      %squeeze3A_212 = vector.extract %slice3A_211[0] : i32 from vector<1xi32>
      %get3A_213 = arith.index_cast %squeeze3A_212 : i32 to index
      %get3A_214 = memref.load %arg12[%get3A_213] : memref<257xi32, #tpu.memory_space<smem>>
      %add3A_215 = arith.constant 1 : i32
      %add3A_216 = arith.addi %get3A_214, %add3A_215 : i32
      %swap3A_217 = arith.index_cast %squeeze3A_212 : i32 to index
      %swap3A_218 = memref.load %arg12[%swap3A_217] : memref<257xi32, #tpu.memory_space<smem>>
      memref.store %add3A_216, %arg12[%swap3A_217] : memref<257xi32, #tpu.memory_space<smem>>
      %scan3A_219 = arith.constant 0 : i32
      scf.yield %scan3A_219 : i32
    }
    %scan3A_50 = arith.constant 128 : i32
    %scan3A_51 = arith.constant 0 : i32
    %scan3A_52 = arith.constant 0 : i32
    %scan3A_53 = arith.constant 128 : i32
    %scan3A_54 = arith.addi %scan3A_52, %scan3A_53 : i32
    %scan3A_55 = arith.constant 1 : i32
    %scan3A_56 = scf.for %scan3A_79 = %scan3A_52 to %scan3A_54 step %scan3A_55 iter_args(%scan3A_80 = %scan3A_51) -> (i32)  : i32 {
      %get3A = arith.index_cast %scan3A_79 : i32 to index
      %get3A_81 = memref.load %arg12[%get3A] : memref<257xi32, #tpu.memory_space<smem>>
      %add3A_82 = arith.constant 128 : i32
      %add3A_83 = arith.addi %add3A_82, %scan3A_79 : i32
      %swap3A_84 = arith.index_cast %add3A_83 : i32 to index
      %swap3A_85 = memref.load %arg12[%swap3A_84] : memref<257xi32, #tpu.memory_space<smem>>
      memref.store %scan3A_80, %arg12[%swap3A_84] : memref<257xi32, #tpu.memory_space<smem>>
      %swap3A_86 = arith.constant 0 : i32
      %swap3A_87 = arith.index_cast %scan3A_79 : i32 to index
      %swap3A_88 = memref.load %arg12[%swap3A_87] : memref<257xi32, #tpu.memory_space<smem>>
      memref.store %swap3A_86, %arg12[%swap3A_87] : memref<257xi32, #tpu.memory_space<smem>>
      %add3A_89 = arith.addi %scan3A_80, %get3A_81 : i32
      scf.yield %add3A_89 : i32
    }
    %scan3A_57 = arith.constant 128 : i32
    %swap3A = arith.constant 256 : i32
    %swap3A_58 = arith.index_cast %swap3A : i32 to index
    %swap3A_59 = memref.load %arg12[%swap3A_58] : memref<257xi32, #tpu.memory_space<smem>>
    memref.store %scan3A_56, %arg12[%swap3A_58] : memref<257xi32, #tpu.memory_space<smem>>
    %scan3A_60 = arith.constant 0 : i32
    %scan3A_61 = arith.constant 0 : i32
    %scan3A_62 = arith.constant 128 : i32
    %scan3A_63 = arith.addi %scan3A_61, %scan3A_62 : i32
    %scan3A_64 = arith.constant 1 : i32
    %scan3A_65 = scf.for %scan3A_79 = %scan3A_61 to %scan3A_63 step %scan3A_64 iter_args(%scan3A_80 = %scan3A_60) -> (i32)  : i32 {
      %mul3A_81 = arith.constant 16 : i32
      %mul3A_82 = arith.muli %scan3A_79, %mul3A_81 : i32
      %get3A = arith.index_cast %mul3A_82 : i32 to index
      %get3A_83 = tpu.vector_load %arg4[%get3A] {strides = array<i32>} : memref<6144xf32, #tpu.memory_space<vmem>>, vector<16xf32>,
      %add3A_84 = arith.constant 2048 : i32
      %add3A_85 = arith.addi %add3A_84, %mul3A_82 : i32
      %get3A_86 = arith.index_cast %add3A_85 : i32 to index
      %get3A_87 = tpu.vector_load %arg4[%get3A_86] {strides = array<i32>} : memref<6144xf32, #tpu.memory_space<vmem>>, vector<16xf32>,
      %add3A_88 = arith.constant 4096 : i32
      %add3A_89 = arith.addi %add3A_88, %mul3A_82 : i32
      %get3A_90 = arith.index_cast %add3A_89 : i32 to index
      %get3A_91 = tpu.vector_load %arg4[%get3A_90] {strides = array<i32>} : memref<6144xf32, #tpu.memory_space<vmem>>, vector<16xf32>,
      %get3A_92 = arith.index_cast %mul3A_82 : i32 to index
      %get3A_93 = tpu.vector_load %arg10[%get3A_92] {strides = array<i32>} : memref<2048xi32, #tpu.memory_space<vmem>>, vector<16xi32>,
      %broadcast_in_dim3A_94 = arith.constant 0 : i32
      %broadcast_in_dim3A_95 = vector.broadcast %broadcast_in_dim3A_94 : i32 to vector<16xi32>
      %slice3A = vector.extract_strided_slice %get3A_93 {offsets = [0], sizes = [1], strides = [1]} : vector<16xi32> to vector<1xi32>
      %squeeze3A = vector.extract %slice3A[0] : i32 from vector<1xi32>
      %add3A_96 = arith.constant 128 : i32
      %add3A_97 = arith.addi %add3A_96, %squeeze3A : i32
      %get3A_98 = arith.index_cast %add3A_97 : i32 to index
      %get3A_99 = memref.load %arg12[%get3A_98] : memref<257xi32, #tpu.memory_space<smem>>
      %get3A_100 = arith.index_cast %squeeze3A : i32 to index
      %get3A_101 = memref.load %arg12[%get3A_100] : memref<257xi32, #tpu.memory_space<smem>>
      %add3A_102 = arith.addi %get3A_99, %get3A_101 : i32
      %get3A_103 = arith.index_cast %squeeze3A : i32 to index
      %get3A_104 = memref.load %arg12[%get3A_103] : memref<257xi32, #tpu.memory_space<smem>>
      %add3A_105 = arith.constant 1 : i32
      %add3A_106 = arith.addi %get3A_104, %add3A_105 : i32
      %swap3A_107 = arith.index_cast %squeeze3A : i32 to index
      %swap3A_108 = memref.load %arg12[%swap3A_107] : memref<257xi32, #tpu.memory_space<smem>>
      memref.store %add3A_106, %arg12[%swap3A_107] : memref<257xi32, #tpu.memory_space<smem>>
      %eq3A_109 = arith.constant 0 : i32
      %eq3A_110 = vector.broadcast %eq3A_109 : i32 to vector<16xi32>
      %eq3A_111 = arith.cmpi eq, %iota3A, %eq3A_110 : vector<16xi32>
      %broadcast_in_dim3A_112 = vector.broadcast %add3A_102 : i32 to vector<16xi32>
      %select_n3A_113 = arith.select %eq3A_111, %broadcast_in_dim3A_112, %broadcast_in_dim3A_95 : vector<16xi1>, vector<16xi32>
      %slice3A_114 = vector.extract_strided_slice %get3A_93 {offsets = [1], sizes = [1], strides = [1]} : vector<16xi32> to vector<1xi32>
      %squeeze3A_115 = vector.extract %slice3A_114[0] : i32 from vector<1xi32>
      %add3A_116 = arith.constant 128 : i32
      %add3A_117 = arith.addi %add3A_116, %squeeze3A_115 : i32
      %get3A_118 = arith.index_cast %add3A_117 : i32 to index
      %get3A_119 = memref.load %arg12[%get3A_118] : memref<257xi32, #tpu.memory_space<smem>>
      %get3A_120 = arith.index_cast %squeeze3A_115 : i32 to index
      %get3A_121 = memref.load %arg12[%get3A_120] : memref<257xi32, #tpu.memory_space<smem>>
      %add3A_122 = arith.addi %get3A_119, %get3A_121 : i32
      %get3A_123 = arith.index_cast %squeeze3A_115 : i32 to index
      %get3A_124 = memref.load %arg12[%get3A_123] : memref<257xi32, #tpu.memory_space<smem>>
      %add3A_125 = arith.constant 1 : i32
      %add3A_126 = arith.addi %get3A_124, %add3A_125 : i32
      %swap3A_127 = arith.index_cast %squeeze3A_115 : i32 to index
      %swap3A_128 = memref.load %arg12[%swap3A_127] : memref<257xi32, #tpu.memory_space<smem>>
      memref.store %add3A_126, %arg12[%swap3A_127] : memref<257xi32, #tpu.memory_space<smem>>
      %eq3A_129 = arith.constant 1 : i32
      %eq3A_130 = vector.broadcast %eq3A_129 : i32 to vector<16xi32>
      %eq3A_131 = arith.cmpi eq, %iota3A, %eq3A_130 : vector<16xi32>
      %broadcast_in_dim3A_132 = vector.broadcast %add3A_122 : i32 to vector<16xi32>
      %select_n3A_133 = arith.select %eq3A_131, %broadcast_in_dim3A_132, %select_n3A_113 : vector<16xi1>, vector<16xi32>
      %slice3A_134 = vector.extract_strided_slice %get3A_93 {offsets = [2], sizes = [1], strides = [1]} : vector<16xi32> to vector<1xi32>
      %squeeze3A_135 = vector.extract %slice3A_134[0] : i32 from vector<1xi32>
      %add3A_136 = arith.constant 128 : i32
      %add3A_137 = arith.addi %add3A_136, %squeeze3A_135 : i32
      %get3A_138 = arith.index_cast %add3A_137 : i32 to index
      %get3A_139 = memref.load %arg12[%get3A_138] : memref<257xi32, #tpu.memory_space<smem>>
      %get3A_140 = arith.index_cast %squeeze3A_135 : i32 to index
      %get3A_141 = memref.load %arg12[%get3A_140] : memref<257xi32, #tpu.memory_space<smem>>
      %add3A_142 = arith.addi %get3A_139, %get3A_141 : i32
      %get3A_143 = arith.index_cast %squeeze3A_135 : i32 to index
      %get3A_144 = memref.load %arg12[%get3A_143] : memref<257xi32, #tpu.memory_space<smem>>
      %add3A_145 = arith.constant 1 : i32
      %add3A_146 = arith.addi %get3A_144, %add3A_145 : i32
      %swap3A_147 = arith.index_cast %squeeze3A_135 : i32 to index
      %swap3A_148 = memref.load %arg12[%swap3A_147] : memref<257xi32, #tpu.memory_space<smem>>
      memref.store %add3A_146, %arg12[%swap3A_147] : memref<257xi32, #tpu.memory_space<smem>>
      %eq3A_149 = arith.constant 2 : i32
      %eq3A_150 = vector.broadcast %eq3A_149 : i32 to vector<16xi32>
      %eq3A_151 = arith.cmpi eq, %iota3A, %eq3A_150 : vector<16xi32>
      %broadcast_in_dim3A_152 = vector.broadcast %add3A_142 : i32 to vector<16xi32>
      %select_n3A_153 = arith.select %eq3A_151, %broadcast_in_dim3A_152, %select_n3A_133 : vector<16xi1>, vector<16xi32>
      %slice3A_154 = vector.extract_strided_slice %get3A_93 {offsets = [3], sizes = [1], strides = [1]} : vector<16xi32> to vector<1xi32>
      %squeeze3A_155 = vector.extract %slice3A_154[0] : i32 from vector<1xi32>
      %add3A_156 = arith.constant 128 : i32
      %add3A_157 = arith.addi %add3A_156, %squeeze3A_155 : i32
      %get3A_158 = arith.index_cast %add3A_157 : i32 to index
      %get3A_159 = memref.load %arg12[%get3A_158] : memref<257xi32, #tpu.memory_space<smem>>
      %get3A_160 = arith.index_cast %squeeze3A_155 : i32 to index
      %get3A_161 = memref.load %arg12[%get3A_160] : memref<257xi32, #tpu.memory_space<smem>>
      %add3A_162 = arith.addi %get3A_159, %get3A_161 : i32
      %get3A_163 = arith.index_cast %squeeze3A_155 : i32 to index
      %get3A_164 = memref.load %arg12[%get3A_163] : memref<257xi32, #tpu.memory_space<smem>>
      %add3A_165 = arith.constant 1 : i32
      %add3A_166 = arith.addi %get3A_164, %add3A_165 : i32
      %swap3A_167 = arith.index_cast %squeeze3A_155 : i32 to index
      %swap3A_168 = memref.load %arg12[%swap3A_167] : memref<257xi32, #tpu.memory_space<smem>>
      memref.store %add3A_166, %arg12[%swap3A_167] : memref<257xi32, #tpu.memory_space<smem>>
      %eq3A_169 = arith.constant 3 : i32
      %eq3A_170 = vector.broadcast %eq3A_169 : i32 to vector<16xi32>
      %eq3A_171 = arith.cmpi eq, %iota3A, %eq3A_170 : vector<16xi32>
      %broadcast_in_dim3A_172 = vector.broadcast %add3A_162 : i32 to vector<16xi32>
      %select_n3A_173 = arith.select %eq3A_171, %broadcast_in_dim3A_172, %select_n3A_153 : vector<16xi1>, vector<16xi32>
      %slice3A_174 = vector.extract_strided_slice %get3A_93 {offsets = [4], sizes = [1], strides = [1]} : vector<16xi32> to vector<1xi32>
      %squeeze3A_175 = vector.extract %slice3A_174[0] : i32 from vector<1xi32>
      %add3A_176 = arith.constant 128 : i32
      %add3A_177 = arith.addi %add3A_176, %squeeze3A_175 : i32
      %get3A_178 = arith.index_cast %add3A_177 : i32 to index
      %get3A_179 = memref.load %arg12[%get3A_178] : memref<257xi32, #tpu.memory_space<smem>>
      %get3A_180 = arith.index_cast %squeeze3A_175 : i32 to index
      %get3A_181 = memref.load %arg12[%get3A_180] : memref<257xi32, #tpu.memory_space<smem>>
      %add3A_182 = arith.addi %get3A_179, %get3A_181 : i32
      %get3A_183 = arith.index_cast %squeeze3A_175 : i32 to index
      %get3A_184 = memref.load %arg12[%get3A_183] : memref<257xi32, #tpu.memory_space<smem>>
      %add3A_185 = arith.constant 1 : i32
      %add3A_186 = arith.addi %get3A_184, %add3A_185 : i32
      %swap3A_187 = arith.index_cast %squeeze3A_175 : i32 to index
      %swap3A_188 = memref.load %arg12[%swap3A_187] : memref<257xi32, #tpu.memory_space<smem>>
      memref.store %add3A_186, %arg12[%swap3A_187] : memref<257xi32, #tpu.memory_space<smem>>
      %eq3A_189 = arith.constant 4 : i32
      %eq3A_190 = vector.broadcast %eq3A_189 : i32 to vector<16xi32>
      %eq3A_191 = arith.cmpi eq, %iota3A, %eq3A_190 : vector<16xi32>
      %broadcast_in_dim3A_192 = vector.broadcast %add3A_182 : i32 to vector<16xi32>
      %select_n3A_193 = arith.select %eq3A_191, %broadcast_in_dim3A_192, %select_n3A_173 : vector<16xi1>, vector<16xi32>
      %slice3A_194 = vector.extract_strided_slice %get3A_93 {offsets = [5], sizes = [1], strides = [1]} : vector<16xi32> to vector<1xi32>
      %squeeze3A_195 = vector.extract %slice3A_194[0] : i32 from vector<1xi32>
      %add3A_196 = arith.constant 128 : i32
      %add3A_197 = arith.addi %add3A_196, %squeeze3A_195 : i32
      %get3A_198 = arith.index_cast %add3A_197 : i32 to index
      %get3A_199 = memref.load %arg12[%get3A_198] : memref<257xi32, #tpu.memory_space<smem>>
      %get3A_200 = arith.index_cast %squeeze3A_195 : i32 to index
      %get3A_201 = memref.load %arg12[%get3A_200] : memref<257xi32, #tpu.memory_space<smem>>
      %add3A_202 = arith.addi %get3A_199, %get3A_201 : i32
      %get3A_203 = arith.index_cast %squeeze3A_195 : i32 to index
      %get3A_204 = memref.load %arg12[%get3A_203] : memref<257xi32, #tpu.memory_space<smem>>
      %add3A_205 = arith.constant 1 : i32
      %add3A_206 = arith.addi %get3A_204, %add3A_205 : i32
      %swap3A_207 = arith.index_cast %squeeze3A_195 : i32 to index
      %swap3A_208 = memref.load %arg12[%swap3A_207] : memref<257xi32, #tpu.memory_space<smem>>
      memref.store %add3A_206, %arg12[%swap3A_207] : memref<257xi32, #tpu.memory_space<smem>>
      %eq3A_209 = arith.constant 5 : i32
      %eq3A_210 = vector.broadcast %eq3A_209 : i32 to vector<16xi32>
      %eq3A_211 = arith.cmpi eq, %iota3A, %eq3A_210 : vector<16xi32>
      %broadcast_in_dim3A_212 = vector.broadcast %add3A_202 : i32 to vector<16xi32>
      %select_n3A_213 = arith.select %eq3A_211, %broadcast_in_dim3A_212, %select_n3A_193 : vector<16xi1>, vector<16xi32>
      %slice3A_214 = vector.extract_strided_slice %get3A_93 {offsets = [6], sizes = [1], strides = [1]} : vector<16xi32> to vector<1xi32>
      %squeeze3A_215 = vector.extract %slice3A_214[0] : i32 from vector<1xi32>
      %add3A_216 = arith.constant 128 : i32
      %add3A_217 = arith.addi %add3A_216, %squeeze3A_215 : i32
      %get3A_218 = arith.index_cast %add3A_217 : i32 to index
      %get3A_219 = memref.load %arg12[%get3A_218] : memref<257xi32, #tpu.memory_space<smem>>
      %get3A_220 = arith.index_cast %squeeze3A_215 : i32 to index
      %get3A_221 = memref.load %arg12[%get3A_220] : memref<257xi32, #tpu.memory_space<smem>>
      %add3A_222 = arith.addi %get3A_219, %get3A_221 : i32
      %get3A_223 = arith.index_cast %squeeze3A_215 : i32 to index
      %get3A_224 = memref.load %arg12[%get3A_223] : memref<257xi32, #tpu.memory_space<smem>>
      %add3A_225 = arith.constant 1 : i32
      %add3A_226 = arith.addi %get3A_224, %add3A_225 : i32
      %swap3A_227 = arith.index_cast %squeeze3A_215 : i32 to index
      %swap3A_228 = memref.load %arg12[%swap3A_227] : memref<257xi32, #tpu.memory_space<smem>>
      memref.store %add3A_226, %arg12[%swap3A_227] : memref<257xi32, #tpu.memory_space<smem>>
      %eq3A_229 = arith.constant 6 : i32
      %eq3A_230 = vector.broadcast %eq3A_229 : i32 to vector<16xi32>
      %eq3A_231 = arith.cmpi eq, %iota3A, %eq3A_230 : vector<16xi32>
      %broadcast_in_dim3A_232 = vector.broadcast %add3A_222 : i32 to vector<16xi32>
      %select_n3A_233 = arith.select %eq3A_231, %broadcast_in_dim3A_232, %select_n3A_213 : vector<16xi1>, vector<16xi32>
      %slice3A_234 = vector.extract_strided_slice %get3A_93 {offsets = [7], sizes = [1], strides = [1]} : vector<16xi32> to vector<1xi32>
      %squeeze3A_235 = vector.extract %slice3A_234[0] : i32 from vector<1xi32>
      %add3A_236 = arith.constant 128 : i32
      %add3A_237 = arith.addi %add3A_236, %squeeze3A_235 : i32
      %get3A_238 = arith.index_cast %add3A_237 : i32 to index
      %get3A_239 = memref.load %arg12[%get3A_238] : memref<257xi32, #tpu.memory_space<smem>>
      %get3A_240 = arith.index_cast %squeeze3A_235 : i32 to index
      %get3A_241 = memref.load %arg12[%get3A_240] : memref<257xi32, #tpu.memory_space<smem>>
      %add3A_242 = arith.addi %get3A_239, %get3A_241 : i32
      %get3A_243 = arith.index_cast %squeeze3A_235 : i32 to index
      %get3A_244 = memref.load %arg12[%get3A_243] : memref<257xi32, #tpu.memory_space<smem>>
      %add3A_245 = arith.constant 1 : i32
      %add3A_246 = arith.addi %get3A_244, %add3A_245 : i32
      %swap3A_247 = arith.index_cast %squeeze3A_235 : i32 to index
      %swap3A_248 = memref.load %arg12[%swap3A_247] : memref<257xi32, #tpu.memory_space<smem>>
      memref.store %add3A_246, %arg12[%swap3A_247] : memref<257xi32, #tpu.memory_space<smem>>
      %eq3A_249 = arith.constant 7 : i32
      %eq3A_250 = vector.broadcast %eq3A_249 : i32 to vector<16xi32>
      %eq3A_251 = arith.cmpi eq, %iota3A, %eq3A_250 : vector<16xi32>
      %broadcast_in_dim3A_252 = vector.broadcast %add3A_242 : i32 to vector<16xi32>
      %select_n3A_253 = arith.select %eq3A_251, %broadcast_in_dim3A_252, %select_n3A_233 : vector<16xi1>, vector<16xi32>
      %slice3A_254 = vector.extract_strided_slice %get3A_93 {offsets = [8], sizes = [1], strides = [1]} : vector<16xi32> to vector<1xi32>
      %squeeze3A_255 = vector.extract %slice3A_254[0] : i32 from vector<1xi32>
      %add3A_256 = arith.constant 128 : i32
      %add3A_257 = arith.addi %add3A_256, %squeeze3A_255 : i32
      %get3A_258 = arith.index_cast %add3A_257 : i32 to index
      %get3A_259 = memref.load %arg12[%get3A_258] : memref<257xi32, #tpu.memory_space<smem>>
      %get3A_260 = arith.index_cast %squeeze3A_255 : i32 to index
      %get3A_261 = memref.load %arg12[%get3A_260] : memref<257xi32, #tpu.memory_space<smem>>
      %add3A_262 = arith.addi %get3A_259, %get3A_261 : i32
      %get3A_263 = arith.index_cast %squeeze3A_255 : i32 to index
      %get3A_264 = memref.load %arg12[%get3A_263] : memref<257xi32, #tpu.memory_space<smem>>
      %add3A_265 = arith.constant 1 : i32
      %add3A_266 = arith.addi %get3A_264, %add3A_265 : i32
      %swap3A_267 = arith.index_cast %squeeze3A_255 : i32 to index
      %swap3A_268 = memref.load %arg12[%swap3A_267] : memref<257xi32, #tpu.memory_space<smem>>
      memref.store %add3A_266, %arg12[%swap3A_267] : memref<257xi32, #tpu.memory_space<smem>>
      %eq3A_269 = arith.constant 8 : i32
      %eq3A_270 = vector.broadcast %eq3A_269 : i32 to vector<16xi32>
      %eq3A_271 = arith.cmpi eq, %iota3A, %eq3A_270 : vector<16xi32>
      %broadcast_in_dim3A_272 = vector.broadcast %add3A_262 : i32 to vector<16xi32>
      %select_n3A_273 = arith.select %eq3A_271, %broadcast_in_dim3A_272, %select_n3A_253 : vector<16xi1>, vector<16xi32>
      %slice3A_274 = vector.extract_strided_slice %get3A_93 {offsets = [9], sizes = [1], strides = [1]} : vector<16xi32> to vector<1xi32>
      %squeeze3A_275 = vector.extract %slice3A_274[0] : i32 from vector<1xi32>
      %add3A_276 = arith.constant 128 : i32
      %add3A_277 = arith.addi %add3A_276, %squeeze3A_275 : i32
      %get3A_278 = arith.index_cast %add3A_277 : i32 to index
      %get3A_279 = memref.load %arg12[%get3A_278] : memref<257xi32, #tpu.memory_space<smem>>
      %get3A_280 = arith.index_cast %squeeze3A_275 : i32 to index
      %get3A_281 = memref.load %arg12[%get3A_280] : memref<257xi32, #tpu.memory_space<smem>>
      %add3A_282 = arith.addi %get3A_279, %get3A_281 : i32
      %get3A_283 = arith.index_cast %squeeze3A_275 : i32 to index
      %get3A_284 = memref.load %arg12[%get3A_283] : memref<257xi32, #tpu.memory_space<smem>>
      %add3A_285 = arith.constant 1 : i32
      %add3A_286 = arith.addi %get3A_284, %add3A_285 : i32
      %swap3A_287 = arith.index_cast %squeeze3A_275 : i32 to index
      %swap3A_288 = memref.load %arg12[%swap3A_287] : memref<257xi32, #tpu.memory_space<smem>>
      memref.store %add3A_286, %arg12[%swap3A_287] : memref<257xi32, #tpu.memory_space<smem>>
      %eq3A_289 = arith.constant 9 : i32
      %eq3A_290 = vector.broadcast %eq3A_289 : i32 to vector<16xi32>
      %eq3A_291 = arith.cmpi eq, %iota3A, %eq3A_290 : vector<16xi32>
      %broadcast_in_dim3A_292 = vector.broadcast %add3A_282 : i32 to vector<16xi32>
      %select_n3A_293 = arith.select %eq3A_291, %broadcast_in_dim3A_292, %select_n3A_273 : vector<16xi1>, vector<16xi32>
      %slice3A_294 = vector.extract_strided_slice %get3A_93 {offsets = [10], sizes = [1], strides = [1]} : vector<16xi32> to vector<1xi32>
      %squeeze3A_295 = vector.extract %slice3A_294[0] : i32 from vector<1xi32>
      %add3A_296 = arith.constant 128 : i32
      %add3A_297 = arith.addi %add3A_296, %squeeze3A_295 : i32
      %get3A_298 = arith.index_cast %add3A_297 : i32 to index
      %get3A_299 = memref.load %arg12[%get3A_298] : memref<257xi32, #tpu.memory_space<smem>>
      %get3A_300 = arith.index_cast %squeeze3A_295 : i32 to index
      %get3A_301 = memref.load %arg12[%get3A_300] : memref<257xi32, #tpu.memory_space<smem>>
      %add3A_302 = arith.addi %get3A_299, %get3A_301 : i32
      %get3A_303 = arith.index_cast %squeeze3A_295 : i32 to index
      %get3A_304 = memref.load %arg12[%get3A_303] : memref<257xi32, #tpu.memory_space<smem>>
      %add3A_305 = arith.constant 1 : i32
      %add3A_306 = arith.addi %get3A_304, %add3A_305 : i32
      %swap3A_307 = arith.index_cast %squeeze3A_295 : i32 to index
      %swap3A_308 = memref.load %arg12[%swap3A_307] : memref<257xi32, #tpu.memory_space<smem>>
      memref.store %add3A_306, %arg12[%swap3A_307] : memref<257xi32, #tpu.memory_space<smem>>
      %eq3A_309 = arith.constant 10 : i32
      %eq3A_310 = vector.broadcast %eq3A_309 : i32 to vector<16xi32>
      %eq3A_311 = arith.cmpi eq, %iota3A, %eq3A_310 : vector<16xi32>
      %broadcast_in_dim3A_312 = vector.broadcast %add3A_302 : i32 to vector<16xi32>
      %select_n3A_313 = arith.select %eq3A_311, %broadcast_in_dim3A_312, %select_n3A_293 : vector<16xi1>, vector<16xi32>
      %slice3A_314 = vector.extract_strided_slice %get3A_93 {offsets = [11], sizes = [1], strides = [1]} : vector<16xi32> to vector<1xi32>
      %squeeze3A_315 = vector.extract %slice3A_314[0] : i32 from vector<1xi32>
      %add3A_316 = arith.constant 128 : i32
      %add3A_317 = arith.addi %add3A_316, %squeeze3A_315 : i32
      %get3A_318 = arith.index_cast %add3A_317 : i32 to index
      %get3A_319 = memref.load %arg12[%get3A_318] : memref<257xi32, #tpu.memory_space<smem>>
      %get3A_320 = arith.index_cast %squeeze3A_315 : i32 to index
      %get3A_321 = memref.load %arg12[%get3A_320] : memref<257xi32, #tpu.memory_space<smem>>
      %add3A_322 = arith.addi %get3A_319, %get3A_321 : i32
      %get3A_323 = arith.index_cast %squeeze3A_315 : i32 to index
      %get3A_324 = memref.load %arg12[%get3A_323] : memref<257xi32, #tpu.memory_space<smem>>
      %add3A_325 = arith.constant 1 : i32
      %add3A_326 = arith.addi %get3A_324, %add3A_325 : i32
      %swap3A_327 = arith.index_cast %squeeze3A_315 : i32 to index
      %swap3A_328 = memref.load %arg12[%swap3A_327] : memref<257xi32, #tpu.memory_space<smem>>
      memref.store %add3A_326, %arg12[%swap3A_327] : memref<257xi32, #tpu.memory_space<smem>>
      %eq3A_329 = arith.constant 11 : i32
      %eq3A_330 = vector.broadcast %eq3A_329 : i32 to vector<16xi32>
      %eq3A_331 = arith.cmpi eq, %iota3A, %eq3A_330 : vector<16xi32>
      %broadcast_in_dim3A_332 = vector.broadcast %add3A_322 : i32 to vector<16xi32>
      %select_n3A_333 = arith.select %eq3A_331, %broadcast_in_dim3A_332, %select_n3A_313 : vector<16xi1>, vector<16xi32>
      %slice3A_334 = vector.extract_strided_slice %get3A_93 {offsets = [12], sizes = [1], strides = [1]} : vector<16xi32> to vector<1xi32>
      %squeeze3A_335 = vector.extract %slice3A_334[0] : i32 from vector<1xi32>
      %add3A_336 = arith.constant 128 : i32
      %add3A_337 = arith.addi %add3A_336, %squeeze3A_335 : i32
      %get3A_338 = arith.index_cast %add3A_337 : i32 to index
      %get3A_339 = memref.load %arg12[%get3A_338] : memref<257xi32, #tpu.memory_space<smem>>
      %get3A_340 = arith.index_cast %squeeze3A_335 : i32 to index
      %get3A_341 = memref.load %arg12[%get3A_340] : memref<257xi32, #tpu.memory_space<smem>>
      %add3A_342 = arith.addi %get3A_339, %get3A_341 : i32
      %get3A_343 = arith.index_cast %squeeze3A_335 : i32 to index
      %get3A_344 = memref.load %arg12[%get3A_343] : memref<257xi32, #tpu.memory_space<smem>>
      %add3A_345 = arith.constant 1 : i32
      %add3A_346 = arith.addi %get3A_344, %add3A_345 : i32
      %swap3A_347 = arith.index_cast %squeeze3A_335 : i32 to index
      %swap3A_348 = memref.load %arg12[%swap3A_347] : memref<257xi32, #tpu.memory_space<smem>>
      memref.store %add3A_346, %arg12[%swap3A_347] : memref<257xi32, #tpu.memory_space<smem>>
      %eq3A_349 = arith.constant 12 : i32
      %eq3A_350 = vector.broadcast %eq3A_349 : i32 to vector<16xi32>
      %eq3A_351 = arith.cmpi eq, %iota3A, %eq3A_350 : vector<16xi32>
      %broadcast_in_dim3A_352 = vector.broadcast %add3A_342 : i32 to vector<16xi32>
      %select_n3A_353 = arith.select %eq3A_351, %broadcast_in_dim3A_352, %select_n3A_333 : vector<16xi1>, vector<16xi32>
      %slice3A_354 = vector.extract_strided_slice %get3A_93 {offsets = [13], sizes = [1], strides = [1]} : vector<16xi32> to vector<1xi32>
      %squeeze3A_355 = vector.extract %slice3A_354[0] : i32 from vector<1xi32>
      %add3A_356 = arith.constant 128 : i32
      %add3A_357 = arith.addi %add3A_356, %squeeze3A_355 : i32
      %get3A_358 = arith.index_cast %add3A_357 : i32 to index
      %get3A_359 = memref.load %arg12[%get3A_358] : memref<257xi32, #tpu.memory_space<smem>>
      %get3A_360 = arith.index_cast %squeeze3A_355 : i32 to index
      %get3A_361 = memref.load %arg12[%get3A_360] : memref<257xi32, #tpu.memory_space<smem>>
      %add3A_362 = arith.addi %get3A_359, %get3A_361 : i32
      %get3A_363 = arith.index_cast %squeeze3A_355 : i32 to index
      %get3A_364 = memref.load %arg12[%get3A_363] : memref<257xi32, #tpu.memory_space<smem>>
      %add3A_365 = arith.constant 1 : i32
      %add3A_366 = arith.addi %get3A_364, %add3A_365 : i32
      %swap3A_367 = arith.index_cast %squeeze3A_355 : i32 to index
      %swap3A_368 = memref.load %arg12[%swap3A_367] : memref<257xi32, #tpu.memory_space<smem>>
      memref.store %add3A_366, %arg12[%swap3A_367] : memref<257xi32, #tpu.memory_space<smem>>
      %eq3A_369 = arith.constant 13 : i32
      %eq3A_370 = vector.broadcast %eq3A_369 : i32 to vector<16xi32>
      %eq3A_371 = arith.cmpi eq, %iota3A, %eq3A_370 : vector<16xi32>
      %broadcast_in_dim3A_372 = vector.broadcast %add3A_362 : i32 to vector<16xi32>
      %select_n3A_373 = arith.select %eq3A_371, %broadcast_in_dim3A_372, %select_n3A_353 : vector<16xi1>, vector<16xi32>
      %slice3A_374 = vector.extract_strided_slice %get3A_93 {offsets = [14], sizes = [1], strides = [1]} : vector<16xi32> to vector<1xi32>
      %squeeze3A_375 = vector.extract %slice3A_374[0] : i32 from vector<1xi32>
      %add3A_376 = arith.constant 128 : i32
      %add3A_377 = arith.addi %add3A_376, %squeeze3A_375 : i32
      %get3A_378 = arith.index_cast %add3A_377 : i32 to index
      %get3A_379 = memref.load %arg12[%get3A_378] : memref<257xi32, #tpu.memory_space<smem>>
      %get3A_380 = arith.index_cast %squeeze3A_375 : i32 to index
      %get3A_381 = memref.load %arg12[%get3A_380] : memref<257xi32, #tpu.memory_space<smem>>
      %add3A_382 = arith.addi %get3A_379, %get3A_381 : i32
      %get3A_383 = arith.index_cast %squeeze3A_375 : i32 to index
      %get3A_384 = memref.load %arg12[%get3A_383] : memref<257xi32, #tpu.memory_space<smem>>
      %add3A_385 = arith.constant 1 : i32
      %add3A_386 = arith.addi %get3A_384, %add3A_385 : i32
      %swap3A_387 = arith.index_cast %squeeze3A_375 : i32 to index
      %swap3A_388 = memref.load %arg12[%swap3A_387] : memref<257xi32, #tpu.memory_space<smem>>
      memref.store %add3A_386, %arg12[%swap3A_387] : memref<257xi32, #tpu.memory_space<smem>>
      %eq3A_389 = arith.constant 14 : i32
      %eq3A_390 = vector.broadcast %eq3A_389 : i32 to vector<16xi32>
      %eq3A_391 = arith.cmpi eq, %iota3A, %eq3A_390 : vector<16xi32>
      %broadcast_in_dim3A_392 = vector.broadcast %add3A_382 : i32 to vector<16xi32>
      %select_n3A_393 = arith.select %eq3A_391, %broadcast_in_dim3A_392, %select_n3A_373 : vector<16xi1>, vector<16xi32>
      %slice3A_394 = vector.extract_strided_slice %get3A_93 {offsets = [15], sizes = [1], strides = [1]} : vector<16xi32> to vector<1xi32>
      %squeeze3A_395 = vector.extract %slice3A_394[0] : i32 from vector<1xi32>
      %add3A_396 = arith.constant 128 : i32
      %add3A_397 = arith.addi %add3A_396, %squeeze3A_395 : i32
      %get3A_398 = arith.index_cast %add3A_397 : i32 to index
      %get3A_399 = memref.load %arg12[%get3A_398] : memref<257xi32, #tpu.memory_space<smem>>
      %get3A_400 = arith.index_cast %squeeze3A_395 : i32 to index
      %get3A_401 = memref.load %arg12[%get3A_400] : memref<257xi32, #tpu.memory_space<smem>>
      %add3A_402 = arith.addi %get3A_399, %get3A_401 : i32
      %get3A_403 = arith.index_cast %squeeze3A_395 : i32 to index
      %get3A_404 = memref.load %arg12[%get3A_403] : memref<257xi32, #tpu.memory_space<smem>>
      %add3A_405 = arith.constant 1 : i32
      %add3A_406 = arith.addi %get3A_404, %add3A_405 : i32
      %swap3A_407 = arith.index_cast %squeeze3A_395 : i32 to index
      %swap3A_408 = memref.load %arg12[%swap3A_407] : memref<257xi32, #tpu.memory_space<smem>>
      memref.store %add3A_406, %arg12[%swap3A_407] : memref<257xi32, #tpu.memory_space<smem>>
      %eq3A_409 = arith.constant 15 : i32
      %eq3A_410 = vector.broadcast %eq3A_409 : i32 to vector<16xi32>
      %eq3A_411 = arith.cmpi eq, %iota3A, %eq3A_410 : vector<16xi32>
      %broadcast_in_dim3A_412 = vector.broadcast %add3A_402 : i32 to vector<16xi32>
      %select_n3A_413 = arith.select %eq3A_411, %broadcast_in_dim3A_412, %select_n3A_393 : vector<16xi1>, vector<16xi32>
      tpu.vector_store_idx %arg5[%select_n3A_413], %get3A_83 : memref<2048xf32, #tpu.memory_space<vmem>>[vector<16xi32>], vector<16xf32>,
      %bitcast_convert_type3A = tpu.bitcast %get3A_83 : vector<16xf32> -> vector<16xi32>
      %shift_right_logical3A = arith.constant 16 : i32
      %shift_right_logical3A_414 = vector.broadcast %shift_right_logical3A : i32 to vector<16xi32>
      %shift_right_logical3A_415 = arith.shrui %bitcast_convert_type3A, %shift_right_logical3A_414 : vector<16xi32>
      %and3A_416 = arith.constant 1 : i32
      %and3A_417 = vector.broadcast %and3A_416 : i32 to vector<16xi32>
      %and3A_418 = arith.andi %shift_right_logical3A_415, %and3A_417 : vector<16xi32>
      %add3A_419 = arith.constant 32767 : i32
      %add3A_420 = vector.broadcast %add3A_419 : i32 to vector<16xi32>
      %add3A_421 = arith.addi %bitcast_convert_type3A, %add3A_420 : vector<16xi32>
      %add3A_422 = arith.addi %add3A_421, %and3A_418 : vector<16xi32>
      %and3A_423 = arith.constant -65536 : i32
      %and3A_424 = vector.broadcast %and3A_423 : i32 to vector<16xi32>
      %and3A_425 = arith.andi %add3A_422, %and3A_424 : vector<16xi32>
      %bitcast_convert_type3A_426 = tpu.bitcast %and3A_425 : vector<16xi32> -> vector<16xf32>
      tpu.vector_store_idx %arg6[%select_n3A_413], %bitcast_convert_type3A_426 : memref<2048xf32, #tpu.memory_space<vmem>>[vector<16xi32>], vector<16xf32>,
      %bitcast_convert_type3A_427 = tpu.bitcast %get3A_87 : vector<16xf32> -> vector<16xi32>
      %shift_right_logical3A_428 = arith.constant 16 : i32
      %shift_right_logical3A_429 = vector.broadcast %shift_right_logical3A_428 : i32 to vector<16xi32>
      %shift_right_logical3A_430 = arith.shrui %bitcast_convert_type3A_427, %shift_right_logical3A_429 : vector<16xi32>
      %and3A_431 = arith.constant 1 : i32
      %and3A_432 = vector.broadcast %and3A_431 : i32 to vector<16xi32>
      %and3A_433 = arith.andi %shift_right_logical3A_430, %and3A_432 : vector<16xi32>
      %add3A_434 = arith.constant 32767 : i32
      %add3A_435 = vector.broadcast %add3A_434 : i32 to vector<16xi32>
      %add3A_436 = arith.addi %bitcast_convert_type3A_427, %add3A_435 : vector<16xi32>
      %add3A_437 = arith.addi %add3A_436, %and3A_433 : vector<16xi32>
      %and3A_438 = arith.constant -65536 : i32
      %and3A_439 = vector.broadcast %and3A_438 : i32 to vector<16xi32>
      %and3A_440 = arith.andi %add3A_437, %and3A_439 : vector<16xi32>
      %bitcast_convert_type3A_441 = tpu.bitcast %and3A_440 : vector<16xi32> -> vector<16xf32>
      tpu.vector_store_idx %arg7[%select_n3A_413], %bitcast_convert_type3A_441 : memref<2048xf32, #tpu.memory_space<vmem>>[vector<16xi32>], vector<16xf32>,
      %bitcast_convert_type3A_442 = tpu.bitcast %get3A_91 : vector<16xf32> -> vector<16xi32>
      %shift_right_logical3A_443 = arith.constant 16 : i32
      %shift_right_logical3A_444 = vector.broadcast %shift_right_logical3A_443 : i32 to vector<16xi32>
      %shift_right_logical3A_445 = arith.shrui %bitcast_convert_type3A_442, %shift_right_logical3A_444 : vector<16xi32>
      %and3A_446 = arith.constant 1 : i32
      %and3A_447 = vector.broadcast %and3A_446 : i32 to vector<16xi32>
      %and3A_448 = arith.andi %shift_right_logical3A_445, %and3A_447 : vector<16xi32>
      %add3A_449 = arith.constant 32767 : i32
      %add3A_450 = vector.broadcast %add3A_449 : i32 to vector<16xi32>
      %add3A_451 = arith.addi %bitcast_convert_type3A_442, %add3A_450 : vector<16xi32>
      %add3A_452 = arith.addi %add3A_451, %and3A_448 : vector<16xi32>
      %and3A_453 = arith.constant -65536 : i32
      %and3A_454 = vector.broadcast %and3A_453 : i32 to vector<16xi32>
      %and3A_455 = arith.andi %add3A_452, %and3A_454 : vector<16xi32>
      %bitcast_convert_type3A_456 = tpu.bitcast %and3A_455 : vector<16xi32> -> vector<16xf32>
      tpu.vector_store_idx %arg8[%select_n3A_413], %bitcast_convert_type3A_456 : memref<2048xf32, #tpu.memory_space<vmem>>[vector<16xi32>], vector<16xf32>,
      %mul3A_457 = arith.mulf %get3A_83, %get3A_83 : vector<16xf32>
      %mul3A_458 = arith.mulf %get3A_87, %get3A_87 : vector<16xf32>
      %add3A_459 = arith.addf %mul3A_457, %mul3A_458 : vector<16xf32>
      %mul3A_460 = arith.mulf %get3A_91, %get3A_91 : vector<16xf32>
      %add3A_461 = arith.addf %add3A_459, %mul3A_460 : vector<16xf32>
      tpu.vector_store_idx %arg9[%select_n3A_413], %add3A_461 : memref<2048xf32, #tpu.memory_space<vmem>>[vector<16xi32>], vector<16xf32>,
      %scan3A_462 = arith.constant 0 : i32
      scf.yield %scan3A_462 : i32
    }
    %scan3A_66 = arith.constant 128 : i32
    %scan3A_67 = arith.constant 4.900000e-03 : f32
    %scan3A_68 = arith.constant 7.000000e-02 : f32
    %scan3A_69 = arith.constant 0 : i32
    %scan3A_70 = arith.constant 32 : i32
    %scan3A_71 = arith.addi %scan3A_69, %scan3A_70 : i32
    %scan3A_72 = arith.constant 1 : i32
    %scan3A_73 = scf.for %scan3A_79 = %scan3A_69 to %scan3A_71 step %scan3A_72 iter_args(%scan3A_80 = %broadcast_in_dim3A_37) -> (vector<16xf32>)  : i32 {
      %mul3A_81 = arith.constant 16 : i32
      %mul3A_82 = arith.muli %scan3A_79, %mul3A_81 : i32
      %add3A_83 = arith.addi %mul3A_32, %mul3A_82 : i32
      %get3A = arith.index_cast %add3A_83 : i32 to index
      %get3A_84 = tpu.vector_load %arg5[%get3A] {strides = array<i32>} : memref<2048xf32, #tpu.memory_space<vmem>>, vector<16xf32>,
      %get3A_85 = arith.index_cast %add3A_83 : i32 to index
      %get3A_86 = tpu.vector_load %arg6[%get3A_85] {strides = array<i32>} : memref<2048xf32, #tpu.memory_space<vmem>>, vector<16xf32>,
      %get3A_87 = arith.index_cast %add3A_83 : i32 to index
      %get3A_88 = tpu.vector_load %arg7[%get3A_87] {strides = array<i32>} : memref<2048xf32, #tpu.memory_space<vmem>>, vector<16xf32>,
      %get3A_89 = arith.index_cast %add3A_83 : i32 to index
      %get3A_90 = tpu.vector_load %arg8[%get3A_89] {strides = array<i32>} : memref<2048xf32, #tpu.memory_space<vmem>>, vector<16xf32>,
      %get3A_91 = arith.index_cast %add3A_83 : i32 to index
      %get3A_92 = tpu.vector_load %arg9[%get3A_91] {strides = array<i32>} : memref<2048xf32, #tpu.memory_space<vmem>>, vector<16xf32>,
      %slice3A = vector.extract_strided_slice %get3A_84 {offsets = [0], sizes = [1], strides = [1]} : vector<16xf32> to vector<1xf32>
      %squeeze3A = vector.extract %slice3A[0] : f32 from vector<1xf32>
      %mul3A_93 = arith.constant 1.280000e+02 : f32
      %mul3A_94 = arith.mulf %squeeze3A, %mul3A_93 : f32
      %convert_element_type3A = arith.fptosi %mul3A_94 : f32 to i32
      %jit3A_95 = arith.constant 0 : i32
      %jit3A_96 = arith.constant 127 : i32
      %max3A = arith.maxsi %jit3A_95, %convert_element_type3A : i32
      %min3A = arith.minsi %jit3A_96, %max3A : i32
      %slice3A_97 = vector.extract_strided_slice %get3A_84 {offsets = [15], sizes = [1], strides = [1]} : vector<16xf32> to vector<1xf32>
      %squeeze3A_98 = vector.extract %slice3A_97[0] : f32 from vector<1xf32>
      %mul3A_99 = arith.constant 1.280000e+02 : f32
      %mul3A_100 = arith.mulf %squeeze3A_98, %mul3A_99 : f32
      %convert_element_type3A_101 = arith.fptosi %mul3A_100 : f32 to i32
      %jit3A_102 = arith.constant 0 : i32
      %jit3A_103 = arith.constant 127 : i32
      %max3A_104 = arith.maxsi %jit3A_102, %convert_element_type3A_101 : i32
      %min3A_105 = arith.minsi %jit3A_103, %max3A_104 : i32
      %sub3A_106 = arith.constant 22 : i32
      %sub3A_107 = arith.subi %min3A, %sub3A_106 : i32
      %max3A_108 = arith.constant 0 : i32
      %max3A_109 = arith.maxsi %sub3A_107, %max3A_108 : i32
      %add3A_110 = arith.constant 128 : i32
      %add3A_111 = arith.addi %add3A_110, %max3A_109 : i32
      %get3A_112 = arith.index_cast %add3A_111 : i32 to index
      %get3A_113 = memref.load %arg12[%get3A_112] : memref<257xi32, #tpu.memory_space<smem>>
      %add3A_114 = arith.constant 22 : i32
      %add3A_115 = arith.addi %min3A_105, %add3A_114 : i32
      %add3A_116 = arith.constant 1 : i32
      %add3A_117 = arith.addi %add3A_115, %add3A_116 : i32
      %min3A_118 = arith.constant 128 : i32
      %min3A_119 = arith.minsi %add3A_117, %min3A_118 : i32
      %add3A_120 = arith.constant 128 : i32
      %add3A_121 = arith.addi %add3A_120, %min3A_119 : i32
      %get3A_122 = arith.index_cast %add3A_121 : i32 to index
      %get3A_123 = memref.load %arg12[%get3A_122] : memref<257xi32, #tpu.memory_space<smem>>
      %shift_right_logical3A = arith.constant 4 : i32
      %shift_right_logical3A_124 = arith.shrui %get3A_113, %shift_right_logical3A : i32
      %add3A_125 = arith.constant 15 : i32
      %add3A_126 = arith.addi %get3A_123, %add3A_125 : i32
      %shift_right_logical3A_127 = arith.constant 4 : i32
      %shift_right_logical3A_128 = arith.shrui %add3A_126, %shift_right_logical3A_127 : i32
      %while3A = arith.subi %shift_right_logical3A_128, %shift_right_logical3A_124 : i32
      %while3A_129 = arith.addi %shift_right_logical3A_124, %while3A : i32
      %while3A_130 = arith.constant 1 : i32
      %while3A_131 = arith.divsi %while3A, %while3A_130 : i32
      %while3A_132 = arith.muli %while3A_131, %while3A_130 : i32
      %while3A_133 = arith.addi %shift_right_logical3A_124, %while3A_132 : i32
      %while3A_134 = arith.constant 1 : i32
      %while3A_135:11 = scf.for %while3A_148 = %shift_right_logical3A_124 to %while3A_133 step %while3A_134 iter_args(%while3A_149 = %broadcast_in_dim3A_37, %while3A_150 = %broadcast_in_dim3A_37, %while3A_151 = %broadcast_in_dim3A_37, %while3A_152 = %broadcast_in_dim3A_37, %while3A_153 = %broadcast_in_dim3A_37, %while3A_154 = %broadcast_in_dim3A_37, %while3A_155 = %broadcast_in_dim3A_37, %while3A_156 = %broadcast_in_dim3A_37, %while3A_157 = %broadcast_in_dim3A_37, %while3A_158 = %broadcast_in_dim3A_37, %while3A_159 = %broadcast_in_dim3A_37) -> (vector<16xf32>, vector<16xf32>, vector<16xf32>, vector<16xf32>, vector<16xf32>, vector<16xf32>, vector<16xf32>, vector<16xf32>, vector<16xf32>, vector<16xf32>, vector<16xf32>)  : i32 {
        %mul3A_160 = arith.constant 16 : i32
        %mul3A_161 = arith.muli %while3A_148, %mul3A_160 : i32
        %get3A_162 = arith.index_cast %mul3A_161 : i32 to index
        %get3A_163 = tpu.vector_load %arg6[%get3A_162] {strides = array<i32>} : memref<2048xf32, #tpu.memory_space<vmem>>, vector<16xf32>,
        %get3A_164 = arith.index_cast %mul3A_161 : i32 to index
        %get3A_165 = tpu.vector_load %arg7[%get3A_164] {strides = array<i32>} : memref<2048xf32, #tpu.memory_space<vmem>>, vector<16xf32>,
        %get3A_166 = arith.index_cast %mul3A_161 : i32 to index
        %get3A_167 = tpu.vector_load %arg8[%get3A_166] {strides = array<i32>} : memref<2048xf32, #tpu.memory_space<vmem>>, vector<16xf32>,
        %get3A_168 = arith.index_cast %mul3A_161 : i32 to index
        %get3A_169 = tpu.vector_load %arg9[%get3A_168] {strides = array<i32>} : memref<2048xf32, #tpu.memory_space<vmem>>, vector<16xf32>,
        %slice3A_170 = vector.extract_strided_slice %get3A_163 {offsets = [0], sizes = [1], strides = [1]} : vector<16xf32> to vector<1xf32>
        %squeeze3A_171 = vector.extract %slice3A_170[0] : f32 from vector<1xf32>
        %mul3A_172 = vector.broadcast %squeeze3A_171 : f32 to vector<16xf32>
        %mul3A_173 = arith.mulf %get3A_86, %mul3A_172 : vector<16xf32>
        %slice3A_174 = vector.extract_strided_slice %get3A_165 {offsets = [0], sizes = [1], strides = [1]} : vector<16xf32> to vector<1xf32>
        %squeeze3A_175 = vector.extract %slice3A_174[0] : f32 from vector<1xf32>
        %mul3A_176 = vector.broadcast %squeeze3A_175 : f32 to vector<16xf32>
        %mul3A_177 = arith.mulf %get3A_88, %mul3A_176 : vector<16xf32>
        %add3A_178 = arith.addf %mul3A_173, %mul3A_177 : vector<16xf32>
        %slice3A_179 = vector.extract_strided_slice %get3A_167 {offsets = [0], sizes = [1], strides = [1]} : vector<16xf32> to vector<1xf32>
        %squeeze3A_180 = vector.extract %slice3A_179[0] : f32 from vector<1xf32>
        %mul3A_181 = vector.broadcast %squeeze3A_180 : f32 to vector<16xf32>
        %mul3A_182 = arith.mulf %get3A_90, %mul3A_181 : vector<16xf32>
        %add3A_183 = arith.addf %add3A_178, %mul3A_182 : vector<16xf32>
        %slice3A_184 = vector.extract_strided_slice %get3A_169 {offsets = [0], sizes = [1], strides = [1]} : vector<16xf32> to vector<1xf32>
        %squeeze3A_185 = vector.extract %slice3A_184[0] : f32 from vector<1xf32>
        %add3A_186 = vector.broadcast %squeeze3A_185 : f32 to vector<16xf32>
        %add3A_187 = arith.addf %get3A_92, %add3A_186 : vector<16xf32>
        %add3A_188 = arith.addf %add3A_183, %add3A_183 : vector<16xf32>
        %sub3A_189 = arith.subf %add3A_187, %add3A_188 : vector<16xf32>
        %slice3A_190 = vector.extract_strided_slice %get3A_163 {offsets = [1], sizes = [1], strides = [1]} : vector<16xf32> to vector<1xf32>
        %squeeze3A_191 = vector.extract %slice3A_190[0] : f32 from vector<1xf32>
        %mul3A_192 = vector.broadcast %squeeze3A_191 : f32 to vector<16xf32>
        %mul3A_193 = arith.mulf %get3A_86, %mul3A_192 : vector<16xf32>
        %slice3A_194 = vector.extract_strided_slice %get3A_165 {offsets = [1], sizes = [1], strides = [1]} : vector<16xf32> to vector<1xf32>
        %squeeze3A_195 = vector.extract %slice3A_194[0] : f32 from vector<1xf32>
        %mul3A_196 = vector.broadcast %squeeze3A_195 : f32 to vector<16xf32>
        %mul3A_197 = arith.mulf %get3A_88, %mul3A_196 : vector<16xf32>
        %add3A_198 = arith.addf %mul3A_193, %mul3A_197 : vector<16xf32>
        %slice3A_199 = vector.extract_strided_slice %get3A_167 {offsets = [1], sizes = [1], strides = [1]} : vector<16xf32> to vector<1xf32>
        %squeeze3A_200 = vector.extract %slice3A_199[0] : f32 from vector<1xf32>
        %mul3A_201 = vector.broadcast %squeeze3A_200 : f32 to vector<16xf32>
        %mul3A_202 = arith.mulf %get3A_90, %mul3A_201 : vector<16xf32>
        %add3A_203 = arith.addf %add3A_198, %mul3A_202 : vector<16xf32>
        %slice3A_204 = vector.extract_strided_slice %get3A_169 {offsets = [1], sizes = [1], strides = [1]} : vector<16xf32> to vector<1xf32>
        %squeeze3A_205 = vector.extract %slice3A_204[0] : f32 from vector<1xf32>
        %add3A_206 = vector.broadcast %squeeze3A_205 : f32 to vector<16xf32>
        %add3A_207 = arith.addf %get3A_92, %add3A_206 : vector<16xf32>
        %add3A_208 = arith.addf %add3A_203, %add3A_203 : vector<16xf32>
        %sub3A_209 = arith.subf %add3A_207, %add3A_208 : vector<16xf32>
        %min3A_210 = arith.minimumf %sub3A_189, %sub3A_209 : vector<16xf32>
        %slice3A_211 = vector.extract_strided_slice %get3A_163 {offsets = [2], sizes = [1], strides = [1]} : vector<16xf32> to vector<1xf32>
        %squeeze3A_212 = vector.extract %slice3A_211[0] : f32 from vector<1xf32>
        %mul3A_213 = vector.broadcast %squeeze3A_212 : f32 to vector<16xf32>
        %mul3A_214 = arith.mulf %get3A_86, %mul3A_213 : vector<16xf32>
        %slice3A_215 = vector.extract_strided_slice %get3A_165 {offsets = [2], sizes = [1], strides = [1]} : vector<16xf32> to vector<1xf32>
        %squeeze3A_216 = vector.extract %slice3A_215[0] : f32 from vector<1xf32>
        %mul3A_217 = vector.broadcast %squeeze3A_216 : f32 to vector<16xf32>
        %mul3A_218 = arith.mulf %get3A_88, %mul3A_217 : vector<16xf32>
        %add3A_219 = arith.addf %mul3A_214, %mul3A_218 : vector<16xf32>
        %slice3A_220 = vector.extract_strided_slice %get3A_167 {offsets = [2], sizes = [1], strides = [1]} : vector<16xf32> to vector<1xf32>
        %squeeze3A_221 = vector.extract %slice3A_220[0] : f32 from vector<1xf32>
        %mul3A_222 = vector.broadcast %squeeze3A_221 : f32 to vector<16xf32>
        %mul3A_223 = arith.mulf %get3A_90, %mul3A_222 : vector<16xf32>
        %add3A_224 = arith.addf %add3A_219, %mul3A_223 : vector<16xf32>
        %slice3A_225 = vector.extract_strided_slice %get3A_169 {offsets = [2], sizes = [1], strides = [1]} : vector<16xf32> to vector<1xf32>
        %squeeze3A_226 = vector.extract %slice3A_225[0] : f32 from vector<1xf32>
        %add3A_227 = vector.broadcast %squeeze3A_226 : f32 to vector<16xf32>
        %add3A_228 = arith.addf %get3A_92, %add3A_227 : vector<16xf32>
        %add3A_229 = arith.addf %add3A_224, %add3A_224 : vector<16xf32>
        %sub3A_230 = arith.subf %add3A_228, %add3A_229 : vector<16xf32>
        %min3A_231 = arith.minimumf %min3A_210, %sub3A_230 : vector<16xf32>
        %slice3A_232 = vector.extract_strided_slice %get3A_163 {offsets = [3], sizes = [1], strides = [1]} : vector<16xf32> to vector<1xf32>
        %squeeze3A_233 = vector.extract %slice3A_232[0] : f32 from vector<1xf32>
        %mul3A_234 = vector.broadcast %squeeze3A_233 : f32 to vector<16xf32>
        %mul3A_235 = arith.mulf %get3A_86, %mul3A_234 : vector<16xf32>
        %slice3A_236 = vector.extract_strided_slice %get3A_165 {offsets = [3], sizes = [1], strides = [1]} : vector<16xf32> to vector<1xf32>
        %squeeze3A_237 = vector.extract %slice3A_236[0] : f32 from vector<1xf32>
        %mul3A_238 = vector.broadcast %squeeze3A_237 : f32 to vector<16xf32>
        %mul3A_239 = arith.mulf %get3A_88, %mul3A_238 : vector<16xf32>
        %add3A_240 = arith.addf %mul3A_235, %mul3A_239 : vector<16xf32>
        %slice3A_241 = vector.extract_strided_slice %get3A_167 {offsets = [3], sizes = [1], strides = [1]} : vector<16xf32> to vector<1xf32>
        %squeeze3A_242 = vector.extract %slice3A_241[0] : f32 from vector<1xf32>
        %mul3A_243 = vector.broadcast %squeeze3A_242 : f32 to vector<16xf32>
        %mul3A_244 = arith.mulf %get3A_90, %mul3A_243 : vector<16xf32>
        %add3A_245 = arith.addf %add3A_240, %mul3A_244 : vector<16xf32>
        %slice3A_246 = vector.extract_strided_slice %get3A_169 {offsets = [3], sizes = [1], strides = [1]} : vector<16xf32> to vector<1xf32>
        %squeeze3A_247 = vector.extract %slice3A_246[0] : f32 from vector<1xf32>
        %add3A_248 = vector.broadcast %squeeze3A_247 : f32 to vector<16xf32>
        %add3A_249 = arith.addf %get3A_92, %add3A_248 : vector<16xf32>
        %add3A_250 = arith.addf %add3A_245, %add3A_245 : vector<16xf32>
        %sub3A_251 = arith.subf %add3A_249, %add3A_250 : vector<16xf32>
        %min3A_252 = arith.minimumf %min3A_231, %sub3A_251 : vector<16xf32>
        %slice3A_253 = vector.extract_strided_slice %get3A_163 {offsets = [4], sizes = [1], strides = [1]} : vector<16xf32> to vector<1xf32>
        %squeeze3A_254 = vector.extract %slice3A_253[0] : f32 from vector<1xf32>
        %mul3A_255 = vector.broadcast %squeeze3A_254 : f32 to vector<16xf32>
        %mul3A_256 = arith.mulf %get3A_86, %mul3A_255 : vector<16xf32>
        %slice3A_257 = vector.extract_strided_slice %get3A_165 {offsets = [4], sizes = [1], strides = [1]} : vector<16xf32> to vector<1xf32>
        %squeeze3A_258 = vector.extract %slice3A_257[0] : f32 from vector<1xf32>
        %mul3A_259 = vector.broadcast %squeeze3A_258 : f32 to vector<16xf32>
        %mul3A_260 = arith.mulf %get3A_88, %mul3A_259 : vector<16xf32>
        %add3A_261 = arith.addf %mul3A_256, %mul3A_260 : vector<16xf32>
        %slice3A_262 = vector.extract_strided_slice %get3A_167 {offsets = [4], sizes = [1], strides = [1]} : vector<16xf32> to vector<1xf32>
        %squeeze3A_263 = vector.extract %slice3A_262[0] : f32 from vector<1xf32>
        %mul3A_264 = vector.broadcast %squeeze3A_263 : f32 to vector<16xf32>
        %mul3A_265 = arith.mulf %get3A_90, %mul3A_264 : vector<16xf32>
        %add3A_266 = arith.addf %add3A_261, %mul3A_265 : vector<16xf32>
        %slice3A_267 = vector.extract_strided_slice %get3A_169 {offsets = [4], sizes = [1], strides = [1]} : vector<16xf32> to vector<1xf32>
        %squeeze3A_268 = vector.extract %slice3A_267[0] : f32 from vector<1xf32>
        %add3A_269 = vector.broadcast %squeeze3A_268 : f32 to vector<16xf32>
        %add3A_270 = arith.addf %get3A_92, %add3A_269 : vector<16xf32>
        %add3A_271 = arith.addf %add3A_266, %add3A_266 : vector<16xf32>
        %sub3A_272 = arith.subf %add3A_270, %add3A_271 : vector<16xf32>
        %min3A_273 = arith.minimumf %min3A_252, %sub3A_272 : vector<16xf32>
        %slice3A_274 = vector.extract_strided_slice %get3A_163 {offsets = [5], sizes = [1], strides = [1]} : vector<16xf32> to vector<1xf32>
        %squeeze3A_275 = vector.extract %slice3A_274[0] : f32 from vector<1xf32>
        %mul3A_276 = vector.broadcast %squeeze3A_275 : f32 to vector<16xf32>
        %mul3A_277 = arith.mulf %get3A_86, %mul3A_276 : vector<16xf32>
        %slice3A_278 = vector.extract_strided_slice %get3A_165 {offsets = [5], sizes = [1], strides = [1]} : vector<16xf32> to vector<1xf32>
        %squeeze3A_279 = vector.extract %slice3A_278[0] : f32 from vector<1xf32>
        %mul3A_280 = vector.broadcast %squeeze3A_279 : f32 to vector<16xf32>
        %mul3A_281 = arith.mulf %get3A_88, %mul3A_280 : vector<16xf32>
        %add3A_282 = arith.addf %mul3A_277, %mul3A_281 : vector<16xf32>
        %slice3A_283 = vector.extract_strided_slice %get3A_167 {offsets = [5], sizes = [1], strides = [1]} : vector<16xf32> to vector<1xf32>
        %squeeze3A_284 = vector.extract %slice3A_283[0] : f32 from vector<1xf32>
        %mul3A_285 = vector.broadcast %squeeze3A_284 : f32 to vector<16xf32>
        %mul3A_286 = arith.mulf %get3A_90, %mul3A_285 : vector<16xf32>
        %add3A_287 = arith.addf %add3A_282, %mul3A_286 : vector<16xf32>
        %slice3A_288 = vector.extract_strided_slice %get3A_169 {offsets = [5], sizes = [1], strides = [1]} : vector<16xf32> to vector<1xf32>
        %squeeze3A_289 = vector.extract %slice3A_288[0] : f32 from vector<1xf32>
        %add3A_290 = vector.broadcast %squeeze3A_289 : f32 to vector<16xf32>
        %add3A_291 = arith.addf %get3A_92, %add3A_290 : vector<16xf32>
        %add3A_292 = arith.addf %add3A_287, %add3A_287 : vector<16xf32>
        %sub3A_293 = arith.subf %add3A_291, %add3A_292 : vector<16xf32>
        %min3A_294 = arith.minimumf %min3A_273, %sub3A_293 : vector<16xf32>
        %slice3A_295 = vector.extract_strided_slice %get3A_163 {offsets = [6], sizes = [1], strides = [1]} : vector<16xf32> to vector<1xf32>
        %squeeze3A_296 = vector.extract %slice3A_295[0] : f32 from vector<1xf32>
        %mul3A_297 = vector.broadcast %squeeze3A_296 : f32 to vector<16xf32>
        %mul3A_298 = arith.mulf %get3A_86, %mul3A_297 : vector<16xf32>
        %slice3A_299 = vector.extract_strided_slice %get3A_165 {offsets = [6], sizes = [1], strides = [1]} : vector<16xf32> to vector<1xf32>
        %squeeze3A_300 = vector.extract %slice3A_299[0] : f32 from vector<1xf32>
        %mul3A_301 = vector.broadcast %squeeze3A_300 : f32 to vector<16xf32>
        %mul3A_302 = arith.mulf %get3A_88, %mul3A_301 : vector<16xf32>
        %add3A_303 = arith.addf %mul3A_298, %mul3A_302 : vector<16xf32>
        %slice3A_304 = vector.extract_strided_slice %get3A_167 {offsets = [6], sizes = [1], strides = [1]} : vector<16xf32> to vector<1xf32>
        %squeeze3A_305 = vector.extract %slice3A_304[0] : f32 from vector<1xf32>
        %mul3A_306 = vector.broadcast %squeeze3A_305 : f32 to vector<16xf32>
        %mul3A_307 = arith.mulf %get3A_90, %mul3A_306 : vector<16xf32>
        %add3A_308 = arith.addf %add3A_303, %mul3A_307 : vector<16xf32>
        %slice3A_309 = vector.extract_strided_slice %get3A_169 {offsets = [6], sizes = [1], strides = [1]} : vector<16xf32> to vector<1xf32>
        %squeeze3A_310 = vector.extract %slice3A_309[0] : f32 from vector<1xf32>
        %add3A_311 = vector.broadcast %squeeze3A_310 : f32 to vector<16xf32>
        %add3A_312 = arith.addf %get3A_92, %add3A_311 : vector<16xf32>
        %add3A_313 = arith.addf %add3A_308, %add3A_308 : vector<16xf32>
        %sub3A_314 = arith.subf %add3A_312, %add3A_313 : vector<16xf32>
        %min3A_315 = arith.minimumf %min3A_294, %sub3A_314 : vector<16xf32>
        %slice3A_316 = vector.extract_strided_slice %get3A_163 {offsets = [7], sizes = [1], strides = [1]} : vector<16xf32> to vector<1xf32>
        %squeeze3A_317 = vector.extract %slice3A_316[0] : f32 from vector<1xf32>
        %mul3A_318 = vector.broadcast %squeeze3A_317 : f32 to vector<16xf32>
        %mul3A_319 = arith.mulf %get3A_86, %mul3A_318 : vector<16xf32>
        %slice3A_320 = vector.extract_strided_slice %get3A_165 {offsets = [7], sizes = [1], strides = [1]} : vector<16xf32> to vector<1xf32>
        %squeeze3A_321 = vector.extract %slice3A_320[0] : f32 from vector<1xf32>
        %mul3A_322 = vector.broadcast %squeeze3A_321 : f32 to vector<16xf32>
        %mul3A_323 = arith.mulf %get3A_88, %mul3A_322 : vector<16xf32>
        %add3A_324 = arith.addf %mul3A_319, %mul3A_323 : vector<16xf32>
        %slice3A_325 = vector.extract_strided_slice %get3A_167 {offsets = [7], sizes = [1], strides = [1]} : vector<16xf32> to vector<1xf32>
        %squeeze3A_326 = vector.extract %slice3A_325[0] : f32 from vector<1xf32>
        %mul3A_327 = vector.broadcast %squeeze3A_326 : f32 to vector<16xf32>
        %mul3A_328 = arith.mulf %get3A_90, %mul3A_327 : vector<16xf32>
        %add3A_329 = arith.addf %add3A_324, %mul3A_328 : vector<16xf32>
        %slice3A_330 = vector.extract_strided_slice %get3A_169 {offsets = [7], sizes = [1], strides = [1]} : vector<16xf32> to vector<1xf32>
        %squeeze3A_331 = vector.extract %slice3A_330[0] : f32 from vector<1xf32>
        %add3A_332 = vector.broadcast %squeeze3A_331 : f32 to vector<16xf32>
        %add3A_333 = arith.addf %get3A_92, %add3A_332 : vector<16xf32>
        %add3A_334 = arith.addf %add3A_329, %add3A_329 : vector<16xf32>
        %sub3A_335 = arith.subf %add3A_333, %add3A_334 : vector<16xf32>
        %min3A_336 = arith.minimumf %min3A_315, %sub3A_335 : vector<16xf32>
        %slice3A_337 = vector.extract_strided_slice %get3A_163 {offsets = [8], sizes = [1], strides = [1]} : vector<16xf32> to vector<1xf32>
        %squeeze3A_338 = vector.extract %slice3A_337[0] : f32 from vector<1xf32>
        %mul3A_339 = vector.broadcast %squeeze3A_338 : f32 to vector<16xf32>
        %mul3A_340 = arith.mulf %get3A_86, %mul3A_339 : vector<16xf32>
        %slice3A_341 = vector.extract_strided_slice %get3A_165 {offsets = [8], sizes = [1], strides = [1]} : vector<16xf32> to vector<1xf32>
        %squeeze3A_342 = vector.extract %slice3A_341[0] : f32 from vector<1xf32>
        %mul3A_343 = vector.broadcast %squeeze3A_342 : f32 to vector<16xf32>
        %mul3A_344 = arith.mulf %get3A_88, %mul3A_343 : vector<16xf32>
        %add3A_345 = arith.addf %mul3A_340, %mul3A_344 : vector<16xf32>
        %slice3A_346 = vector.extract_strided_slice %get3A_167 {offsets = [8], sizes = [1], strides = [1]} : vector<16xf32> to vector<1xf32>
        %squeeze3A_347 = vector.extract %slice3A_346[0] : f32 from vector<1xf32>
        %mul3A_348 = vector.broadcast %squeeze3A_347 : f32 to vector<16xf32>
        %mul3A_349 = arith.mulf %get3A_90, %mul3A_348 : vector<16xf32>
        %add3A_350 = arith.addf %add3A_345, %mul3A_349 : vector<16xf32>
        %slice3A_351 = vector.extract_strided_slice %get3A_169 {offsets = [8], sizes = [1], strides = [1]} : vector<16xf32> to vector<1xf32>
        %squeeze3A_352 = vector.extract %slice3A_351[0] : f32 from vector<1xf32>
        %add3A_353 = vector.broadcast %squeeze3A_352 : f32 to vector<16xf32>
        %add3A_354 = arith.addf %get3A_92, %add3A_353 : vector<16xf32>
        %add3A_355 = arith.addf %add3A_350, %add3A_350 : vector<16xf32>
        %sub3A_356 = arith.subf %add3A_354, %add3A_355 : vector<16xf32>
        %min3A_357 = arith.minimumf %min3A_336, %sub3A_356 : vector<16xf32>
        %slice3A_358 = vector.extract_strided_slice %get3A_163 {offsets = [9], sizes = [1], strides = [1]} : vector<16xf32> to vector<1xf32>
        %squeeze3A_359 = vector.extract %slice3A_358[0] : f32 from vector<1xf32>
        %mul3A_360 = vector.broadcast %squeeze3A_359 : f32 to vector<16xf32>
        %mul3A_361 = arith.mulf %get3A_86, %mul3A_360 : vector<16xf32>
        %slice3A_362 = vector.extract_strided_slice %get3A_165 {offsets = [9], sizes = [1], strides = [1]} : vector<16xf32> to vector<1xf32>
        %squeeze3A_363 = vector.extract %slice3A_362[0] : f32 from vector<1xf32>
        %mul3A_364 = vector.broadcast %squeeze3A_363 : f32 to vector<16xf32>
        %mul3A_365 = arith.mulf %get3A_88, %mul3A_364 : vector<16xf32>
        %add3A_366 = arith.addf %mul3A_361, %mul3A_365 : vector<16xf32>
        %slice3A_367 = vector.extract_strided_slice %get3A_167 {offsets = [9], sizes = [1], strides = [1]} : vector<16xf32> to vector<1xf32>
        %squeeze3A_368 = vector.extract %slice3A_367[0] : f32 from vector<1xf32>
        %mul3A_369 = vector.broadcast %squeeze3A_368 : f32 to vector<16xf32>
        %mul3A_370 = arith.mulf %get3A_90, %mul3A_369 : vector<16xf32>
        %add3A_371 = arith.addf %add3A_366, %mul3A_370 : vector<16xf32>
        %slice3A_372 = vector.extract_strided_slice %get3A_169 {offsets = [9], sizes = [1], strides = [1]} : vector<16xf32> to vector<1xf32>
        %squeeze3A_373 = vector.extract %slice3A_372[0] : f32 from vector<1xf32>
        %add3A_374 = vector.broadcast %squeeze3A_373 : f32 to vector<16xf32>
        %add3A_375 = arith.addf %get3A_92, %add3A_374 : vector<16xf32>
        %add3A_376 = arith.addf %add3A_371, %add3A_371 : vector<16xf32>
        %sub3A_377 = arith.subf %add3A_375, %add3A_376 : vector<16xf32>
        %min3A_378 = arith.minimumf %min3A_357, %sub3A_377 : vector<16xf32>
        %slice3A_379 = vector.extract_strided_slice %get3A_163 {offsets = [10], sizes = [1], strides = [1]} : vector<16xf32> to vector<1xf32>
        %squeeze3A_380 = vector.extract %slice3A_379[0] : f32 from vector<1xf32>
        %mul3A_381 = vector.broadcast %squeeze3A_380 : f32 to vector<16xf32>
        %mul3A_382 = arith.mulf %get3A_86, %mul3A_381 : vector<16xf32>
        %slice3A_383 = vector.extract_strided_slice %get3A_165 {offsets = [10], sizes = [1], strides = [1]} : vector<16xf32> to vector<1xf32>
        %squeeze3A_384 = vector.extract %slice3A_383[0] : f32 from vector<1xf32>
        %mul3A_385 = vector.broadcast %squeeze3A_384 : f32 to vector<16xf32>
        %mul3A_386 = arith.mulf %get3A_88, %mul3A_385 : vector<16xf32>
        %add3A_387 = arith.addf %mul3A_382, %mul3A_386 : vector<16xf32>
        %slice3A_388 = vector.extract_strided_slice %get3A_167 {offsets = [10], sizes = [1], strides = [1]} : vector<16xf32> to vector<1xf32>
        %squeeze3A_389 = vector.extract %slice3A_388[0] : f32 from vector<1xf32>
        %mul3A_390 = vector.broadcast %squeeze3A_389 : f32 to vector<16xf32>
        %mul3A_391 = arith.mulf %get3A_90, %mul3A_390 : vector<16xf32>
        %add3A_392 = arith.addf %add3A_387, %mul3A_391 : vector<16xf32>
        %slice3A_393 = vector.extract_strided_slice %get3A_169 {offsets = [10], sizes = [1], strides = [1]} : vector<16xf32> to vector<1xf32>
        %squeeze3A_394 = vector.extract %slice3A_393[0] : f32 from vector<1xf32>
        %add3A_395 = vector.broadcast %squeeze3A_394 : f32 to vector<16xf32>
        %add3A_396 = arith.addf %get3A_92, %add3A_395 : vector<16xf32>
        %add3A_397 = arith.addf %add3A_392, %add3A_392 : vector<16xf32>
        %sub3A_398 = arith.subf %add3A_396, %add3A_397 : vector<16xf32>
        %min3A_399 = arith.minimumf %min3A_378, %sub3A_398 : vector<16xf32>
        %slice3A_400 = vector.extract_strided_slice %get3A_163 {offsets = [11], sizes = [1], strides = [1]} : vector<16xf32> to vector<1xf32>
        %squeeze3A_401 = vector.extract %slice3A_400[0] : f32 from vector<1xf32>
        %mul3A_402 = vector.broadcast %squeeze3A_401 : f32 to vector<16xf32>
        %mul3A_403 = arith.mulf %get3A_86, %mul3A_402 : vector<16xf32>
        %slice3A_404 = vector.extract_strided_slice %get3A_165 {offsets = [11], sizes = [1], strides = [1]} : vector<16xf32> to vector<1xf32>
        %squeeze3A_405 = vector.extract %slice3A_404[0] : f32 from vector<1xf32>
        %mul3A_406 = vector.broadcast %squeeze3A_405 : f32 to vector<16xf32>
        %mul3A_407 = arith.mulf %get3A_88, %mul3A_406 : vector<16xf32>
        %add3A_408 = arith.addf %mul3A_403, %mul3A_407 : vector<16xf32>
        %slice3A_409 = vector.extract_strided_slice %get3A_167 {offsets = [11], sizes = [1], strides = [1]} : vector<16xf32> to vector<1xf32>
        %squeeze3A_410 = vector.extract %slice3A_409[0] : f32 from vector<1xf32>
        %mul3A_411 = vector.broadcast %squeeze3A_410 : f32 to vector<16xf32>
        %mul3A_412 = arith.mulf %get3A_90, %mul3A_411 : vector<16xf32>
        %add3A_413 = arith.addf %add3A_408, %mul3A_412 : vector<16xf32>
        %slice3A_414 = vector.extract_strided_slice %get3A_169 {offsets = [11], sizes = [1], strides = [1]} : vector<16xf32> to vector<1xf32>
        %squeeze3A_415 = vector.extract %slice3A_414[0] : f32 from vector<1xf32>
        %add3A_416 = vector.broadcast %squeeze3A_415 : f32 to vector<16xf32>
        %add3A_417 = arith.addf %get3A_92, %add3A_416 : vector<16xf32>
        %add3A_418 = arith.addf %add3A_413, %add3A_413 : vector<16xf32>
        %sub3A_419 = arith.subf %add3A_417, %add3A_418 : vector<16xf32>
        %min3A_420 = arith.minimumf %min3A_399, %sub3A_419 : vector<16xf32>
        %slice3A_421 = vector.extract_strided_slice %get3A_163 {offsets = [12], sizes = [1], strides = [1]} : vector<16xf32> to vector<1xf32>
        %squeeze3A_422 = vector.extract %slice3A_421[0] : f32 from vector<1xf32>
        %mul3A_423 = vector.broadcast %squeeze3A_422 : f32 to vector<16xf32>
        %mul3A_424 = arith.mulf %get3A_86, %mul3A_423 : vector<16xf32>
        %slice3A_425 = vector.extract_strided_slice %get3A_165 {offsets = [12], sizes = [1], strides = [1]} : vector<16xf32> to vector<1xf32>
        %squeeze3A_426 = vector.extract %slice3A_425[0] : f32 from vector<1xf32>
        %mul3A_427 = vector.broadcast %squeeze3A_426 : f32 to vector<16xf32>
        %mul3A_428 = arith.mulf %get3A_88, %mul3A_427 : vector<16xf32>
        %add3A_429 = arith.addf %mul3A_424, %mul3A_428 : vector<16xf32>
        %slice3A_430 = vector.extract_strided_slice %get3A_167 {offsets = [12], sizes = [1], strides = [1]} : vector<16xf32> to vector<1xf32>
        %squeeze3A_431 = vector.extract %slice3A_430[0] : f32 from vector<1xf32>
        %mul3A_432 = vector.broadcast %squeeze3A_431 : f32 to vector<16xf32>
        %mul3A_433 = arith.mulf %get3A_90, %mul3A_432 : vector<16xf32>
        %add3A_434 = arith.addf %add3A_429, %mul3A_433 : vector<16xf32>
        %slice3A_435 = vector.extract_strided_slice %get3A_169 {offsets = [12], sizes = [1], strides = [1]} : vector<16xf32> to vector<1xf32>
        %squeeze3A_436 = vector.extract %slice3A_435[0] : f32 from vector<1xf32>
        %add3A_437 = vector.broadcast %squeeze3A_436 : f32 to vector<16xf32>
        %add3A_438 = arith.addf %get3A_92, %add3A_437 : vector<16xf32>
        %add3A_439 = arith.addf %add3A_434, %add3A_434 : vector<16xf32>
        %sub3A_440 = arith.subf %add3A_438, %add3A_439 : vector<16xf32>
        %min3A_441 = arith.minimumf %min3A_420, %sub3A_440 : vector<16xf32>
        %slice3A_442 = vector.extract_strided_slice %get3A_163 {offsets = [13], sizes = [1], strides = [1]} : vector<16xf32> to vector<1xf32>
        %squeeze3A_443 = vector.extract %slice3A_442[0] : f32 from vector<1xf32>
        %mul3A_444 = vector.broadcast %squeeze3A_443 : f32 to vector<16xf32>
        %mul3A_445 = arith.mulf %get3A_86, %mul3A_444 : vector<16xf32>
        %slice3A_446 = vector.extract_strided_slice %get3A_165 {offsets = [13], sizes = [1], strides = [1]} : vector<16xf32> to vector<1xf32>
        %squeeze3A_447 = vector.extract %slice3A_446[0] : f32 from vector<1xf32>
        %mul3A_448 = vector.broadcast %squeeze3A_447 : f32 to vector<16xf32>
        %mul3A_449 = arith.mulf %get3A_88, %mul3A_448 : vector<16xf32>
        %add3A_450 = arith.addf %mul3A_445, %mul3A_449 : vector<16xf32>
        %slice3A_451 = vector.extract_strided_slice %get3A_167 {offsets = [13], sizes = [1], strides = [1]} : vector<16xf32> to vector<1xf32>
        %squeeze3A_452 = vector.extract %slice3A_451[0] : f32 from vector<1xf32>
        %mul3A_453 = vector.broadcast %squeeze3A_452 : f32 to vector<16xf32>
        %mul3A_454 = arith.mulf %get3A_90, %mul3A_453 : vector<16xf32>
        %add3A_455 = arith.addf %add3A_450, %mul3A_454 : vector<16xf32>
        %slice3A_456 = vector.extract_strided_slice %get3A_169 {offsets = [13], sizes = [1], strides = [1]} : vector<16xf32> to vector<1xf32>
        %squeeze3A_457 = vector.extract %slice3A_456[0] : f32 from vector<1xf32>
        %add3A_458 = vector.broadcast %squeeze3A_457 : f32 to vector<16xf32>
        %add3A_459 = arith.addf %get3A_92, %add3A_458 : vector<16xf32>
        %add3A_460 = arith.addf %add3A_455, %add3A_455 : vector<16xf32>
        %sub3A_461 = arith.subf %add3A_459, %add3A_460 : vector<16xf32>
        %min3A_462 = arith.minimumf %min3A_441, %sub3A_461 : vector<16xf32>
        %slice3A_463 = vector.extract_strided_slice %get3A_163 {offsets = [14], sizes = [1], strides = [1]} : vector<16xf32> to vector<1xf32>
        %squeeze3A_464 = vector.extract %slice3A_463[0] : f32 from vector<1xf32>
        %mul3A_465 = vector.broadcast %squeeze3A_464 : f32 to vector<16xf32>
        %mul3A_466 = arith.mulf %get3A_86, %mul3A_465 : vector<16xf32>
        %slice3A_467 = vector.extract_strided_slice %get3A_165 {offsets = [14], sizes = [1], strides = [1]} : vector<16xf32> to vector<1xf32>
        %squeeze3A_468 = vector.extract %slice3A_467[0] : f32 from vector<1xf32>
        %mul3A_469 = vector.broadcast %squeeze3A_468 : f32 to vector<16xf32>
        %mul3A_470 = arith.mulf %get3A_88, %mul3A_469 : vector<16xf32>
        %add3A_471 = arith.addf %mul3A_466, %mul3A_470 : vector<16xf32>
        %slice3A_472 = vector.extract_strided_slice %get3A_167 {offsets = [14], sizes = [1], strides = [1]} : vector<16xf32> to vector<1xf32>
        %squeeze3A_473 = vector.extract %slice3A_472[0] : f32 from vector<1xf32>
        %mul3A_474 = vector.broadcast %squeeze3A_473 : f32 to vector<16xf32>
        %mul3A_475 = arith.mulf %get3A_90, %mul3A_474 : vector<16xf32>
        %add3A_476 = arith.addf %add3A_471, %mul3A_475 : vector<16xf32>
        %slice3A_477 = vector.extract_strided_slice %get3A_169 {offsets = [14], sizes = [1], strides = [1]} : vector<16xf32> to vector<1xf32>
        %squeeze3A_478 = vector.extract %slice3A_477[0] : f32 from vector<1xf32>
        %add3A_479 = vector.broadcast %squeeze3A_478 : f32 to vector<16xf32>
        %add3A_480 = arith.addf %get3A_92, %add3A_479 : vector<16xf32>
        %add3A_481 = arith.addf %add3A_476, %add3A_476 : vector<16xf32>
        %sub3A_482 = arith.subf %add3A_480, %add3A_481 : vector<16xf32>
        %min3A_483 = arith.minimumf %min3A_462, %sub3A_482 : vector<16xf32>
        %slice3A_484 = vector.extract_strided_slice %get3A_163 {offsets = [15], sizes = [1], strides = [1]} : vector<16xf32> to vector<1xf32>
        %squeeze3A_485 = vector.extract %slice3A_484[0] : f32 from vector<1xf32>
        %mul3A_486 = vector.broadcast %squeeze3A_485 : f32 to vector<16xf32>
        %mul3A_487 = arith.mulf %get3A_86, %mul3A_486 : vector<16xf32>
        %slice3A_488 = vector.extract_strided_slice %get3A_165 {offsets = [15], sizes = [1], strides = [1]} : vector<16xf32> to vector<1xf32>
        %squeeze3A_489 = vector.extract %slice3A_488[0] : f32 from vector<1xf32>
        %mul3A_490 = vector.broadcast %squeeze3A_489 : f32 to vector<16xf32>
        %mul3A_491 = arith.mulf %get3A_88, %mul3A_490 : vector<16xf32>
        %add3A_492 = arith.addf %mul3A_487, %mul3A_491 : vector<16xf32>
        %slice3A_493 = vector.extract_strided_slice %get3A_167 {offsets = [15], sizes = [1], strides = [1]} : vector<16xf32> to vector<1xf32>
        %squeeze3A_494 = vector.extract %slice3A_493[0] : f32 from vector<1xf32>
        %mul3A_495 = vector.broadcast %squeeze3A_494 : f32 to vector<16xf32>
        %mul3A_496 = arith.mulf %get3A_90, %mul3A_495 : vector<16xf32>
        %add3A_497 = arith.addf %add3A_492, %mul3A_496 : vector<16xf32>
        %slice3A_498 = vector.extract_strided_slice %get3A_169 {offsets = [15], sizes = [1], strides = [1]} : vector<16xf32> to vector<1xf32>
        %squeeze3A_499 = vector.extract %slice3A_498[0] : f32 from vector<1xf32>
        %add3A_500 = vector.broadcast %squeeze3A_499 : f32 to vector<16xf32>
        %add3A_501 = arith.addf %get3A_92, %add3A_500 : vector<16xf32>
        %add3A_502 = arith.addf %add3A_497, %add3A_497 : vector<16xf32>
        %sub3A_503 = arith.subf %add3A_501, %add3A_502 : vector<16xf32>
        %min3A_504 = arith.minimumf %min3A_483, %sub3A_503 : vector<16xf32>
        %lt3A_505 = vector.broadcast %scan3A_67 : f32 to vector<16xf32>
        %lt3A_506 = arith.cmpf olt, %min3A_504, %lt3A_505 : vector<16xf32>
        %all_reduce_population_count3A = tpu.all_reduce %lt3A_506 {dim = 0 : i64, kind = #tpu.reduction_kind<sum>} : vector<16xi1> -> vector<16xi32>
        %slice3A_507 = vector.extract_strided_slice %all_reduce_population_count3A {offsets = [0], sizes = [1], strides = [1]} : vector<16xi32> to vector<1xi32>
        %squeeze3A_508 = vector.extract %slice3A_507[0] : i32 from vector<1xi32>
        %gt3A = arith.constant 0 : i32
        %gt3A_509 = arith.cmpi sgt, %squeeze3A_508, %gt3A : i32
        %convert_element_type3A_510 = arith.extui %gt3A_509 : i1 to i32
        %cond3A = arith.constant 0 : i32
        %cond3A_511 = arith.cmpi ne, %convert_element_type3A_510, %cond3A : i32
        %cond3A_512:11 = scf.if %cond3A_511 -> (vector<16xf32>, vector<16xf32>, vector<16xf32>, vector<16xf32>, vector<16xf32>, vector<16xf32>, vector<16xf32>, vector<16xf32>, vector<16xf32>, vector<16xf32>, vector<16xf32>) {
          %slice3A_513 = vector.extract_strided_slice %get3A_163 {offsets = [0], sizes = [1], strides = [1]} : vector<16xf32> to vector<1xf32>
          %squeeze3A_514 = vector.extract %slice3A_513[0] : f32 from vector<1xf32>
          %mul3A_515 = vector.broadcast %squeeze3A_514 : f32 to vector<16xf32>
          %mul3A_516 = arith.mulf %get3A_86, %mul3A_515 : vector<16xf32>
          %slice3A_517 = vector.extract_strided_slice %get3A_165 {offsets = [0], sizes = [1], strides = [1]} : vector<16xf32> to vector<1xf32>
          %squeeze3A_518 = vector.extract %slice3A_517[0] : f32 from vector<1xf32>
          %mul3A_519 = vector.broadcast %squeeze3A_518 : f32 to vector<16xf32>
          %mul3A_520 = arith.mulf %get3A_88, %mul3A_519 : vector<16xf32>
          %add3A_521 = arith.addf %mul3A_516, %mul3A_520 : vector<16xf32>
          %slice3A_522 = vector.extract_strided_slice %get3A_167 {offsets = [0], sizes = [1], strides = [1]} : vector<16xf32> to vector<1xf32>
          %squeeze3A_523 = vector.extract %slice3A_522[0] : f32 from vector<1xf32>
          %mul3A_524 = vector.broadcast %squeeze3A_523 : f32 to vector<16xf32>
          %mul3A_525 = arith.mulf %get3A_90, %mul3A_524 : vector<16xf32>
          %add3A_526 = arith.addf %add3A_521, %mul3A_525 : vector<16xf32>
          %slice3A_527 = vector.extract_strided_slice %get3A_169 {offsets = [0], sizes = [1], strides = [1]} : vector<16xf32> to vector<1xf32>
          %squeeze3A_528 = vector.extract %slice3A_527[0] : f32 from vector<1xf32>
          %add3A_529 = vector.broadcast %squeeze3A_528 : f32 to vector<16xf32>
          %add3A_530 = arith.addf %get3A_92, %add3A_529 : vector<16xf32>
          %add3A_531 = arith.addf %add3A_526, %add3A_526 : vector<16xf32>
          %sub3A_532 = arith.subf %add3A_530, %add3A_531 : vector<16xf32>
          %lt3A_533 = vector.broadcast %scan3A_67 : f32 to vector<16xf32>
          %lt3A_534 = arith.cmpf olt, %sub3A_532, %lt3A_533 : vector<16xf32>
          %max3A_535 = arith.constant 9.99999996E-13 : f32
          %max3A_536 = vector.broadcast %max3A_535 : f32 to vector<16xf32>
          %max3A_537 = arith.maximumf %sub3A_532, %max3A_536 : vector<16xf32>
          %bitcast_convert_type3A = tpu.bitcast %max3A_537 : vector<16xf32> -> vector<16xi32>
          %shift_right_arithmetic3A = arith.constant 1 : i32
          %shift_right_arithmetic3A_538 = vector.broadcast %shift_right_arithmetic3A : i32 to vector<16xi32>
          %shift_right_arithmetic3A_539 = arith.shrsi %bitcast_convert_type3A, %shift_right_arithmetic3A_538 : vector<16xi32>
          %sub3A_540 = arith.constant 1597463007 : i32
          %sub3A_541 = vector.broadcast %sub3A_540 : i32 to vector<16xi32>
          %sub3A_542 = arith.subi %sub3A_541, %shift_right_arithmetic3A_539 : vector<16xi32>
          %bitcast_convert_type3A_543 = tpu.bitcast %sub3A_542 : vector<16xi32> -> vector<16xf32>
          %mul3A_544 = arith.constant 5.000000e-01 : f32
          %mul3A_545 = vector.broadcast %mul3A_544 : f32 to vector<16xf32>
          %mul3A_546 = arith.mulf %mul3A_545, %max3A_537 : vector<16xf32>
          %mul3A_547 = arith.mulf %mul3A_546, %bitcast_convert_type3A_543 : vector<16xf32>
          %mul3A_548 = arith.mulf %mul3A_547, %bitcast_convert_type3A_543 : vector<16xf32>
          %sub3A_549 = arith.constant 1.500000e+00 : f32
          %sub3A_550 = vector.broadcast %sub3A_549 : f32 to vector<16xf32>
          %sub3A_551 = arith.subf %sub3A_550, %mul3A_548 : vector<16xf32>
          %mul3A_552 = arith.mulf %bitcast_convert_type3A_543, %sub3A_551 : vector<16xf32>
          %mul3A_553 = arith.mulf %max3A_537, %mul3A_552 : vector<16xf32>
          %sub3A_554 = vector.broadcast %scan3A_68 : f32 to vector<16xf32>
          %sub3A_555 = arith.subf %sub3A_554, %mul3A_553 : vector<16xf32>
          %max3A_556 = arith.constant 0.000000e+00 : f32
          %max3A_557 = vector.broadcast %max3A_556 : f32 to vector<16xf32>
          %max3A_558 = arith.maximumf %sub3A_555, %max3A_557 : vector<16xf32>
          %jit3A_559 = arith.constant 0.000000e+00 : f32
          %broadcast_in_dim3A_560 = vector.broadcast %jit3A_559 : f32 to vector<16xf32>
          %select_n3A_561 = arith.select %lt3A_534, %max3A_558, %broadcast_in_dim3A_560 : vector<16xi1>, vector<16xf32>
          %max3A_562 = arith.maximumf %while3A_149, %select_n3A_561 : vector<16xf32>
          %min3A_563 = arith.minimumf %while3A_149, %select_n3A_561 : vector<16xf32>
          %max3A_564 = arith.maximumf %while3A_150, %min3A_563 : vector<16xf32>
          %min3A_565 = arith.minimumf %while3A_150, %min3A_563 : vector<16xf32>
          %max3A_566 = arith.maximumf %while3A_151, %min3A_565 : vector<16xf32>
          %min3A_567 = arith.minimumf %while3A_151, %min3A_565 : vector<16xf32>
          %max3A_568 = arith.maximumf %while3A_152, %min3A_567 : vector<16xf32>
          %min3A_569 = arith.minimumf %while3A_152, %min3A_567 : vector<16xf32>
          %max3A_570 = arith.maximumf %while3A_153, %min3A_569 : vector<16xf32>
          %min3A_571 = arith.minimumf %while3A_153, %min3A_569 : vector<16xf32>
          %max3A_572 = arith.maximumf %while3A_154, %min3A_571 : vector<16xf32>
          %min3A_573 = arith.minimumf %while3A_154, %min3A_571 : vector<16xf32>
          %max3A_574 = arith.maximumf %while3A_155, %min3A_573 : vector<16xf32>
          %min3A_575 = arith.minimumf %while3A_155, %min3A_573 : vector<16xf32>
          %max3A_576 = arith.maximumf %while3A_156, %min3A_575 : vector<16xf32>
          %min3A_577 = arith.minimumf %while3A_156, %min3A_575 : vector<16xf32>
          %max3A_578 = arith.maximumf %while3A_157, %min3A_577 : vector<16xf32>
          %min3A_579 = arith.minimumf %while3A_157, %min3A_577 : vector<16xf32>
          %max3A_580 = arith.maximumf %while3A_158, %min3A_579 : vector<16xf32>
          %min3A_581 = arith.minimumf %while3A_158, %min3A_579 : vector<16xf32>
          %max3A_582 = arith.maximumf %while3A_159, %min3A_581 : vector<16xf32>
          %min3A_583 = arith.minimumf %while3A_159, %min3A_581 : vector<16xf32>
          %slice3A_584 = vector.extract_strided_slice %get3A_163 {offsets = [1], sizes = [1], strides = [1]} : vector<16xf32> to vector<1xf32>
          %squeeze3A_585 = vector.extract %slice3A_584[0] : f32 from vector<1xf32>
          %mul3A_586 = vector.broadcast %squeeze3A_585 : f32 to vector<16xf32>
          %mul3A_587 = arith.mulf %get3A_86, %mul3A_586 : vector<16xf32>
          %slice3A_588 = vector.extract_strided_slice %get3A_165 {offsets = [1], sizes = [1], strides = [1]} : vector<16xf32> to vector<1xf32>
          %squeeze3A_589 = vector.extract %slice3A_588[0] : f32 from vector<1xf32>
          %mul3A_590 = vector.broadcast %squeeze3A_589 : f32 to vector<16xf32>
          %mul3A_591 = arith.mulf %get3A_88, %mul3A_590 : vector<16xf32>
          %add3A_592 = arith.addf %mul3A_587, %mul3A_591 : vector<16xf32>
          %slice3A_593 = vector.extract_strided_slice %get3A_167 {offsets = [1], sizes = [1], strides = [1]} : vector<16xf32> to vector<1xf32>
          %squeeze3A_594 = vector.extract %slice3A_593[0] : f32 from vector<1xf32>
          %mul3A_595 = vector.broadcast %squeeze3A_594 : f32 to vector<16xf32>
          %mul3A_596 = arith.mulf %get3A_90, %mul3A_595 : vector<16xf32>
          %add3A_597 = arith.addf %add3A_592, %mul3A_596 : vector<16xf32>
          %slice3A_598 = vector.extract_strided_slice %get3A_169 {offsets = [1], sizes = [1], strides = [1]} : vector<16xf32> to vector<1xf32>
          %squeeze3A_599 = vector.extract %slice3A_598[0] : f32 from vector<1xf32>
          %add3A_600 = vector.broadcast %squeeze3A_599 : f32 to vector<16xf32>
          %add3A_601 = arith.addf %get3A_92, %add3A_600 : vector<16xf32>
          %add3A_602 = arith.addf %add3A_597, %add3A_597 : vector<16xf32>
          %sub3A_603 = arith.subf %add3A_601, %add3A_602 : vector<16xf32>
          %lt3A_604 = vector.broadcast %scan3A_67 : f32 to vector<16xf32>
          %lt3A_605 = arith.cmpf olt, %sub3A_603, %lt3A_604 : vector<16xf32>
          %max3A_606 = arith.constant 9.99999996E-13 : f32
          %max3A_607 = vector.broadcast %max3A_606 : f32 to vector<16xf32>
          %max3A_608 = arith.maximumf %sub3A_603, %max3A_607 : vector<16xf32>
          %bitcast_convert_type3A_609 = tpu.bitcast %max3A_608 : vector<16xf32> -> vector<16xi32>
          %shift_right_arithmetic3A_610 = arith.constant 1 : i32
          %shift_right_arithmetic3A_611 = vector.broadcast %shift_right_arithmetic3A_610 : i32 to vector<16xi32>
          %shift_right_arithmetic3A_612 = arith.shrsi %bitcast_convert_type3A_609, %shift_right_arithmetic3A_611 : vector<16xi32>
          %sub3A_613 = arith.constant 1597463007 : i32
          %sub3A_614 = vector.broadcast %sub3A_613 : i32 to vector<16xi32>
          %sub3A_615 = arith.subi %sub3A_614, %shift_right_arithmetic3A_612 : vector<16xi32>
          %bitcast_convert_type3A_616 = tpu.bitcast %sub3A_615 : vector<16xi32> -> vector<16xf32>
          %mul3A_617 = arith.constant 5.000000e-01 : f32
          %mul3A_618 = vector.broadcast %mul3A_617 : f32 to vector<16xf32>
          %mul3A_619 = arith.mulf %mul3A_618, %max3A_608 : vector<16xf32>
          %mul3A_620 = arith.mulf %mul3A_619, %bitcast_convert_type3A_616 : vector<16xf32>
          %mul3A_621 = arith.mulf %mul3A_620, %bitcast_convert_type3A_616 : vector<16xf32>
          %sub3A_622 = arith.constant 1.500000e+00 : f32
          %sub3A_623 = vector.broadcast %sub3A_622 : f32 to vector<16xf32>
          %sub3A_624 = arith.subf %sub3A_623, %mul3A_621 : vector<16xf32>
          %mul3A_625 = arith.mulf %bitcast_convert_type3A_616, %sub3A_624 : vector<16xf32>
          %mul3A_626 = arith.mulf %max3A_608, %mul3A_625 : vector<16xf32>
          %sub3A_627 = vector.broadcast %scan3A_68 : f32 to vector<16xf32>
          %sub3A_628 = arith.subf %sub3A_627, %mul3A_626 : vector<16xf32>
          %max3A_629 = arith.constant 0.000000e+00 : f32
          %max3A_630 = vector.broadcast %max3A_629 : f32 to vector<16xf32>
          %max3A_631 = arith.maximumf %sub3A_628, %max3A_630 : vector<16xf32>
          %jit3A_632 = arith.constant 0.000000e+00 : f32
          %broadcast_in_dim3A_633 = vector.broadcast %jit3A_632 : f32 to vector<16xf32>
          %select_n3A_634 = arith.select %lt3A_605, %max3A_631, %broadcast_in_dim3A_633 : vector<16xi1>, vector<16xf32>
          %max3A_635 = arith.maximumf %max3A_562, %select_n3A_634 : vector<16xf32>
          %min3A_636 = arith.minimumf %max3A_562, %select_n3A_634 : vector<16xf32>
          %max3A_637 = arith.maximumf %max3A_564, %min3A_636 : vector<16xf32>
          %min3A_638 = arith.minimumf %max3A_564, %min3A_636 : vector<16xf32>
          %max3A_639 = arith.maximumf %max3A_566, %min3A_638 : vector<16xf32>
          %min3A_640 = arith.minimumf %max3A_566, %min3A_638 : vector<16xf32>
          %max3A_641 = arith.maximumf %max3A_568, %min3A_640 : vector<16xf32>
          %min3A_642 = arith.minimumf %max3A_568, %min3A_640 : vector<16xf32>
          %max3A_643 = arith.maximumf %max3A_570, %min3A_642 : vector<16xf32>
          %min3A_644 = arith.minimumf %max3A_570, %min3A_642 : vector<16xf32>
          %max3A_645 = arith.maximumf %max3A_572, %min3A_644 : vector<16xf32>
          %min3A_646 = arith.minimumf %max3A_572, %min3A_644 : vector<16xf32>
          %max3A_647 = arith.maximumf %max3A_574, %min3A_646 : vector<16xf32>
          %min3A_648 = arith.minimumf %max3A_574, %min3A_646 : vector<16xf32>
          %max3A_649 = arith.maximumf %max3A_576, %min3A_648 : vector<16xf32>
          %min3A_650 = arith.minimumf %max3A_576, %min3A_648 : vector<16xf32>
          %max3A_651 = arith.maximumf %max3A_578, %min3A_650 : vector<16xf32>
          %min3A_652 = arith.minimumf %max3A_578, %min3A_650 : vector<16xf32>
          %max3A_653 = arith.maximumf %max3A_580, %min3A_652 : vector<16xf32>
          %min3A_654 = arith.minimumf %max3A_580, %min3A_652 : vector<16xf32>
          %max3A_655 = arith.maximumf %max3A_582, %min3A_654 : vector<16xf32>
          %min3A_656 = arith.minimumf %max3A_582, %min3A_654 : vector<16xf32>
          %slice3A_657 = vector.extract_strided_slice %get3A_163 {offsets = [2], sizes = [1], strides = [1]} : vector<16xf32> to vector<1xf32>
          %squeeze3A_658 = vector.extract %slice3A_657[0] : f32 from vector<1xf32>
          %mul3A_659 = vector.broadcast %squeeze3A_658 : f32 to vector<16xf32>
          %mul3A_660 = arith.mulf %get3A_86, %mul3A_659 : vector<16xf32>
          %slice3A_661 = vector.extract_strided_slice %get3A_165 {offsets = [2], sizes = [1], strides = [1]} : vector<16xf32> to vector<1xf32>
          %squeeze3A_662 = vector.extract %slice3A_661[0] : f32 from vector<1xf32>
          %mul3A_663 = vector.broadcast %squeeze3A_662 : f32 to vector<16xf32>
          %mul3A_664 = arith.mulf %get3A_88, %mul3A_663 : vector<16xf32>
          %add3A_665 = arith.addf %mul3A_660, %mul3A_664 : vector<16xf32>
          %slice3A_666 = vector.extract_strided_slice %get3A_167 {offsets = [2], sizes = [1], strides = [1]} : vector<16xf32> to vector<1xf32>
          %squeeze3A_667 = vector.extract %slice3A_666[0] : f32 from vector<1xf32>
          %mul3A_668 = vector.broadcast %squeeze3A_667 : f32 to vector<16xf32>
          %mul3A_669 = arith.mulf %get3A_90, %mul3A_668 : vector<16xf32>
          %add3A_670 = arith.addf %add3A_665, %mul3A_669 : vector<16xf32>
          %slice3A_671 = vector.extract_strided_slice %get3A_169 {offsets = [2], sizes = [1], strides = [1]} : vector<16xf32> to vector<1xf32>
          %squeeze3A_672 = vector.extract %slice3A_671[0] : f32 from vector<1xf32>
          %add3A_673 = vector.broadcast %squeeze3A_672 : f32 to vector<16xf32>
          %add3A_674 = arith.addf %get3A_92, %add3A_673 : vector<16xf32>
          %add3A_675 = arith.addf %add3A_670, %add3A_670 : vector<16xf32>
          %sub3A_676 = arith.subf %add3A_674, %add3A_675 : vector<16xf32>
          %lt3A_677 = vector.broadcast %scan3A_67 : f32 to vector<16xf32>
          %lt3A_678 = arith.cmpf olt, %sub3A_676, %lt3A_677 : vector<16xf32>
          %max3A_679 = arith.constant 9.99999996E-13 : f32
          %max3A_680 = vector.broadcast %max3A_679 : f32 to vector<16xf32>
          %max3A_681 = arith.maximumf %sub3A_676, %max3A_680 : vector<16xf32>
          %bitcast_convert_type3A_682 = tpu.bitcast %max3A_681 : vector<16xf32> -> vector<16xi32>
          %shift_right_arithmetic3A_683 = arith.constant 1 : i32
          %shift_right_arithmetic3A_684 = vector.broadcast %shift_right_arithmetic3A_683 : i32 to vector<16xi32>
          %shift_right_arithmetic3A_685 = arith.shrsi %bitcast_convert_type3A_682, %shift_right_arithmetic3A_684 : vector<16xi32>
          %sub3A_686 = arith.constant 1597463007 : i32
          %sub3A_687 = vector.broadcast %sub3A_686 : i32 to vector<16xi32>
          %sub3A_688 = arith.subi %sub3A_687, %shift_right_arithmetic3A_685 : vector<16xi32>
          %bitcast_convert_type3A_689 = tpu.bitcast %sub3A_688 : vector<16xi32> -> vector<16xf32>
          %mul3A_690 = arith.constant 5.000000e-01 : f32
          %mul3A_691 = vector.broadcast %mul3A_690 : f32 to vector<16xf32>
          %mul3A_692 = arith.mulf %mul3A_691, %max3A_681 : vector<16xf32>
          %mul3A_693 = arith.mulf %mul3A_692, %bitcast_convert_type3A_689 : vector<16xf32>
          %mul3A_694 = arith.mulf %mul3A_693, %bitcast_convert_type3A_689 : vector<16xf32>
          %sub3A_695 = arith.constant 1.500000e+00 : f32
          %sub3A_696 = vector.broadcast %sub3A_695 : f32 to vector<16xf32>
          %sub3A_697 = arith.subf %sub3A_696, %mul3A_694 : vector<16xf32>
          %mul3A_698 = arith.mulf %bitcast_convert_type3A_689, %sub3A_697 : vector<16xf32>
          %mul3A_699 = arith.mulf %max3A_681, %mul3A_698 : vector<16xf32>
          %sub3A_700 = vector.broadcast %scan3A_68 : f32 to vector<16xf32>
          %sub3A_701 = arith.subf %sub3A_700, %mul3A_699 : vector<16xf32>
          %max3A_702 = arith.constant 0.000000e+00 : f32
          %max3A_703 = vector.broadcast %max3A_702 : f32 to vector<16xf32>
          %max3A_704 = arith.maximumf %sub3A_701, %max3A_703 : vector<16xf32>
          %jit3A_705 = arith.constant 0.000000e+00 : f32
          %broadcast_in_dim3A_706 = vector.broadcast %jit3A_705 : f32 to vector<16xf32>
          %select_n3A_707 = arith.select %lt3A_678, %max3A_704, %broadcast_in_dim3A_706 : vector<16xi1>, vector<16xf32>
          %max3A_708 = arith.maximumf %max3A_635, %select_n3A_707 : vector<16xf32>
          %min3A_709 = arith.minimumf %max3A_635, %select_n3A_707 : vector<16xf32>
          %max3A_710 = arith.maximumf %max3A_637, %min3A_709 : vector<16xf32>
          %min3A_711 = arith.minimumf %max3A_637, %min3A_709 : vector<16xf32>
          %max3A_712 = arith.maximumf %max3A_639, %min3A_711 : vector<16xf32>
          %min3A_713 = arith.minimumf %max3A_639, %min3A_711 : vector<16xf32>
          %max3A_714 = arith.maximumf %max3A_641, %min3A_713 : vector<16xf32>
          %min3A_715 = arith.minimumf %max3A_641, %min3A_713 : vector<16xf32>
          %max3A_716 = arith.maximumf %max3A_643, %min3A_715 : vector<16xf32>
          %min3A_717 = arith.minimumf %max3A_643, %min3A_715 : vector<16xf32>
          %max3A_718 = arith.maximumf %max3A_645, %min3A_717 : vector<16xf32>
          %min3A_719 = arith.minimumf %max3A_645, %min3A_717 : vector<16xf32>
          %max3A_720 = arith.maximumf %max3A_647, %min3A_719 : vector<16xf32>
          %min3A_721 = arith.minimumf %max3A_647, %min3A_719 : vector<16xf32>
          %max3A_722 = arith.maximumf %max3A_649, %min3A_721 : vector<16xf32>
          %min3A_723 = arith.minimumf %max3A_649, %min3A_721 : vector<16xf32>
          %max3A_724 = arith.maximumf %max3A_651, %min3A_723 : vector<16xf32>
          %min3A_725 = arith.minimumf %max3A_651, %min3A_723 : vector<16xf32>
          %max3A_726 = arith.maximumf %max3A_653, %min3A_725 : vector<16xf32>
          %min3A_727 = arith.minimumf %max3A_653, %min3A_725 : vector<16xf32>
          %max3A_728 = arith.maximumf %max3A_655, %min3A_727 : vector<16xf32>
          %min3A_729 = arith.minimumf %max3A_655, %min3A_727 : vector<16xf32>
          %slice3A_730 = vector.extract_strided_slice %get3A_163 {offsets = [3], sizes = [1], strides = [1]} : vector<16xf32> to vector<1xf32>
          %squeeze3A_731 = vector.extract %slice3A_730[0] : f32 from vector<1xf32>
          %mul3A_732 = vector.broadcast %squeeze3A_731 : f32 to vector<16xf32>
          %mul3A_733 = arith.mulf %get3A_86, %mul3A_732 : vector<16xf32>
          %slice3A_734 = vector.extract_strided_slice %get3A_165 {offsets = [3], sizes = [1], strides = [1]} : vector<16xf32> to vector<1xf32>
          %squeeze3A_735 = vector.extract %slice3A_734[0] : f32 from vector<1xf32>
          %mul3A_736 = vector.broadcast %squeeze3A_735 : f32 to vector<16xf32>
          %mul3A_737 = arith.mulf %get3A_88, %mul3A_736 : vector<16xf32>
          %add3A_738 = arith.addf %mul3A_733, %mul3A_737 : vector<16xf32>
          %slice3A_739 = vector.extract_strided_slice %get3A_167 {offsets = [3], sizes = [1], strides = [1]} : vector<16xf32> to vector<1xf32>
          %squeeze3A_740 = vector.extract %slice3A_739[0] : f32 from vector<1xf32>
          %mul3A_741 = vector.broadcast %squeeze3A_740 : f32 to vector<16xf32>
          %mul3A_742 = arith.mulf %get3A_90, %mul3A_741 : vector<16xf32>
          %add3A_743 = arith.addf %add3A_738, %mul3A_742 : vector<16xf32>
          %slice3A_744 = vector.extract_strided_slice %get3A_169 {offsets = [3], sizes = [1], strides = [1]} : vector<16xf32> to vector<1xf32>
          %squeeze3A_745 = vector.extract %slice3A_744[0] : f32 from vector<1xf32>
          %add3A_746 = vector.broadcast %squeeze3A_745 : f32 to vector<16xf32>
          %add3A_747 = arith.addf %get3A_92, %add3A_746 : vector<16xf32>
          %add3A_748 = arith.addf %add3A_743, %add3A_743 : vector<16xf32>
          %sub3A_749 = arith.subf %add3A_747, %add3A_748 : vector<16xf32>
          %lt3A_750 = vector.broadcast %scan3A_67 : f32 to vector<16xf32>
          %lt3A_751 = arith.cmpf olt, %sub3A_749, %lt3A_750 : vector<16xf32>
          %max3A_752 = arith.constant 9.99999996E-13 : f32
          %max3A_753 = vector.broadcast %max3A_752 : f32 to vector<16xf32>
          %max3A_754 = arith.maximumf %sub3A_749, %max3A_753 : vector<16xf32>
          %bitcast_convert_type3A_755 = tpu.bitcast %max3A_754 : vector<16xf32> -> vector<16xi32>
          %shift_right_arithmetic3A_756 = arith.constant 1 : i32
          %shift_right_arithmetic3A_757 = vector.broadcast %shift_right_arithmetic3A_756 : i32 to vector<16xi32>
          %shift_right_arithmetic3A_758 = arith.shrsi %bitcast_convert_type3A_755, %shift_right_arithmetic3A_757 : vector<16xi32>
          %sub3A_759 = arith.constant 1597463007 : i32
          %sub3A_760 = vector.broadcast %sub3A_759 : i32 to vector<16xi32>
          %sub3A_761 = arith.subi %sub3A_760, %shift_right_arithmetic3A_758 : vector<16xi32>
          %bitcast_convert_type3A_762 = tpu.bitcast %sub3A_761 : vector<16xi32> -> vector<16xf32>
          %mul3A_763 = arith.constant 5.000000e-01 : f32
          %mul3A_764 = vector.broadcast %mul3A_763 : f32 to vector<16xf32>
          %mul3A_765 = arith.mulf %mul3A_764, %max3A_754 : vector<16xf32>
          %mul3A_766 = arith.mulf %mul3A_765, %bitcast_convert_type3A_762 : vector<16xf32>
          %mul3A_767 = arith.mulf %mul3A_766, %bitcast_convert_type3A_762 : vector<16xf32>
          %sub3A_768 = arith.constant 1.500000e+00 : f32
          %sub3A_769 = vector.broadcast %sub3A_768 : f32 to vector<16xf32>
          %sub3A_770 = arith.subf %sub3A_769, %mul3A_767 : vector<16xf32>
          %mul3A_771 = arith.mulf %bitcast_convert_type3A_762, %sub3A_770 : vector<16xf32>
          %mul3A_772 = arith.mulf %max3A_754, %mul3A_771 : vector<16xf32>
          %sub3A_773 = vector.broadcast %scan3A_68 : f32 to vector<16xf32>
          %sub3A_774 = arith.subf %sub3A_773, %mul3A_772 : vector<16xf32>
          %max3A_775 = arith.constant 0.000000e+00 : f32
          %max3A_776 = vector.broadcast %max3A_775 : f32 to vector<16xf32>
          %max3A_777 = arith.maximumf %sub3A_774, %max3A_776 : vector<16xf32>
          %jit3A_778 = arith.constant 0.000000e+00 : f32
          %broadcast_in_dim3A_779 = vector.broadcast %jit3A_778 : f32 to vector<16xf32>
          %select_n3A_780 = arith.select %lt3A_751, %max3A_777, %broadcast_in_dim3A_779 : vector<16xi1>, vector<16xf32>
          %max3A_781 = arith.maximumf %max3A_708, %select_n3A_780 : vector<16xf32>
          %min3A_782 = arith.minimumf %max3A_708, %select_n3A_780 : vector<16xf32>
          %max3A_783 = arith.maximumf %max3A_710, %min3A_782 : vector<16xf32>
          %min3A_784 = arith.minimumf %max3A_710, %min3A_782 : vector<16xf32>
          %max3A_785 = arith.maximumf %max3A_712, %min3A_784 : vector<16xf32>
          %min3A_786 = arith.minimumf %max3A_712, %min3A_784 : vector<16xf32>
          %max3A_787 = arith.maximumf %max3A_714, %min3A_786 : vector<16xf32>
          %min3A_788 = arith.minimumf %max3A_714, %min3A_786 : vector<16xf32>
          %max3A_789 = arith.maximumf %max3A_716, %min3A_788 : vector<16xf32>
          %min3A_790 = arith.minimumf %max3A_716, %min3A_788 : vector<16xf32>
          %max3A_791 = arith.maximumf %max3A_718, %min3A_790 : vector<16xf32>
          %min3A_792 = arith.minimumf %max3A_718, %min3A_790 : vector<16xf32>
          %max3A_793 = arith.maximumf %max3A_720, %min3A_792 : vector<16xf32>
          %min3A_794 = arith.minimumf %max3A_720, %min3A_792 : vector<16xf32>
          %max3A_795 = arith.maximumf %max3A_722, %min3A_794 : vector<16xf32>
          %min3A_796 = arith.minimumf %max3A_722, %min3A_794 : vector<16xf32>
          %max3A_797 = arith.maximumf %max3A_724, %min3A_796 : vector<16xf32>
          %min3A_798 = arith.minimumf %max3A_724, %min3A_796 : vector<16xf32>
          %max3A_799 = arith.maximumf %max3A_726, %min3A_798 : vector<16xf32>
          %min3A_800 = arith.minimumf %max3A_726, %min3A_798 : vector<16xf32>
          %max3A_801 = arith.maximumf %max3A_728, %min3A_800 : vector<16xf32>
          %min3A_802 = arith.minimumf %max3A_728, %min3A_800 : vector<16xf32>
          %slice3A_803 = vector.extract_strided_slice %get3A_163 {offsets = [4], sizes = [1], strides = [1]} : vector<16xf32> to vector<1xf32>
          %squeeze3A_804 = vector.extract %slice3A_803[0] : f32 from vector<1xf32>
          %mul3A_805 = vector.broadcast %squeeze3A_804 : f32 to vector<16xf32>
          %mul3A_806 = arith.mulf %get3A_86, %mul3A_805 : vector<16xf32>
          %slice3A_807 = vector.extract_strided_slice %get3A_165 {offsets = [4], sizes = [1], strides = [1]} : vector<16xf32> to vector<1xf32>
          %squeeze3A_808 = vector.extract %slice3A_807[0] : f32 from vector<1xf32>
          %mul3A_809 = vector.broadcast %squeeze3A_808 : f32 to vector<16xf32>
          %mul3A_810 = arith.mulf %get3A_88, %mul3A_809 : vector<16xf32>
          %add3A_811 = arith.addf %mul3A_806, %mul3A_810 : vector<16xf32>
          %slice3A_812 = vector.extract_strided_slice %get3A_167 {offsets = [4], sizes = [1], strides = [1]} : vector<16xf32> to vector<1xf32>
          %squeeze3A_813 = vector.extract %slice3A_812[0] : f32 from vector<1xf32>
          %mul3A_814 = vector.broadcast %squeeze3A_813 : f32 to vector<16xf32>
          %mul3A_815 = arith.mulf %get3A_90, %mul3A_814 : vector<16xf32>
          %add3A_816 = arith.addf %add3A_811, %mul3A_815 : vector<16xf32>
          %slice3A_817 = vector.extract_strided_slice %get3A_169 {offsets = [4], sizes = [1], strides = [1]} : vector<16xf32> to vector<1xf32>
          %squeeze3A_818 = vector.extract %slice3A_817[0] : f32 from vector<1xf32>
          %add3A_819 = vector.broadcast %squeeze3A_818 : f32 to vector<16xf32>
          %add3A_820 = arith.addf %get3A_92, %add3A_819 : vector<16xf32>
          %add3A_821 = arith.addf %add3A_816, %add3A_816 : vector<16xf32>
          %sub3A_822 = arith.subf %add3A_820, %add3A_821 : vector<16xf32>
          %lt3A_823 = vector.broadcast %scan3A_67 : f32 to vector<16xf32>
          %lt3A_824 = arith.cmpf olt, %sub3A_822, %lt3A_823 : vector<16xf32>
          %max3A_825 = arith.constant 9.99999996E-13 : f32
          %max3A_826 = vector.broadcast %max3A_825 : f32 to vector<16xf32>
          %max3A_827 = arith.maximumf %sub3A_822, %max3A_826 : vector<16xf32>
          %bitcast_convert_type3A_828 = tpu.bitcast %max3A_827 : vector<16xf32> -> vector<16xi32>
          %shift_right_arithmetic3A_829 = arith.constant 1 : i32
          %shift_right_arithmetic3A_830 = vector.broadcast %shift_right_arithmetic3A_829 : i32 to vector<16xi32>
          %shift_right_arithmetic3A_831 = arith.shrsi %bitcast_convert_type3A_828, %shift_right_arithmetic3A_830 : vector<16xi32>
          %sub3A_832 = arith.constant 1597463007 : i32
          %sub3A_833 = vector.broadcast %sub3A_832 : i32 to vector<16xi32>
          %sub3A_834 = arith.subi %sub3A_833, %shift_right_arithmetic3A_831 : vector<16xi32>
          %bitcast_convert_type3A_835 = tpu.bitcast %sub3A_834 : vector<16xi32> -> vector<16xf32>
          %mul3A_836 = arith.constant 5.000000e-01 : f32
          %mul3A_837 = vector.broadcast %mul3A_836 : f32 to vector<16xf32>
          %mul3A_838 = arith.mulf %mul3A_837, %max3A_827 : vector<16xf32>
          %mul3A_839 = arith.mulf %mul3A_838, %bitcast_convert_type3A_835 : vector<16xf32>
          %mul3A_840 = arith.mulf %mul3A_839, %bitcast_convert_type3A_835 : vector<16xf32>
          %sub3A_841 = arith.constant 1.500000e+00 : f32
          %sub3A_842 = vector.broadcast %sub3A_841 : f32 to vector<16xf32>
          %sub3A_843 = arith.subf %sub3A_842, %mul3A_840 : vector<16xf32>
          %mul3A_844 = arith.mulf %bitcast_convert_type3A_835, %sub3A_843 : vector<16xf32>
          %mul3A_845 = arith.mulf %max3A_827, %mul3A_844 : vector<16xf32>
          %sub3A_846 = vector.broadcast %scan3A_68 : f32 to vector<16xf32>
          %sub3A_847 = arith.subf %sub3A_846, %mul3A_845 : vector<16xf32>
          %max3A_848 = arith.constant 0.000000e+00 : f32
          %max3A_849 = vector.broadcast %max3A_848 : f32 to vector<16xf32>
          %max3A_850 = arith.maximumf %sub3A_847, %max3A_849 : vector<16xf32>
          %jit3A_851 = arith.constant 0.000000e+00 : f32
          %broadcast_in_dim3A_852 = vector.broadcast %jit3A_851 : f32 to vector<16xf32>
          %select_n3A_853 = arith.select %lt3A_824, %max3A_850, %broadcast_in_dim3A_852 : vector<16xi1>, vector<16xf32>
          %max3A_854 = arith.maximumf %max3A_781, %select_n3A_853 : vector<16xf32>
          %min3A_855 = arith.minimumf %max3A_781, %select_n3A_853 : vector<16xf32>
          %max3A_856 = arith.maximumf %max3A_783, %min3A_855 : vector<16xf32>
          %min3A_857 = arith.minimumf %max3A_783, %min3A_855 : vector<16xf32>
          %max3A_858 = arith.maximumf %max3A_785, %min3A_857 : vector<16xf32>
          %min3A_859 = arith.minimumf %max3A_785, %min3A_857 : vector<16xf32>
          %max3A_860 = arith.maximumf %max3A_787, %min3A_859 : vector<16xf32>
          %min3A_861 = arith.minimumf %max3A_787, %min3A_859 : vector<16xf32>
          %max3A_862 = arith.maximumf %max3A_789, %min3A_861 : vector<16xf32>
          %min3A_863 = arith.minimumf %max3A_789, %min3A_861 : vector<16xf32>
          %max3A_864 = arith.maximumf %max3A_791, %min3A_863 : vector<16xf32>
          %min3A_865 = arith.minimumf %max3A_791, %min3A_863 : vector<16xf32>
          %max3A_866 = arith.maximumf %max3A_793, %min3A_865 : vector<16xf32>
          %min3A_867 = arith.minimumf %max3A_793, %min3A_865 : vector<16xf32>
          %max3A_868 = arith.maximumf %max3A_795, %min3A_867 : vector<16xf32>
          %min3A_869 = arith.minimumf %max3A_795, %min3A_867 : vector<16xf32>
          %max3A_870 = arith.maximumf %max3A_797, %min3A_869 : vector<16xf32>
          %min3A_871 = arith.minimumf %max3A_797, %min3A_869 : vector<16xf32>
          %max3A_872 = arith.maximumf %max3A_799, %min3A_871 : vector<16xf32>
          %min3A_873 = arith.minimumf %max3A_799, %min3A_871 : vector<16xf32>
          %max3A_874 = arith.maximumf %max3A_801, %min3A_873 : vector<16xf32>
          %min3A_875 = arith.minimumf %max3A_801, %min3A_873 : vector<16xf32>
          %slice3A_876 = vector.extract_strided_slice %get3A_163 {offsets = [5], sizes = [1], strides = [1]} : vector<16xf32> to vector<1xf32>
          %squeeze3A_877 = vector.extract %slice3A_876[0] : f32 from vector<1xf32>
          %mul3A_878 = vector.broadcast %squeeze3A_877 : f32 to vector<16xf32>
          %mul3A_879 = arith.mulf %get3A_86, %mul3A_878 : vector<16xf32>
          %slice3A_880 = vector.extract_strided_slice %get3A_165 {offsets = [5], sizes = [1], strides = [1]} : vector<16xf32> to vector<1xf32>
          %squeeze3A_881 = vector.extract %slice3A_880[0] : f32 from vector<1xf32>
          %mul3A_882 = vector.broadcast %squeeze3A_881 : f32 to vector<16xf32>
          %mul3A_883 = arith.mulf %get3A_88, %mul3A_882 : vector<16xf32>
          %add3A_884 = arith.addf %mul3A_879, %mul3A_883 : vector<16xf32>
          %slice3A_885 = vector.extract_strided_slice %get3A_167 {offsets = [5], sizes = [1], strides = [1]} : vector<16xf32> to vector<1xf32>
          %squeeze3A_886 = vector.extract %slice3A_885[0] : f32 from vector<1xf32>
          %mul3A_887 = vector.broadcast %squeeze3A_886 : f32 to vector<16xf32>
          %mul3A_888 = arith.mulf %get3A_90, %mul3A_887 : vector<16xf32>
          %add3A_889 = arith.addf %add3A_884, %mul3A_888 : vector<16xf32>
          %slice3A_890 = vector.extract_strided_slice %get3A_169 {offsets = [5], sizes = [1], strides = [1]} : vector<16xf32> to vector<1xf32>
          %squeeze3A_891 = vector.extract %slice3A_890[0] : f32 from vector<1xf32>
          %add3A_892 = vector.broadcast %squeeze3A_891 : f32 to vector<16xf32>
          %add3A_893 = arith.addf %get3A_92, %add3A_892 : vector<16xf32>
          %add3A_894 = arith.addf %add3A_889, %add3A_889 : vector<16xf32>
          %sub3A_895 = arith.subf %add3A_893, %add3A_894 : vector<16xf32>
          %lt3A_896 = vector.broadcast %scan3A_67 : f32 to vector<16xf32>
          %lt3A_897 = arith.cmpf olt, %sub3A_895, %lt3A_896 : vector<16xf32>
          %max3A_898 = arith.constant 9.99999996E-13 : f32
          %max3A_899 = vector.broadcast %max3A_898 : f32 to vector<16xf32>
          %max3A_900 = arith.maximumf %sub3A_895, %max3A_899 : vector<16xf32>
          %bitcast_convert_type3A_901 = tpu.bitcast %max3A_900 : vector<16xf32> -> vector<16xi32>
          %shift_right_arithmetic3A_902 = arith.constant 1 : i32
          %shift_right_arithmetic3A_903 = vector.broadcast %shift_right_arithmetic3A_902 : i32 to vector<16xi32>
          %shift_right_arithmetic3A_904 = arith.shrsi %bitcast_convert_type3A_901, %shift_right_arithmetic3A_903 : vector<16xi32>
          %sub3A_905 = arith.constant 1597463007 : i32
          %sub3A_906 = vector.broadcast %sub3A_905 : i32 to vector<16xi32>
          %sub3A_907 = arith.subi %sub3A_906, %shift_right_arithmetic3A_904 : vector<16xi32>
          %bitcast_convert_type3A_908 = tpu.bitcast %sub3A_907 : vector<16xi32> -> vector<16xf32>
          %mul3A_909 = arith.constant 5.000000e-01 : f32
          %mul3A_910 = vector.broadcast %mul3A_909 : f32 to vector<16xf32>
          %mul3A_911 = arith.mulf %mul3A_910, %max3A_900 : vector<16xf32>
          %mul3A_912 = arith.mulf %mul3A_911, %bitcast_convert_type3A_908 : vector<16xf32>
          %mul3A_913 = arith.mulf %mul3A_912, %bitcast_convert_type3A_908 : vector<16xf32>
          %sub3A_914 = arith.constant 1.500000e+00 : f32
          %sub3A_915 = vector.broadcast %sub3A_914 : f32 to vector<16xf32>
          %sub3A_916 = arith.subf %sub3A_915, %mul3A_913 : vector<16xf32>
          %mul3A_917 = arith.mulf %bitcast_convert_type3A_908, %sub3A_916 : vector<16xf32>
          %mul3A_918 = arith.mulf %max3A_900, %mul3A_917 : vector<16xf32>
          %sub3A_919 = vector.broadcast %scan3A_68 : f32 to vector<16xf32>
          %sub3A_920 = arith.subf %sub3A_919, %mul3A_918 : vector<16xf32>
          %max3A_921 = arith.constant 0.000000e+00 : f32
          %max3A_922 = vector.broadcast %max3A_921 : f32 to vector<16xf32>
          %max3A_923 = arith.maximumf %sub3A_920, %max3A_922 : vector<16xf32>
          %jit3A_924 = arith.constant 0.000000e+00 : f32
          %broadcast_in_dim3A_925 = vector.broadcast %jit3A_924 : f32 to vector<16xf32>
          %select_n3A_926 = arith.select %lt3A_897, %max3A_923, %broadcast_in_dim3A_925 : vector<16xi1>, vector<16xf32>
          %max3A_927 = arith.maximumf %max3A_854, %select_n3A_926 : vector<16xf32>
          %min3A_928 = arith.minimumf %max3A_854, %select_n3A_926 : vector<16xf32>
          %max3A_929 = arith.maximumf %max3A_856, %min3A_928 : vector<16xf32>
          %min3A_930 = arith.minimumf %max3A_856, %min3A_928 : vector<16xf32>
          %max3A_931 = arith.maximumf %max3A_858, %min3A_930 : vector<16xf32>
          %min3A_932 = arith.minimumf %max3A_858, %min3A_930 : vector<16xf32>
          %max3A_933 = arith.maximumf %max3A_860, %min3A_932 : vector<16xf32>
          %min3A_934 = arith.minimumf %max3A_860, %min3A_932 : vector<16xf32>
          %max3A_935 = arith.maximumf %max3A_862, %min3A_934 : vector<16xf32>
          %min3A_936 = arith.minimumf %max3A_862, %min3A_934 : vector<16xf32>
          %max3A_937 = arith.maximumf %max3A_864, %min3A_936 : vector<16xf32>
          %min3A_938 = arith.minimumf %max3A_864, %min3A_936 : vector<16xf32>
          %max3A_939 = arith.maximumf %max3A_866, %min3A_938 : vector<16xf32>
          %min3A_940 = arith.minimumf %max3A_866, %min3A_938 : vector<16xf32>
          %max3A_941 = arith.maximumf %max3A_868, %min3A_940 : vector<16xf32>
          %min3A_942 = arith.minimumf %max3A_868, %min3A_940 : vector<16xf32>
          %max3A_943 = arith.maximumf %max3A_870, %min3A_942 : vector<16xf32>
          %min3A_944 = arith.minimumf %max3A_870, %min3A_942 : vector<16xf32>
          %max3A_945 = arith.maximumf %max3A_872, %min3A_944 : vector<16xf32>
          %min3A_946 = arith.minimumf %max3A_872, %min3A_944 : vector<16xf32>
          %max3A_947 = arith.maximumf %max3A_874, %min3A_946 : vector<16xf32>
          %min3A_948 = arith.minimumf %max3A_874, %min3A_946 : vector<16xf32>
          %slice3A_949 = vector.extract_strided_slice %get3A_163 {offsets = [6], sizes = [1], strides = [1]} : vector<16xf32> to vector<1xf32>
          %squeeze3A_950 = vector.extract %slice3A_949[0] : f32 from vector<1xf32>
          %mul3A_951 = vector.broadcast %squeeze3A_950 : f32 to vector<16xf32>
          %mul3A_952 = arith.mulf %get3A_86, %mul3A_951 : vector<16xf32>
          %slice3A_953 = vector.extract_strided_slice %get3A_165 {offsets = [6], sizes = [1], strides = [1]} : vector<16xf32> to vector<1xf32>
          %squeeze3A_954 = vector.extract %slice3A_953[0] : f32 from vector<1xf32>
          %mul3A_955 = vector.broadcast %squeeze3A_954 : f32 to vector<16xf32>
          %mul3A_956 = arith.mulf %get3A_88, %mul3A_955 : vector<16xf32>
          %add3A_957 = arith.addf %mul3A_952, %mul3A_956 : vector<16xf32>
          %slice3A_958 = vector.extract_strided_slice %get3A_167 {offsets = [6], sizes = [1], strides = [1]} : vector<16xf32> to vector<1xf32>
          %squeeze3A_959 = vector.extract %slice3A_958[0] : f32 from vector<1xf32>
          %mul3A_960 = vector.broadcast %squeeze3A_959 : f32 to vector<16xf32>
          %mul3A_961 = arith.mulf %get3A_90, %mul3A_960 : vector<16xf32>
          %add3A_962 = arith.addf %add3A_957, %mul3A_961 : vector<16xf32>
          %slice3A_963 = vector.extract_strided_slice %get3A_169 {offsets = [6], sizes = [1], strides = [1]} : vector<16xf32> to vector<1xf32>
          %squeeze3A_964 = vector.extract %slice3A_963[0] : f32 from vector<1xf32>
          %add3A_965 = vector.broadcast %squeeze3A_964 : f32 to vector<16xf32>
          %add3A_966 = arith.addf %get3A_92, %add3A_965 : vector<16xf32>
          %add3A_967 = arith.addf %add3A_962, %add3A_962 : vector<16xf32>
          %sub3A_968 = arith.subf %add3A_966, %add3A_967 : vector<16xf32>
          %lt3A_969 = vector.broadcast %scan3A_67 : f32 to vector<16xf32>
          %lt3A_970 = arith.cmpf olt, %sub3A_968, %lt3A_969 : vector<16xf32>
          %max3A_971 = arith.constant 9.99999996E-13 : f32
          %max3A_972 = vector.broadcast %max3A_971 : f32 to vector<16xf32>
          %max3A_973 = arith.maximumf %sub3A_968, %max3A_972 : vector<16xf32>
          %bitcast_convert_type3A_974 = tpu.bitcast %max3A_973 : vector<16xf32> -> vector<16xi32>
          %shift_right_arithmetic3A_975 = arith.constant 1 : i32
          %shift_right_arithmetic3A_976 = vector.broadcast %shift_right_arithmetic3A_975 : i32 to vector<16xi32>
          %shift_right_arithmetic3A_977 = arith.shrsi %bitcast_convert_type3A_974, %shift_right_arithmetic3A_976 : vector<16xi32>
          %sub3A_978 = arith.constant 1597463007 : i32
          %sub3A_979 = vector.broadcast %sub3A_978 : i32 to vector<16xi32>
          %sub3A_980 = arith.subi %sub3A_979, %shift_right_arithmetic3A_977 : vector<16xi32>
          %bitcast_convert_type3A_981 = tpu.bitcast %sub3A_980 : vector<16xi32> -> vector<16xf32>
          %mul3A_982 = arith.constant 5.000000e-01 : f32
          %mul3A_983 = vector.broadcast %mul3A_982 : f32 to vector<16xf32>
          %mul3A_984 = arith.mulf %mul3A_983, %max3A_973 : vector<16xf32>
          %mul3A_985 = arith.mulf %mul3A_984, %bitcast_convert_type3A_981 : vector<16xf32>
          %mul3A_986 = arith.mulf %mul3A_985, %bitcast_convert_type3A_981 : vector<16xf32>
          %sub3A_987 = arith.constant 1.500000e+00 : f32
          %sub3A_988 = vector.broadcast %sub3A_987 : f32 to vector<16xf32>
          %sub3A_989 = arith.subf %sub3A_988, %mul3A_986 : vector<16xf32>
          %mul3A_990 = arith.mulf %bitcast_convert_type3A_981, %sub3A_989 : vector<16xf32>
          %mul3A_991 = arith.mulf %max3A_973, %mul3A_990 : vector<16xf32>
          %sub3A_992 = vector.broadcast %scan3A_68 : f32 to vector<16xf32>
          %sub3A_993 = arith.subf %sub3A_992, %mul3A_991 : vector<16xf32>
          %max3A_994 = arith.constant 0.000000e+00 : f32
          %max3A_995 = vector.broadcast %max3A_994 : f32 to vector<16xf32>
          %max3A_996 = arith.maximumf %sub3A_993, %max3A_995 : vector<16xf32>
          %jit3A_997 = arith.constant 0.000000e+00 : f32
          %broadcast_in_dim3A_998 = vector.broadcast %jit3A_997 : f32 to vector<16xf32>
          %select_n3A_999 = arith.select %lt3A_970, %max3A_996, %broadcast_in_dim3A_998 : vector<16xi1>, vector<16xf32>
          %max3A_1000 = arith.maximumf %max3A_927, %select_n3A_999 : vector<16xf32>
          %min3A_1001 = arith.minimumf %max3A_927, %select_n3A_999 : vector<16xf32>
          %max3A_1002 = arith.maximumf %max3A_929, %min3A_1001 : vector<16xf32>
          %min3A_1003 = arith.minimumf %max3A_929, %min3A_1001 : vector<16xf32>
          %max3A_1004 = arith.maximumf %max3A_931, %min3A_1003 : vector<16xf32>
          %min3A_1005 = arith.minimumf %max3A_931, %min3A_1003 : vector<16xf32>
          %max3A_1006 = arith.maximumf %max3A_933, %min3A_1005 : vector<16xf32>
          %min3A_1007 = arith.minimumf %max3A_933, %min3A_1005 : vector<16xf32>
          %max3A_1008 = arith.maximumf %max3A_935, %min3A_1007 : vector<16xf32>
          %min3A_1009 = arith.minimumf %max3A_935, %min3A_1007 : vector<16xf32>
          %max3A_1010 = arith.maximumf %max3A_937, %min3A_1009 : vector<16xf32>
          %min3A_1011 = arith.minimumf %max3A_937, %min3A_1009 : vector<16xf32>
          %max3A_1012 = arith.maximumf %max3A_939, %min3A_1011 : vector<16xf32>
          %min3A_1013 = arith.minimumf %max3A_939, %min3A_1011 : vector<16xf32>
          %max3A_1014 = arith.maximumf %max3A_941, %min3A_1013 : vector<16xf32>
          %min3A_1015 = arith.minimumf %max3A_941, %min3A_1013 : vector<16xf32>
          %max3A_1016 = arith.maximumf %max3A_943, %min3A_1015 : vector<16xf32>
          %min3A_1017 = arith.minimumf %max3A_943, %min3A_1015 : vector<16xf32>
          %max3A_1018 = arith.maximumf %max3A_945, %min3A_1017 : vector<16xf32>
          %min3A_1019 = arith.minimumf %max3A_945, %min3A_1017 : vector<16xf32>
          %max3A_1020 = arith.maximumf %max3A_947, %min3A_1019 : vector<16xf32>
          %min3A_1021 = arith.minimumf %max3A_947, %min3A_1019 : vector<16xf32>
          %slice3A_1022 = vector.extract_strided_slice %get3A_163 {offsets = [7], sizes = [1], strides = [1]} : vector<16xf32> to vector<1xf32>
          %squeeze3A_1023 = vector.extract %slice3A_1022[0] : f32 from vector<1xf32>
          %mul3A_1024 = vector.broadcast %squeeze3A_1023 : f32 to vector<16xf32>
          %mul3A_1025 = arith.mulf %get3A_86, %mul3A_1024 : vector<16xf32>
          %slice3A_1026 = vector.extract_strided_slice %get3A_165 {offsets = [7], sizes = [1], strides = [1]} : vector<16xf32> to vector<1xf32>
          %squeeze3A_1027 = vector.extract %slice3A_1026[0] : f32 from vector<1xf32>
          %mul3A_1028 = vector.broadcast %squeeze3A_1027 : f32 to vector<16xf32>
          %mul3A_1029 = arith.mulf %get3A_88, %mul3A_1028 : vector<16xf32>
          %add3A_1030 = arith.addf %mul3A_1025, %mul3A_1029 : vector<16xf32>
          %slice3A_1031 = vector.extract_strided_slice %get3A_167 {offsets = [7], sizes = [1], strides = [1]} : vector<16xf32> to vector<1xf32>
          %squeeze3A_1032 = vector.extract %slice3A_1031[0] : f32 from vector<1xf32>
          %mul3A_1033 = vector.broadcast %squeeze3A_1032 : f32 to vector<16xf32>
          %mul3A_1034 = arith.mulf %get3A_90, %mul3A_1033 : vector<16xf32>
          %add3A_1035 = arith.addf %add3A_1030, %mul3A_1034 : vector<16xf32>
          %slice3A_1036 = vector.extract_strided_slice %get3A_169 {offsets = [7], sizes = [1], strides = [1]} : vector<16xf32> to vector<1xf32>
          %squeeze3A_1037 = vector.extract %slice3A_1036[0] : f32 from vector<1xf32>
          %add3A_1038 = vector.broadcast %squeeze3A_1037 : f32 to vector<16xf32>
          %add3A_1039 = arith.addf %get3A_92, %add3A_1038 : vector<16xf32>
          %add3A_1040 = arith.addf %add3A_1035, %add3A_1035 : vector<16xf32>
          %sub3A_1041 = arith.subf %add3A_1039, %add3A_1040 : vector<16xf32>
          %lt3A_1042 = vector.broadcast %scan3A_67 : f32 to vector<16xf32>
          %lt3A_1043 = arith.cmpf olt, %sub3A_1041, %lt3A_1042 : vector<16xf32>
          %max3A_1044 = arith.constant 9.99999996E-13 : f32
          %max3A_1045 = vector.broadcast %max3A_1044 : f32 to vector<16xf32>
          %max3A_1046 = arith.maximumf %sub3A_1041, %max3A_1045 : vector<16xf32>
          %bitcast_convert_type3A_1047 = tpu.bitcast %max3A_1046 : vector<16xf32> -> vector<16xi32>
          %shift_right_arithmetic3A_1048 = arith.constant 1 : i32
          %shift_right_arithmetic3A_1049 = vector.broadcast %shift_right_arithmetic3A_1048 : i32 to vector<16xi32>
          %shift_right_arithmetic3A_1050 = arith.shrsi %bitcast_convert_type3A_1047, %shift_right_arithmetic3A_1049 : vector<16xi32>
          %sub3A_1051 = arith.constant 1597463007 : i32
          %sub3A_1052 = vector.broadcast %sub3A_1051 : i32 to vector<16xi32>
          %sub3A_1053 = arith.subi %sub3A_1052, %shift_right_arithmetic3A_1050 : vector<16xi32>
          %bitcast_convert_type3A_1054 = tpu.bitcast %sub3A_1053 : vector<16xi32> -> vector<16xf32>
          %mul3A_1055 = arith.constant 5.000000e-01 : f32
          %mul3A_1056 = vector.broadcast %mul3A_1055 : f32 to vector<16xf32>
          %mul3A_1057 = arith.mulf %mul3A_1056, %max3A_1046 : vector<16xf32>
          %mul3A_1058 = arith.mulf %mul3A_1057, %bitcast_convert_type3A_1054 : vector<16xf32>
          %mul3A_1059 = arith.mulf %mul3A_1058, %bitcast_convert_type3A_1054 : vector<16xf32>
          %sub3A_1060 = arith.constant 1.500000e+00 : f32
          %sub3A_1061 = vector.broadcast %sub3A_1060 : f32 to vector<16xf32>
          %sub3A_1062 = arith.subf %sub3A_1061, %mul3A_1059 : vector<16xf32>
          %mul3A_1063 = arith.mulf %bitcast_convert_type3A_1054, %sub3A_1062 : vector<16xf32>
          %mul3A_1064 = arith.mulf %max3A_1046, %mul3A_1063 : vector<16xf32>
          %sub3A_1065 = vector.broadcast %scan3A_68 : f32 to vector<16xf32>
          %sub3A_1066 = arith.subf %sub3A_1065, %mul3A_1064 : vector<16xf32>
          %max3A_1067 = arith.constant 0.000000e+00 : f32
          %max3A_1068 = vector.broadcast %max3A_1067 : f32 to vector<16xf32>
          %max3A_1069 = arith.maximumf %sub3A_1066, %max3A_1068 : vector<16xf32>
          %jit3A_1070 = arith.constant 0.000000e+00 : f32
          %broadcast_in_dim3A_1071 = vector.broadcast %jit3A_1070 : f32 to vector<16xf32>
          %select_n3A_1072 = arith.select %lt3A_1043, %max3A_1069, %broadcast_in_dim3A_1071 : vector<16xi1>, vector<16xf32>
          %max3A_1073 = arith.maximumf %max3A_1000, %select_n3A_1072 : vector<16xf32>
          %min3A_1074 = arith.minimumf %max3A_1000, %select_n3A_1072 : vector<16xf32>
          %max3A_1075 = arith.maximumf %max3A_1002, %min3A_1074 : vector<16xf32>
          %min3A_1076 = arith.minimumf %max3A_1002, %min3A_1074 : vector<16xf32>
          %max3A_1077 = arith.maximumf %max3A_1004, %min3A_1076 : vector<16xf32>
          %min3A_1078 = arith.minimumf %max3A_1004, %min3A_1076 : vector<16xf32>
          %max3A_1079 = arith.maximumf %max3A_1006, %min3A_1078 : vector<16xf32>
          %min3A_1080 = arith.minimumf %max3A_1006, %min3A_1078 : vector<16xf32>
          %max3A_1081 = arith.maximumf %max3A_1008, %min3A_1080 : vector<16xf32>
          %min3A_1082 = arith.minimumf %max3A_1008, %min3A_1080 : vector<16xf32>
          %max3A_1083 = arith.maximumf %max3A_1010, %min3A_1082 : vector<16xf32>
          %min3A_1084 = arith.minimumf %max3A_1010, %min3A_1082 : vector<16xf32>
          %max3A_1085 = arith.maximumf %max3A_1012, %min3A_1084 : vector<16xf32>
          %min3A_1086 = arith.minimumf %max3A_1012, %min3A_1084 : vector<16xf32>
          %max3A_1087 = arith.maximumf %max3A_1014, %min3A_1086 : vector<16xf32>
          %min3A_1088 = arith.minimumf %max3A_1014, %min3A_1086 : vector<16xf32>
          %max3A_1089 = arith.maximumf %max3A_1016, %min3A_1088 : vector<16xf32>
          %min3A_1090 = arith.minimumf %max3A_1016, %min3A_1088 : vector<16xf32>
          %max3A_1091 = arith.maximumf %max3A_1018, %min3A_1090 : vector<16xf32>
          %min3A_1092 = arith.minimumf %max3A_1018, %min3A_1090 : vector<16xf32>
          %max3A_1093 = arith.maximumf %max3A_1020, %min3A_1092 : vector<16xf32>
          %min3A_1094 = arith.minimumf %max3A_1020, %min3A_1092 : vector<16xf32>
          %slice3A_1095 = vector.extract_strided_slice %get3A_163 {offsets = [8], sizes = [1], strides = [1]} : vector<16xf32> to vector<1xf32>
          %squeeze3A_1096 = vector.extract %slice3A_1095[0] : f32 from vector<1xf32>
          %mul3A_1097 = vector.broadcast %squeeze3A_1096 : f32 to vector<16xf32>
          %mul3A_1098 = arith.mulf %get3A_86, %mul3A_1097 : vector<16xf32>
          %slice3A_1099 = vector.extract_strided_slice %get3A_165 {offsets = [8], sizes = [1], strides = [1]} : vector<16xf32> to vector<1xf32>
          %squeeze3A_1100 = vector.extract %slice3A_1099[0] : f32 from vector<1xf32>
          %mul3A_1101 = vector.broadcast %squeeze3A_1100 : f32 to vector<16xf32>
          %mul3A_1102 = arith.mulf %get3A_88, %mul3A_1101 : vector<16xf32>
          %add3A_1103 = arith.addf %mul3A_1098, %mul3A_1102 : vector<16xf32>
          %slice3A_1104 = vector.extract_strided_slice %get3A_167 {offsets = [8], sizes = [1], strides = [1]} : vector<16xf32> to vector<1xf32>
          %squeeze3A_1105 = vector.extract %slice3A_1104[0] : f32 from vector<1xf32>
          %mul3A_1106 = vector.broadcast %squeeze3A_1105 : f32 to vector<16xf32>
          %mul3A_1107 = arith.mulf %get3A_90, %mul3A_1106 : vector<16xf32>
          %add3A_1108 = arith.addf %add3A_1103, %mul3A_1107 : vector<16xf32>
          %slice3A_1109 = vector.extract_strided_slice %get3A_169 {offsets = [8], sizes = [1], strides = [1]} : vector<16xf32> to vector<1xf32>
          %squeeze3A_1110 = vector.extract %slice3A_1109[0] : f32 from vector<1xf32>
          %add3A_1111 = vector.broadcast %squeeze3A_1110 : f32 to vector<16xf32>
          %add3A_1112 = arith.addf %get3A_92, %add3A_1111 : vector<16xf32>
          %add3A_1113 = arith.addf %add3A_1108, %add3A_1108 : vector<16xf32>
          %sub3A_1114 = arith.subf %add3A_1112, %add3A_1113 : vector<16xf32>
          %lt3A_1115 = vector.broadcast %scan3A_67 : f32 to vector<16xf32>
          %lt3A_1116 = arith.cmpf olt, %sub3A_1114, %lt3A_1115 : vector<16xf32>
          %max3A_1117 = arith.constant 9.99999996E-13 : f32
          %max3A_1118 = vector.broadcast %max3A_1117 : f32 to vector<16xf32>
          %max3A_1119 = arith.maximumf %sub3A_1114, %max3A_1118 : vector<16xf32>
          %bitcast_convert_type3A_1120 = tpu.bitcast %max3A_1119 : vector<16xf32> -> vector<16xi32>
          %shift_right_arithmetic3A_1121 = arith.constant 1 : i32
          %shift_right_arithmetic3A_1122 = vector.broadcast %shift_right_arithmetic3A_1121 : i32 to vector<16xi32>
          %shift_right_arithmetic3A_1123 = arith.shrsi %bitcast_convert_type3A_1120, %shift_right_arithmetic3A_1122 : vector<16xi32>
          %sub3A_1124 = arith.constant 1597463007 : i32
          %sub3A_1125 = vector.broadcast %sub3A_1124 : i32 to vector<16xi32>
          %sub3A_1126 = arith.subi %sub3A_1125, %shift_right_arithmetic3A_1123 : vector<16xi32>
          %bitcast_convert_type3A_1127 = tpu.bitcast %sub3A_1126 : vector<16xi32> -> vector<16xf32>
          %mul3A_1128 = arith.constant 5.000000e-01 : f32
          %mul3A_1129 = vector.broadcast %mul3A_1128 : f32 to vector<16xf32>
          %mul3A_1130 = arith.mulf %mul3A_1129, %max3A_1119 : vector<16xf32>
          %mul3A_1131 = arith.mulf %mul3A_1130, %bitcast_convert_type3A_1127 : vector<16xf32>
          %mul3A_1132 = arith.mulf %mul3A_1131, %bitcast_convert_type3A_1127 : vector<16xf32>
          %sub3A_1133 = arith.constant 1.500000e+00 : f32
          %sub3A_1134 = vector.broadcast %sub3A_1133 : f32 to vector<16xf32>
          %sub3A_1135 = arith.subf %sub3A_1134, %mul3A_1132 : vector<16xf32>
          %mul3A_1136 = arith.mulf %bitcast_convert_type3A_1127, %sub3A_1135 : vector<16xf32>
          %mul3A_1137 = arith.mulf %max3A_1119, %mul3A_1136 : vector<16xf32>
          %sub3A_1138 = vector.broadcast %scan3A_68 : f32 to vector<16xf32>
          %sub3A_1139 = arith.subf %sub3A_1138, %mul3A_1137 : vector<16xf32>
          %max3A_1140 = arith.constant 0.000000e+00 : f32
          %max3A_1141 = vector.broadcast %max3A_1140 : f32 to vector<16xf32>
          %max3A_1142 = arith.maximumf %sub3A_1139, %max3A_1141 : vector<16xf32>
          %jit3A_1143 = arith.constant 0.000000e+00 : f32
          %broadcast_in_dim3A_1144 = vector.broadcast %jit3A_1143 : f32 to vector<16xf32>
          %select_n3A_1145 = arith.select %lt3A_1116, %max3A_1142, %broadcast_in_dim3A_1144 : vector<16xi1>, vector<16xf32>
          %max3A_1146 = arith.maximumf %max3A_1073, %select_n3A_1145 : vector<16xf32>
          %min3A_1147 = arith.minimumf %max3A_1073, %select_n3A_1145 : vector<16xf32>
          %max3A_1148 = arith.maximumf %max3A_1075, %min3A_1147 : vector<16xf32>
          %min3A_1149 = arith.minimumf %max3A_1075, %min3A_1147 : vector<16xf32>
          %max3A_1150 = arith.maximumf %max3A_1077, %min3A_1149 : vector<16xf32>
          %min3A_1151 = arith.minimumf %max3A_1077, %min3A_1149 : vector<16xf32>
          %max3A_1152 = arith.maximumf %max3A_1079, %min3A_1151 : vector<16xf32>
          %min3A_1153 = arith.minimumf %max3A_1079, %min3A_1151 : vector<16xf32>
          %max3A_1154 = arith.maximumf %max3A_1081, %min3A_1153 : vector<16xf32>
          %min3A_1155 = arith.minimumf %max3A_1081, %min3A_1153 : vector<16xf32>
          %max3A_1156 = arith.maximumf %max3A_1083, %min3A_1155 : vector<16xf32>
          %min3A_1157 = arith.minimumf %max3A_1083, %min3A_1155 : vector<16xf32>
          %max3A_1158 = arith.maximumf %max3A_1085, %min3A_1157 : vector<16xf32>
          %min3A_1159 = arith.minimumf %max3A_1085, %min3A_1157 : vector<16xf32>
          %max3A_1160 = arith.maximumf %max3A_1087, %min3A_1159 : vector<16xf32>
          %min3A_1161 = arith.minimumf %max3A_1087, %min3A_1159 : vector<16xf32>
          %max3A_1162 = arith.maximumf %max3A_1089, %min3A_1161 : vector<16xf32>
          %min3A_1163 = arith.minimumf %max3A_1089, %min3A_1161 : vector<16xf32>
          %max3A_1164 = arith.maximumf %max3A_1091, %min3A_1163 : vector<16xf32>
          %min3A_1165 = arith.minimumf %max3A_1091, %min3A_1163 : vector<16xf32>
          %max3A_1166 = arith.maximumf %max3A_1093, %min3A_1165 : vector<16xf32>
          %min3A_1167 = arith.minimumf %max3A_1093, %min3A_1165 : vector<16xf32>
          %slice3A_1168 = vector.extract_strided_slice %get3A_163 {offsets = [9], sizes = [1], strides = [1]} : vector<16xf32> to vector<1xf32>
          %squeeze3A_1169 = vector.extract %slice3A_1168[0] : f32 from vector<1xf32>
          %mul3A_1170 = vector.broadcast %squeeze3A_1169 : f32 to vector<16xf32>
          %mul3A_1171 = arith.mulf %get3A_86, %mul3A_1170 : vector<16xf32>
          %slice3A_1172 = vector.extract_strided_slice %get3A_165 {offsets = [9], sizes = [1], strides = [1]} : vector<16xf32> to vector<1xf32>
          %squeeze3A_1173 = vector.extract %slice3A_1172[0] : f32 from vector<1xf32>
          %mul3A_1174 = vector.broadcast %squeeze3A_1173 : f32 to vector<16xf32>
          %mul3A_1175 = arith.mulf %get3A_88, %mul3A_1174 : vector<16xf32>
          %add3A_1176 = arith.addf %mul3A_1171, %mul3A_1175 : vector<16xf32>
          %slice3A_1177 = vector.extract_strided_slice %get3A_167 {offsets = [9], sizes = [1], strides = [1]} : vector<16xf32> to vector<1xf32>
          %squeeze3A_1178 = vector.extract %slice3A_1177[0] : f32 from vector<1xf32>
          %mul3A_1179 = vector.broadcast %squeeze3A_1178 : f32 to vector<16xf32>
          %mul3A_1180 = arith.mulf %get3A_90, %mul3A_1179 : vector<16xf32>
          %add3A_1181 = arith.addf %add3A_1176, %mul3A_1180 : vector<16xf32>
          %slice3A_1182 = vector.extract_strided_slice %get3A_169 {offsets = [9], sizes = [1], strides = [1]} : vector<16xf32> to vector<1xf32>
          %squeeze3A_1183 = vector.extract %slice3A_1182[0] : f32 from vector<1xf32>
          %add3A_1184 = vector.broadcast %squeeze3A_1183 : f32 to vector<16xf32>
          %add3A_1185 = arith.addf %get3A_92, %add3A_1184 : vector<16xf32>
          %add3A_1186 = arith.addf %add3A_1181, %add3A_1181 : vector<16xf32>
          %sub3A_1187 = arith.subf %add3A_1185, %add3A_1186 : vector<16xf32>
          %lt3A_1188 = vector.broadcast %scan3A_67 : f32 to vector<16xf32>
          %lt3A_1189 = arith.cmpf olt, %sub3A_1187, %lt3A_1188 : vector<16xf32>
          %max3A_1190 = arith.constant 9.99999996E-13 : f32
          %max3A_1191 = vector.broadcast %max3A_1190 : f32 to vector<16xf32>
          %max3A_1192 = arith.maximumf %sub3A_1187, %max3A_1191 : vector<16xf32>
          %bitcast_convert_type3A_1193 = tpu.bitcast %max3A_1192 : vector<16xf32> -> vector<16xi32>
          %shift_right_arithmetic3A_1194 = arith.constant 1 : i32
          %shift_right_arithmetic3A_1195 = vector.broadcast %shift_right_arithmetic3A_1194 : i32 to vector<16xi32>
          %shift_right_arithmetic3A_1196 = arith.shrsi %bitcast_convert_type3A_1193, %shift_right_arithmetic3A_1195 : vector<16xi32>
          %sub3A_1197 = arith.constant 1597463007 : i32
          %sub3A_1198 = vector.broadcast %sub3A_1197 : i32 to vector<16xi32>
          %sub3A_1199 = arith.subi %sub3A_1198, %shift_right_arithmetic3A_1196 : vector<16xi32>
          %bitcast_convert_type3A_1200 = tpu.bitcast %sub3A_1199 : vector<16xi32> -> vector<16xf32>
          %mul3A_1201 = arith.constant 5.000000e-01 : f32
          %mul3A_1202 = vector.broadcast %mul3A_1201 : f32 to vector<16xf32>
          %mul3A_1203 = arith.mulf %mul3A_1202, %max3A_1192 : vector<16xf32>
          %mul3A_1204 = arith.mulf %mul3A_1203, %bitcast_convert_type3A_1200 : vector<16xf32>
          %mul3A_1205 = arith.mulf %mul3A_1204, %bitcast_convert_type3A_1200 : vector<16xf32>
          %sub3A_1206 = arith.constant 1.500000e+00 : f32
          %sub3A_1207 = vector.broadcast %sub3A_1206 : f32 to vector<16xf32>
          %sub3A_1208 = arith.subf %sub3A_1207, %mul3A_1205 : vector<16xf32>
          %mul3A_1209 = arith.mulf %bitcast_convert_type3A_1200, %sub3A_1208 : vector<16xf32>
          %mul3A_1210 = arith.mulf %max3A_1192, %mul3A_1209 : vector<16xf32>
          %sub3A_1211 = vector.broadcast %scan3A_68 : f32 to vector<16xf32>
          %sub3A_1212 = arith.subf %sub3A_1211, %mul3A_1210 : vector<16xf32>
          %max3A_1213 = arith.constant 0.000000e+00 : f32
          %max3A_1214 = vector.broadcast %max3A_1213 : f32 to vector<16xf32>
          %max3A_1215 = arith.maximumf %sub3A_1212, %max3A_1214 : vector<16xf32>
          %jit3A_1216 = arith.constant 0.000000e+00 : f32
          %broadcast_in_dim3A_1217 = vector.broadcast %jit3A_1216 : f32 to vector<16xf32>
          %select_n3A_1218 = arith.select %lt3A_1189, %max3A_1215, %broadcast_in_dim3A_1217 : vector<16xi1>, vector<16xf32>
          %max3A_1219 = arith.maximumf %max3A_1146, %select_n3A_1218 : vector<16xf32>
          %min3A_1220 = arith.minimumf %max3A_1146, %select_n3A_1218 : vector<16xf32>
          %max3A_1221 = arith.maximumf %max3A_1148, %min3A_1220 : vector<16xf32>
          %min3A_1222 = arith.minimumf %max3A_1148, %min3A_1220 : vector<16xf32>
          %max3A_1223 = arith.maximumf %max3A_1150, %min3A_1222 : vector<16xf32>
          %min3A_1224 = arith.minimumf %max3A_1150, %min3A_1222 : vector<16xf32>
          %max3A_1225 = arith.maximumf %max3A_1152, %min3A_1224 : vector<16xf32>
          %min3A_1226 = arith.minimumf %max3A_1152, %min3A_1224 : vector<16xf32>
          %max3A_1227 = arith.maximumf %max3A_1154, %min3A_1226 : vector<16xf32>
          %min3A_1228 = arith.minimumf %max3A_1154, %min3A_1226 : vector<16xf32>
          %max3A_1229 = arith.maximumf %max3A_1156, %min3A_1228 : vector<16xf32>
          %min3A_1230 = arith.minimumf %max3A_1156, %min3A_1228 : vector<16xf32>
          %max3A_1231 = arith.maximumf %max3A_1158, %min3A_1230 : vector<16xf32>
          %min3A_1232 = arith.minimumf %max3A_1158, %min3A_1230 : vector<16xf32>
          %max3A_1233 = arith.maximumf %max3A_1160, %min3A_1232 : vector<16xf32>
          %min3A_1234 = arith.minimumf %max3A_1160, %min3A_1232 : vector<16xf32>
          %max3A_1235 = arith.maximumf %max3A_1162, %min3A_1234 : vector<16xf32>
          %min3A_1236 = arith.minimumf %max3A_1162, %min3A_1234 : vector<16xf32>
          %max3A_1237 = arith.maximumf %max3A_1164, %min3A_1236 : vector<16xf32>
          %min3A_1238 = arith.minimumf %max3A_1164, %min3A_1236 : vector<16xf32>
          %max3A_1239 = arith.maximumf %max3A_1166, %min3A_1238 : vector<16xf32>
          %min3A_1240 = arith.minimumf %max3A_1166, %min3A_1238 : vector<16xf32>
          %slice3A_1241 = vector.extract_strided_slice %get3A_163 {offsets = [10], sizes = [1], strides = [1]} : vector<16xf32> to vector<1xf32>
          %squeeze3A_1242 = vector.extract %slice3A_1241[0] : f32 from vector<1xf32>
          %mul3A_1243 = vector.broadcast %squeeze3A_1242 : f32 to vector<16xf32>
          %mul3A_1244 = arith.mulf %get3A_86, %mul3A_1243 : vector<16xf32>
          %slice3A_1245 = vector.extract_strided_slice %get3A_165 {offsets = [10], sizes = [1], strides = [1]} : vector<16xf32> to vector<1xf32>
          %squeeze3A_1246 = vector.extract %slice3A_1245[0] : f32 from vector<1xf32>
          %mul3A_1247 = vector.broadcast %squeeze3A_1246 : f32 to vector<16xf32>
          %mul3A_1248 = arith.mulf %get3A_88, %mul3A_1247 : vector<16xf32>
          %add3A_1249 = arith.addf %mul3A_1244, %mul3A_1248 : vector<16xf32>
          %slice3A_1250 = vector.extract_strided_slice %get3A_167 {offsets = [10], sizes = [1], strides = [1]} : vector<16xf32> to vector<1xf32>
          %squeeze3A_1251 = vector.extract %slice3A_1250[0] : f32 from vector<1xf32>
          %mul3A_1252 = vector.broadcast %squeeze3A_1251 : f32 to vector<16xf32>
          %mul3A_1253 = arith.mulf %get3A_90, %mul3A_1252 : vector<16xf32>
          %add3A_1254 = arith.addf %add3A_1249, %mul3A_1253 : vector<16xf32>
          %slice3A_1255 = vector.extract_strided_slice %get3A_169 {offsets = [10], sizes = [1], strides = [1]} : vector<16xf32> to vector<1xf32>
          %squeeze3A_1256 = vector.extract %slice3A_1255[0] : f32 from vector<1xf32>
          %add3A_1257 = vector.broadcast %squeeze3A_1256 : f32 to vector<16xf32>
          %add3A_1258 = arith.addf %get3A_92, %add3A_1257 : vector<16xf32>
          %add3A_1259 = arith.addf %add3A_1254, %add3A_1254 : vector<16xf32>
          %sub3A_1260 = arith.subf %add3A_1258, %add3A_1259 : vector<16xf32>
          %lt3A_1261 = vector.broadcast %scan3A_67 : f32 to vector<16xf32>
          %lt3A_1262 = arith.cmpf olt, %sub3A_1260, %lt3A_1261 : vector<16xf32>
          %max3A_1263 = arith.constant 9.99999996E-13 : f32
          %max3A_1264 = vector.broadcast %max3A_1263 : f32 to vector<16xf32>
          %max3A_1265 = arith.maximumf %sub3A_1260, %max3A_1264 : vector<16xf32>
          %bitcast_convert_type3A_1266 = tpu.bitcast %max3A_1265 : vector<16xf32> -> vector<16xi32>
          %shift_right_arithmetic3A_1267 = arith.constant 1 : i32
          %shift_right_arithmetic3A_1268 = vector.broadcast %shift_right_arithmetic3A_1267 : i32 to vector<16xi32>
          %shift_right_arithmetic3A_1269 = arith.shrsi %bitcast_convert_type3A_1266, %shift_right_arithmetic3A_1268 : vector<16xi32>
          %sub3A_1270 = arith.constant 1597463007 : i32
          %sub3A_1271 = vector.broadcast %sub3A_1270 : i32 to vector<16xi32>
          %sub3A_1272 = arith.subi %sub3A_1271, %shift_right_arithmetic3A_1269 : vector<16xi32>
          %bitcast_convert_type3A_1273 = tpu.bitcast %sub3A_1272 : vector<16xi32> -> vector<16xf32>
          %mul3A_1274 = arith.constant 5.000000e-01 : f32
          %mul3A_1275 = vector.broadcast %mul3A_1274 : f32 to vector<16xf32>
          %mul3A_1276 = arith.mulf %mul3A_1275, %max3A_1265 : vector<16xf32>
          %mul3A_1277 = arith.mulf %mul3A_1276, %bitcast_convert_type3A_1273 : vector<16xf32>
          %mul3A_1278 = arith.mulf %mul3A_1277, %bitcast_convert_type3A_1273 : vector<16xf32>
          %sub3A_1279 = arith.constant 1.500000e+00 : f32
          %sub3A_1280 = vector.broadcast %sub3A_1279 : f32 to vector<16xf32>
          %sub3A_1281 = arith.subf %sub3A_1280, %mul3A_1278 : vector<16xf32>
          %mul3A_1282 = arith.mulf %bitcast_convert_type3A_1273, %sub3A_1281 : vector<16xf32>
          %mul3A_1283 = arith.mulf %max3A_1265, %mul3A_1282 : vector<16xf32>
          %sub3A_1284 = vector.broadcast %scan3A_68 : f32 to vector<16xf32>
          %sub3A_1285 = arith.subf %sub3A_1284, %mul3A_1283 : vector<16xf32>
          %max3A_1286 = arith.constant 0.000000e+00 : f32
          %max3A_1287 = vector.broadcast %max3A_1286 : f32 to vector<16xf32>
          %max3A_1288 = arith.maximumf %sub3A_1285, %max3A_1287 : vector<16xf32>
          %jit3A_1289 = arith.constant 0.000000e+00 : f32
          %broadcast_in_dim3A_1290 = vector.broadcast %jit3A_1289 : f32 to vector<16xf32>
          %select_n3A_1291 = arith.select %lt3A_1262, %max3A_1288, %broadcast_in_dim3A_1290 : vector<16xi1>, vector<16xf32>
          %max3A_1292 = arith.maximumf %max3A_1219, %select_n3A_1291 : vector<16xf32>
          %min3A_1293 = arith.minimumf %max3A_1219, %select_n3A_1291 : vector<16xf32>
          %max3A_1294 = arith.maximumf %max3A_1221, %min3A_1293 : vector<16xf32>
          %min3A_1295 = arith.minimumf %max3A_1221, %min3A_1293 : vector<16xf32>
          %max3A_1296 = arith.maximumf %max3A_1223, %min3A_1295 : vector<16xf32>
          %min3A_1297 = arith.minimumf %max3A_1223, %min3A_1295 : vector<16xf32>
          %max3A_1298 = arith.maximumf %max3A_1225, %min3A_1297 : vector<16xf32>
          %min3A_1299 = arith.minimumf %max3A_1225, %min3A_1297 : vector<16xf32>
          %max3A_1300 = arith.maximumf %max3A_1227, %min3A_1299 : vector<16xf32>
          %min3A_1301 = arith.minimumf %max3A_1227, %min3A_1299 : vector<16xf32>
          %max3A_1302 = arith.maximumf %max3A_1229, %min3A_1301 : vector<16xf32>
          %min3A_1303 = arith.minimumf %max3A_1229, %min3A_1301 : vector<16xf32>
          %max3A_1304 = arith.maximumf %max3A_1231, %min3A_1303 : vector<16xf32>
          %min3A_1305 = arith.minimumf %max3A_1231, %min3A_1303 : vector<16xf32>
          %max3A_1306 = arith.maximumf %max3A_1233, %min3A_1305 : vector<16xf32>
          %min3A_1307 = arith.minimumf %max3A_1233, %min3A_1305 : vector<16xf32>
          %max3A_1308 = arith.maximumf %max3A_1235, %min3A_1307 : vector<16xf32>
          %min3A_1309 = arith.minimumf %max3A_1235, %min3A_1307 : vector<16xf32>
          %max3A_1310 = arith.maximumf %max3A_1237, %min3A_1309 : vector<16xf32>
          %min3A_1311 = arith.minimumf %max3A_1237, %min3A_1309 : vector<16xf32>
          %max3A_1312 = arith.maximumf %max3A_1239, %min3A_1311 : vector<16xf32>
          %min3A_1313 = arith.minimumf %max3A_1239, %min3A_1311 : vector<16xf32>
          %slice3A_1314 = vector.extract_strided_slice %get3A_163 {offsets = [11], sizes = [1], strides = [1]} : vector<16xf32> to vector<1xf32>
          %squeeze3A_1315 = vector.extract %slice3A_1314[0] : f32 from vector<1xf32>
          %mul3A_1316 = vector.broadcast %squeeze3A_1315 : f32 to vector<16xf32>
          %mul3A_1317 = arith.mulf %get3A_86, %mul3A_1316 : vector<16xf32>
          %slice3A_1318 = vector.extract_strided_slice %get3A_165 {offsets = [11], sizes = [1], strides = [1]} : vector<16xf32> to vector<1xf32>
          %squeeze3A_1319 = vector.extract %slice3A_1318[0] : f32 from vector<1xf32>
          %mul3A_1320 = vector.broadcast %squeeze3A_1319 : f32 to vector<16xf32>
          %mul3A_1321 = arith.mulf %get3A_88, %mul3A_1320 : vector<16xf32>
          %add3A_1322 = arith.addf %mul3A_1317, %mul3A_1321 : vector<16xf32>
          %slice3A_1323 = vector.extract_strided_slice %get3A_167 {offsets = [11], sizes = [1], strides = [1]} : vector<16xf32> to vector<1xf32>
          %squeeze3A_1324 = vector.extract %slice3A_1323[0] : f32 from vector<1xf32>
          %mul3A_1325 = vector.broadcast %squeeze3A_1324 : f32 to vector<16xf32>
          %mul3A_1326 = arith.mulf %get3A_90, %mul3A_1325 : vector<16xf32>
          %add3A_1327 = arith.addf %add3A_1322, %mul3A_1326 : vector<16xf32>
          %slice3A_1328 = vector.extract_strided_slice %get3A_169 {offsets = [11], sizes = [1], strides = [1]} : vector<16xf32> to vector<1xf32>
          %squeeze3A_1329 = vector.extract %slice3A_1328[0] : f32 from vector<1xf32>
          %add3A_1330 = vector.broadcast %squeeze3A_1329 : f32 to vector<16xf32>
          %add3A_1331 = arith.addf %get3A_92, %add3A_1330 : vector<16xf32>
          %add3A_1332 = arith.addf %add3A_1327, %add3A_1327 : vector<16xf32>
          %sub3A_1333 = arith.subf %add3A_1331, %add3A_1332 : vector<16xf32>
          %lt3A_1334 = vector.broadcast %scan3A_67 : f32 to vector<16xf32>
          %lt3A_1335 = arith.cmpf olt, %sub3A_1333, %lt3A_1334 : vector<16xf32>
          %max3A_1336 = arith.constant 9.99999996E-13 : f32
          %max3A_1337 = vector.broadcast %max3A_1336 : f32 to vector<16xf32>
          %max3A_1338 = arith.maximumf %sub3A_1333, %max3A_1337 : vector<16xf32>
          %bitcast_convert_type3A_1339 = tpu.bitcast %max3A_1338 : vector<16xf32> -> vector<16xi32>
          %shift_right_arithmetic3A_1340 = arith.constant 1 : i32
          %shift_right_arithmetic3A_1341 = vector.broadcast %shift_right_arithmetic3A_1340 : i32 to vector<16xi32>
          %shift_right_arithmetic3A_1342 = arith.shrsi %bitcast_convert_type3A_1339, %shift_right_arithmetic3A_1341 : vector<16xi32>
          %sub3A_1343 = arith.constant 1597463007 : i32
          %sub3A_1344 = vector.broadcast %sub3A_1343 : i32 to vector<16xi32>
          %sub3A_1345 = arith.subi %sub3A_1344, %shift_right_arithmetic3A_1342 : vector<16xi32>
          %bitcast_convert_type3A_1346 = tpu.bitcast %sub3A_1345 : vector<16xi32> -> vector<16xf32>
          %mul3A_1347 = arith.constant 5.000000e-01 : f32
          %mul3A_1348 = vector.broadcast %mul3A_1347 : f32 to vector<16xf32>
          %mul3A_1349 = arith.mulf %mul3A_1348, %max3A_1338 : vector<16xf32>
          %mul3A_1350 = arith.mulf %mul3A_1349, %bitcast_convert_type3A_1346 : vector<16xf32>
          %mul3A_1351 = arith.mulf %mul3A_1350, %bitcast_convert_type3A_1346 : vector<16xf32>
          %sub3A_1352 = arith.constant 1.500000e+00 : f32
          %sub3A_1353 = vector.broadcast %sub3A_1352 : f32 to vector<16xf32>
          %sub3A_1354 = arith.subf %sub3A_1353, %mul3A_1351 : vector<16xf32>
          %mul3A_1355 = arith.mulf %bitcast_convert_type3A_1346, %sub3A_1354 : vector<16xf32>
          %mul3A_1356 = arith.mulf %max3A_1338, %mul3A_1355 : vector<16xf32>
          %sub3A_1357 = vector.broadcast %scan3A_68 : f32 to vector<16xf32>
          %sub3A_1358 = arith.subf %sub3A_1357, %mul3A_1356 : vector<16xf32>
          %max3A_1359 = arith.constant 0.000000e+00 : f32
          %max3A_1360 = vector.broadcast %max3A_1359 : f32 to vector<16xf32>
          %max3A_1361 = arith.maximumf %sub3A_1358, %max3A_1360 : vector<16xf32>
          %jit3A_1362 = arith.constant 0.000000e+00 : f32
          %broadcast_in_dim3A_1363 = vector.broadcast %jit3A_1362 : f32 to vector<16xf32>
          %select_n3A_1364 = arith.select %lt3A_1335, %max3A_1361, %broadcast_in_dim3A_1363 : vector<16xi1>, vector<16xf32>
          %max3A_1365 = arith.maximumf %max3A_1292, %select_n3A_1364 : vector<16xf32>
          %min3A_1366 = arith.minimumf %max3A_1292, %select_n3A_1364 : vector<16xf32>
          %max3A_1367 = arith.maximumf %max3A_1294, %min3A_1366 : vector<16xf32>
          %min3A_1368 = arith.minimumf %max3A_1294, %min3A_1366 : vector<16xf32>
          %max3A_1369 = arith.maximumf %max3A_1296, %min3A_1368 : vector<16xf32>
          %min3A_1370 = arith.minimumf %max3A_1296, %min3A_1368 : vector<16xf32>
          %max3A_1371 = arith.maximumf %max3A_1298, %min3A_1370 : vector<16xf32>
          %min3A_1372 = arith.minimumf %max3A_1298, %min3A_1370 : vector<16xf32>
          %max3A_1373 = arith.maximumf %max3A_1300, %min3A_1372 : vector<16xf32>
          %min3A_1374 = arith.minimumf %max3A_1300, %min3A_1372 : vector<16xf32>
          %max3A_1375 = arith.maximumf %max3A_1302, %min3A_1374 : vector<16xf32>
          %min3A_1376 = arith.minimumf %max3A_1302, %min3A_1374 : vector<16xf32>
          %max3A_1377 = arith.maximumf %max3A_1304, %min3A_1376 : vector<16xf32>
          %min3A_1378 = arith.minimumf %max3A_1304, %min3A_1376 : vector<16xf32>
          %max3A_1379 = arith.maximumf %max3A_1306, %min3A_1378 : vector<16xf32>
          %min3A_1380 = arith.minimumf %max3A_1306, %min3A_1378 : vector<16xf32>
          %max3A_1381 = arith.maximumf %max3A_1308, %min3A_1380 : vector<16xf32>
          %min3A_1382 = arith.minimumf %max3A_1308, %min3A_1380 : vector<16xf32>
          %max3A_1383 = arith.maximumf %max3A_1310, %min3A_1382 : vector<16xf32>
          %min3A_1384 = arith.minimumf %max3A_1310, %min3A_1382 : vector<16xf32>
          %max3A_1385 = arith.maximumf %max3A_1312, %min3A_1384 : vector<16xf32>
          %min3A_1386 = arith.minimumf %max3A_1312, %min3A_1384 : vector<16xf32>
          %slice3A_1387 = vector.extract_strided_slice %get3A_163 {offsets = [12], sizes = [1], strides = [1]} : vector<16xf32> to vector<1xf32>
          %squeeze3A_1388 = vector.extract %slice3A_1387[0] : f32 from vector<1xf32>
          %mul3A_1389 = vector.broadcast %squeeze3A_1388 : f32 to vector<16xf32>
          %mul3A_1390 = arith.mulf %get3A_86, %mul3A_1389 : vector<16xf32>
          %slice3A_1391 = vector.extract_strided_slice %get3A_165 {offsets = [12], sizes = [1], strides = [1]} : vector<16xf32> to vector<1xf32>
          %squeeze3A_1392 = vector.extract %slice3A_1391[0] : f32 from vector<1xf32>
          %mul3A_1393 = vector.broadcast %squeeze3A_1392 : f32 to vector<16xf32>
          %mul3A_1394 = arith.mulf %get3A_88, %mul3A_1393 : vector<16xf32>
          %add3A_1395 = arith.addf %mul3A_1390, %mul3A_1394 : vector<16xf32>
          %slice3A_1396 = vector.extract_strided_slice %get3A_167 {offsets = [12], sizes = [1], strides = [1]} : vector<16xf32> to vector<1xf32>
          %squeeze3A_1397 = vector.extract %slice3A_1396[0] : f32 from vector<1xf32>
          %mul3A_1398 = vector.broadcast %squeeze3A_1397 : f32 to vector<16xf32>
          %mul3A_1399 = arith.mulf %get3A_90, %mul3A_1398 : vector<16xf32>
          %add3A_1400 = arith.addf %add3A_1395, %mul3A_1399 : vector<16xf32>
          %slice3A_1401 = vector.extract_strided_slice %get3A_169 {offsets = [12], sizes = [1], strides = [1]} : vector<16xf32> to vector<1xf32>
          %squeeze3A_1402 = vector.extract %slice3A_1401[0] : f32 from vector<1xf32>
          %add3A_1403 = vector.broadcast %squeeze3A_1402 : f32 to vector<16xf32>
          %add3A_1404 = arith.addf %get3A_92, %add3A_1403 : vector<16xf32>
          %add3A_1405 = arith.addf %add3A_1400, %add3A_1400 : vector<16xf32>
          %sub3A_1406 = arith.subf %add3A_1404, %add3A_1405 : vector<16xf32>
          %lt3A_1407 = vector.broadcast %scan3A_67 : f32 to vector<16xf32>
          %lt3A_1408 = arith.cmpf olt, %sub3A_1406, %lt3A_1407 : vector<16xf32>
          %max3A_1409 = arith.constant 9.99999996E-13 : f32
          %max3A_1410 = vector.broadcast %max3A_1409 : f32 to vector<16xf32>
          %max3A_1411 = arith.maximumf %sub3A_1406, %max3A_1410 : vector<16xf32>
          %bitcast_convert_type3A_1412 = tpu.bitcast %max3A_1411 : vector<16xf32> -> vector<16xi32>
          %shift_right_arithmetic3A_1413 = arith.constant 1 : i32
          %shift_right_arithmetic3A_1414 = vector.broadcast %shift_right_arithmetic3A_1413 : i32 to vector<16xi32>
          %shift_right_arithmetic3A_1415 = arith.shrsi %bitcast_convert_type3A_1412, %shift_right_arithmetic3A_1414 : vector<16xi32>
          %sub3A_1416 = arith.constant 1597463007 : i32
          %sub3A_1417 = vector.broadcast %sub3A_1416 : i32 to vector<16xi32>
          %sub3A_1418 = arith.subi %sub3A_1417, %shift_right_arithmetic3A_1415 : vector<16xi32>
          %bitcast_convert_type3A_1419 = tpu.bitcast %sub3A_1418 : vector<16xi32> -> vector<16xf32>
          %mul3A_1420 = arith.constant 5.000000e-01 : f32
          %mul3A_1421 = vector.broadcast %mul3A_1420 : f32 to vector<16xf32>
          %mul3A_1422 = arith.mulf %mul3A_1421, %max3A_1411 : vector<16xf32>
          %mul3A_1423 = arith.mulf %mul3A_1422, %bitcast_convert_type3A_1419 : vector<16xf32>
          %mul3A_1424 = arith.mulf %mul3A_1423, %bitcast_convert_type3A_1419 : vector<16xf32>
          %sub3A_1425 = arith.constant 1.500000e+00 : f32
          %sub3A_1426 = vector.broadcast %sub3A_1425 : f32 to vector<16xf32>
          %sub3A_1427 = arith.subf %sub3A_1426, %mul3A_1424 : vector<16xf32>
          %mul3A_1428 = arith.mulf %bitcast_convert_type3A_1419, %sub3A_1427 : vector<16xf32>
          %mul3A_1429 = arith.mulf %max3A_1411, %mul3A_1428 : vector<16xf32>
          %sub3A_1430 = vector.broadcast %scan3A_68 : f32 to vector<16xf32>
          %sub3A_1431 = arith.subf %sub3A_1430, %mul3A_1429 : vector<16xf32>
          %max3A_1432 = arith.constant 0.000000e+00 : f32
          %max3A_1433 = vector.broadcast %max3A_1432 : f32 to vector<16xf32>
          %max3A_1434 = arith.maximumf %sub3A_1431, %max3A_1433 : vector<16xf32>
          %jit3A_1435 = arith.constant 0.000000e+00 : f32
          %broadcast_in_dim3A_1436 = vector.broadcast %jit3A_1435 : f32 to vector<16xf32>
          %select_n3A_1437 = arith.select %lt3A_1408, %max3A_1434, %broadcast_in_dim3A_1436 : vector<16xi1>, vector<16xf32>
          %max3A_1438 = arith.maximumf %max3A_1365, %select_n3A_1437 : vector<16xf32>
          %min3A_1439 = arith.minimumf %max3A_1365, %select_n3A_1437 : vector<16xf32>
          %max3A_1440 = arith.maximumf %max3A_1367, %min3A_1439 : vector<16xf32>
          %min3A_1441 = arith.minimumf %max3A_1367, %min3A_1439 : vector<16xf32>
          %max3A_1442 = arith.maximumf %max3A_1369, %min3A_1441 : vector<16xf32>
          %min3A_1443 = arith.minimumf %max3A_1369, %min3A_1441 : vector<16xf32>
          %max3A_1444 = arith.maximumf %max3A_1371, %min3A_1443 : vector<16xf32>
          %min3A_1445 = arith.minimumf %max3A_1371, %min3A_1443 : vector<16xf32>
          %max3A_1446 = arith.maximumf %max3A_1373, %min3A_1445 : vector<16xf32>
          %min3A_1447 = arith.minimumf %max3A_1373, %min3A_1445 : vector<16xf32>
          %max3A_1448 = arith.maximumf %max3A_1375, %min3A_1447 : vector<16xf32>
          %min3A_1449 = arith.minimumf %max3A_1375, %min3A_1447 : vector<16xf32>
          %max3A_1450 = arith.maximumf %max3A_1377, %min3A_1449 : vector<16xf32>
          %min3A_1451 = arith.minimumf %max3A_1377, %min3A_1449 : vector<16xf32>
          %max3A_1452 = arith.maximumf %max3A_1379, %min3A_1451 : vector<16xf32>
          %min3A_1453 = arith.minimumf %max3A_1379, %min3A_1451 : vector<16xf32>
          %max3A_1454 = arith.maximumf %max3A_1381, %min3A_1453 : vector<16xf32>
          %min3A_1455 = arith.minimumf %max3A_1381, %min3A_1453 : vector<16xf32>
          %max3A_1456 = arith.maximumf %max3A_1383, %min3A_1455 : vector<16xf32>
          %min3A_1457 = arith.minimumf %max3A_1383, %min3A_1455 : vector<16xf32>
          %max3A_1458 = arith.maximumf %max3A_1385, %min3A_1457 : vector<16xf32>
          %min3A_1459 = arith.minimumf %max3A_1385, %min3A_1457 : vector<16xf32>
          %slice3A_1460 = vector.extract_strided_slice %get3A_163 {offsets = [13], sizes = [1], strides = [1]} : vector<16xf32> to vector<1xf32>
          %squeeze3A_1461 = vector.extract %slice3A_1460[0] : f32 from vector<1xf32>
          %mul3A_1462 = vector.broadcast %squeeze3A_1461 : f32 to vector<16xf32>
          %mul3A_1463 = arith.mulf %get3A_86, %mul3A_1462 : vector<16xf32>
          %slice3A_1464 = vector.extract_strided_slice %get3A_165 {offsets = [13], sizes = [1], strides = [1]} : vector<16xf32> to vector<1xf32>
          %squeeze3A_1465 = vector.extract %slice3A_1464[0] : f32 from vector<1xf32>
          %mul3A_1466 = vector.broadcast %squeeze3A_1465 : f32 to vector<16xf32>
          %mul3A_1467 = arith.mulf %get3A_88, %mul3A_1466 : vector<16xf32>
          %add3A_1468 = arith.addf %mul3A_1463, %mul3A_1467 : vector<16xf32>
          %slice3A_1469 = vector.extract_strided_slice %get3A_167 {offsets = [13], sizes = [1], strides = [1]} : vector<16xf32> to vector<1xf32>
          %squeeze3A_1470 = vector.extract %slice3A_1469[0] : f32 from vector<1xf32>
          %mul3A_1471 = vector.broadcast %squeeze3A_1470 : f32 to vector<16xf32>
          %mul3A_1472 = arith.mulf %get3A_90, %mul3A_1471 : vector<16xf32>
          %add3A_1473 = arith.addf %add3A_1468, %mul3A_1472 : vector<16xf32>
          %slice3A_1474 = vector.extract_strided_slice %get3A_169 {offsets = [13], sizes = [1], strides = [1]} : vector<16xf32> to vector<1xf32>
          %squeeze3A_1475 = vector.extract %slice3A_1474[0] : f32 from vector<1xf32>
          %add3A_1476 = vector.broadcast %squeeze3A_1475 : f32 to vector<16xf32>
          %add3A_1477 = arith.addf %get3A_92, %add3A_1476 : vector<16xf32>
          %add3A_1478 = arith.addf %add3A_1473, %add3A_1473 : vector<16xf32>
          %sub3A_1479 = arith.subf %add3A_1477, %add3A_1478 : vector<16xf32>
          %lt3A_1480 = vector.broadcast %scan3A_67 : f32 to vector<16xf32>
          %lt3A_1481 = arith.cmpf olt, %sub3A_1479, %lt3A_1480 : vector<16xf32>
          %max3A_1482 = arith.constant 9.99999996E-13 : f32
          %max3A_1483 = vector.broadcast %max3A_1482 : f32 to vector<16xf32>
          %max3A_1484 = arith.maximumf %sub3A_1479, %max3A_1483 : vector<16xf32>
          %bitcast_convert_type3A_1485 = tpu.bitcast %max3A_1484 : vector<16xf32> -> vector<16xi32>
          %shift_right_arithmetic3A_1486 = arith.constant 1 : i32
          %shift_right_arithmetic3A_1487 = vector.broadcast %shift_right_arithmetic3A_1486 : i32 to vector<16xi32>
          %shift_right_arithmetic3A_1488 = arith.shrsi %bitcast_convert_type3A_1485, %shift_right_arithmetic3A_1487 : vector<16xi32>
          %sub3A_1489 = arith.constant 1597463007 : i32
          %sub3A_1490 = vector.broadcast %sub3A_1489 : i32 to vector<16xi32>
          %sub3A_1491 = arith.subi %sub3A_1490, %shift_right_arithmetic3A_1488 : vector<16xi32>
          %bitcast_convert_type3A_1492 = tpu.bitcast %sub3A_1491 : vector<16xi32> -> vector<16xf32>
          %mul3A_1493 = arith.constant 5.000000e-01 : f32
          %mul3A_1494 = vector.broadcast %mul3A_1493 : f32 to vector<16xf32>
          %mul3A_1495 = arith.mulf %mul3A_1494, %max3A_1484 : vector<16xf32>
          %mul3A_1496 = arith.mulf %mul3A_1495, %bitcast_convert_type3A_1492 : vector<16xf32>
          %mul3A_1497 = arith.mulf %mul3A_1496, %bitcast_convert_type3A_1492 : vector<16xf32>
          %sub3A_1498 = arith.constant 1.500000e+00 : f32
          %sub3A_1499 = vector.broadcast %sub3A_1498 : f32 to vector<16xf32>
          %sub3A_1500 = arith.subf %sub3A_1499, %mul3A_1497 : vector<16xf32>
          %mul3A_1501 = arith.mulf %bitcast_convert_type3A_1492, %sub3A_1500 : vector<16xf32>
          %mul3A_1502 = arith.mulf %max3A_1484, %mul3A_1501 : vector<16xf32>
          %sub3A_1503 = vector.broadcast %scan3A_68 : f32 to vector<16xf32>
          %sub3A_1504 = arith.subf %sub3A_1503, %mul3A_1502 : vector<16xf32>
          %max3A_1505 = arith.constant 0.000000e+00 : f32
          %max3A_1506 = vector.broadcast %max3A_1505 : f32 to vector<16xf32>
          %max3A_1507 = arith.maximumf %sub3A_1504, %max3A_1506 : vector<16xf32>
          %jit3A_1508 = arith.constant 0.000000e+00 : f32
          %broadcast_in_dim3A_1509 = vector.broadcast %jit3A_1508 : f32 to vector<16xf32>
          %select_n3A_1510 = arith.select %lt3A_1481, %max3A_1507, %broadcast_in_dim3A_1509 : vector<16xi1>, vector<16xf32>
          %max3A_1511 = arith.maximumf %max3A_1438, %select_n3A_1510 : vector<16xf32>
          %min3A_1512 = arith.minimumf %max3A_1438, %select_n3A_1510 : vector<16xf32>
          %max3A_1513 = arith.maximumf %max3A_1440, %min3A_1512 : vector<16xf32>
          %min3A_1514 = arith.minimumf %max3A_1440, %min3A_1512 : vector<16xf32>
          %max3A_1515 = arith.maximumf %max3A_1442, %min3A_1514 : vector<16xf32>
          %min3A_1516 = arith.minimumf %max3A_1442, %min3A_1514 : vector<16xf32>
          %max3A_1517 = arith.maximumf %max3A_1444, %min3A_1516 : vector<16xf32>
          %min3A_1518 = arith.minimumf %max3A_1444, %min3A_1516 : vector<16xf32>
          %max3A_1519 = arith.maximumf %max3A_1446, %min3A_1518 : vector<16xf32>
          %min3A_1520 = arith.minimumf %max3A_1446, %min3A_1518 : vector<16xf32>
          %max3A_1521 = arith.maximumf %max3A_1448, %min3A_1520 : vector<16xf32>
          %min3A_1522 = arith.minimumf %max3A_1448, %min3A_1520 : vector<16xf32>
          %max3A_1523 = arith.maximumf %max3A_1450, %min3A_1522 : vector<16xf32>
          %min3A_1524 = arith.minimumf %max3A_1450, %min3A_1522 : vector<16xf32>
          %max3A_1525 = arith.maximumf %max3A_1452, %min3A_1524 : vector<16xf32>
          %min3A_1526 = arith.minimumf %max3A_1452, %min3A_1524 : vector<16xf32>
          %max3A_1527 = arith.maximumf %max3A_1454, %min3A_1526 : vector<16xf32>
          %min3A_1528 = arith.minimumf %max3A_1454, %min3A_1526 : vector<16xf32>
          %max3A_1529 = arith.maximumf %max3A_1456, %min3A_1528 : vector<16xf32>
          %min3A_1530 = arith.minimumf %max3A_1456, %min3A_1528 : vector<16xf32>
          %max3A_1531 = arith.maximumf %max3A_1458, %min3A_1530 : vector<16xf32>
          %min3A_1532 = arith.minimumf %max3A_1458, %min3A_1530 : vector<16xf32>
          %slice3A_1533 = vector.extract_strided_slice %get3A_163 {offsets = [14], sizes = [1], strides = [1]} : vector<16xf32> to vector<1xf32>
          %squeeze3A_1534 = vector.extract %slice3A_1533[0] : f32 from vector<1xf32>
          %mul3A_1535 = vector.broadcast %squeeze3A_1534 : f32 to vector<16xf32>
          %mul3A_1536 = arith.mulf %get3A_86, %mul3A_1535 : vector<16xf32>
          %slice3A_1537 = vector.extract_strided_slice %get3A_165 {offsets = [14], sizes = [1], strides = [1]} : vector<16xf32> to vector<1xf32>
          %squeeze3A_1538 = vector.extract %slice3A_1537[0] : f32 from vector<1xf32>
          %mul3A_1539 = vector.broadcast %squeeze3A_1538 : f32 to vector<16xf32>
          %mul3A_1540 = arith.mulf %get3A_88, %mul3A_1539 : vector<16xf32>
          %add3A_1541 = arith.addf %mul3A_1536, %mul3A_1540 : vector<16xf32>
          %slice3A_1542 = vector.extract_strided_slice %get3A_167 {offsets = [14], sizes = [1], strides = [1]} : vector<16xf32> to vector<1xf32>
          %squeeze3A_1543 = vector.extract %slice3A_1542[0] : f32 from vector<1xf32>
          %mul3A_1544 = vector.broadcast %squeeze3A_1543 : f32 to vector<16xf32>
          %mul3A_1545 = arith.mulf %get3A_90, %mul3A_1544 : vector<16xf32>
          %add3A_1546 = arith.addf %add3A_1541, %mul3A_1545 : vector<16xf32>
          %slice3A_1547 = vector.extract_strided_slice %get3A_169 {offsets = [14], sizes = [1], strides = [1]} : vector<16xf32> to vector<1xf32>
          %squeeze3A_1548 = vector.extract %slice3A_1547[0] : f32 from vector<1xf32>
          %add3A_1549 = vector.broadcast %squeeze3A_1548 : f32 to vector<16xf32>
          %add3A_1550 = arith.addf %get3A_92, %add3A_1549 : vector<16xf32>
          %add3A_1551 = arith.addf %add3A_1546, %add3A_1546 : vector<16xf32>
          %sub3A_1552 = arith.subf %add3A_1550, %add3A_1551 : vector<16xf32>
          %lt3A_1553 = vector.broadcast %scan3A_67 : f32 to vector<16xf32>
          %lt3A_1554 = arith.cmpf olt, %sub3A_1552, %lt3A_1553 : vector<16xf32>
          %max3A_1555 = arith.constant 9.99999996E-13 : f32
          %max3A_1556 = vector.broadcast %max3A_1555 : f32 to vector<16xf32>
          %max3A_1557 = arith.maximumf %sub3A_1552, %max3A_1556 : vector<16xf32>
          %bitcast_convert_type3A_1558 = tpu.bitcast %max3A_1557 : vector<16xf32> -> vector<16xi32>
          %shift_right_arithmetic3A_1559 = arith.constant 1 : i32
          %shift_right_arithmetic3A_1560 = vector.broadcast %shift_right_arithmetic3A_1559 : i32 to vector<16xi32>
          %shift_right_arithmetic3A_1561 = arith.shrsi %bitcast_convert_type3A_1558, %shift_right_arithmetic3A_1560 : vector<16xi32>
          %sub3A_1562 = arith.constant 1597463007 : i32
          %sub3A_1563 = vector.broadcast %sub3A_1562 : i32 to vector<16xi32>
          %sub3A_1564 = arith.subi %sub3A_1563, %shift_right_arithmetic3A_1561 : vector<16xi32>
          %bitcast_convert_type3A_1565 = tpu.bitcast %sub3A_1564 : vector<16xi32> -> vector<16xf32>
          %mul3A_1566 = arith.constant 5.000000e-01 : f32
          %mul3A_1567 = vector.broadcast %mul3A_1566 : f32 to vector<16xf32>
          %mul3A_1568 = arith.mulf %mul3A_1567, %max3A_1557 : vector<16xf32>
          %mul3A_1569 = arith.mulf %mul3A_1568, %bitcast_convert_type3A_1565 : vector<16xf32>
          %mul3A_1570 = arith.mulf %mul3A_1569, %bitcast_convert_type3A_1565 : vector<16xf32>
          %sub3A_1571 = arith.constant 1.500000e+00 : f32
          %sub3A_1572 = vector.broadcast %sub3A_1571 : f32 to vector<16xf32>
          %sub3A_1573 = arith.subf %sub3A_1572, %mul3A_1570 : vector<16xf32>
          %mul3A_1574 = arith.mulf %bitcast_convert_type3A_1565, %sub3A_1573 : vector<16xf32>
          %mul3A_1575 = arith.mulf %max3A_1557, %mul3A_1574 : vector<16xf32>
          %sub3A_1576 = vector.broadcast %scan3A_68 : f32 to vector<16xf32>
          %sub3A_1577 = arith.subf %sub3A_1576, %mul3A_1575 : vector<16xf32>
          %max3A_1578 = arith.constant 0.000000e+00 : f32
          %max3A_1579 = vector.broadcast %max3A_1578 : f32 to vector<16xf32>
          %max3A_1580 = arith.maximumf %sub3A_1577, %max3A_1579 : vector<16xf32>
          %jit3A_1581 = arith.constant 0.000000e+00 : f32
          %broadcast_in_dim3A_1582 = vector.broadcast %jit3A_1581 : f32 to vector<16xf32>
          %select_n3A_1583 = arith.select %lt3A_1554, %max3A_1580, %broadcast_in_dim3A_1582 : vector<16xi1>, vector<16xf32>
          %max3A_1584 = arith.maximumf %max3A_1511, %select_n3A_1583 : vector<16xf32>
          %min3A_1585 = arith.minimumf %max3A_1511, %select_n3A_1583 : vector<16xf32>
          %max3A_1586 = arith.maximumf %max3A_1513, %min3A_1585 : vector<16xf32>
          %min3A_1587 = arith.minimumf %max3A_1513, %min3A_1585 : vector<16xf32>
          %max3A_1588 = arith.maximumf %max3A_1515, %min3A_1587 : vector<16xf32>
          %min3A_1589 = arith.minimumf %max3A_1515, %min3A_1587 : vector<16xf32>
          %max3A_1590 = arith.maximumf %max3A_1517, %min3A_1589 : vector<16xf32>
          %min3A_1591 = arith.minimumf %max3A_1517, %min3A_1589 : vector<16xf32>
          %max3A_1592 = arith.maximumf %max3A_1519, %min3A_1591 : vector<16xf32>
          %min3A_1593 = arith.minimumf %max3A_1519, %min3A_1591 : vector<16xf32>
          %max3A_1594 = arith.maximumf %max3A_1521, %min3A_1593 : vector<16xf32>
          %min3A_1595 = arith.minimumf %max3A_1521, %min3A_1593 : vector<16xf32>
          %max3A_1596 = arith.maximumf %max3A_1523, %min3A_1595 : vector<16xf32>
          %min3A_1597 = arith.minimumf %max3A_1523, %min3A_1595 : vector<16xf32>
          %max3A_1598 = arith.maximumf %max3A_1525, %min3A_1597 : vector<16xf32>
          %min3A_1599 = arith.minimumf %max3A_1525, %min3A_1597 : vector<16xf32>
          %max3A_1600 = arith.maximumf %max3A_1527, %min3A_1599 : vector<16xf32>
          %min3A_1601 = arith.minimumf %max3A_1527, %min3A_1599 : vector<16xf32>
          %max3A_1602 = arith.maximumf %max3A_1529, %min3A_1601 : vector<16xf32>
          %min3A_1603 = arith.minimumf %max3A_1529, %min3A_1601 : vector<16xf32>
          %max3A_1604 = arith.maximumf %max3A_1531, %min3A_1603 : vector<16xf32>
          %min3A_1605 = arith.minimumf %max3A_1531, %min3A_1603 : vector<16xf32>
          %slice3A_1606 = vector.extract_strided_slice %get3A_163 {offsets = [15], sizes = [1], strides = [1]} : vector<16xf32> to vector<1xf32>
          %squeeze3A_1607 = vector.extract %slice3A_1606[0] : f32 from vector<1xf32>
          %mul3A_1608 = vector.broadcast %squeeze3A_1607 : f32 to vector<16xf32>
          %mul3A_1609 = arith.mulf %get3A_86, %mul3A_1608 : vector<16xf32>
          %slice3A_1610 = vector.extract_strided_slice %get3A_165 {offsets = [15], sizes = [1], strides = [1]} : vector<16xf32> to vector<1xf32>
          %squeeze3A_1611 = vector.extract %slice3A_1610[0] : f32 from vector<1xf32>
          %mul3A_1612 = vector.broadcast %squeeze3A_1611 : f32 to vector<16xf32>
          %mul3A_1613 = arith.mulf %get3A_88, %mul3A_1612 : vector<16xf32>
          %add3A_1614 = arith.addf %mul3A_1609, %mul3A_1613 : vector<16xf32>
          %slice3A_1615 = vector.extract_strided_slice %get3A_167 {offsets = [15], sizes = [1], strides = [1]} : vector<16xf32> to vector<1xf32>
          %squeeze3A_1616 = vector.extract %slice3A_1615[0] : f32 from vector<1xf32>
          %mul3A_1617 = vector.broadcast %squeeze3A_1616 : f32 to vector<16xf32>
          %mul3A_1618 = arith.mulf %get3A_90, %mul3A_1617 : vector<16xf32>
          %add3A_1619 = arith.addf %add3A_1614, %mul3A_1618 : vector<16xf32>
          %slice3A_1620 = vector.extract_strided_slice %get3A_169 {offsets = [15], sizes = [1], strides = [1]} : vector<16xf32> to vector<1xf32>
          %squeeze3A_1621 = vector.extract %slice3A_1620[0] : f32 from vector<1xf32>
          %add3A_1622 = vector.broadcast %squeeze3A_1621 : f32 to vector<16xf32>
          %add3A_1623 = arith.addf %get3A_92, %add3A_1622 : vector<16xf32>
          %add3A_1624 = arith.addf %add3A_1619, %add3A_1619 : vector<16xf32>
          %sub3A_1625 = arith.subf %add3A_1623, %add3A_1624 : vector<16xf32>
          %lt3A_1626 = vector.broadcast %scan3A_67 : f32 to vector<16xf32>
          %lt3A_1627 = arith.cmpf olt, %sub3A_1625, %lt3A_1626 : vector<16xf32>
          %max3A_1628 = arith.constant 9.99999996E-13 : f32
          %max3A_1629 = vector.broadcast %max3A_1628 : f32 to vector<16xf32>
          %max3A_1630 = arith.maximumf %sub3A_1625, %max3A_1629 : vector<16xf32>
          %bitcast_convert_type3A_1631 = tpu.bitcast %max3A_1630 : vector<16xf32> -> vector<16xi32>
          %shift_right_arithmetic3A_1632 = arith.constant 1 : i32
          %shift_right_arithmetic3A_1633 = vector.broadcast %shift_right_arithmetic3A_1632 : i32 to vector<16xi32>
          %shift_right_arithmetic3A_1634 = arith.shrsi %bitcast_convert_type3A_1631, %shift_right_arithmetic3A_1633 : vector<16xi32>
          %sub3A_1635 = arith.constant 1597463007 : i32
          %sub3A_1636 = vector.broadcast %sub3A_1635 : i32 to vector<16xi32>
          %sub3A_1637 = arith.subi %sub3A_1636, %shift_right_arithmetic3A_1634 : vector<16xi32>
          %bitcast_convert_type3A_1638 = tpu.bitcast %sub3A_1637 : vector<16xi32> -> vector<16xf32>
          %mul3A_1639 = arith.constant 5.000000e-01 : f32
          %mul3A_1640 = vector.broadcast %mul3A_1639 : f32 to vector<16xf32>
          %mul3A_1641 = arith.mulf %mul3A_1640, %max3A_1630 : vector<16xf32>
          %mul3A_1642 = arith.mulf %mul3A_1641, %bitcast_convert_type3A_1638 : vector<16xf32>
          %mul3A_1643 = arith.mulf %mul3A_1642, %bitcast_convert_type3A_1638 : vector<16xf32>
          %sub3A_1644 = arith.constant 1.500000e+00 : f32
          %sub3A_1645 = vector.broadcast %sub3A_1644 : f32 to vector<16xf32>
          %sub3A_1646 = arith.subf %sub3A_1645, %mul3A_1643 : vector<16xf32>
          %mul3A_1647 = arith.mulf %bitcast_convert_type3A_1638, %sub3A_1646 : vector<16xf32>
          %mul3A_1648 = arith.mulf %max3A_1630, %mul3A_1647 : vector<16xf32>
          %sub3A_1649 = vector.broadcast %scan3A_68 : f32 to vector<16xf32>
          %sub3A_1650 = arith.subf %sub3A_1649, %mul3A_1648 : vector<16xf32>
          %max3A_1651 = arith.constant 0.000000e+00 : f32
          %max3A_1652 = vector.broadcast %max3A_1651 : f32 to vector<16xf32>
          %max3A_1653 = arith.maximumf %sub3A_1650, %max3A_1652 : vector<16xf32>
          %jit3A_1654 = arith.constant 0.000000e+00 : f32
          %broadcast_in_dim3A_1655 = vector.broadcast %jit3A_1654 : f32 to vector<16xf32>
          %select_n3A_1656 = arith.select %lt3A_1627, %max3A_1653, %broadcast_in_dim3A_1655 : vector<16xi1>, vector<16xf32>
          %max3A_1657 = arith.maximumf %max3A_1584, %select_n3A_1656 : vector<16xf32>
          %min3A_1658 = arith.minimumf %max3A_1584, %select_n3A_1656 : vector<16xf32>
          %max3A_1659 = arith.maximumf %max3A_1586, %min3A_1658 : vector<16xf32>
          %min3A_1660 = arith.minimumf %max3A_1586, %min3A_1658 : vector<16xf32>
          %max3A_1661 = arith.maximumf %max3A_1588, %min3A_1660 : vector<16xf32>
          %min3A_1662 = arith.minimumf %max3A_1588, %min3A_1660 : vector<16xf32>
          %max3A_1663 = arith.maximumf %max3A_1590, %min3A_1662 : vector<16xf32>
          %min3A_1664 = arith.minimumf %max3A_1590, %min3A_1662 : vector<16xf32>
          %max3A_1665 = arith.maximumf %max3A_1592, %min3A_1664 : vector<16xf32>
          %min3A_1666 = arith.minimumf %max3A_1592, %min3A_1664 : vector<16xf32>
          %max3A_1667 = arith.maximumf %max3A_1594, %min3A_1666 : vector<16xf32>
          %min3A_1668 = arith.minimumf %max3A_1594, %min3A_1666 : vector<16xf32>
          %max3A_1669 = arith.maximumf %max3A_1596, %min3A_1668 : vector<16xf32>
          %min3A_1670 = arith.minimumf %max3A_1596, %min3A_1668 : vector<16xf32>
          %max3A_1671 = arith.maximumf %max3A_1598, %min3A_1670 : vector<16xf32>
          %min3A_1672 = arith.minimumf %max3A_1598, %min3A_1670 : vector<16xf32>
          %max3A_1673 = arith.maximumf %max3A_1600, %min3A_1672 : vector<16xf32>
          %min3A_1674 = arith.minimumf %max3A_1600, %min3A_1672 : vector<16xf32>
          %max3A_1675 = arith.maximumf %max3A_1602, %min3A_1674 : vector<16xf32>
          %min3A_1676 = arith.minimumf %max3A_1602, %min3A_1674 : vector<16xf32>
          %max3A_1677 = arith.maximumf %max3A_1604, %min3A_1676 : vector<16xf32>
          %min3A_1678 = arith.minimumf %max3A_1604, %min3A_1676 : vector<16xf32>
          scf.yield %max3A_1657, %max3A_1659, %max3A_1661, %max3A_1663, %max3A_1665, %max3A_1667, %max3A_1669, %max3A_1671, %max3A_1673, %max3A_1675, %max3A_1677 : vector<16xf32>, vector<16xf32>, vector<16xf32>, vector<16xf32>, vector<16xf32>, vector<16xf32>, vector<16xf32>, vector<16xf32>, vector<16xf32>, vector<16xf32>, vector<16xf32>
        } else {
          scf.yield %while3A_149, %while3A_150, %while3A_151, %while3A_152, %while3A_153, %while3A_154, %while3A_155, %while3A_156, %while3A_157, %while3A_158, %while3A_159 : vector<16xf32>, vector<16xf32>, vector<16xf32>, vector<16xf32>, vector<16xf32>, vector<16xf32>, vector<16xf32>, vector<16xf32>, vector<16xf32>, vector<16xf32>, vector<16xf32>
        }
        scf.yield %cond3A_512#0, %cond3A_512#1, %cond3A_512#2, %cond3A_512#3, %cond3A_512#4, %cond3A_512#5, %cond3A_512#6, %cond3A_512#7, %cond3A_512#8, %cond3A_512#9, %cond3A_512#10 : vector<16xf32>, vector<16xf32>, vector<16xf32>, vector<16xf32>, vector<16xf32>, vector<16xf32>, vector<16xf32>, vector<16xf32>, vector<16xf32>, vector<16xf32>, vector<16xf32>
      }
      %while3A_136 = arith.constant 1 : i32
      %while3A_137:11 = scf.for %while3A_148 = %while3A_133 to %while3A_129 step %while3A_136 iter_args(%while3A_149 = %while3A_135#0, %while3A_150 = %while3A_135#1, %while3A_151 = %while3A_135#2, %while3A_152 = %while3A_135#3, %while3A_153 = %while3A_135#4, %while3A_154 = %while3A_135#5, %while3A_155 = %while3A_135#6, %while3A_156 = %while3A_135#7, %while3A_157 = %while3A_135#8, %while3A_158 = %while3A_135#9, %while3A_159 = %while3A_135#10) -> (vector<16xf32>, vector<16xf32>, vector<16xf32>, vector<16xf32>, vector<16xf32>, vector<16xf32>, vector<16xf32>, vector<16xf32>, vector<16xf32>, vector<16xf32>, vector<16xf32>)  : i32 {
        %mul3A_160 = arith.constant 16 : i32
        %mul3A_161 = arith.muli %while3A_148, %mul3A_160 : i32
        %get3A_162 = arith.index_cast %mul3A_161 : i32 to index
        %get3A_163 = tpu.vector_load %arg6[%get3A_162] {strides = array<i32>} : memref<2048xf32, #tpu.memory_space<vmem>>, vector<16xf32>,
        %get3A_164 = arith.index_cast %mul3A_161 : i32 to index
        %get3A_165 = tpu.vector_load %arg7[%get3A_164] {strides = array<i32>} : memref<2048xf32, #tpu.memory_space<vmem>>, vector<16xf32>,
        %get3A_166 = arith.index_cast %mul3A_161 : i32 to index
        %get3A_167 = tpu.vector_load %arg8[%get3A_166] {strides = array<i32>} : memref<2048xf32, #tpu.memory_space<vmem>>, vector<16xf32>,
        %get3A_168 = arith.index_cast %mul3A_161 : i32 to index
        %get3A_169 = tpu.vector_load %arg9[%get3A_168] {strides = array<i32>} : memref<2048xf32, #tpu.memory_space<vmem>>, vector<16xf32>,
        %slice3A_170 = vector.extract_strided_slice %get3A_163 {offsets = [0], sizes = [1], strides = [1]} : vector<16xf32> to vector<1xf32>
        %squeeze3A_171 = vector.extract %slice3A_170[0] : f32 from vector<1xf32>
        %mul3A_172 = vector.broadcast %squeeze3A_171 : f32 to vector<16xf32>
        %mul3A_173 = arith.mulf %get3A_86, %mul3A_172 : vector<16xf32>
        %slice3A_174 = vector.extract_strided_slice %get3A_165 {offsets = [0], sizes = [1], strides = [1]} : vector<16xf32> to vector<1xf32>
        %squeeze3A_175 = vector.extract %slice3A_174[0] : f32 from vector<1xf32>
        %mul3A_176 = vector.broadcast %squeeze3A_175 : f32 to vector<16xf32>
        %mul3A_177 = arith.mulf %get3A_88, %mul3A_176 : vector<16xf32>
        %add3A_178 = arith.addf %mul3A_173, %mul3A_177 : vector<16xf32>
        %slice3A_179 = vector.extract_strided_slice %get3A_167 {offsets = [0], sizes = [1], strides = [1]} : vector<16xf32> to vector<1xf32>
        %squeeze3A_180 = vector.extract %slice3A_179[0] : f32 from vector<1xf32>
        %mul3A_181 = vector.broadcast %squeeze3A_180 : f32 to vector<16xf32>
        %mul3A_182 = arith.mulf %get3A_90, %mul3A_181 : vector<16xf32>
        %add3A_183 = arith.addf %add3A_178, %mul3A_182 : vector<16xf32>
        %slice3A_184 = vector.extract_strided_slice %get3A_169 {offsets = [0], sizes = [1], strides = [1]} : vector<16xf32> to vector<1xf32>
        %squeeze3A_185 = vector.extract %slice3A_184[0] : f32 from vector<1xf32>
        %add3A_186 = vector.broadcast %squeeze3A_185 : f32 to vector<16xf32>
        %add3A_187 = arith.addf %get3A_92, %add3A_186 : vector<16xf32>
        %add3A_188 = arith.addf %add3A_183, %add3A_183 : vector<16xf32>
        %sub3A_189 = arith.subf %add3A_187, %add3A_188 : vector<16xf32>
        %slice3A_190 = vector.extract_strided_slice %get3A_163 {offsets = [1], sizes = [1], strides = [1]} : vector<16xf32> to vector<1xf32>
        %squeeze3A_191 = vector.extract %slice3A_190[0] : f32 from vector<1xf32>
        %mul3A_192 = vector.broadcast %squeeze3A_191 : f32 to vector<16xf32>
        %mul3A_193 = arith.mulf %get3A_86, %mul3A_192 : vector<16xf32>
        %slice3A_194 = vector.extract_strided_slice %get3A_165 {offsets = [1], sizes = [1], strides = [1]} : vector<16xf32> to vector<1xf32>
        %squeeze3A_195 = vector.extract %slice3A_194[0] : f32 from vector<1xf32>
        %mul3A_196 = vector.broadcast %squeeze3A_195 : f32 to vector<16xf32>
        %mul3A_197 = arith.mulf %get3A_88, %mul3A_196 : vector<16xf32>
        %add3A_198 = arith.addf %mul3A_193, %mul3A_197 : vector<16xf32>
        %slice3A_199 = vector.extract_strided_slice %get3A_167 {offsets = [1], sizes = [1], strides = [1]} : vector<16xf32> to vector<1xf32>
        %squeeze3A_200 = vector.extract %slice3A_199[0] : f32 from vector<1xf32>
        %mul3A_201 = vector.broadcast %squeeze3A_200 : f32 to vector<16xf32>
        %mul3A_202 = arith.mulf %get3A_90, %mul3A_201 : vector<16xf32>
        %add3A_203 = arith.addf %add3A_198, %mul3A_202 : vector<16xf32>
        %slice3A_204 = vector.extract_strided_slice %get3A_169 {offsets = [1], sizes = [1], strides = [1]} : vector<16xf32> to vector<1xf32>
        %squeeze3A_205 = vector.extract %slice3A_204[0] : f32 from vector<1xf32>
        %add3A_206 = vector.broadcast %squeeze3A_205 : f32 to vector<16xf32>
        %add3A_207 = arith.addf %get3A_92, %add3A_206 : vector<16xf32>
        %add3A_208 = arith.addf %add3A_203, %add3A_203 : vector<16xf32>
        %sub3A_209 = arith.subf %add3A_207, %add3A_208 : vector<16xf32>
        %min3A_210 = arith.minimumf %sub3A_189, %sub3A_209 : vector<16xf32>
        %slice3A_211 = vector.extract_strided_slice %get3A_163 {offsets = [2], sizes = [1], strides = [1]} : vector<16xf32> to vector<1xf32>
        %squeeze3A_212 = vector.extract %slice3A_211[0] : f32 from vector<1xf32>
        %mul3A_213 = vector.broadcast %squeeze3A_212 : f32 to vector<16xf32>
        %mul3A_214 = arith.mulf %get3A_86, %mul3A_213 : vector<16xf32>
        %slice3A_215 = vector.extract_strided_slice %get3A_165 {offsets = [2], sizes = [1], strides = [1]} : vector<16xf32> to vector<1xf32>
        %squeeze3A_216 = vector.extract %slice3A_215[0] : f32 from vector<1xf32>
        %mul3A_217 = vector.broadcast %squeeze3A_216 : f32 to vector<16xf32>
        %mul3A_218 = arith.mulf %get3A_88, %mul3A_217 : vector<16xf32>
        %add3A_219 = arith.addf %mul3A_214, %mul3A_218 : vector<16xf32>
        %slice3A_220 = vector.extract_strided_slice %get3A_167 {offsets = [2], sizes = [1], strides = [1]} : vector<16xf32> to vector<1xf32>
        %squeeze3A_221 = vector.extract %slice3A_220[0] : f32 from vector<1xf32>
        %mul3A_222 = vector.broadcast %squeeze3A_221 : f32 to vector<16xf32>
        %mul3A_223 = arith.mulf %get3A_90, %mul3A_222 : vector<16xf32>
        %add3A_224 = arith.addf %add3A_219, %mul3A_223 : vector<16xf32>
        %slice3A_225 = vector.extract_strided_slice %get3A_169 {offsets = [2], sizes = [1], strides = [1]} : vector<16xf32> to vector<1xf32>
        %squeeze3A_226 = vector.extract %slice3A_225[0] : f32 from vector<1xf32>
        %add3A_227 = vector.broadcast %squeeze3A_226 : f32 to vector<16xf32>
        %add3A_228 = arith.addf %get3A_92, %add3A_227 : vector<16xf32>
        %add3A_229 = arith.addf %add3A_224, %add3A_224 : vector<16xf32>
        %sub3A_230 = arith.subf %add3A_228, %add3A_229 : vector<16xf32>
        %min3A_231 = arith.minimumf %min3A_210, %sub3A_230 : vector<16xf32>
        %slice3A_232 = vector.extract_strided_slice %get3A_163 {offsets = [3], sizes = [1], strides = [1]} : vector<16xf32> to vector<1xf32>
        %squeeze3A_233 = vector.extract %slice3A_232[0] : f32 from vector<1xf32>
        %mul3A_234 = vector.broadcast %squeeze3A_233 : f32 to vector<16xf32>
        %mul3A_235 = arith.mulf %get3A_86, %mul3A_234 : vector<16xf32>
        %slice3A_236 = vector.extract_strided_slice %get3A_165 {offsets = [3], sizes = [1], strides = [1]} : vector<16xf32> to vector<1xf32>
        %squeeze3A_237 = vector.extract %slice3A_236[0] : f32 from vector<1xf32>
        %mul3A_238 = vector.broadcast %squeeze3A_237 : f32 to vector<16xf32>
        %mul3A_239 = arith.mulf %get3A_88, %mul3A_238 : vector<16xf32>
        %add3A_240 = arith.addf %mul3A_235, %mul3A_239 : vector<16xf32>
        %slice3A_241 = vector.extract_strided_slice %get3A_167 {offsets = [3], sizes = [1], strides = [1]} : vector<16xf32> to vector<1xf32>
        %squeeze3A_242 = vector.extract %slice3A_241[0] : f32 from vector<1xf32>
        %mul3A_243 = vector.broadcast %squeeze3A_242 : f32 to vector<16xf32>
        %mul3A_244 = arith.mulf %get3A_90, %mul3A_243 : vector<16xf32>
        %add3A_245 = arith.addf %add3A_240, %mul3A_244 : vector<16xf32>
        %slice3A_246 = vector.extract_strided_slice %get3A_169 {offsets = [3], sizes = [1], strides = [1]} : vector<16xf32> to vector<1xf32>
        %squeeze3A_247 = vector.extract %slice3A_246[0] : f32 from vector<1xf32>
        %add3A_248 = vector.broadcast %squeeze3A_247 : f32 to vector<16xf32>
        %add3A_249 = arith.addf %get3A_92, %add3A_248 : vector<16xf32>
        %add3A_250 = arith.addf %add3A_245, %add3A_245 : vector<16xf32>
        %sub3A_251 = arith.subf %add3A_249, %add3A_250 : vector<16xf32>
        %min3A_252 = arith.minimumf %min3A_231, %sub3A_251 : vector<16xf32>
        %slice3A_253 = vector.extract_strided_slice %get3A_163 {offsets = [4], sizes = [1], strides = [1]} : vector<16xf32> to vector<1xf32>
        %squeeze3A_254 = vector.extract %slice3A_253[0] : f32 from vector<1xf32>
        %mul3A_255 = vector.broadcast %squeeze3A_254 : f32 to vector<16xf32>
        %mul3A_256 = arith.mulf %get3A_86, %mul3A_255 : vector<16xf32>
        %slice3A_257 = vector.extract_strided_slice %get3A_165 {offsets = [4], sizes = [1], strides = [1]} : vector<16xf32> to vector<1xf32>
        %squeeze3A_258 = vector.extract %slice3A_257[0] : f32 from vector<1xf32>
        %mul3A_259 = vector.broadcast %squeeze3A_258 : f32 to vector<16xf32>
        %mul3A_260 = arith.mulf %get3A_88, %mul3A_259 : vector<16xf32>
        %add3A_261 = arith.addf %mul3A_256, %mul3A_260 : vector<16xf32>
        %slice3A_262 = vector.extract_strided_slice %get3A_167 {offsets = [4], sizes = [1], strides = [1]} : vector<16xf32> to vector<1xf32>
        %squeeze3A_263 = vector.extract %slice3A_262[0] : f32 from vector<1xf32>
        %mul3A_264 = vector.broadcast %squeeze3A_263 : f32 to vector<16xf32>
        %mul3A_265 = arith.mulf %get3A_90, %mul3A_264 : vector<16xf32>
        %add3A_266 = arith.addf %add3A_261, %mul3A_265 : vector<16xf32>
        %slice3A_267 = vector.extract_strided_slice %get3A_169 {offsets = [4], sizes = [1], strides = [1]} : vector<16xf32> to vector<1xf32>
        %squeeze3A_268 = vector.extract %slice3A_267[0] : f32 from vector<1xf32>
        %add3A_269 = vector.broadcast %squeeze3A_268 : f32 to vector<16xf32>
        %add3A_270 = arith.addf %get3A_92, %add3A_269 : vector<16xf32>
        %add3A_271 = arith.addf %add3A_266, %add3A_266 : vector<16xf32>
        %sub3A_272 = arith.subf %add3A_270, %add3A_271 : vector<16xf32>
        %min3A_273 = arith.minimumf %min3A_252, %sub3A_272 : vector<16xf32>
        %slice3A_274 = vector.extract_strided_slice %get3A_163 {offsets = [5], sizes = [1], strides = [1]} : vector<16xf32> to vector<1xf32>
        %squeeze3A_275 = vector.extract %slice3A_274[0] : f32 from vector<1xf32>
        %mul3A_276 = vector.broadcast %squeeze3A_275 : f32 to vector<16xf32>
        %mul3A_277 = arith.mulf %get3A_86, %mul3A_276 : vector<16xf32>
        %slice3A_278 = vector.extract_strided_slice %get3A_165 {offsets = [5], sizes = [1], strides = [1]} : vector<16xf32> to vector<1xf32>
        %squeeze3A_279 = vector.extract %slice3A_278[0] : f32 from vector<1xf32>
        %mul3A_280 = vector.broadcast %squeeze3A_279 : f32 to vector<16xf32>
        %mul3A_281 = arith.mulf %get3A_88, %mul3A_280 : vector<16xf32>
        %add3A_282 = arith.addf %mul3A_277, %mul3A_281 : vector<16xf32>
        %slice3A_283 = vector.extract_strided_slice %get3A_167 {offsets = [5], sizes = [1], strides = [1]} : vector<16xf32> to vector<1xf32>
        %squeeze3A_284 = vector.extract %slice3A_283[0] : f32 from vector<1xf32>
        %mul3A_285 = vector.broadcast %squeeze3A_284 : f32 to vector<16xf32>
        %mul3A_286 = arith.mulf %get3A_90, %mul3A_285 : vector<16xf32>
        %add3A_287 = arith.addf %add3A_282, %mul3A_286 : vector<16xf32>
        %slice3A_288 = vector.extract_strided_slice %get3A_169 {offsets = [5], sizes = [1], strides = [1]} : vector<16xf32> to vector<1xf32>
        %squeeze3A_289 = vector.extract %slice3A_288[0] : f32 from vector<1xf32>
        %add3A_290 = vector.broadcast %squeeze3A_289 : f32 to vector<16xf32>
        %add3A_291 = arith.addf %get3A_92, %add3A_290 : vector<16xf32>
        %add3A_292 = arith.addf %add3A_287, %add3A_287 : vector<16xf32>
        %sub3A_293 = arith.subf %add3A_291, %add3A_292 : vector<16xf32>
        %min3A_294 = arith.minimumf %min3A_273, %sub3A_293 : vector<16xf32>
        %slice3A_295 = vector.extract_strided_slice %get3A_163 {offsets = [6], sizes = [1], strides = [1]} : vector<16xf32> to vector<1xf32>
        %squeeze3A_296 = vector.extract %slice3A_295[0] : f32 from vector<1xf32>
        %mul3A_297 = vector.broadcast %squeeze3A_296 : f32 to vector<16xf32>
        %mul3A_298 = arith.mulf %get3A_86, %mul3A_297 : vector<16xf32>
        %slice3A_299 = vector.extract_strided_slice %get3A_165 {offsets = [6], sizes = [1], strides = [1]} : vector<16xf32> to vector<1xf32>
        %squeeze3A_300 = vector.extract %slice3A_299[0] : f32 from vector<1xf32>
        %mul3A_301 = vector.broadcast %squeeze3A_300 : f32 to vector<16xf32>
        %mul3A_302 = arith.mulf %get3A_88, %mul3A_301 : vector<16xf32>
        %add3A_303 = arith.addf %mul3A_298, %mul3A_302 : vector<16xf32>
        %slice3A_304 = vector.extract_strided_slice %get3A_167 {offsets = [6], sizes = [1], strides = [1]} : vector<16xf32> to vector<1xf32>
        %squeeze3A_305 = vector.extract %slice3A_304[0] : f32 from vector<1xf32>
        %mul3A_306 = vector.broadcast %squeeze3A_305 : f32 to vector<16xf32>
        %mul3A_307 = arith.mulf %get3A_90, %mul3A_306 : vector<16xf32>
        %add3A_308 = arith.addf %add3A_303, %mul3A_307 : vector<16xf32>
        %slice3A_309 = vector.extract_strided_slice %get3A_169 {offsets = [6], sizes = [1], strides = [1]} : vector<16xf32> to vector<1xf32>
        %squeeze3A_310 = vector.extract %slice3A_309[0] : f32 from vector<1xf32>
        %add3A_311 = vector.broadcast %squeeze3A_310 : f32 to vector<16xf32>
        %add3A_312 = arith.addf %get3A_92, %add3A_311 : vector<16xf32>
        %add3A_313 = arith.addf %add3A_308, %add3A_308 : vector<16xf32>
        %sub3A_314 = arith.subf %add3A_312, %add3A_313 : vector<16xf32>
        %min3A_315 = arith.minimumf %min3A_294, %sub3A_314 : vector<16xf32>
        %slice3A_316 = vector.extract_strided_slice %get3A_163 {offsets = [7], sizes = [1], strides = [1]} : vector<16xf32> to vector<1xf32>
        %squeeze3A_317 = vector.extract %slice3A_316[0] : f32 from vector<1xf32>
        %mul3A_318 = vector.broadcast %squeeze3A_317 : f32 to vector<16xf32>
        %mul3A_319 = arith.mulf %get3A_86, %mul3A_318 : vector<16xf32>
        %slice3A_320 = vector.extract_strided_slice %get3A_165 {offsets = [7], sizes = [1], strides = [1]} : vector<16xf32> to vector<1xf32>
        %squeeze3A_321 = vector.extract %slice3A_320[0] : f32 from vector<1xf32>
        %mul3A_322 = vector.broadcast %squeeze3A_321 : f32 to vector<16xf32>
        %mul3A_323 = arith.mulf %get3A_88, %mul3A_322 : vector<16xf32>
        %add3A_324 = arith.addf %mul3A_319, %mul3A_323 : vector<16xf32>
        %slice3A_325 = vector.extract_strided_slice %get3A_167 {offsets = [7], sizes = [1], strides = [1]} : vector<16xf32> to vector<1xf32>
        %squeeze3A_326 = vector.extract %slice3A_325[0] : f32 from vector<1xf32>
        %mul3A_327 = vector.broadcast %squeeze3A_326 : f32 to vector<16xf32>
        %mul3A_328 = arith.mulf %get3A_90, %mul3A_327 : vector<16xf32>
        %add3A_329 = arith.addf %add3A_324, %mul3A_328 : vector<16xf32>
        %slice3A_330 = vector.extract_strided_slice %get3A_169 {offsets = [7], sizes = [1], strides = [1]} : vector<16xf32> to vector<1xf32>
        %squeeze3A_331 = vector.extract %slice3A_330[0] : f32 from vector<1xf32>
        %add3A_332 = vector.broadcast %squeeze3A_331 : f32 to vector<16xf32>
        %add3A_333 = arith.addf %get3A_92, %add3A_332 : vector<16xf32>
        %add3A_334 = arith.addf %add3A_329, %add3A_329 : vector<16xf32>
        %sub3A_335 = arith.subf %add3A_333, %add3A_334 : vector<16xf32>
        %min3A_336 = arith.minimumf %min3A_315, %sub3A_335 : vector<16xf32>
        %slice3A_337 = vector.extract_strided_slice %get3A_163 {offsets = [8], sizes = [1], strides = [1]} : vector<16xf32> to vector<1xf32>
        %squeeze3A_338 = vector.extract %slice3A_337[0] : f32 from vector<1xf32>
        %mul3A_339 = vector.broadcast %squeeze3A_338 : f32 to vector<16xf32>
        %mul3A_340 = arith.mulf %get3A_86, %mul3A_339 : vector<16xf32>
        %slice3A_341 = vector.extract_strided_slice %get3A_165 {offsets = [8], sizes = [1], strides = [1]} : vector<16xf32> to vector<1xf32>
        %squeeze3A_342 = vector.extract %slice3A_341[0] : f32 from vector<1xf32>
        %mul3A_343 = vector.broadcast %squeeze3A_342 : f32 to vector<16xf32>
        %mul3A_344 = arith.mulf %get3A_88, %mul3A_343 : vector<16xf32>
        %add3A_345 = arith.addf %mul3A_340, %mul3A_344 : vector<16xf32>
        %slice3A_346 = vector.extract_strided_slice %get3A_167 {offsets = [8], sizes = [1], strides = [1]} : vector<16xf32> to vector<1xf32>
        %squeeze3A_347 = vector.extract %slice3A_346[0] : f32 from vector<1xf32>
        %mul3A_348 = vector.broadcast %squeeze3A_347 : f32 to vector<16xf32>
        %mul3A_349 = arith.mulf %get3A_90, %mul3A_348 : vector<16xf32>
        %add3A_350 = arith.addf %add3A_345, %mul3A_349 : vector<16xf32>
        %slice3A_351 = vector.extract_strided_slice %get3A_169 {offsets = [8], sizes = [1], strides = [1]} : vector<16xf32> to vector<1xf32>
        %squeeze3A_352 = vector.extract %slice3A_351[0] : f32 from vector<1xf32>
        %add3A_353 = vector.broadcast %squeeze3A_352 : f32 to vector<16xf32>
        %add3A_354 = arith.addf %get3A_92, %add3A_353 : vector<16xf32>
        %add3A_355 = arith.addf %add3A_350, %add3A_350 : vector<16xf32>
        %sub3A_356 = arith.subf %add3A_354, %add3A_355 : vector<16xf32>
        %min3A_357 = arith.minimumf %min3A_336, %sub3A_356 : vector<16xf32>
        %slice3A_358 = vector.extract_strided_slice %get3A_163 {offsets = [9], sizes = [1], strides = [1]} : vector<16xf32> to vector<1xf32>
        %squeeze3A_359 = vector.extract %slice3A_358[0] : f32 from vector<1xf32>
        %mul3A_360 = vector.broadcast %squeeze3A_359 : f32 to vector<16xf32>
        %mul3A_361 = arith.mulf %get3A_86, %mul3A_360 : vector<16xf32>
        %slice3A_362 = vector.extract_strided_slice %get3A_165 {offsets = [9], sizes = [1], strides = [1]} : vector<16xf32> to vector<1xf32>
        %squeeze3A_363 = vector.extract %slice3A_362[0] : f32 from vector<1xf32>
        %mul3A_364 = vector.broadcast %squeeze3A_363 : f32 to vector<16xf32>
        %mul3A_365 = arith.mulf %get3A_88, %mul3A_364 : vector<16xf32>
        %add3A_366 = arith.addf %mul3A_361, %mul3A_365 : vector<16xf32>
        %slice3A_367 = vector.extract_strided_slice %get3A_167 {offsets = [9], sizes = [1], strides = [1]} : vector<16xf32> to vector<1xf32>
        %squeeze3A_368 = vector.extract %slice3A_367[0] : f32 from vector<1xf32>
        %mul3A_369 = vector.broadcast %squeeze3A_368 : f32 to vector<16xf32>
        %mul3A_370 = arith.mulf %get3A_90, %mul3A_369 : vector<16xf32>
        %add3A_371 = arith.addf %add3A_366, %mul3A_370 : vector<16xf32>
        %slice3A_372 = vector.extract_strided_slice %get3A_169 {offsets = [9], sizes = [1], strides = [1]} : vector<16xf32> to vector<1xf32>
        %squeeze3A_373 = vector.extract %slice3A_372[0] : f32 from vector<1xf32>
        %add3A_374 = vector.broadcast %squeeze3A_373 : f32 to vector<16xf32>
        %add3A_375 = arith.addf %get3A_92, %add3A_374 : vector<16xf32>
        %add3A_376 = arith.addf %add3A_371, %add3A_371 : vector<16xf32>
        %sub3A_377 = arith.subf %add3A_375, %add3A_376 : vector<16xf32>
        %min3A_378 = arith.minimumf %min3A_357, %sub3A_377 : vector<16xf32>
        %slice3A_379 = vector.extract_strided_slice %get3A_163 {offsets = [10], sizes = [1], strides = [1]} : vector<16xf32> to vector<1xf32>
        %squeeze3A_380 = vector.extract %slice3A_379[0] : f32 from vector<1xf32>
        %mul3A_381 = vector.broadcast %squeeze3A_380 : f32 to vector<16xf32>
        %mul3A_382 = arith.mulf %get3A_86, %mul3A_381 : vector<16xf32>
        %slice3A_383 = vector.extract_strided_slice %get3A_165 {offsets = [10], sizes = [1], strides = [1]} : vector<16xf32> to vector<1xf32>
        %squeeze3A_384 = vector.extract %slice3A_383[0] : f32 from vector<1xf32>
        %mul3A_385 = vector.broadcast %squeeze3A_384 : f32 to vector<16xf32>
        %mul3A_386 = arith.mulf %get3A_88, %mul3A_385 : vector<16xf32>
        %add3A_387 = arith.addf %mul3A_382, %mul3A_386 : vector<16xf32>
        %slice3A_388 = vector.extract_strided_slice %get3A_167 {offsets = [10], sizes = [1], strides = [1]} : vector<16xf32> to vector<1xf32>
        %squeeze3A_389 = vector.extract %slice3A_388[0] : f32 from vector<1xf32>
        %mul3A_390 = vector.broadcast %squeeze3A_389 : f32 to vector<16xf32>
        %mul3A_391 = arith.mulf %get3A_90, %mul3A_390 : vector<16xf32>
        %add3A_392 = arith.addf %add3A_387, %mul3A_391 : vector<16xf32>
        %slice3A_393 = vector.extract_strided_slice %get3A_169 {offsets = [10], sizes = [1], strides = [1]} : vector<16xf32> to vector<1xf32>
        %squeeze3A_394 = vector.extract %slice3A_393[0] : f32 from vector<1xf32>
        %add3A_395 = vector.broadcast %squeeze3A_394 : f32 to vector<16xf32>
        %add3A_396 = arith.addf %get3A_92, %add3A_395 : vector<16xf32>
        %add3A_397 = arith.addf %add3A_392, %add3A_392 : vector<16xf32>
        %sub3A_398 = arith.subf %add3A_396, %add3A_397 : vector<16xf32>
        %min3A_399 = arith.minimumf %min3A_378, %sub3A_398 : vector<16xf32>
        %slice3A_400 = vector.extract_strided_slice %get3A_163 {offsets = [11], sizes = [1], strides = [1]} : vector<16xf32> to vector<1xf32>
        %squeeze3A_401 = vector.extract %slice3A_400[0] : f32 from vector<1xf32>
        %mul3A_402 = vector.broadcast %squeeze3A_401 : f32 to vector<16xf32>
        %mul3A_403 = arith.mulf %get3A_86, %mul3A_402 : vector<16xf32>
        %slice3A_404 = vector.extract_strided_slice %get3A_165 {offsets = [11], sizes = [1], strides = [1]} : vector<16xf32> to vector<1xf32>
        %squeeze3A_405 = vector.extract %slice3A_404[0] : f32 from vector<1xf32>
        %mul3A_406 = vector.broadcast %squeeze3A_405 : f32 to vector<16xf32>
        %mul3A_407 = arith.mulf %get3A_88, %mul3A_406 : vector<16xf32>
        %add3A_408 = arith.addf %mul3A_403, %mul3A_407 : vector<16xf32>
        %slice3A_409 = vector.extract_strided_slice %get3A_167 {offsets = [11], sizes = [1], strides = [1]} : vector<16xf32> to vector<1xf32>
        %squeeze3A_410 = vector.extract %slice3A_409[0] : f32 from vector<1xf32>
        %mul3A_411 = vector.broadcast %squeeze3A_410 : f32 to vector<16xf32>
        %mul3A_412 = arith.mulf %get3A_90, %mul3A_411 : vector<16xf32>
        %add3A_413 = arith.addf %add3A_408, %mul3A_412 : vector<16xf32>
        %slice3A_414 = vector.extract_strided_slice %get3A_169 {offsets = [11], sizes = [1], strides = [1]} : vector<16xf32> to vector<1xf32>
        %squeeze3A_415 = vector.extract %slice3A_414[0] : f32 from vector<1xf32>
        %add3A_416 = vector.broadcast %squeeze3A_415 : f32 to vector<16xf32>
        %add3A_417 = arith.addf %get3A_92, %add3A_416 : vector<16xf32>
        %add3A_418 = arith.addf %add3A_413, %add3A_413 : vector<16xf32>
        %sub3A_419 = arith.subf %add3A_417, %add3A_418 : vector<16xf32>
        %min3A_420 = arith.minimumf %min3A_399, %sub3A_419 : vector<16xf32>
        %slice3A_421 = vector.extract_strided_slice %get3A_163 {offsets = [12], sizes = [1], strides = [1]} : vector<16xf32> to vector<1xf32>
        %squeeze3A_422 = vector.extract %slice3A_421[0] : f32 from vector<1xf32>
        %mul3A_423 = vector.broadcast %squeeze3A_422 : f32 to vector<16xf32>
        %mul3A_424 = arith.mulf %get3A_86, %mul3A_423 : vector<16xf32>
        %slice3A_425 = vector.extract_strided_slice %get3A_165 {offsets = [12], sizes = [1], strides = [1]} : vector<16xf32> to vector<1xf32>
        %squeeze3A_426 = vector.extract %slice3A_425[0] : f32 from vector<1xf32>
        %mul3A_427 = vector.broadcast %squeeze3A_426 : f32 to vector<16xf32>
        %mul3A_428 = arith.mulf %get3A_88, %mul3A_427 : vector<16xf32>
        %add3A_429 = arith.addf %mul3A_424, %mul3A_428 : vector<16xf32>
        %slice3A_430 = vector.extract_strided_slice %get3A_167 {offsets = [12], sizes = [1], strides = [1]} : vector<16xf32> to vector<1xf32>
        %squeeze3A_431 = vector.extract %slice3A_430[0] : f32 from vector<1xf32>
        %mul3A_432 = vector.broadcast %squeeze3A_431 : f32 to vector<16xf32>
        %mul3A_433 = arith.mulf %get3A_90, %mul3A_432 : vector<16xf32>
        %add3A_434 = arith.addf %add3A_429, %mul3A_433 : vector<16xf32>
        %slice3A_435 = vector.extract_strided_slice %get3A_169 {offsets = [12], sizes = [1], strides = [1]} : vector<16xf32> to vector<1xf32>
        %squeeze3A_436 = vector.extract %slice3A_435[0] : f32 from vector<1xf32>
        %add3A_437 = vector.broadcast %squeeze3A_436 : f32 to vector<16xf32>
        %add3A_438 = arith.addf %get3A_92, %add3A_437 : vector<16xf32>
        %add3A_439 = arith.addf %add3A_434, %add3A_434 : vector<16xf32>
        %sub3A_440 = arith.subf %add3A_438, %add3A_439 : vector<16xf32>
        %min3A_441 = arith.minimumf %min3A_420, %sub3A_440 : vector<16xf32>
        %slice3A_442 = vector.extract_strided_slice %get3A_163 {offsets = [13], sizes = [1], strides = [1]} : vector<16xf32> to vector<1xf32>
        %squeeze3A_443 = vector.extract %slice3A_442[0] : f32 from vector<1xf32>
        %mul3A_444 = vector.broadcast %squeeze3A_443 : f32 to vector<16xf32>
        %mul3A_445 = arith.mulf %get3A_86, %mul3A_444 : vector<16xf32>
        %slice3A_446 = vector.extract_strided_slice %get3A_165 {offsets = [13], sizes = [1], strides = [1]} : vector<16xf32> to vector<1xf32>
        %squeeze3A_447 = vector.extract %slice3A_446[0] : f32 from vector<1xf32>
        %mul3A_448 = vector.broadcast %squeeze3A_447 : f32 to vector<16xf32>
        %mul3A_449 = arith.mulf %get3A_88, %mul3A_448 : vector<16xf32>
        %add3A_450 = arith.addf %mul3A_445, %mul3A_449 : vector<16xf32>
        %slice3A_451 = vector.extract_strided_slice %get3A_167 {offsets = [13], sizes = [1], strides = [1]} : vector<16xf32> to vector<1xf32>
        %squeeze3A_452 = vector.extract %slice3A_451[0] : f32 from vector<1xf32>
        %mul3A_453 = vector.broadcast %squeeze3A_452 : f32 to vector<16xf32>
        %mul3A_454 = arith.mulf %get3A_90, %mul3A_453 : vector<16xf32>
        %add3A_455 = arith.addf %add3A_450, %mul3A_454 : vector<16xf32>
        %slice3A_456 = vector.extract_strided_slice %get3A_169 {offsets = [13], sizes = [1], strides = [1]} : vector<16xf32> to vector<1xf32>
        %squeeze3A_457 = vector.extract %slice3A_456[0] : f32 from vector<1xf32>
        %add3A_458 = vector.broadcast %squeeze3A_457 : f32 to vector<16xf32>
        %add3A_459 = arith.addf %get3A_92, %add3A_458 : vector<16xf32>
        %add3A_460 = arith.addf %add3A_455, %add3A_455 : vector<16xf32>
        %sub3A_461 = arith.subf %add3A_459, %add3A_460 : vector<16xf32>
        %min3A_462 = arith.minimumf %min3A_441, %sub3A_461 : vector<16xf32>
        %slice3A_463 = vector.extract_strided_slice %get3A_163 {offsets = [14], sizes = [1], strides = [1]} : vector<16xf32> to vector<1xf32>
        %squeeze3A_464 = vector.extract %slice3A_463[0] : f32 from vector<1xf32>
        %mul3A_465 = vector.broadcast %squeeze3A_464 : f32 to vector<16xf32>
        %mul3A_466 = arith.mulf %get3A_86, %mul3A_465 : vector<16xf32>
        %slice3A_467 = vector.extract_strided_slice %get3A_165 {offsets = [14], sizes = [1], strides = [1]} : vector<16xf32> to vector<1xf32>
        %squeeze3A_468 = vector.extract %slice3A_467[0] : f32 from vector<1xf32>
        %mul3A_469 = vector.broadcast %squeeze3A_468 : f32 to vector<16xf32>
        %mul3A_470 = arith.mulf %get3A_88, %mul3A_469 : vector<16xf32>
        %add3A_471 = arith.addf %mul3A_466, %mul3A_470 : vector<16xf32>
        %slice3A_472 = vector.extract_strided_slice %get3A_167 {offsets = [14], sizes = [1], strides = [1]} : vector<16xf32> to vector<1xf32>
        %squeeze3A_473 = vector.extract %slice3A_472[0] : f32 from vector<1xf32>
        %mul3A_474 = vector.broadcast %squeeze3A_473 : f32 to vector<16xf32>
        %mul3A_475 = arith.mulf %get3A_90, %mul3A_474 : vector<16xf32>
        %add3A_476 = arith.addf %add3A_471, %mul3A_475 : vector<16xf32>
        %slice3A_477 = vector.extract_strided_slice %get3A_169 {offsets = [14], sizes = [1], strides = [1]} : vector<16xf32> to vector<1xf32>
        %squeeze3A_478 = vector.extract %slice3A_477[0] : f32 from vector<1xf32>
        %add3A_479 = vector.broadcast %squeeze3A_478 : f32 to vector<16xf32>
        %add3A_480 = arith.addf %get3A_92, %add3A_479 : vector<16xf32>
        %add3A_481 = arith.addf %add3A_476, %add3A_476 : vector<16xf32>
        %sub3A_482 = arith.subf %add3A_480, %add3A_481 : vector<16xf32>
        %min3A_483 = arith.minimumf %min3A_462, %sub3A_482 : vector<16xf32>
        %slice3A_484 = vector.extract_strided_slice %get3A_163 {offsets = [15], sizes = [1], strides = [1]} : vector<16xf32> to vector<1xf32>
        %squeeze3A_485 = vector.extract %slice3A_484[0] : f32 from vector<1xf32>
        %mul3A_486 = vector.broadcast %squeeze3A_485 : f32 to vector<16xf32>
        %mul3A_487 = arith.mulf %get3A_86, %mul3A_486 : vector<16xf32>
        %slice3A_488 = vector.extract_strided_slice %get3A_165 {offsets = [15], sizes = [1], strides = [1]} : vector<16xf32> to vector<1xf32>
        %squeeze3A_489 = vector.extract %slice3A_488[0] : f32 from vector<1xf32>
        %mul3A_490 = vector.broadcast %squeeze3A_489 : f32 to vector<16xf32>
        %mul3A_491 = arith.mulf %get3A_88, %mul3A_490 : vector<16xf32>
        %add3A_492 = arith.addf %mul3A_487, %mul3A_491 : vector<16xf32>
        %slice3A_493 = vector.extract_strided_slice %get3A_167 {offsets = [15], sizes = [1], strides = [1]} : vector<16xf32> to vector<1xf32>
        %squeeze3A_494 = vector.extract %slice3A_493[0] : f32 from vector<1xf32>
        %mul3A_495 = vector.broadcast %squeeze3A_494 : f32 to vector<16xf32>
        %mul3A_496 = arith.mulf %get3A_90, %mul3A_495 : vector<16xf32>
        %add3A_497 = arith.addf %add3A_492, %mul3A_496 : vector<16xf32>
        %slice3A_498 = vector.extract_strided_slice %get3A_169 {offsets = [15], sizes = [1], strides = [1]} : vector<16xf32> to vector<1xf32>
        %squeeze3A_499 = vector.extract %slice3A_498[0] : f32 from vector<1xf32>
        %add3A_500 = vector.broadcast %squeeze3A_499 : f32 to vector<16xf32>
        %add3A_501 = arith.addf %get3A_92, %add3A_500 : vector<16xf32>
        %add3A_502 = arith.addf %add3A_497, %add3A_497 : vector<16xf32>
        %sub3A_503 = arith.subf %add3A_501, %add3A_502 : vector<16xf32>
        %min3A_504 = arith.minimumf %min3A_483, %sub3A_503 : vector<16xf32>
        %lt3A_505 = vector.broadcast %scan3A_67 : f32 to vector<16xf32>
        %lt3A_506 = arith.cmpf olt, %min3A_504, %lt3A_505 : vector<16xf32>
        %all_reduce_population_count3A = tpu.all_reduce %lt3A_506 {dim = 0 : i64, kind = #tpu.reduction_kind<sum>} : vector<16xi1> -> vector<16xi32>
        %slice3A_507 = vector.extract_strided_slice %all_reduce_population_count3A {offsets = [0], sizes = [1], strides = [1]} : vector<16xi32> to vector<1xi32>
        %squeeze3A_508 = vector.extract %slice3A_507[0] : i32 from vector<1xi32>
        %gt3A = arith.constant 0 : i32
        %gt3A_509 = arith.cmpi sgt, %squeeze3A_508, %gt3A : i32
        %convert_element_type3A_510 = arith.extui %gt3A_509 : i1 to i32
        %cond3A = arith.constant 0 : i32
        %cond3A_511 = arith.cmpi ne, %convert_element_type3A_510, %cond3A : i32
        %cond3A_512:11 = scf.if %cond3A_511 -> (vector<16xf32>, vector<16xf32>, vector<16xf32>, vector<16xf32>, vector<16xf32>, vector<16xf32>, vector<16xf32>, vector<16xf32>, vector<16xf32>, vector<16xf32>, vector<16xf32>) {
          %slice3A_513 = vector.extract_strided_slice %get3A_163 {offsets = [0], sizes = [1], strides = [1]} : vector<16xf32> to vector<1xf32>
          %squeeze3A_514 = vector.extract %slice3A_513[0] : f32 from vector<1xf32>
          %mul3A_515 = vector.broadcast %squeeze3A_514 : f32 to vector<16xf32>
          %mul3A_516 = arith.mulf %get3A_86, %mul3A_515 : vector<16xf32>
          %slice3A_517 = vector.extract_strided_slice %get3A_165 {offsets = [0], sizes = [1], strides = [1]} : vector<16xf32> to vector<1xf32>
          %squeeze3A_518 = vector.extract %slice3A_517[0] : f32 from vector<1xf32>
          %mul3A_519 = vector.broadcast %squeeze3A_518 : f32 to vector<16xf32>
          %mul3A_520 = arith.mulf %get3A_88, %mul3A_519 : vector<16xf32>
          %add3A_521 = arith.addf %mul3A_516, %mul3A_520 : vector<16xf32>
          %slice3A_522 = vector.extract_strided_slice %get3A_167 {offsets = [0], sizes = [1], strides = [1]} : vector<16xf32> to vector<1xf32>
          %squeeze3A_523 = vector.extract %slice3A_522[0] : f32 from vector<1xf32>
          %mul3A_524 = vector.broadcast %squeeze3A_523 : f32 to vector<16xf32>
          %mul3A_525 = arith.mulf %get3A_90, %mul3A_524 : vector<16xf32>
          %add3A_526 = arith.addf %add3A_521, %mul3A_525 : vector<16xf32>
          %slice3A_527 = vector.extract_strided_slice %get3A_169 {offsets = [0], sizes = [1], strides = [1]} : vector<16xf32> to vector<1xf32>
          %squeeze3A_528 = vector.extract %slice3A_527[0] : f32 from vector<1xf32>
          %add3A_529 = vector.broadcast %squeeze3A_528 : f32 to vector<16xf32>
          %add3A_530 = arith.addf %get3A_92, %add3A_529 : vector<16xf32>
          %add3A_531 = arith.addf %add3A_526, %add3A_526 : vector<16xf32>
          %sub3A_532 = arith.subf %add3A_530, %add3A_531 : vector<16xf32>
          %lt3A_533 = vector.broadcast %scan3A_67 : f32 to vector<16xf32>
          %lt3A_534 = arith.cmpf olt, %sub3A_532, %lt3A_533 : vector<16xf32>
          %max3A_535 = arith.constant 9.99999996E-13 : f32
          %max3A_536 = vector.broadcast %max3A_535 : f32 to vector<16xf32>
          %max3A_537 = arith.maximumf %sub3A_532, %max3A_536 : vector<16xf32>
          %bitcast_convert_type3A = tpu.bitcast %max3A_537 : vector<16xf32> -> vector<16xi32>
          %shift_right_arithmetic3A = arith.constant 1 : i32
          %shift_right_arithmetic3A_538 = vector.broadcast %shift_right_arithmetic3A : i32 to vector<16xi32>
          %shift_right_arithmetic3A_539 = arith.shrsi %bitcast_convert_type3A, %shift_right_arithmetic3A_538 : vector<16xi32>
          %sub3A_540 = arith.constant 1597463007 : i32
          %sub3A_541 = vector.broadcast %sub3A_540 : i32 to vector<16xi32>
          %sub3A_542 = arith.subi %sub3A_541, %shift_right_arithmetic3A_539 : vector<16xi32>
          %bitcast_convert_type3A_543 = tpu.bitcast %sub3A_542 : vector<16xi32> -> vector<16xf32>
          %mul3A_544 = arith.constant 5.000000e-01 : f32
          %mul3A_545 = vector.broadcast %mul3A_544 : f32 to vector<16xf32>
          %mul3A_546 = arith.mulf %mul3A_545, %max3A_537 : vector<16xf32>
          %mul3A_547 = arith.mulf %mul3A_546, %bitcast_convert_type3A_543 : vector<16xf32>
          %mul3A_548 = arith.mulf %mul3A_547, %bitcast_convert_type3A_543 : vector<16xf32>
          %sub3A_549 = arith.constant 1.500000e+00 : f32
          %sub3A_550 = vector.broadcast %sub3A_549 : f32 to vector<16xf32>
          %sub3A_551 = arith.subf %sub3A_550, %mul3A_548 : vector<16xf32>
          %mul3A_552 = arith.mulf %bitcast_convert_type3A_543, %sub3A_551 : vector<16xf32>
          %mul3A_553 = arith.mulf %max3A_537, %mul3A_552 : vector<16xf32>
          %sub3A_554 = vector.broadcast %scan3A_68 : f32 to vector<16xf32>
          %sub3A_555 = arith.subf %sub3A_554, %mul3A_553 : vector<16xf32>
          %max3A_556 = arith.constant 0.000000e+00 : f32
          %max3A_557 = vector.broadcast %max3A_556 : f32 to vector<16xf32>
          %max3A_558 = arith.maximumf %sub3A_555, %max3A_557 : vector<16xf32>
          %jit3A_559 = arith.constant 0.000000e+00 : f32
          %broadcast_in_dim3A_560 = vector.broadcast %jit3A_559 : f32 to vector<16xf32>
          %select_n3A_561 = arith.select %lt3A_534, %max3A_558, %broadcast_in_dim3A_560 : vector<16xi1>, vector<16xf32>
          %max3A_562 = arith.maximumf %while3A_149, %select_n3A_561 : vector<16xf32>
          %min3A_563 = arith.minimumf %while3A_149, %select_n3A_561 : vector<16xf32>
          %max3A_564 = arith.maximumf %while3A_150, %min3A_563 : vector<16xf32>
          %min3A_565 = arith.minimumf %while3A_150, %min3A_563 : vector<16xf32>
          %max3A_566 = arith.maximumf %while3A_151, %min3A_565 : vector<16xf32>
          %min3A_567 = arith.minimumf %while3A_151, %min3A_565 : vector<16xf32>
          %max3A_568 = arith.maximumf %while3A_152, %min3A_567 : vector<16xf32>
          %min3A_569 = arith.minimumf %while3A_152, %min3A_567 : vector<16xf32>
          %max3A_570 = arith.maximumf %while3A_153, %min3A_569 : vector<16xf32>
          %min3A_571 = arith.minimumf %while3A_153, %min3A_569 : vector<16xf32>
          %max3A_572 = arith.maximumf %while3A_154, %min3A_571 : vector<16xf32>
          %min3A_573 = arith.minimumf %while3A_154, %min3A_571 : vector<16xf32>
          %max3A_574 = arith.maximumf %while3A_155, %min3A_573 : vector<16xf32>
          %min3A_575 = arith.minimumf %while3A_155, %min3A_573 : vector<16xf32>
          %max3A_576 = arith.maximumf %while3A_156, %min3A_575 : vector<16xf32>
          %min3A_577 = arith.minimumf %while3A_156, %min3A_575 : vector<16xf32>
          %max3A_578 = arith.maximumf %while3A_157, %min3A_577 : vector<16xf32>
          %min3A_579 = arith.minimumf %while3A_157, %min3A_577 : vector<16xf32>
          %max3A_580 = arith.maximumf %while3A_158, %min3A_579 : vector<16xf32>
          %min3A_581 = arith.minimumf %while3A_158, %min3A_579 : vector<16xf32>
          %max3A_582 = arith.maximumf %while3A_159, %min3A_581 : vector<16xf32>
          %min3A_583 = arith.minimumf %while3A_159, %min3A_581 : vector<16xf32>
          %slice3A_584 = vector.extract_strided_slice %get3A_163 {offsets = [1], sizes = [1], strides = [1]} : vector<16xf32> to vector<1xf32>
          %squeeze3A_585 = vector.extract %slice3A_584[0] : f32 from vector<1xf32>
          %mul3A_586 = vector.broadcast %squeeze3A_585 : f32 to vector<16xf32>
          %mul3A_587 = arith.mulf %get3A_86, %mul3A_586 : vector<16xf32>
          %slice3A_588 = vector.extract_strided_slice %get3A_165 {offsets = [1], sizes = [1], strides = [1]} : vector<16xf32> to vector<1xf32>
          %squeeze3A_589 = vector.extract %slice3A_588[0] : f32 from vector<1xf32>
          %mul3A_590 = vector.broadcast %squeeze3A_589 : f32 to vector<16xf32>
          %mul3A_591 = arith.mulf %get3A_88, %mul3A_590 : vector<16xf32>
          %add3A_592 = arith.addf %mul3A_587, %mul3A_591 : vector<16xf32>
          %slice3A_593 = vector.extract_strided_slice %get3A_167 {offsets = [1], sizes = [1], strides = [1]} : vector<16xf32> to vector<1xf32>
          %squeeze3A_594 = vector.extract %slice3A_593[0] : f32 from vector<1xf32>
          %mul3A_595 = vector.broadcast %squeeze3A_594 : f32 to vector<16xf32>
          %mul3A_596 = arith.mulf %get3A_90, %mul3A_595 : vector<16xf32>
          %add3A_597 = arith.addf %add3A_592, %mul3A_596 : vector<16xf32>
          %slice3A_598 = vector.extract_strided_slice %get3A_169 {offsets = [1], sizes = [1], strides = [1]} : vector<16xf32> to vector<1xf32>
          %squeeze3A_599 = vector.extract %slice3A_598[0] : f32 from vector<1xf32>
          %add3A_600 = vector.broadcast %squeeze3A_599 : f32 to vector<16xf32>
          %add3A_601 = arith.addf %get3A_92, %add3A_600 : vector<16xf32>
          %add3A_602 = arith.addf %add3A_597, %add3A_597 : vector<16xf32>
          %sub3A_603 = arith.subf %add3A_601, %add3A_602 : vector<16xf32>
          %lt3A_604 = vector.broadcast %scan3A_67 : f32 to vector<16xf32>
          %lt3A_605 = arith.cmpf olt, %sub3A_603, %lt3A_604 : vector<16xf32>
          %max3A_606 = arith.constant 9.99999996E-13 : f32
          %max3A_607 = vector.broadcast %max3A_606 : f32 to vector<16xf32>
          %max3A_608 = arith.maximumf %sub3A_603, %max3A_607 : vector<16xf32>
          %bitcast_convert_type3A_609 = tpu.bitcast %max3A_608 : vector<16xf32> -> vector<16xi32>
          %shift_right_arithmetic3A_610 = arith.constant 1 : i32
          %shift_right_arithmetic3A_611 = vector.broadcast %shift_right_arithmetic3A_610 : i32 to vector<16xi32>
          %shift_right_arithmetic3A_612 = arith.shrsi %bitcast_convert_type3A_609, %shift_right_arithmetic3A_611 : vector<16xi32>
          %sub3A_613 = arith.constant 1597463007 : i32
          %sub3A_614 = vector.broadcast %sub3A_613 : i32 to vector<16xi32>
          %sub3A_615 = arith.subi %sub3A_614, %shift_right_arithmetic3A_612 : vector<16xi32>
          %bitcast_convert_type3A_616 = tpu.bitcast %sub3A_615 : vector<16xi32> -> vector<16xf32>
          %mul3A_617 = arith.constant 5.000000e-01 : f32
          %mul3A_618 = vector.broadcast %mul3A_617 : f32 to vector<16xf32>
          %mul3A_619 = arith.mulf %mul3A_618, %max3A_608 : vector<16xf32>
          %mul3A_620 = arith.mulf %mul3A_619, %bitcast_convert_type3A_616 : vector<16xf32>
          %mul3A_621 = arith.mulf %mul3A_620, %bitcast_convert_type3A_616 : vector<16xf32>
          %sub3A_622 = arith.constant 1.500000e+00 : f32
          %sub3A_623 = vector.broadcast %sub3A_622 : f32 to vector<16xf32>
          %sub3A_624 = arith.subf %sub3A_623, %mul3A_621 : vector<16xf32>
          %mul3A_625 = arith.mulf %bitcast_convert_type3A_616, %sub3A_624 : vector<16xf32>
          %mul3A_626 = arith.mulf %max3A_608, %mul3A_625 : vector<16xf32>
          %sub3A_627 = vector.broadcast %scan3A_68 : f32 to vector<16xf32>
          %sub3A_628 = arith.subf %sub3A_627, %mul3A_626 : vector<16xf32>
          %max3A_629 = arith.constant 0.000000e+00 : f32
          %max3A_630 = vector.broadcast %max3A_629 : f32 to vector<16xf32>
          %max3A_631 = arith.maximumf %sub3A_628, %max3A_630 : vector<16xf32>
          %jit3A_632 = arith.constant 0.000000e+00 : f32
          %broadcast_in_dim3A_633 = vector.broadcast %jit3A_632 : f32 to vector<16xf32>
          %select_n3A_634 = arith.select %lt3A_605, %max3A_631, %broadcast_in_dim3A_633 : vector<16xi1>, vector<16xf32>
          %max3A_635 = arith.maximumf %max3A_562, %select_n3A_634 : vector<16xf32>
          %min3A_636 = arith.minimumf %max3A_562, %select_n3A_634 : vector<16xf32>
          %max3A_637 = arith.maximumf %max3A_564, %min3A_636 : vector<16xf32>
          %min3A_638 = arith.minimumf %max3A_564, %min3A_636 : vector<16xf32>
          %max3A_639 = arith.maximumf %max3A_566, %min3A_638 : vector<16xf32>
          %min3A_640 = arith.minimumf %max3A_566, %min3A_638 : vector<16xf32>
          %max3A_641 = arith.maximumf %max3A_568, %min3A_640 : vector<16xf32>
          %min3A_642 = arith.minimumf %max3A_568, %min3A_640 : vector<16xf32>
          %max3A_643 = arith.maximumf %max3A_570, %min3A_642 : vector<16xf32>
          %min3A_644 = arith.minimumf %max3A_570, %min3A_642 : vector<16xf32>
          %max3A_645 = arith.maximumf %max3A_572, %min3A_644 : vector<16xf32>
          %min3A_646 = arith.minimumf %max3A_572, %min3A_644 : vector<16xf32>
          %max3A_647 = arith.maximumf %max3A_574, %min3A_646 : vector<16xf32>
          %min3A_648 = arith.minimumf %max3A_574, %min3A_646 : vector<16xf32>
          %max3A_649 = arith.maximumf %max3A_576, %min3A_648 : vector<16xf32>
          %min3A_650 = arith.minimumf %max3A_576, %min3A_648 : vector<16xf32>
          %max3A_651 = arith.maximumf %max3A_578, %min3A_650 : vector<16xf32>
          %min3A_652 = arith.minimumf %max3A_578, %min3A_650 : vector<16xf32>
          %max3A_653 = arith.maximumf %max3A_580, %min3A_652 : vector<16xf32>
          %min3A_654 = arith.minimumf %max3A_580, %min3A_652 : vector<16xf32>
          %max3A_655 = arith.maximumf %max3A_582, %min3A_654 : vector<16xf32>
          %min3A_656 = arith.minimumf %max3A_582, %min3A_654 : vector<16xf32>
          %slice3A_657 = vector.extract_strided_slice %get3A_163 {offsets = [2], sizes = [1], strides = [1]} : vector<16xf32> to vector<1xf32>
          %squeeze3A_658 = vector.extract %slice3A_657[0] : f32 from vector<1xf32>
          %mul3A_659 = vector.broadcast %squeeze3A_658 : f32 to vector<16xf32>
          %mul3A_660 = arith.mulf %get3A_86, %mul3A_659 : vector<16xf32>
          %slice3A_661 = vector.extract_strided_slice %get3A_165 {offsets = [2], sizes = [1], strides = [1]} : vector<16xf32> to vector<1xf32>
          %squeeze3A_662 = vector.extract %slice3A_661[0] : f32 from vector<1xf32>
          %mul3A_663 = vector.broadcast %squeeze3A_662 : f32 to vector<16xf32>
          %mul3A_664 = arith.mulf %get3A_88, %mul3A_663 : vector<16xf32>
          %add3A_665 = arith.addf %mul3A_660, %mul3A_664 : vector<16xf32>
          %slice3A_666 = vector.extract_strided_slice %get3A_167 {offsets = [2], sizes = [1], strides = [1]} : vector<16xf32> to vector<1xf32>
          %squeeze3A_667 = vector.extract %slice3A_666[0] : f32 from vector<1xf32>
          %mul3A_668 = vector.broadcast %squeeze3A_667 : f32 to vector<16xf32>
          %mul3A_669 = arith.mulf %get3A_90, %mul3A_668 : vector<16xf32>
          %add3A_670 = arith.addf %add3A_665, %mul3A_669 : vector<16xf32>
          %slice3A_671 = vector.extract_strided_slice %get3A_169 {offsets = [2], sizes = [1], strides = [1]} : vector<16xf32> to vector<1xf32>
          %squeeze3A_672 = vector.extract %slice3A_671[0] : f32 from vector<1xf32>
          %add3A_673 = vector.broadcast %squeeze3A_672 : f32 to vector<16xf32>
          %add3A_674 = arith.addf %get3A_92, %add3A_673 : vector<16xf32>
          %add3A_675 = arith.addf %add3A_670, %add3A_670 : vector<16xf32>
          %sub3A_676 = arith.subf %add3A_674, %add3A_675 : vector<16xf32>
          %lt3A_677 = vector.broadcast %scan3A_67 : f32 to vector<16xf32>
          %lt3A_678 = arith.cmpf olt, %sub3A_676, %lt3A_677 : vector<16xf32>
          %max3A_679 = arith.constant 9.99999996E-13 : f32
          %max3A_680 = vector.broadcast %max3A_679 : f32 to vector<16xf32>
          %max3A_681 = arith.maximumf %sub3A_676, %max3A_680 : vector<16xf32>
          %bitcast_convert_type3A_682 = tpu.bitcast %max3A_681 : vector<16xf32> -> vector<16xi32>
          %shift_right_arithmetic3A_683 = arith.constant 1 : i32
          %shift_right_arithmetic3A_684 = vector.broadcast %shift_right_arithmetic3A_683 : i32 to vector<16xi32>
          %shift_right_arithmetic3A_685 = arith.shrsi %bitcast_convert_type3A_682, %shift_right_arithmetic3A_684 : vector<16xi32>
          %sub3A_686 = arith.constant 1597463007 : i32
          %sub3A_687 = vector.broadcast %sub3A_686 : i32 to vector<16xi32>
          %sub3A_688 = arith.subi %sub3A_687, %shift_right_arithmetic3A_685 : vector<16xi32>
          %bitcast_convert_type3A_689 = tpu.bitcast %sub3A_688 : vector<16xi32> -> vector<16xf32>
          %mul3A_690 = arith.constant 5.000000e-01 : f32
          %mul3A_691 = vector.broadcast %mul3A_690 : f32 to vector<16xf32>
          %mul3A_692 = arith.mulf %mul3A_691, %max3A_681 : vector<16xf32>
          %mul3A_693 = arith.mulf %mul3A_692, %bitcast_convert_type3A_689 : vector<16xf32>
          %mul3A_694 = arith.mulf %mul3A_693, %bitcast_convert_type3A_689 : vector<16xf32>
          %sub3A_695 = arith.constant 1.500000e+00 : f32
          %sub3A_696 = vector.broadcast %sub3A_695 : f32 to vector<16xf32>
          %sub3A_697 = arith.subf %sub3A_696, %mul3A_694 : vector<16xf32>
          %mul3A_698 = arith.mulf %bitcast_convert_type3A_689, %sub3A_697 : vector<16xf32>
          %mul3A_699 = arith.mulf %max3A_681, %mul3A_698 : vector<16xf32>
          %sub3A_700 = vector.broadcast %scan3A_68 : f32 to vector<16xf32>
          %sub3A_701 = arith.subf %sub3A_700, %mul3A_699 : vector<16xf32>
          %max3A_702 = arith.constant 0.000000e+00 : f32
          %max3A_703 = vector.broadcast %max3A_702 : f32 to vector<16xf32>
          %max3A_704 = arith.maximumf %sub3A_701, %max3A_703 : vector<16xf32>
          %jit3A_705 = arith.constant 0.000000e+00 : f32
          %broadcast_in_dim3A_706 = vector.broadcast %jit3A_705 : f32 to vector<16xf32>
          %select_n3A_707 = arith.select %lt3A_678, %max3A_704, %broadcast_in_dim3A_706 : vector<16xi1>, vector<16xf32>
          %max3A_708 = arith.maximumf %max3A_635, %select_n3A_707 : vector<16xf32>
          %min3A_709 = arith.minimumf %max3A_635, %select_n3A_707 : vector<16xf32>
          %max3A_710 = arith.maximumf %max3A_637, %min3A_709 : vector<16xf32>
          %min3A_711 = arith.minimumf %max3A_637, %min3A_709 : vector<16xf32>
          %max3A_712 = arith.maximumf %max3A_639, %min3A_711 : vector<16xf32>
          %min3A_713 = arith.minimumf %max3A_639, %min3A_711 : vector<16xf32>
          %max3A_714 = arith.maximumf %max3A_641, %min3A_713 : vector<16xf32>
          %min3A_715 = arith.minimumf %max3A_641, %min3A_713 : vector<16xf32>
          %max3A_716 = arith.maximumf %max3A_643, %min3A_715 : vector<16xf32>
          %min3A_717 = arith.minimumf %max3A_643, %min3A_715 : vector<16xf32>
          %max3A_718 = arith.maximumf %max3A_645, %min3A_717 : vector<16xf32>
          %min3A_719 = arith.minimumf %max3A_645, %min3A_717 : vector<16xf32>
          %max3A_720 = arith.maximumf %max3A_647, %min3A_719 : vector<16xf32>
          %min3A_721 = arith.minimumf %max3A_647, %min3A_719 : vector<16xf32>
          %max3A_722 = arith.maximumf %max3A_649, %min3A_721 : vector<16xf32>
          %min3A_723 = arith.minimumf %max3A_649, %min3A_721 : vector<16xf32>
          %max3A_724 = arith.maximumf %max3A_651, %min3A_723 : vector<16xf32>
          %min3A_725 = arith.minimumf %max3A_651, %min3A_723 : vector<16xf32>
          %max3A_726 = arith.maximumf %max3A_653, %min3A_725 : vector<16xf32>
          %min3A_727 = arith.minimumf %max3A_653, %min3A_725 : vector<16xf32>
          %max3A_728 = arith.maximumf %max3A_655, %min3A_727 : vector<16xf32>
          %min3A_729 = arith.minimumf %max3A_655, %min3A_727 : vector<16xf32>
          %slice3A_730 = vector.extract_strided_slice %get3A_163 {offsets = [3], sizes = [1], strides = [1]} : vector<16xf32> to vector<1xf32>
          %squeeze3A_731 = vector.extract %slice3A_730[0] : f32 from vector<1xf32>
          %mul3A_732 = vector.broadcast %squeeze3A_731 : f32 to vector<16xf32>
          %mul3A_733 = arith.mulf %get3A_86, %mul3A_732 : vector<16xf32>
          %slice3A_734 = vector.extract_strided_slice %get3A_165 {offsets = [3], sizes = [1], strides = [1]} : vector<16xf32> to vector<1xf32>
          %squeeze3A_735 = vector.extract %slice3A_734[0] : f32 from vector<1xf32>
          %mul3A_736 = vector.broadcast %squeeze3A_735 : f32 to vector<16xf32>
          %mul3A_737 = arith.mulf %get3A_88, %mul3A_736 : vector<16xf32>
          %add3A_738 = arith.addf %mul3A_733, %mul3A_737 : vector<16xf32>
          %slice3A_739 = vector.extract_strided_slice %get3A_167 {offsets = [3], sizes = [1], strides = [1]} : vector<16xf32> to vector<1xf32>
          %squeeze3A_740 = vector.extract %slice3A_739[0] : f32 from vector<1xf32>
          %mul3A_741 = vector.broadcast %squeeze3A_740 : f32 to vector<16xf32>
          %mul3A_742 = arith.mulf %get3A_90, %mul3A_741 : vector<16xf32>
          %add3A_743 = arith.addf %add3A_738, %mul3A_742 : vector<16xf32>
          %slice3A_744 = vector.extract_strided_slice %get3A_169 {offsets = [3], sizes = [1], strides = [1]} : vector<16xf32> to vector<1xf32>
          %squeeze3A_745 = vector.extract %slice3A_744[0] : f32 from vector<1xf32>
          %add3A_746 = vector.broadcast %squeeze3A_745 : f32 to vector<16xf32>
          %add3A_747 = arith.addf %get3A_92, %add3A_746 : vector<16xf32>
          %add3A_748 = arith.addf %add3A_743, %add3A_743 : vector<16xf32>
          %sub3A_749 = arith.subf %add3A_747, %add3A_748 : vector<16xf32>
          %lt3A_750 = vector.broadcast %scan3A_67 : f32 to vector<16xf32>
          %lt3A_751 = arith.cmpf olt, %sub3A_749, %lt3A_750 : vector<16xf32>
          %max3A_752 = arith.constant 9.99999996E-13 : f32
          %max3A_753 = vector.broadcast %max3A_752 : f32 to vector<16xf32>
          %max3A_754 = arith.maximumf %sub3A_749, %max3A_753 : vector<16xf32>
          %bitcast_convert_type3A_755 = tpu.bitcast %max3A_754 : vector<16xf32> -> vector<16xi32>
          %shift_right_arithmetic3A_756 = arith.constant 1 : i32
          %shift_right_arithmetic3A_757 = vector.broadcast %shift_right_arithmetic3A_756 : i32 to vector<16xi32>
          %shift_right_arithmetic3A_758 = arith.shrsi %bitcast_convert_type3A_755, %shift_right_arithmetic3A_757 : vector<16xi32>
          %sub3A_759 = arith.constant 1597463007 : i32
          %sub3A_760 = vector.broadcast %sub3A_759 : i32 to vector<16xi32>
          %sub3A_761 = arith.subi %sub3A_760, %shift_right_arithmetic3A_758 : vector<16xi32>
          %bitcast_convert_type3A_762 = tpu.bitcast %sub3A_761 : vector<16xi32> -> vector<16xf32>
          %mul3A_763 = arith.constant 5.000000e-01 : f32
          %mul3A_764 = vector.broadcast %mul3A_763 : f32 to vector<16xf32>
          %mul3A_765 = arith.mulf %mul3A_764, %max3A_754 : vector<16xf32>
          %mul3A_766 = arith.mulf %mul3A_765, %bitcast_convert_type3A_762 : vector<16xf32>
          %mul3A_767 = arith.mulf %mul3A_766, %bitcast_convert_type3A_762 : vector<16xf32>
          %sub3A_768 = arith.constant 1.500000e+00 : f32
          %sub3A_769 = vector.broadcast %sub3A_768 : f32 to vector<16xf32>
          %sub3A_770 = arith.subf %sub3A_769, %mul3A_767 : vector<16xf32>
          %mul3A_771 = arith.mulf %bitcast_convert_type3A_762, %sub3A_770 : vector<16xf32>
          %mul3A_772 = arith.mulf %max3A_754, %mul3A_771 : vector<16xf32>
          %sub3A_773 = vector.broadcast %scan3A_68 : f32 to vector<16xf32>
          %sub3A_774 = arith.subf %sub3A_773, %mul3A_772 : vector<16xf32>
          %max3A_775 = arith.constant 0.000000e+00 : f32
          %max3A_776 = vector.broadcast %max3A_775 : f32 to vector<16xf32>
          %max3A_777 = arith.maximumf %sub3A_774, %max3A_776 : vector<16xf32>
          %jit3A_778 = arith.constant 0.000000e+00 : f32
          %broadcast_in_dim3A_779 = vector.broadcast %jit3A_778 : f32 to vector<16xf32>
          %select_n3A_780 = arith.select %lt3A_751, %max3A_777, %broadcast_in_dim3A_779 : vector<16xi1>, vector<16xf32>
          %max3A_781 = arith.maximumf %max3A_708, %select_n3A_780 : vector<16xf32>
          %min3A_782 = arith.minimumf %max3A_708, %select_n3A_780 : vector<16xf32>
          %max3A_783 = arith.maximumf %max3A_710, %min3A_782 : vector<16xf32>
          %min3A_784 = arith.minimumf %max3A_710, %min3A_782 : vector<16xf32>
          %max3A_785 = arith.maximumf %max3A_712, %min3A_784 : vector<16xf32>
          %min3A_786 = arith.minimumf %max3A_712, %min3A_784 : vector<16xf32>
          %max3A_787 = arith.maximumf %max3A_714, %min3A_786 : vector<16xf32>
          %min3A_788 = arith.minimumf %max3A_714, %min3A_786 : vector<16xf32>
          %max3A_789 = arith.maximumf %max3A_716, %min3A_788 : vector<16xf32>
          %min3A_790 = arith.minimumf %max3A_716, %min3A_788 : vector<16xf32>
          %max3A_791 = arith.maximumf %max3A_718, %min3A_790 : vector<16xf32>
          %min3A_792 = arith.minimumf %max3A_718, %min3A_790 : vector<16xf32>
          %max3A_793 = arith.maximumf %max3A_720, %min3A_792 : vector<16xf32>
          %min3A_794 = arith.minimumf %max3A_720, %min3A_792 : vector<16xf32>
          %max3A_795 = arith.maximumf %max3A_722, %min3A_794 : vector<16xf32>
          %min3A_796 = arith.minimumf %max3A_722, %min3A_794 : vector<16xf32>
          %max3A_797 = arith.maximumf %max3A_724, %min3A_796 : vector<16xf32>
          %min3A_798 = arith.minimumf %max3A_724, %min3A_796 : vector<16xf32>
          %max3A_799 = arith.maximumf %max3A_726, %min3A_798 : vector<16xf32>
          %min3A_800 = arith.minimumf %max3A_726, %min3A_798 : vector<16xf32>
          %max3A_801 = arith.maximumf %max3A_728, %min3A_800 : vector<16xf32>
          %min3A_802 = arith.minimumf %max3A_728, %min3A_800 : vector<16xf32>
          %slice3A_803 = vector.extract_strided_slice %get3A_163 {offsets = [4], sizes = [1], strides = [1]} : vector<16xf32> to vector<1xf32>
          %squeeze3A_804 = vector.extract %slice3A_803[0] : f32 from vector<1xf32>
          %mul3A_805 = vector.broadcast %squeeze3A_804 : f32 to vector<16xf32>
          %mul3A_806 = arith.mulf %get3A_86, %mul3A_805 : vector<16xf32>
          %slice3A_807 = vector.extract_strided_slice %get3A_165 {offsets = [4], sizes = [1], strides = [1]} : vector<16xf32> to vector<1xf32>
          %squeeze3A_808 = vector.extract %slice3A_807[0] : f32 from vector<1xf32>
          %mul3A_809 = vector.broadcast %squeeze3A_808 : f32 to vector<16xf32>
          %mul3A_810 = arith.mulf %get3A_88, %mul3A_809 : vector<16xf32>
          %add3A_811 = arith.addf %mul3A_806, %mul3A_810 : vector<16xf32>
          %slice3A_812 = vector.extract_strided_slice %get3A_167 {offsets = [4], sizes = [1], strides = [1]} : vector<16xf32> to vector<1xf32>
          %squeeze3A_813 = vector.extract %slice3A_812[0] : f32 from vector<1xf32>
          %mul3A_814 = vector.broadcast %squeeze3A_813 : f32 to vector<16xf32>
          %mul3A_815 = arith.mulf %get3A_90, %mul3A_814 : vector<16xf32>
          %add3A_816 = arith.addf %add3A_811, %mul3A_815 : vector<16xf32>
          %slice3A_817 = vector.extract_strided_slice %get3A_169 {offsets = [4], sizes = [1], strides = [1]} : vector<16xf32> to vector<1xf32>
          %squeeze3A_818 = vector.extract %slice3A_817[0] : f32 from vector<1xf32>
          %add3A_819 = vector.broadcast %squeeze3A_818 : f32 to vector<16xf32>
          %add3A_820 = arith.addf %get3A_92, %add3A_819 : vector<16xf32>
          %add3A_821 = arith.addf %add3A_816, %add3A_816 : vector<16xf32>
          %sub3A_822 = arith.subf %add3A_820, %add3A_821 : vector<16xf32>
          %lt3A_823 = vector.broadcast %scan3A_67 : f32 to vector<16xf32>
          %lt3A_824 = arith.cmpf olt, %sub3A_822, %lt3A_823 : vector<16xf32>
          %max3A_825 = arith.constant 9.99999996E-13 : f32
          %max3A_826 = vector.broadcast %max3A_825 : f32 to vector<16xf32>
          %max3A_827 = arith.maximumf %sub3A_822, %max3A_826 : vector<16xf32>
          %bitcast_convert_type3A_828 = tpu.bitcast %max3A_827 : vector<16xf32> -> vector<16xi32>
          %shift_right_arithmetic3A_829 = arith.constant 1 : i32
          %shift_right_arithmetic3A_830 = vector.broadcast %shift_right_arithmetic3A_829 : i32 to vector<16xi32>
          %shift_right_arithmetic3A_831 = arith.shrsi %bitcast_convert_type3A_828, %shift_right_arithmetic3A_830 : vector<16xi32>
          %sub3A_832 = arith.constant 1597463007 : i32
          %sub3A_833 = vector.broadcast %sub3A_832 : i32 to vector<16xi32>
          %sub3A_834 = arith.subi %sub3A_833, %shift_right_arithmetic3A_831 : vector<16xi32>
          %bitcast_convert_type3A_835 = tpu.bitcast %sub3A_834 : vector<16xi32> -> vector<16xf32>
          %mul3A_836 = arith.constant 5.000000e-01 : f32
          %mul3A_837 = vector.broadcast %mul3A_836 : f32 to vector<16xf32>
          %mul3A_838 = arith.mulf %mul3A_837, %max3A_827 : vector<16xf32>
          %mul3A_839 = arith.mulf %mul3A_838, %bitcast_convert_type3A_835 : vector<16xf32>
          %mul3A_840 = arith.mulf %mul3A_839, %bitcast_convert_type3A_835 : vector<16xf32>
          %sub3A_841 = arith.constant 1.500000e+00 : f32
          %sub3A_842 = vector.broadcast %sub3A_841 : f32 to vector<16xf32>
          %sub3A_843 = arith.subf %sub3A_842, %mul3A_840 : vector<16xf32>
          %mul3A_844 = arith.mulf %bitcast_convert_type3A_835, %sub3A_843 : vector<16xf32>
          %mul3A_845 = arith.mulf %max3A_827, %mul3A_844 : vector<16xf32>
          %sub3A_846 = vector.broadcast %scan3A_68 : f32 to vector<16xf32>
          %sub3A_847 = arith.subf %sub3A_846, %mul3A_845 : vector<16xf32>
          %max3A_848 = arith.constant 0.000000e+00 : f32
          %max3A_849 = vector.broadcast %max3A_848 : f32 to vector<16xf32>
          %max3A_850 = arith.maximumf %sub3A_847, %max3A_849 : vector<16xf32>
          %jit3A_851 = arith.constant 0.000000e+00 : f32
          %broadcast_in_dim3A_852 = vector.broadcast %jit3A_851 : f32 to vector<16xf32>
          %select_n3A_853 = arith.select %lt3A_824, %max3A_850, %broadcast_in_dim3A_852 : vector<16xi1>, vector<16xf32>
          %max3A_854 = arith.maximumf %max3A_781, %select_n3A_853 : vector<16xf32>
          %min3A_855 = arith.minimumf %max3A_781, %select_n3A_853 : vector<16xf32>
          %max3A_856 = arith.maximumf %max3A_783, %min3A_855 : vector<16xf32>
          %min3A_857 = arith.minimumf %max3A_783, %min3A_855 : vector<16xf32>
          %max3A_858 = arith.maximumf %max3A_785, %min3A_857 : vector<16xf32>
          %min3A_859 = arith.minimumf %max3A_785, %min3A_857 : vector<16xf32>
          %max3A_860 = arith.maximumf %max3A_787, %min3A_859 : vector<16xf32>
          %min3A_861 = arith.minimumf %max3A_787, %min3A_859 : vector<16xf32>
          %max3A_862 = arith.maximumf %max3A_789, %min3A_861 : vector<16xf32>
          %min3A_863 = arith.minimumf %max3A_789, %min3A_861 : vector<16xf32>
          %max3A_864 = arith.maximumf %max3A_791, %min3A_863 : vector<16xf32>
          %min3A_865 = arith.minimumf %max3A_791, %min3A_863 : vector<16xf32>
          %max3A_866 = arith.maximumf %max3A_793, %min3A_865 : vector<16xf32>
          %min3A_867 = arith.minimumf %max3A_793, %min3A_865 : vector<16xf32>
          %max3A_868 = arith.maximumf %max3A_795, %min3A_867 : vector<16xf32>
          %min3A_869 = arith.minimumf %max3A_795, %min3A_867 : vector<16xf32>
          %max3A_870 = arith.maximumf %max3A_797, %min3A_869 : vector<16xf32>
          %min3A_871 = arith.minimumf %max3A_797, %min3A_869 : vector<16xf32>
          %max3A_872 = arith.maximumf %max3A_799, %min3A_871 : vector<16xf32>
          %min3A_873 = arith.minimumf %max3A_799, %min3A_871 : vector<16xf32>
          %max3A_874 = arith.maximumf %max3A_801, %min3A_873 : vector<16xf32>
          %min3A_875 = arith.minimumf %max3A_801, %min3A_873 : vector<16xf32>
          %slice3A_876 = vector.extract_strided_slice %get3A_163 {offsets = [5], sizes = [1], strides = [1]} : vector<16xf32> to vector<1xf32>
          %squeeze3A_877 = vector.extract %slice3A_876[0] : f32 from vector<1xf32>
          %mul3A_878 = vector.broadcast %squeeze3A_877 : f32 to vector<16xf32>
          %mul3A_879 = arith.mulf %get3A_86, %mul3A_878 : vector<16xf32>
          %slice3A_880 = vector.extract_strided_slice %get3A_165 {offsets = [5], sizes = [1], strides = [1]} : vector<16xf32> to vector<1xf32>
          %squeeze3A_881 = vector.extract %slice3A_880[0] : f32 from vector<1xf32>
          %mul3A_882 = vector.broadcast %squeeze3A_881 : f32 to vector<16xf32>
          %mul3A_883 = arith.mulf %get3A_88, %mul3A_882 : vector<16xf32>
          %add3A_884 = arith.addf %mul3A_879, %mul3A_883 : vector<16xf32>
          %slice3A_885 = vector.extract_strided_slice %get3A_167 {offsets = [5], sizes = [1], strides = [1]} : vector<16xf32> to vector<1xf32>
          %squeeze3A_886 = vector.extract %slice3A_885[0] : f32 from vector<1xf32>
          %mul3A_887 = vector.broadcast %squeeze3A_886 : f32 to vector<16xf32>
          %mul3A_888 = arith.mulf %get3A_90, %mul3A_887 : vector<16xf32>
          %add3A_889 = arith.addf %add3A_884, %mul3A_888 : vector<16xf32>
          %slice3A_890 = vector.extract_strided_slice %get3A_169 {offsets = [5], sizes = [1], strides = [1]} : vector<16xf32> to vector<1xf32>
          %squeeze3A_891 = vector.extract %slice3A_890[0] : f32 from vector<1xf32>
          %add3A_892 = vector.broadcast %squeeze3A_891 : f32 to vector<16xf32>
          %add3A_893 = arith.addf %get3A_92, %add3A_892 : vector<16xf32>
          %add3A_894 = arith.addf %add3A_889, %add3A_889 : vector<16xf32>
          %sub3A_895 = arith.subf %add3A_893, %add3A_894 : vector<16xf32>
          %lt3A_896 = vector.broadcast %scan3A_67 : f32 to vector<16xf32>
          %lt3A_897 = arith.cmpf olt, %sub3A_895, %lt3A_896 : vector<16xf32>
          %max3A_898 = arith.constant 9.99999996E-13 : f32
          %max3A_899 = vector.broadcast %max3A_898 : f32 to vector<16xf32>
          %max3A_900 = arith.maximumf %sub3A_895, %max3A_899 : vector<16xf32>
          %bitcast_convert_type3A_901 = tpu.bitcast %max3A_900 : vector<16xf32> -> vector<16xi32>
          %shift_right_arithmetic3A_902 = arith.constant 1 : i32
          %shift_right_arithmetic3A_903 = vector.broadcast %shift_right_arithmetic3A_902 : i32 to vector<16xi32>
          %shift_right_arithmetic3A_904 = arith.shrsi %bitcast_convert_type3A_901, %shift_right_arithmetic3A_903 : vector<16xi32>
          %sub3A_905 = arith.constant 1597463007 : i32
          %sub3A_906 = vector.broadcast %sub3A_905 : i32 to vector<16xi32>
          %sub3A_907 = arith.subi %sub3A_906, %shift_right_arithmetic3A_904 : vector<16xi32>
          %bitcast_convert_type3A_908 = tpu.bitcast %sub3A_907 : vector<16xi32> -> vector<16xf32>
          %mul3A_909 = arith.constant 5.000000e-01 : f32
          %mul3A_910 = vector.broadcast %mul3A_909 : f32 to vector<16xf32>
          %mul3A_911 = arith.mulf %mul3A_910, %max3A_900 : vector<16xf32>
          %mul3A_912 = arith.mulf %mul3A_911, %bitcast_convert_type3A_908 : vector<16xf32>
          %mul3A_913 = arith.mulf %mul3A_912, %bitcast_convert_type3A_908 : vector<16xf32>
          %sub3A_914 = arith.constant 1.500000e+00 : f32
          %sub3A_915 = vector.broadcast %sub3A_914 : f32 to vector<16xf32>
          %sub3A_916 = arith.subf %sub3A_915, %mul3A_913 : vector<16xf32>
          %mul3A_917 = arith.mulf %bitcast_convert_type3A_908, %sub3A_916 : vector<16xf32>
          %mul3A_918 = arith.mulf %max3A_900, %mul3A_917 : vector<16xf32>
          %sub3A_919 = vector.broadcast %scan3A_68 : f32 to vector<16xf32>
          %sub3A_920 = arith.subf %sub3A_919, %mul3A_918 : vector<16xf32>
          %max3A_921 = arith.constant 0.000000e+00 : f32
          %max3A_922 = vector.broadcast %max3A_921 : f32 to vector<16xf32>
          %max3A_923 = arith.maximumf %sub3A_920, %max3A_922 : vector<16xf32>
          %jit3A_924 = arith.constant 0.000000e+00 : f32
          %broadcast_in_dim3A_925 = vector.broadcast %jit3A_924 : f32 to vector<16xf32>
          %select_n3A_926 = arith.select %lt3A_897, %max3A_923, %broadcast_in_dim3A_925 : vector<16xi1>, vector<16xf32>
          %max3A_927 = arith.maximumf %max3A_854, %select_n3A_926 : vector<16xf32>
          %min3A_928 = arith.minimumf %max3A_854, %select_n3A_926 : vector<16xf32>
          %max3A_929 = arith.maximumf %max3A_856, %min3A_928 : vector<16xf32>
          %min3A_930 = arith.minimumf %max3A_856, %min3A_928 : vector<16xf32>
          %max3A_931 = arith.maximumf %max3A_858, %min3A_930 : vector<16xf32>
          %min3A_932 = arith.minimumf %max3A_858, %min3A_930 : vector<16xf32>
          %max3A_933 = arith.maximumf %max3A_860, %min3A_932 : vector<16xf32>
          %min3A_934 = arith.minimumf %max3A_860, %min3A_932 : vector<16xf32>
          %max3A_935 = arith.maximumf %max3A_862, %min3A_934 : vector<16xf32>
          %min3A_936 = arith.minimumf %max3A_862, %min3A_934 : vector<16xf32>
          %max3A_937 = arith.maximumf %max3A_864, %min3A_936 : vector<16xf32>
          %min3A_938 = arith.minimumf %max3A_864, %min3A_936 : vector<16xf32>
          %max3A_939 = arith.maximumf %max3A_866, %min3A_938 : vector<16xf32>
          %min3A_940 = arith.minimumf %max3A_866, %min3A_938 : vector<16xf32>
          %max3A_941 = arith.maximumf %max3A_868, %min3A_940 : vector<16xf32>
          %min3A_942 = arith.minimumf %max3A_868, %min3A_940 : vector<16xf32>
          %max3A_943 = arith.maximumf %max3A_870, %min3A_942 : vector<16xf32>
          %min3A_944 = arith.minimumf %max3A_870, %min3A_942 : vector<16xf32>
          %max3A_945 = arith.maximumf %max3A_872, %min3A_944 : vector<16xf32>
          %min3A_946 = arith.minimumf %max3A_872, %min3A_944 : vector<16xf32>
          %max3A_947 = arith.maximumf %max3A_874, %min3A_946 : vector<16xf32>
          %min3A_948 = arith.minimumf %max3A_874, %min3A_946 : vector<16xf32>
          %slice3A_949 = vector.extract_strided_slice %get3A_163 {offsets = [6], sizes = [1], strides = [1]} : vector<16xf32> to vector<1xf32>
          %squeeze3A_950 = vector.extract %slice3A_949[0] : f32 from vector<1xf32>
          %mul3A_951 = vector.broadcast %squeeze3A_950 : f32 to vector<16xf32>
          %mul3A_952 = arith.mulf %get3A_86, %mul3A_951 : vector<16xf32>
          %slice3A_953 = vector.extract_strided_slice %get3A_165 {offsets = [6], sizes = [1], strides = [1]} : vector<16xf32> to vector<1xf32>
          %squeeze3A_954 = vector.extract %slice3A_953[0] : f32 from vector<1xf32>
          %mul3A_955 = vector.broadcast %squeeze3A_954 : f32 to vector<16xf32>
          %mul3A_956 = arith.mulf %get3A_88, %mul3A_955 : vector<16xf32>
          %add3A_957 = arith.addf %mul3A_952, %mul3A_956 : vector<16xf32>
          %slice3A_958 = vector.extract_strided_slice %get3A_167 {offsets = [6], sizes = [1], strides = [1]} : vector<16xf32> to vector<1xf32>
          %squeeze3A_959 = vector.extract %slice3A_958[0] : f32 from vector<1xf32>
          %mul3A_960 = vector.broadcast %squeeze3A_959 : f32 to vector<16xf32>
          %mul3A_961 = arith.mulf %get3A_90, %mul3A_960 : vector<16xf32>
          %add3A_962 = arith.addf %add3A_957, %mul3A_961 : vector<16xf32>
          %slice3A_963 = vector.extract_strided_slice %get3A_169 {offsets = [6], sizes = [1], strides = [1]} : vector<16xf32> to vector<1xf32>
          %squeeze3A_964 = vector.extract %slice3A_963[0] : f32 from vector<1xf32>
          %add3A_965 = vector.broadcast %squeeze3A_964 : f32 to vector<16xf32>
          %add3A_966 = arith.addf %get3A_92, %add3A_965 : vector<16xf32>
          %add3A_967 = arith.addf %add3A_962, %add3A_962 : vector<16xf32>
          %sub3A_968 = arith.subf %add3A_966, %add3A_967 : vector<16xf32>
          %lt3A_969 = vector.broadcast %scan3A_67 : f32 to vector<16xf32>
          %lt3A_970 = arith.cmpf olt, %sub3A_968, %lt3A_969 : vector<16xf32>
          %max3A_971 = arith.constant 9.99999996E-13 : f32
          %max3A_972 = vector.broadcast %max3A_971 : f32 to vector<16xf32>
          %max3A_973 = arith.maximumf %sub3A_968, %max3A_972 : vector<16xf32>
          %bitcast_convert_type3A_974 = tpu.bitcast %max3A_973 : vector<16xf32> -> vector<16xi32>
          %shift_right_arithmetic3A_975 = arith.constant 1 : i32
          %shift_right_arithmetic3A_976 = vector.broadcast %shift_right_arithmetic3A_975 : i32 to vector<16xi32>
          %shift_right_arithmetic3A_977 = arith.shrsi %bitcast_convert_type3A_974, %shift_right_arithmetic3A_976 : vector<16xi32>
          %sub3A_978 = arith.constant 1597463007 : i32
          %sub3A_979 = vector.broadcast %sub3A_978 : i32 to vector<16xi32>
          %sub3A_980 = arith.subi %sub3A_979, %shift_right_arithmetic3A_977 : vector<16xi32>
          %bitcast_convert_type3A_981 = tpu.bitcast %sub3A_980 : vector<16xi32> -> vector<16xf32>
          %mul3A_982 = arith.constant 5.000000e-01 : f32
          %mul3A_983 = vector.broadcast %mul3A_982 : f32 to vector<16xf32>
          %mul3A_984 = arith.mulf %mul3A_983, %max3A_973 : vector<16xf32>
          %mul3A_985 = arith.mulf %mul3A_984, %bitcast_convert_type3A_981 : vector<16xf32>
          %mul3A_986 = arith.mulf %mul3A_985, %bitcast_convert_type3A_981 : vector<16xf32>
          %sub3A_987 = arith.constant 1.500000e+00 : f32
          %sub3A_988 = vector.broadcast %sub3A_987 : f32 to vector<16xf32>
          %sub3A_989 = arith.subf %sub3A_988, %mul3A_986 : vector<16xf32>
          %mul3A_990 = arith.mulf %bitcast_convert_type3A_981, %sub3A_989 : vector<16xf32>
          %mul3A_991 = arith.mulf %max3A_973, %mul3A_990 : vector<16xf32>
          %sub3A_992 = vector.broadcast %scan3A_68 : f32 to vector<16xf32>
          %sub3A_993 = arith.subf %sub3A_992, %mul3A_991 : vector<16xf32>
          %max3A_994 = arith.constant 0.000000e+00 : f32
          %max3A_995 = vector.broadcast %max3A_994 : f32 to vector<16xf32>
          %max3A_996 = arith.maximumf %sub3A_993, %max3A_995 : vector<16xf32>
          %jit3A_997 = arith.constant 0.000000e+00 : f32
          %broadcast_in_dim3A_998 = vector.broadcast %jit3A_997 : f32 to vector<16xf32>
          %select_n3A_999 = arith.select %lt3A_970, %max3A_996, %broadcast_in_dim3A_998 : vector<16xi1>, vector<16xf32>
          %max3A_1000 = arith.maximumf %max3A_927, %select_n3A_999 : vector<16xf32>
          %min3A_1001 = arith.minimumf %max3A_927, %select_n3A_999 : vector<16xf32>
          %max3A_1002 = arith.maximumf %max3A_929, %min3A_1001 : vector<16xf32>
          %min3A_1003 = arith.minimumf %max3A_929, %min3A_1001 : vector<16xf32>
          %max3A_1004 = arith.maximumf %max3A_931, %min3A_1003 : vector<16xf32>
          %min3A_1005 = arith.minimumf %max3A_931, %min3A_1003 : vector<16xf32>
          %max3A_1006 = arith.maximumf %max3A_933, %min3A_1005 : vector<16xf32>
          %min3A_1007 = arith.minimumf %max3A_933, %min3A_1005 : vector<16xf32>
          %max3A_1008 = arith.maximumf %max3A_935, %min3A_1007 : vector<16xf32>
          %min3A_1009 = arith.minimumf %max3A_935, %min3A_1007 : vector<16xf32>
          %max3A_1010 = arith.maximumf %max3A_937, %min3A_1009 : vector<16xf32>
          %min3A_1011 = arith.minimumf %max3A_937, %min3A_1009 : vector<16xf32>
          %max3A_1012 = arith.maximumf %max3A_939, %min3A_1011 : vector<16xf32>
          %min3A_1013 = arith.minimumf %max3A_939, %min3A_1011 : vector<16xf32>
          %max3A_1014 = arith.maximumf %max3A_941, %min3A_1013 : vector<16xf32>
          %min3A_1015 = arith.minimumf %max3A_941, %min3A_1013 : vector<16xf32>
          %max3A_1016 = arith.maximumf %max3A_943, %min3A_1015 : vector<16xf32>
          %min3A_1017 = arith.minimumf %max3A_943, %min3A_1015 : vector<16xf32>
          %max3A_1018 = arith.maximumf %max3A_945, %min3A_1017 : vector<16xf32>
          %min3A_1019 = arith.minimumf %max3A_945, %min3A_1017 : vector<16xf32>
          %max3A_1020 = arith.maximumf %max3A_947, %min3A_1019 : vector<16xf32>
          %min3A_1021 = arith.minimumf %max3A_947, %min3A_1019 : vector<16xf32>
          %slice3A_1022 = vector.extract_strided_slice %get3A_163 {offsets = [7], sizes = [1], strides = [1]} : vector<16xf32> to vector<1xf32>
          %squeeze3A_1023 = vector.extract %slice3A_1022[0] : f32 from vector<1xf32>
          %mul3A_1024 = vector.broadcast %squeeze3A_1023 : f32 to vector<16xf32>
          %mul3A_1025 = arith.mulf %get3A_86, %mul3A_1024 : vector<16xf32>
          %slice3A_1026 = vector.extract_strided_slice %get3A_165 {offsets = [7], sizes = [1], strides = [1]} : vector<16xf32> to vector<1xf32>
          %squeeze3A_1027 = vector.extract %slice3A_1026[0] : f32 from vector<1xf32>
          %mul3A_1028 = vector.broadcast %squeeze3A_1027 : f32 to vector<16xf32>
          %mul3A_1029 = arith.mulf %get3A_88, %mul3A_1028 : vector<16xf32>
          %add3A_1030 = arith.addf %mul3A_1025, %mul3A_1029 : vector<16xf32>
          %slice3A_1031 = vector.extract_strided_slice %get3A_167 {offsets = [7], sizes = [1], strides = [1]} : vector<16xf32> to vector<1xf32>
          %squeeze3A_1032 = vector.extract %slice3A_1031[0] : f32 from vector<1xf32>
          %mul3A_1033 = vector.broadcast %squeeze3A_1032 : f32 to vector<16xf32>
          %mul3A_1034 = arith.mulf %get3A_90, %mul3A_1033 : vector<16xf32>
          %add3A_1035 = arith.addf %add3A_1030, %mul3A_1034 : vector<16xf32>
          %slice3A_1036 = vector.extract_strided_slice %get3A_169 {offsets = [7], sizes = [1], strides = [1]} : vector<16xf32> to vector<1xf32>
          %squeeze3A_1037 = vector.extract %slice3A_1036[0] : f32 from vector<1xf32>
          %add3A_1038 = vector.broadcast %squeeze3A_1037 : f32 to vector<16xf32>
          %add3A_1039 = arith.addf %get3A_92, %add3A_1038 : vector<16xf32>
          %add3A_1040 = arith.addf %add3A_1035, %add3A_1035 : vector<16xf32>
          %sub3A_1041 = arith.subf %add3A_1039, %add3A_1040 : vector<16xf32>
          %lt3A_1042 = vector.broadcast %scan3A_67 : f32 to vector<16xf32>
          %lt3A_1043 = arith.cmpf olt, %sub3A_1041, %lt3A_1042 : vector<16xf32>
          %max3A_1044 = arith.constant 9.99999996E-13 : f32
          %max3A_1045 = vector.broadcast %max3A_1044 : f32 to vector<16xf32>
          %max3A_1046 = arith.maximumf %sub3A_1041, %max3A_1045 : vector<16xf32>
          %bitcast_convert_type3A_1047 = tpu.bitcast %max3A_1046 : vector<16xf32> -> vector<16xi32>
          %shift_right_arithmetic3A_1048 = arith.constant 1 : i32
          %shift_right_arithmetic3A_1049 = vector.broadcast %shift_right_arithmetic3A_1048 : i32 to vector<16xi32>
          %shift_right_arithmetic3A_1050 = arith.shrsi %bitcast_convert_type3A_1047, %shift_right_arithmetic3A_1049 : vector<16xi32>
          %sub3A_1051 = arith.constant 1597463007 : i32
          %sub3A_1052 = vector.broadcast %sub3A_1051 : i32 to vector<16xi32>
          %sub3A_1053 = arith.subi %sub3A_1052, %shift_right_arithmetic3A_1050 : vector<16xi32>
          %bitcast_convert_type3A_1054 = tpu.bitcast %sub3A_1053 : vector<16xi32> -> vector<16xf32>
          %mul3A_1055 = arith.constant 5.000000e-01 : f32
          %mul3A_1056 = vector.broadcast %mul3A_1055 : f32 to vector<16xf32>
          %mul3A_1057 = arith.mulf %mul3A_1056, %max3A_1046 : vector<16xf32>
          %mul3A_1058 = arith.mulf %mul3A_1057, %bitcast_convert_type3A_1054 : vector<16xf32>
          %mul3A_1059 = arith.mulf %mul3A_1058, %bitcast_convert_type3A_1054 : vector<16xf32>
          %sub3A_1060 = arith.constant 1.500000e+00 : f32
          %sub3A_1061 = vector.broadcast %sub3A_1060 : f32 to vector<16xf32>
          %sub3A_1062 = arith.subf %sub3A_1061, %mul3A_1059 : vector<16xf32>
          %mul3A_1063 = arith.mulf %bitcast_convert_type3A_1054, %sub3A_1062 : vector<16xf32>
          %mul3A_1064 = arith.mulf %max3A_1046, %mul3A_1063 : vector<16xf32>
          %sub3A_1065 = vector.broadcast %scan3A_68 : f32 to vector<16xf32>
          %sub3A_1066 = arith.subf %sub3A_1065, %mul3A_1064 : vector<16xf32>
          %max3A_1067 = arith.constant 0.000000e+00 : f32
          %max3A_1068 = vector.broadcast %max3A_1067 : f32 to vector<16xf32>
          %max3A_1069 = arith.maximumf %sub3A_1066, %max3A_1068 : vector<16xf32>
          %jit3A_1070 = arith.constant 0.000000e+00 : f32
          %broadcast_in_dim3A_1071 = vector.broadcast %jit3A_1070 : f32 to vector<16xf32>
          %select_n3A_1072 = arith.select %lt3A_1043, %max3A_1069, %broadcast_in_dim3A_1071 : vector<16xi1>, vector<16xf32>
          %max3A_1073 = arith.maximumf %max3A_1000, %select_n3A_1072 : vector<16xf32>
          %min3A_1074 = arith.minimumf %max3A_1000, %select_n3A_1072 : vector<16xf32>
          %max3A_1075 = arith.maximumf %max3A_1002, %min3A_1074 : vector<16xf32>
          %min3A_1076 = arith.minimumf %max3A_1002, %min3A_1074 : vector<16xf32>
          %max3A_1077 = arith.maximumf %max3A_1004, %min3A_1076 : vector<16xf32>
          %min3A_1078 = arith.minimumf %max3A_1004, %min3A_1076 : vector<16xf32>
          %max3A_1079 = arith.maximumf %max3A_1006, %min3A_1078 : vector<16xf32>
          %min3A_1080 = arith.minimumf %max3A_1006, %min3A_1078 : vector<16xf32>
          %max3A_1081 = arith.maximumf %max3A_1008, %min3A_1080 : vector<16xf32>
          %min3A_1082 = arith.minimumf %max3A_1008, %min3A_1080 : vector<16xf32>
          %max3A_1083 = arith.maximumf %max3A_1010, %min3A_1082 : vector<16xf32>
          %min3A_1084 = arith.minimumf %max3A_1010, %min3A_1082 : vector<16xf32>
          %max3A_1085 = arith.maximumf %max3A_1012, %min3A_1084 : vector<16xf32>
          %min3A_1086 = arith.minimumf %max3A_1012, %min3A_1084 : vector<16xf32>
          %max3A_1087 = arith.maximumf %max3A_1014, %min3A_1086 : vector<16xf32>
          %min3A_1088 = arith.minimumf %max3A_1014, %min3A_1086 : vector<16xf32>
          %max3A_1089 = arith.maximumf %max3A_1016, %min3A_1088 : vector<16xf32>
          %min3A_1090 = arith.minimumf %max3A_1016, %min3A_1088 : vector<16xf32>
          %max3A_1091 = arith.maximumf %max3A_1018, %min3A_1090 : vector<16xf32>
          %min3A_1092 = arith.minimumf %max3A_1018, %min3A_1090 : vector<16xf32>
          %max3A_1093 = arith.maximumf %max3A_1020, %min3A_1092 : vector<16xf32>
          %min3A_1094 = arith.minimumf %max3A_1020, %min3A_1092 : vector<16xf32>
          %slice3A_1095 = vector.extract_strided_slice %get3A_163 {offsets = [8], sizes = [1], strides = [1]} : vector<16xf32> to vector<1xf32>
          %squeeze3A_1096 = vector.extract %slice3A_1095[0] : f32 from vector<1xf32>
          %mul3A_1097 = vector.broadcast %squeeze3A_1096 : f32 to vector<16xf32>
          %mul3A_1098 = arith.mulf %get3A_86, %mul3A_1097 : vector<16xf32>
          %slice3A_1099 = vector.extract_strided_slice %get3A_165 {offsets = [8], sizes = [1], strides = [1]} : vector<16xf32> to vector<1xf32>
          %squeeze3A_1100 = vector.extract %slice3A_1099[0] : f32 from vector<1xf32>
          %mul3A_1101 = vector.broadcast %squeeze3A_1100 : f32 to vector<16xf32>
          %mul3A_1102 = arith.mulf %get3A_88, %mul3A_1101 : vector<16xf32>
          %add3A_1103 = arith.addf %mul3A_1098, %mul3A_1102 : vector<16xf32>
          %slice3A_1104 = vector.extract_strided_slice %get3A_167 {offsets = [8], sizes = [1], strides = [1]} : vector<16xf32> to vector<1xf32>
          %squeeze3A_1105 = vector.extract %slice3A_1104[0] : f32 from vector<1xf32>
          %mul3A_1106 = vector.broadcast %squeeze3A_1105 : f32 to vector<16xf32>
          %mul3A_1107 = arith.mulf %get3A_90, %mul3A_1106 : vector<16xf32>
          %add3A_1108 = arith.addf %add3A_1103, %mul3A_1107 : vector<16xf32>
          %slice3A_1109 = vector.extract_strided_slice %get3A_169 {offsets = [8], sizes = [1], strides = [1]} : vector<16xf32> to vector<1xf32>
          %squeeze3A_1110 = vector.extract %slice3A_1109[0] : f32 from vector<1xf32>
          %add3A_1111 = vector.broadcast %squeeze3A_1110 : f32 to vector<16xf32>
          %add3A_1112 = arith.addf %get3A_92, %add3A_1111 : vector<16xf32>
          %add3A_1113 = arith.addf %add3A_1108, %add3A_1108 : vector<16xf32>
          %sub3A_1114 = arith.subf %add3A_1112, %add3A_1113 : vector<16xf32>
          %lt3A_1115 = vector.broadcast %scan3A_67 : f32 to vector<16xf32>
          %lt3A_1116 = arith.cmpf olt, %sub3A_1114, %lt3A_1115 : vector<16xf32>
          %max3A_1117 = arith.constant 9.99999996E-13 : f32
          %max3A_1118 = vector.broadcast %max3A_1117 : f32 to vector<16xf32>
          %max3A_1119 = arith.maximumf %sub3A_1114, %max3A_1118 : vector<16xf32>
          %bitcast_convert_type3A_1120 = tpu.bitcast %max3A_1119 : vector<16xf32> -> vector<16xi32>
          %shift_right_arithmetic3A_1121 = arith.constant 1 : i32
          %shift_right_arithmetic3A_1122 = vector.broadcast %shift_right_arithmetic3A_1121 : i32 to vector<16xi32>
          %shift_right_arithmetic3A_1123 = arith.shrsi %bitcast_convert_type3A_1120, %shift_right_arithmetic3A_1122 : vector<16xi32>
          %sub3A_1124 = arith.constant 1597463007 : i32
          %sub3A_1125 = vector.broadcast %sub3A_1124 : i32 to vector<16xi32>
          %sub3A_1126 = arith.subi %sub3A_1125, %shift_right_arithmetic3A_1123 : vector<16xi32>
          %bitcast_convert_type3A_1127 = tpu.bitcast %sub3A_1126 : vector<16xi32> -> vector<16xf32>
          %mul3A_1128 = arith.constant 5.000000e-01 : f32
          %mul3A_1129 = vector.broadcast %mul3A_1128 : f32 to vector<16xf32>
          %mul3A_1130 = arith.mulf %mul3A_1129, %max3A_1119 : vector<16xf32>
          %mul3A_1131 = arith.mulf %mul3A_1130, %bitcast_convert_type3A_1127 : vector<16xf32>
          %mul3A_1132 = arith.mulf %mul3A_1131, %bitcast_convert_type3A_1127 : vector<16xf32>
          %sub3A_1133 = arith.constant 1.500000e+00 : f32
          %sub3A_1134 = vector.broadcast %sub3A_1133 : f32 to vector<16xf32>
          %sub3A_1135 = arith.subf %sub3A_1134, %mul3A_1132 : vector<16xf32>
          %mul3A_1136 = arith.mulf %bitcast_convert_type3A_1127, %sub3A_1135 : vector<16xf32>
          %mul3A_1137 = arith.mulf %max3A_1119, %mul3A_1136 : vector<16xf32>
          %sub3A_1138 = vector.broadcast %scan3A_68 : f32 to vector<16xf32>
          %sub3A_1139 = arith.subf %sub3A_1138, %mul3A_1137 : vector<16xf32>
          %max3A_1140 = arith.constant 0.000000e+00 : f32
          %max3A_1141 = vector.broadcast %max3A_1140 : f32 to vector<16xf32>
          %max3A_1142 = arith.maximumf %sub3A_1139, %max3A_1141 : vector<16xf32>
          %jit3A_1143 = arith.constant 0.000000e+00 : f32
          %broadcast_in_dim3A_1144 = vector.broadcast %jit3A_1143 : f32 to vector<16xf32>
          %select_n3A_1145 = arith.select %lt3A_1116, %max3A_1142, %broadcast_in_dim3A_1144 : vector<16xi1>, vector<16xf32>
          %max3A_1146 = arith.maximumf %max3A_1073, %select_n3A_1145 : vector<16xf32>
          %min3A_1147 = arith.minimumf %max3A_1073, %select_n3A_1145 : vector<16xf32>
          %max3A_1148 = arith.maximumf %max3A_1075, %min3A_1147 : vector<16xf32>
          %min3A_1149 = arith.minimumf %max3A_1075, %min3A_1147 : vector<16xf32>
          %max3A_1150 = arith.maximumf %max3A_1077, %min3A_1149 : vector<16xf32>
          %min3A_1151 = arith.minimumf %max3A_1077, %min3A_1149 : vector<16xf32>
          %max3A_1152 = arith.maximumf %max3A_1079, %min3A_1151 : vector<16xf32>
          %min3A_1153 = arith.minimumf %max3A_1079, %min3A_1151 : vector<16xf32>
          %max3A_1154 = arith.maximumf %max3A_1081, %min3A_1153 : vector<16xf32>
          %min3A_1155 = arith.minimumf %max3A_1081, %min3A_1153 : vector<16xf32>
          %max3A_1156 = arith.maximumf %max3A_1083, %min3A_1155 : vector<16xf32>
          %min3A_1157 = arith.minimumf %max3A_1083, %min3A_1155 : vector<16xf32>
          %max3A_1158 = arith.maximumf %max3A_1085, %min3A_1157 : vector<16xf32>
          %min3A_1159 = arith.minimumf %max3A_1085, %min3A_1157 : vector<16xf32>
          %max3A_1160 = arith.maximumf %max3A_1087, %min3A_1159 : vector<16xf32>
          %min3A_1161 = arith.minimumf %max3A_1087, %min3A_1159 : vector<16xf32>
          %max3A_1162 = arith.maximumf %max3A_1089, %min3A_1161 : vector<16xf32>
          %min3A_1163 = arith.minimumf %max3A_1089, %min3A_1161 : vector<16xf32>
          %max3A_1164 = arith.maximumf %max3A_1091, %min3A_1163 : vector<16xf32>
          %min3A_1165 = arith.minimumf %max3A_1091, %min3A_1163 : vector<16xf32>
          %max3A_1166 = arith.maximumf %max3A_1093, %min3A_1165 : vector<16xf32>
          %min3A_1167 = arith.minimumf %max3A_1093, %min3A_1165 : vector<16xf32>
          %slice3A_1168 = vector.extract_strided_slice %get3A_163 {offsets = [9], sizes = [1], strides = [1]} : vector<16xf32> to vector<1xf32>
          %squeeze3A_1169 = vector.extract %slice3A_1168[0] : f32 from vector<1xf32>
          %mul3A_1170 = vector.broadcast %squeeze3A_1169 : f32 to vector<16xf32>
          %mul3A_1171 = arith.mulf %get3A_86, %mul3A_1170 : vector<16xf32>
          %slice3A_1172 = vector.extract_strided_slice %get3A_165 {offsets = [9], sizes = [1], strides = [1]} : vector<16xf32> to vector<1xf32>
          %squeeze3A_1173 = vector.extract %slice3A_1172[0] : f32 from vector<1xf32>
          %mul3A_1174 = vector.broadcast %squeeze3A_1173 : f32 to vector<16xf32>
          %mul3A_1175 = arith.mulf %get3A_88, %mul3A_1174 : vector<16xf32>
          %add3A_1176 = arith.addf %mul3A_1171, %mul3A_1175 : vector<16xf32>
          %slice3A_1177 = vector.extract_strided_slice %get3A_167 {offsets = [9], sizes = [1], strides = [1]} : vector<16xf32> to vector<1xf32>
          %squeeze3A_1178 = vector.extract %slice3A_1177[0] : f32 from vector<1xf32>
          %mul3A_1179 = vector.broadcast %squeeze3A_1178 : f32 to vector<16xf32>
          %mul3A_1180 = arith.mulf %get3A_90, %mul3A_1179 : vector<16xf32>
          %add3A_1181 = arith.addf %add3A_1176, %mul3A_1180 : vector<16xf32>
          %slice3A_1182 = vector.extract_strided_slice %get3A_169 {offsets = [9], sizes = [1], strides = [1]} : vector<16xf32> to vector<1xf32>
          %squeeze3A_1183 = vector.extract %slice3A_1182[0] : f32 from vector<1xf32>
          %add3A_1184 = vector.broadcast %squeeze3A_1183 : f32 to vector<16xf32>
          %add3A_1185 = arith.addf %get3A_92, %add3A_1184 : vector<16xf32>
          %add3A_1186 = arith.addf %add3A_1181, %add3A_1181 : vector<16xf32>
          %sub3A_1187 = arith.subf %add3A_1185, %add3A_1186 : vector<16xf32>
          %lt3A_1188 = vector.broadcast %scan3A_67 : f32 to vector<16xf32>
          %lt3A_1189 = arith.cmpf olt, %sub3A_1187, %lt3A_1188 : vector<16xf32>
          %max3A_1190 = arith.constant 9.99999996E-13 : f32
          %max3A_1191 = vector.broadcast %max3A_1190 : f32 to vector<16xf32>
          %max3A_1192 = arith.maximumf %sub3A_1187, %max3A_1191 : vector<16xf32>
          %bitcast_convert_type3A_1193 = tpu.bitcast %max3A_1192 : vector<16xf32> -> vector<16xi32>
          %shift_right_arithmetic3A_1194 = arith.constant 1 : i32
          %shift_right_arithmetic3A_1195 = vector.broadcast %shift_right_arithmetic3A_1194 : i32 to vector<16xi32>
          %shift_right_arithmetic3A_1196 = arith.shrsi %bitcast_convert_type3A_1193, %shift_right_arithmetic3A_1195 : vector<16xi32>
          %sub3A_1197 = arith.constant 1597463007 : i32
          %sub3A_1198 = vector.broadcast %sub3A_1197 : i32 to vector<16xi32>
          %sub3A_1199 = arith.subi %sub3A_1198, %shift_right_arithmetic3A_1196 : vector<16xi32>
          %bitcast_convert_type3A_1200 = tpu.bitcast %sub3A_1199 : vector<16xi32> -> vector<16xf32>
          %mul3A_1201 = arith.constant 5.000000e-01 : f32
          %mul3A_1202 = vector.broadcast %mul3A_1201 : f32 to vector<16xf32>
          %mul3A_1203 = arith.mulf %mul3A_1202, %max3A_1192 : vector<16xf32>
          %mul3A_1204 = arith.mulf %mul3A_1203, %bitcast_convert_type3A_1200 : vector<16xf32>
          %mul3A_1205 = arith.mulf %mul3A_1204, %bitcast_convert_type3A_1200 : vector<16xf32>
          %sub3A_1206 = arith.constant 1.500000e+00 : f32
          %sub3A_1207 = vector.broadcast %sub3A_1206 : f32 to vector<16xf32>
          %sub3A_1208 = arith.subf %sub3A_1207, %mul3A_1205 : vector<16xf32>
          %mul3A_1209 = arith.mulf %bitcast_convert_type3A_1200, %sub3A_1208 : vector<16xf32>
          %mul3A_1210 = arith.mulf %max3A_1192, %mul3A_1209 : vector<16xf32>
          %sub3A_1211 = vector.broadcast %scan3A_68 : f32 to vector<16xf32>
          %sub3A_1212 = arith.subf %sub3A_1211, %mul3A_1210 : vector<16xf32>
          %max3A_1213 = arith.constant 0.000000e+00 : f32
          %max3A_1214 = vector.broadcast %max3A_1213 : f32 to vector<16xf32>
          %max3A_1215 = arith.maximumf %sub3A_1212, %max3A_1214 : vector<16xf32>
          %jit3A_1216 = arith.constant 0.000000e+00 : f32
          %broadcast_in_dim3A_1217 = vector.broadcast %jit3A_1216 : f32 to vector<16xf32>
          %select_n3A_1218 = arith.select %lt3A_1189, %max3A_1215, %broadcast_in_dim3A_1217 : vector<16xi1>, vector<16xf32>
          %max3A_1219 = arith.maximumf %max3A_1146, %select_n3A_1218 : vector<16xf32>
          %min3A_1220 = arith.minimumf %max3A_1146, %select_n3A_1218 : vector<16xf32>
          %max3A_1221 = arith.maximumf %max3A_1148, %min3A_1220 : vector<16xf32>
          %min3A_1222 = arith.minimumf %max3A_1148, %min3A_1220 : vector<16xf32>
          %max3A_1223 = arith.maximumf %max3A_1150, %min3A_1222 : vector<16xf32>
          %min3A_1224 = arith.minimumf %max3A_1150, %min3A_1222 : vector<16xf32>
          %max3A_1225 = arith.maximumf %max3A_1152, %min3A_1224 : vector<16xf32>
          %min3A_1226 = arith.minimumf %max3A_1152, %min3A_1224 : vector<16xf32>
          %max3A_1227 = arith.maximumf %max3A_1154, %min3A_1226 : vector<16xf32>
          %min3A_1228 = arith.minimumf %max3A_1154, %min3A_1226 : vector<16xf32>
          %max3A_1229 = arith.maximumf %max3A_1156, %min3A_1228 : vector<16xf32>
          %min3A_1230 = arith.minimumf %max3A_1156, %min3A_1228 : vector<16xf32>
          %max3A_1231 = arith.maximumf %max3A_1158, %min3A_1230 : vector<16xf32>
          %min3A_1232 = arith.minimumf %max3A_1158, %min3A_1230 : vector<16xf32>
          %max3A_1233 = arith.maximumf %max3A_1160, %min3A_1232 : vector<16xf32>
          %min3A_1234 = arith.minimumf %max3A_1160, %min3A_1232 : vector<16xf32>
          %max3A_1235 = arith.maximumf %max3A_1162, %min3A_1234 : vector<16xf32>
          %min3A_1236 = arith.minimumf %max3A_1162, %min3A_1234 : vector<16xf32>
          %max3A_1237 = arith.maximumf %max3A_1164, %min3A_1236 : vector<16xf32>
          %min3A_1238 = arith.minimumf %max3A_1164, %min3A_1236 : vector<16xf32>
          %max3A_1239 = arith.maximumf %max3A_1166, %min3A_1238 : vector<16xf32>
          %min3A_1240 = arith.minimumf %max3A_1166, %min3A_1238 : vector<16xf32>
          %slice3A_1241 = vector.extract_strided_slice %get3A_163 {offsets = [10], sizes = [1], strides = [1]} : vector<16xf32> to vector<1xf32>
          %squeeze3A_1242 = vector.extract %slice3A_1241[0] : f32 from vector<1xf32>
          %mul3A_1243 = vector.broadcast %squeeze3A_1242 : f32 to vector<16xf32>
          %mul3A_1244 = arith.mulf %get3A_86, %mul3A_1243 : vector<16xf32>
          %slice3A_1245 = vector.extract_strided_slice %get3A_165 {offsets = [10], sizes = [1], strides = [1]} : vector<16xf32> to vector<1xf32>
          %squeeze3A_1246 = vector.extract %slice3A_1245[0] : f32 from vector<1xf32>
          %mul3A_1247 = vector.broadcast %squeeze3A_1246 : f32 to vector<16xf32>
          %mul3A_1248 = arith.mulf %get3A_88, %mul3A_1247 : vector<16xf32>
          %add3A_1249 = arith.addf %mul3A_1244, %mul3A_1248 : vector<16xf32>
          %slice3A_1250 = vector.extract_strided_slice %get3A_167 {offsets = [10], sizes = [1], strides = [1]} : vector<16xf32> to vector<1xf32>
          %squeeze3A_1251 = vector.extract %slice3A_1250[0] : f32 from vector<1xf32>
          %mul3A_1252 = vector.broadcast %squeeze3A_1251 : f32 to vector<16xf32>
          %mul3A_1253 = arith.mulf %get3A_90, %mul3A_1252 : vector<16xf32>
          %add3A_1254 = arith.addf %add3A_1249, %mul3A_1253 : vector<16xf32>
          %slice3A_1255 = vector.extract_strided_slice %get3A_169 {offsets = [10], sizes = [1], strides = [1]} : vector<16xf32> to vector<1xf32>
          %squeeze3A_1256 = vector.extract %slice3A_1255[0] : f32 from vector<1xf32>
          %add3A_1257 = vector.broadcast %squeeze3A_1256 : f32 to vector<16xf32>
          %add3A_1258 = arith.addf %get3A_92, %add3A_1257 : vector<16xf32>
          %add3A_1259 = arith.addf %add3A_1254, %add3A_1254 : vector<16xf32>
          %sub3A_1260 = arith.subf %add3A_1258, %add3A_1259 : vector<16xf32>
          %lt3A_1261 = vector.broadcast %scan3A_67 : f32 to vector<16xf32>
          %lt3A_1262 = arith.cmpf olt, %sub3A_1260, %lt3A_1261 : vector<16xf32>
          %max3A_1263 = arith.constant 9.99999996E-13 : f32
          %max3A_1264 = vector.broadcast %max3A_1263 : f32 to vector<16xf32>
          %max3A_1265 = arith.maximumf %sub3A_1260, %max3A_1264 : vector<16xf32>
          %bitcast_convert_type3A_1266 = tpu.bitcast %max3A_1265 : vector<16xf32> -> vector<16xi32>
          %shift_right_arithmetic3A_1267 = arith.constant 1 : i32
          %shift_right_arithmetic3A_1268 = vector.broadcast %shift_right_arithmetic3A_1267 : i32 to vector<16xi32>
          %shift_right_arithmetic3A_1269 = arith.shrsi %bitcast_convert_type3A_1266, %shift_right_arithmetic3A_1268 : vector<16xi32>
          %sub3A_1270 = arith.constant 1597463007 : i32
          %sub3A_1271 = vector.broadcast %sub3A_1270 : i32 to vector<16xi32>
          %sub3A_1272 = arith.subi %sub3A_1271, %shift_right_arithmetic3A_1269 : vector<16xi32>
          %bitcast_convert_type3A_1273 = tpu.bitcast %sub3A_1272 : vector<16xi32> -> vector<16xf32>
          %mul3A_1274 = arith.constant 5.000000e-01 : f32
          %mul3A_1275 = vector.broadcast %mul3A_1274 : f32 to vector<16xf32>
          %mul3A_1276 = arith.mulf %mul3A_1275, %max3A_1265 : vector<16xf32>
          %mul3A_1277 = arith.mulf %mul3A_1276, %bitcast_convert_type3A_1273 : vector<16xf32>
          %mul3A_1278 = arith.mulf %mul3A_1277, %bitcast_convert_type3A_1273 : vector<16xf32>
          %sub3A_1279 = arith.constant 1.500000e+00 : f32
          %sub3A_1280 = vector.broadcast %sub3A_1279 : f32 to vector<16xf32>
          %sub3A_1281 = arith.subf %sub3A_1280, %mul3A_1278 : vector<16xf32>
          %mul3A_1282 = arith.mulf %bitcast_convert_type3A_1273, %sub3A_1281 : vector<16xf32>
          %mul3A_1283 = arith.mulf %max3A_1265, %mul3A_1282 : vector<16xf32>
          %sub3A_1284 = vector.broadcast %scan3A_68 : f32 to vector<16xf32>
          %sub3A_1285 = arith.subf %sub3A_1284, %mul3A_1283 : vector<16xf32>
          %max3A_1286 = arith.constant 0.000000e+00 : f32
          %max3A_1287 = vector.broadcast %max3A_1286 : f32 to vector<16xf32>
          %max3A_1288 = arith.maximumf %sub3A_1285, %max3A_1287 : vector<16xf32>
          %jit3A_1289 = arith.constant 0.000000e+00 : f32
          %broadcast_in_dim3A_1290 = vector.broadcast %jit3A_1289 : f32 to vector<16xf32>
          %select_n3A_1291 = arith.select %lt3A_1262, %max3A_1288, %broadcast_in_dim3A_1290 : vector<16xi1>, vector<16xf32>
          %max3A_1292 = arith.maximumf %max3A_1219, %select_n3A_1291 : vector<16xf32>
          %min3A_1293 = arith.minimumf %max3A_1219, %select_n3A_1291 : vector<16xf32>
          %max3A_1294 = arith.maximumf %max3A_1221, %min3A_1293 : vector<16xf32>
          %min3A_1295 = arith.minimumf %max3A_1221, %min3A_1293 : vector<16xf32>
          %max3A_1296 = arith.maximumf %max3A_1223, %min3A_1295 : vector<16xf32>
          %min3A_1297 = arith.minimumf %max3A_1223, %min3A_1295 : vector<16xf32>
          %max3A_1298 = arith.maximumf %max3A_1225, %min3A_1297 : vector<16xf32>
          %min3A_1299 = arith.minimumf %max3A_1225, %min3A_1297 : vector<16xf32>
          %max3A_1300 = arith.maximumf %max3A_1227, %min3A_1299 : vector<16xf32>
          %min3A_1301 = arith.minimumf %max3A_1227, %min3A_1299 : vector<16xf32>
          %max3A_1302 = arith.maximumf %max3A_1229, %min3A_1301 : vector<16xf32>
          %min3A_1303 = arith.minimumf %max3A_1229, %min3A_1301 : vector<16xf32>
          %max3A_1304 = arith.maximumf %max3A_1231, %min3A_1303 : vector<16xf32>
          %min3A_1305 = arith.minimumf %max3A_1231, %min3A_1303 : vector<16xf32>
          %max3A_1306 = arith.maximumf %max3A_1233, %min3A_1305 : vector<16xf32>
          %min3A_1307 = arith.minimumf %max3A_1233, %min3A_1305 : vector<16xf32>
          %max3A_1308 = arith.maximumf %max3A_1235, %min3A_1307 : vector<16xf32>
          %min3A_1309 = arith.minimumf %max3A_1235, %min3A_1307 : vector<16xf32>
          %max3A_1310 = arith.maximumf %max3A_1237, %min3A_1309 : vector<16xf32>
          %min3A_1311 = arith.minimumf %max3A_1237, %min3A_1309 : vector<16xf32>
          %max3A_1312 = arith.maximumf %max3A_1239, %min3A_1311 : vector<16xf32>
          %min3A_1313 = arith.minimumf %max3A_1239, %min3A_1311 : vector<16xf32>
          %slice3A_1314 = vector.extract_strided_slice %get3A_163 {offsets = [11], sizes = [1], strides = [1]} : vector<16xf32> to vector<1xf32>
          %squeeze3A_1315 = vector.extract %slice3A_1314[0] : f32 from vector<1xf32>
          %mul3A_1316 = vector.broadcast %squeeze3A_1315 : f32 to vector<16xf32>
          %mul3A_1317 = arith.mulf %get3A_86, %mul3A_1316 : vector<16xf32>
          %slice3A_1318 = vector.extract_strided_slice %get3A_165 {offsets = [11], sizes = [1], strides = [1]} : vector<16xf32> to vector<1xf32>
          %squeeze3A_1319 = vector.extract %slice3A_1318[0] : f32 from vector<1xf32>
          %mul3A_1320 = vector.broadcast %squeeze3A_1319 : f32 to vector<16xf32>
          %mul3A_1321 = arith.mulf %get3A_88, %mul3A_1320 : vector<16xf32>
          %add3A_1322 = arith.addf %mul3A_1317, %mul3A_1321 : vector<16xf32>
          %slice3A_1323 = vector.extract_strided_slice %get3A_167 {offsets = [11], sizes = [1], strides = [1]} : vector<16xf32> to vector<1xf32>
          %squeeze3A_1324 = vector.extract %slice3A_1323[0] : f32 from vector<1xf32>
          %mul3A_1325 = vector.broadcast %squeeze3A_1324 : f32 to vector<16xf32>
          %mul3A_1326 = arith.mulf %get3A_90, %mul3A_1325 : vector<16xf32>
          %add3A_1327 = arith.addf %add3A_1322, %mul3A_1326 : vector<16xf32>
          %slice3A_1328 = vector.extract_strided_slice %get3A_169 {offsets = [11], sizes = [1], strides = [1]} : vector<16xf32> to vector<1xf32>
          %squeeze3A_1329 = vector.extract %slice3A_1328[0] : f32 from vector<1xf32>
          %add3A_1330 = vector.broadcast %squeeze3A_1329 : f32 to vector<16xf32>
          %add3A_1331 = arith.addf %get3A_92, %add3A_1330 : vector<16xf32>
          %add3A_1332 = arith.addf %add3A_1327, %add3A_1327 : vector<16xf32>
          %sub3A_1333 = arith.subf %add3A_1331, %add3A_1332 : vector<16xf32>
          %lt3A_1334 = vector.broadcast %scan3A_67 : f32 to vector<16xf32>
          %lt3A_1335 = arith.cmpf olt, %sub3A_1333, %lt3A_1334 : vector<16xf32>
          %max3A_1336 = arith.constant 9.99999996E-13 : f32
          %max3A_1337 = vector.broadcast %max3A_1336 : f32 to vector<16xf32>
          %max3A_1338 = arith.maximumf %sub3A_1333, %max3A_1337 : vector<16xf32>
          %bitcast_convert_type3A_1339 = tpu.bitcast %max3A_1338 : vector<16xf32> -> vector<16xi32>
          %shift_right_arithmetic3A_1340 = arith.constant 1 : i32
          %shift_right_arithmetic3A_1341 = vector.broadcast %shift_right_arithmetic3A_1340 : i32 to vector<16xi32>
          %shift_right_arithmetic3A_1342 = arith.shrsi %bitcast_convert_type3A_1339, %shift_right_arithmetic3A_1341 : vector<16xi32>
          %sub3A_1343 = arith.constant 1597463007 : i32
          %sub3A_1344 = vector.broadcast %sub3A_1343 : i32 to vector<16xi32>
          %sub3A_1345 = arith.subi %sub3A_1344, %shift_right_arithmetic3A_1342 : vector<16xi32>
          %bitcast_convert_type3A_1346 = tpu.bitcast %sub3A_1345 : vector<16xi32> -> vector<16xf32>
          %mul3A_1347 = arith.constant 5.000000e-01 : f32
          %mul3A_1348 = vector.broadcast %mul3A_1347 : f32 to vector<16xf32>
          %mul3A_1349 = arith.mulf %mul3A_1348, %max3A_1338 : vector<16xf32>
          %mul3A_1350 = arith.mulf %mul3A_1349, %bitcast_convert_type3A_1346 : vector<16xf32>
          %mul3A_1351 = arith.mulf %mul3A_1350, %bitcast_convert_type3A_1346 : vector<16xf32>
          %sub3A_1352 = arith.constant 1.500000e+00 : f32
          %sub3A_1353 = vector.broadcast %sub3A_1352 : f32 to vector<16xf32>
          %sub3A_1354 = arith.subf %sub3A_1353, %mul3A_1351 : vector<16xf32>
          %mul3A_1355 = arith.mulf %bitcast_convert_type3A_1346, %sub3A_1354 : vector<16xf32>
          %mul3A_1356 = arith.mulf %max3A_1338, %mul3A_1355 : vector<16xf32>
          %sub3A_1357 = vector.broadcast %scan3A_68 : f32 to vector<16xf32>
          %sub3A_1358 = arith.subf %sub3A_1357, %mul3A_1356 : vector<16xf32>
          %max3A_1359 = arith.constant 0.000000e+00 : f32
          %max3A_1360 = vector.broadcast %max3A_1359 : f32 to vector<16xf32>
          %max3A_1361 = arith.maximumf %sub3A_1358, %max3A_1360 : vector<16xf32>
          %jit3A_1362 = arith.constant 0.000000e+00 : f32
          %broadcast_in_dim3A_1363 = vector.broadcast %jit3A_1362 : f32 to vector<16xf32>
          %select_n3A_1364 = arith.select %lt3A_1335, %max3A_1361, %broadcast_in_dim3A_1363 : vector<16xi1>, vector<16xf32>
          %max3A_1365 = arith.maximumf %max3A_1292, %select_n3A_1364 : vector<16xf32>
          %min3A_1366 = arith.minimumf %max3A_1292, %select_n3A_1364 : vector<16xf32>
          %max3A_1367 = arith.maximumf %max3A_1294, %min3A_1366 : vector<16xf32>
          %min3A_1368 = arith.minimumf %max3A_1294, %min3A_1366 : vector<16xf32>
          %max3A_1369 = arith.maximumf %max3A_1296, %min3A_1368 : vector<16xf32>
          %min3A_1370 = arith.minimumf %max3A_1296, %min3A_1368 : vector<16xf32>
          %max3A_1371 = arith.maximumf %max3A_1298, %min3A_1370 : vector<16xf32>
          %min3A_1372 = arith.minimumf %max3A_1298, %min3A_1370 : vector<16xf32>
          %max3A_1373 = arith.maximumf %max3A_1300, %min3A_1372 : vector<16xf32>
          %min3A_1374 = arith.minimumf %max3A_1300, %min3A_1372 : vector<16xf32>
          %max3A_1375 = arith.maximumf %max3A_1302, %min3A_1374 : vector<16xf32>
          %min3A_1376 = arith.minimumf %max3A_1302, %min3A_1374 : vector<16xf32>
          %max3A_1377 = arith.maximumf %max3A_1304, %min3A_1376 : vector<16xf32>
          %min3A_1378 = arith.minimumf %max3A_1304, %min3A_1376 : vector<16xf32>
          %max3A_1379 = arith.maximumf %max3A_1306, %min3A_1378 : vector<16xf32>
          %min3A_1380 = arith.minimumf %max3A_1306, %min3A_1378 : vector<16xf32>
          %max3A_1381 = arith.maximumf %max3A_1308, %min3A_1380 : vector<16xf32>
          %min3A_1382 = arith.minimumf %max3A_1308, %min3A_1380 : vector<16xf32>
          %max3A_1383 = arith.maximumf %max3A_1310, %min3A_1382 : vector<16xf32>
          %min3A_1384 = arith.minimumf %max3A_1310, %min3A_1382 : vector<16xf32>
          %max3A_1385 = arith.maximumf %max3A_1312, %min3A_1384 : vector<16xf32>
          %min3A_1386 = arith.minimumf %max3A_1312, %min3A_1384 : vector<16xf32>
          %slice3A_1387 = vector.extract_strided_slice %get3A_163 {offsets = [12], sizes = [1], strides = [1]} : vector<16xf32> to vector<1xf32>
          %squeeze3A_1388 = vector.extract %slice3A_1387[0] : f32 from vector<1xf32>
          %mul3A_1389 = vector.broadcast %squeeze3A_1388 : f32 to vector<16xf32>
          %mul3A_1390 = arith.mulf %get3A_86, %mul3A_1389 : vector<16xf32>
          %slice3A_1391 = vector.extract_strided_slice %get3A_165 {offsets = [12], sizes = [1], strides = [1]} : vector<16xf32> to vector<1xf32>
          %squeeze3A_1392 = vector.extract %slice3A_1391[0] : f32 from vector<1xf32>
          %mul3A_1393 = vector.broadcast %squeeze3A_1392 : f32 to vector<16xf32>
          %mul3A_1394 = arith.mulf %get3A_88, %mul3A_1393 : vector<16xf32>
          %add3A_1395 = arith.addf %mul3A_1390, %mul3A_1394 : vector<16xf32>
          %slice3A_1396 = vector.extract_strided_slice %get3A_167 {offsets = [12], sizes = [1], strides = [1]} : vector<16xf32> to vector<1xf32>
          %squeeze3A_1397 = vector.extract %slice3A_1396[0] : f32 from vector<1xf32>
          %mul3A_1398 = vector.broadcast %squeeze3A_1397 : f32 to vector<16xf32>
          %mul3A_1399 = arith.mulf %get3A_90, %mul3A_1398 : vector<16xf32>
          %add3A_1400 = arith.addf %add3A_1395, %mul3A_1399 : vector<16xf32>
          %slice3A_1401 = vector.extract_strided_slice %get3A_169 {offsets = [12], sizes = [1], strides = [1]} : vector<16xf32> to vector<1xf32>
          %squeeze3A_1402 = vector.extract %slice3A_1401[0] : f32 from vector<1xf32>
          %add3A_1403 = vector.broadcast %squeeze3A_1402 : f32 to vector<16xf32>
          %add3A_1404 = arith.addf %get3A_92, %add3A_1403 : vector<16xf32>
          %add3A_1405 = arith.addf %add3A_1400, %add3A_1400 : vector<16xf32>
          %sub3A_1406 = arith.subf %add3A_1404, %add3A_1405 : vector<16xf32>
          %lt3A_1407 = vector.broadcast %scan3A_67 : f32 to vector<16xf32>
          %lt3A_1408 = arith.cmpf olt, %sub3A_1406, %lt3A_1407 : vector<16xf32>
          %max3A_1409 = arith.constant 9.99999996E-13 : f32
          %max3A_1410 = vector.broadcast %max3A_1409 : f32 to vector<16xf32>
          %max3A_1411 = arith.maximumf %sub3A_1406, %max3A_1410 : vector<16xf32>
          %bitcast_convert_type3A_1412 = tpu.bitcast %max3A_1411 : vector<16xf32> -> vector<16xi32>
          %shift_right_arithmetic3A_1413 = arith.constant 1 : i32
          %shift_right_arithmetic3A_1414 = vector.broadcast %shift_right_arithmetic3A_1413 : i32 to vector<16xi32>
          %shift_right_arithmetic3A_1415 = arith.shrsi %bitcast_convert_type3A_1412, %shift_right_arithmetic3A_1414 : vector<16xi32>
          %sub3A_1416 = arith.constant 1597463007 : i32
          %sub3A_1417 = vector.broadcast %sub3A_1416 : i32 to vector<16xi32>
          %sub3A_1418 = arith.subi %sub3A_1417, %shift_right_arithmetic3A_1415 : vector<16xi32>
          %bitcast_convert_type3A_1419 = tpu.bitcast %sub3A_1418 : vector<16xi32> -> vector<16xf32>
          %mul3A_1420 = arith.constant 5.000000e-01 : f32
          %mul3A_1421 = vector.broadcast %mul3A_1420 : f32 to vector<16xf32>
          %mul3A_1422 = arith.mulf %mul3A_1421, %max3A_1411 : vector<16xf32>
          %mul3A_1423 = arith.mulf %mul3A_1422, %bitcast_convert_type3A_1419 : vector<16xf32>
          %mul3A_1424 = arith.mulf %mul3A_1423, %bitcast_convert_type3A_1419 : vector<16xf32>
          %sub3A_1425 = arith.constant 1.500000e+00 : f32
          %sub3A_1426 = vector.broadcast %sub3A_1425 : f32 to vector<16xf32>
          %sub3A_1427 = arith.subf %sub3A_1426, %mul3A_1424 : vector<16xf32>
          %mul3A_1428 = arith.mulf %bitcast_convert_type3A_1419, %sub3A_1427 : vector<16xf32>
          %mul3A_1429 = arith.mulf %max3A_1411, %mul3A_1428 : vector<16xf32>
          %sub3A_1430 = vector.broadcast %scan3A_68 : f32 to vector<16xf32>
          %sub3A_1431 = arith.subf %sub3A_1430, %mul3A_1429 : vector<16xf32>
          %max3A_1432 = arith.constant 0.000000e+00 : f32
          %max3A_1433 = vector.broadcast %max3A_1432 : f32 to vector<16xf32>
          %max3A_1434 = arith.maximumf %sub3A_1431, %max3A_1433 : vector<16xf32>
          %jit3A_1435 = arith.constant 0.000000e+00 : f32
          %broadcast_in_dim3A_1436 = vector.broadcast %jit3A_1435 : f32 to vector<16xf32>
          %select_n3A_1437 = arith.select %lt3A_1408, %max3A_1434, %broadcast_in_dim3A_1436 : vector<16xi1>, vector<16xf32>
          %max3A_1438 = arith.maximumf %max3A_1365, %select_n3A_1437 : vector<16xf32>
          %min3A_1439 = arith.minimumf %max3A_1365, %select_n3A_1437 : vector<16xf32>
          %max3A_1440 = arith.maximumf %max3A_1367, %min3A_1439 : vector<16xf32>
          %min3A_1441 = arith.minimumf %max3A_1367, %min3A_1439 : vector<16xf32>
          %max3A_1442 = arith.maximumf %max3A_1369, %min3A_1441 : vector<16xf32>
          %min3A_1443 = arith.minimumf %max3A_1369, %min3A_1441 : vector<16xf32>
          %max3A_1444 = arith.maximumf %max3A_1371, %min3A_1443 : vector<16xf32>
          %min3A_1445 = arith.minimumf %max3A_1371, %min3A_1443 : vector<16xf32>
          %max3A_1446 = arith.maximumf %max3A_1373, %min3A_1445 : vector<16xf32>
          %min3A_1447 = arith.minimumf %max3A_1373, %min3A_1445 : vector<16xf32>
          %max3A_1448 = arith.maximumf %max3A_1375, %min3A_1447 : vector<16xf32>
          %min3A_1449 = arith.minimumf %max3A_1375, %min3A_1447 : vector<16xf32>
          %max3A_1450 = arith.maximumf %max3A_1377, %min3A_1449 : vector<16xf32>
          %min3A_1451 = arith.minimumf %max3A_1377, %min3A_1449 : vector<16xf32>
          %max3A_1452 = arith.maximumf %max3A_1379, %min3A_1451 : vector<16xf32>
          %min3A_1453 = arith.minimumf %max3A_1379, %min3A_1451 : vector<16xf32>
          %max3A_1454 = arith.maximumf %max3A_1381, %min3A_1453 : vector<16xf32>
          %min3A_1455 = arith.minimumf %max3A_1381, %min3A_1453 : vector<16xf32>
          %max3A_1456 = arith.maximumf %max3A_1383, %min3A_1455 : vector<16xf32>
          %min3A_1457 = arith.minimumf %max3A_1383, %min3A_1455 : vector<16xf32>
          %max3A_1458 = arith.maximumf %max3A_1385, %min3A_1457 : vector<16xf32>
          %min3A_1459 = arith.minimumf %max3A_1385, %min3A_1457 : vector<16xf32>
          %slice3A_1460 = vector.extract_strided_slice %get3A_163 {offsets = [13], sizes = [1], strides = [1]} : vector<16xf32> to vector<1xf32>
          %squeeze3A_1461 = vector.extract %slice3A_1460[0] : f32 from vector<1xf32>
          %mul3A_1462 = vector.broadcast %squeeze3A_1461 : f32 to vector<16xf32>
          %mul3A_1463 = arith.mulf %get3A_86, %mul3A_1462 : vector<16xf32>
          %slice3A_1464 = vector.extract_strided_slice %get3A_165 {offsets = [13], sizes = [1], strides = [1]} : vector<16xf32> to vector<1xf32>
          %squeeze3A_1465 = vector.extract %slice3A_1464[0] : f32 from vector<1xf32>
          %mul3A_1466 = vector.broadcast %squeeze3A_1465 : f32 to vector<16xf32>
          %mul3A_1467 = arith.mulf %get3A_88, %mul3A_1466 : vector<16xf32>
          %add3A_1468 = arith.addf %mul3A_1463, %mul3A_1467 : vector<16xf32>
          %slice3A_1469 = vector.extract_strided_slice %get3A_167 {offsets = [13], sizes = [1], strides = [1]} : vector<16xf32> to vector<1xf32>
          %squeeze3A_1470 = vector.extract %slice3A_1469[0] : f32 from vector<1xf32>
          %mul3A_1471 = vector.broadcast %squeeze3A_1470 : f32 to vector<16xf32>
          %mul3A_1472 = arith.mulf %get3A_90, %mul3A_1471 : vector<16xf32>
          %add3A_1473 = arith.addf %add3A_1468, %mul3A_1472 : vector<16xf32>
          %slice3A_1474 = vector.extract_strided_slice %get3A_169 {offsets = [13], sizes = [1], strides = [1]} : vector<16xf32> to vector<1xf32>
          %squeeze3A_1475 = vector.extract %slice3A_1474[0] : f32 from vector<1xf32>
          %add3A_1476 = vector.broadcast %squeeze3A_1475 : f32 to vector<16xf32>
          %add3A_1477 = arith.addf %get3A_92, %add3A_1476 : vector<16xf32>
          %add3A_1478 = arith.addf %add3A_1473, %add3A_1473 : vector<16xf32>
          %sub3A_1479 = arith.subf %add3A_1477, %add3A_1478 : vector<16xf32>
          %lt3A_1480 = vector.broadcast %scan3A_67 : f32 to vector<16xf32>
          %lt3A_1481 = arith.cmpf olt, %sub3A_1479, %lt3A_1480 : vector<16xf32>
          %max3A_1482 = arith.constant 9.99999996E-13 : f32
          %max3A_1483 = vector.broadcast %max3A_1482 : f32 to vector<16xf32>
          %max3A_1484 = arith.maximumf %sub3A_1479, %max3A_1483 : vector<16xf32>
          %bitcast_convert_type3A_1485 = tpu.bitcast %max3A_1484 : vector<16xf32> -> vector<16xi32>
          %shift_right_arithmetic3A_1486 = arith.constant 1 : i32
          %shift_right_arithmetic3A_1487 = vector.broadcast %shift_right_arithmetic3A_1486 : i32 to vector<16xi32>
          %shift_right_arithmetic3A_1488 = arith.shrsi %bitcast_convert_type3A_1485, %shift_right_arithmetic3A_1487 : vector<16xi32>
          %sub3A_1489 = arith.constant 1597463007 : i32
          %sub3A_1490 = vector.broadcast %sub3A_1489 : i32 to vector<16xi32>
          %sub3A_1491 = arith.subi %sub3A_1490, %shift_right_arithmetic3A_1488 : vector<16xi32>
          %bitcast_convert_type3A_1492 = tpu.bitcast %sub3A_1491 : vector<16xi32> -> vector<16xf32>
          %mul3A_1493 = arith.constant 5.000000e-01 : f32
          %mul3A_1494 = vector.broadcast %mul3A_1493 : f32 to vector<16xf32>
          %mul3A_1495 = arith.mulf %mul3A_1494, %max3A_1484 : vector<16xf32>
          %mul3A_1496 = arith.mulf %mul3A_1495, %bitcast_convert_type3A_1492 : vector<16xf32>
          %mul3A_1497 = arith.mulf %mul3A_1496, %bitcast_convert_type3A_1492 : vector<16xf32>
          %sub3A_1498 = arith.constant 1.500000e+00 : f32
          %sub3A_1499 = vector.broadcast %sub3A_1498 : f32 to vector<16xf32>
          %sub3A_1500 = arith.subf %sub3A_1499, %mul3A_1497 : vector<16xf32>
          %mul3A_1501 = arith.mulf %bitcast_convert_type3A_1492, %sub3A_1500 : vector<16xf32>
          %mul3A_1502 = arith.mulf %max3A_1484, %mul3A_1501 : vector<16xf32>
          %sub3A_1503 = vector.broadcast %scan3A_68 : f32 to vector<16xf32>
          %sub3A_1504 = arith.subf %sub3A_1503, %mul3A_1502 : vector<16xf32>
          %max3A_1505 = arith.constant 0.000000e+00 : f32
          %max3A_1506 = vector.broadcast %max3A_1505 : f32 to vector<16xf32>
          %max3A_1507 = arith.maximumf %sub3A_1504, %max3A_1506 : vector<16xf32>
          %jit3A_1508 = arith.constant 0.000000e+00 : f32
          %broadcast_in_dim3A_1509 = vector.broadcast %jit3A_1508 : f32 to vector<16xf32>
          %select_n3A_1510 = arith.select %lt3A_1481, %max3A_1507, %broadcast_in_dim3A_1509 : vector<16xi1>, vector<16xf32>
          %max3A_1511 = arith.maximumf %max3A_1438, %select_n3A_1510 : vector<16xf32>
          %min3A_1512 = arith.minimumf %max3A_1438, %select_n3A_1510 : vector<16xf32>
          %max3A_1513 = arith.maximumf %max3A_1440, %min3A_1512 : vector<16xf32>
          %min3A_1514 = arith.minimumf %max3A_1440, %min3A_1512 : vector<16xf32>
          %max3A_1515 = arith.maximumf %max3A_1442, %min3A_1514 : vector<16xf32>
          %min3A_1516 = arith.minimumf %max3A_1442, %min3A_1514 : vector<16xf32>
          %max3A_1517 = arith.maximumf %max3A_1444, %min3A_1516 : vector<16xf32>
          %min3A_1518 = arith.minimumf %max3A_1444, %min3A_1516 : vector<16xf32>
          %max3A_1519 = arith.maximumf %max3A_1446, %min3A_1518 : vector<16xf32>
          %min3A_1520 = arith.minimumf %max3A_1446, %min3A_1518 : vector<16xf32>
          %max3A_1521 = arith.maximumf %max3A_1448, %min3A_1520 : vector<16xf32>
          %min3A_1522 = arith.minimumf %max3A_1448, %min3A_1520 : vector<16xf32>
          %max3A_1523 = arith.maximumf %max3A_1450, %min3A_1522 : vector<16xf32>
          %min3A_1524 = arith.minimumf %max3A_1450, %min3A_1522 : vector<16xf32>
          %max3A_1525 = arith.maximumf %max3A_1452, %min3A_1524 : vector<16xf32>
          %min3A_1526 = arith.minimumf %max3A_1452, %min3A_1524 : vector<16xf32>
          %max3A_1527 = arith.maximumf %max3A_1454, %min3A_1526 : vector<16xf32>
          %min3A_1528 = arith.minimumf %max3A_1454, %min3A_1526 : vector<16xf32>
          %max3A_1529 = arith.maximumf %max3A_1456, %min3A_1528 : vector<16xf32>
          %min3A_1530 = arith.minimumf %max3A_1456, %min3A_1528 : vector<16xf32>
          %max3A_1531 = arith.maximumf %max3A_1458, %min3A_1530 : vector<16xf32>
          %min3A_1532 = arith.minimumf %max3A_1458, %min3A_1530 : vector<16xf32>
          %slice3A_1533 = vector.extract_strided_slice %get3A_163 {offsets = [14], sizes = [1], strides = [1]} : vector<16xf32> to vector<1xf32>
          %squeeze3A_1534 = vector.extract %slice3A_1533[0] : f32 from vector<1xf32>
          %mul3A_1535 = vector.broadcast %squeeze3A_1534 : f32 to vector<16xf32>
          %mul3A_1536 = arith.mulf %get3A_86, %mul3A_1535 : vector<16xf32>
          %slice3A_1537 = vector.extract_strided_slice %get3A_165 {offsets = [14], sizes = [1], strides = [1]} : vector<16xf32> to vector<1xf32>
          %squeeze3A_1538 = vector.extract %slice3A_1537[0] : f32 from vector<1xf32>
          %mul3A_1539 = vector.broadcast %squeeze3A_1538 : f32 to vector<16xf32>
          %mul3A_1540 = arith.mulf %get3A_88, %mul3A_1539 : vector<16xf32>
          %add3A_1541 = arith.addf %mul3A_1536, %mul3A_1540 : vector<16xf32>
          %slice3A_1542 = vector.extract_strided_slice %get3A_167 {offsets = [14], sizes = [1], strides = [1]} : vector<16xf32> to vector<1xf32>
          %squeeze3A_1543 = vector.extract %slice3A_1542[0] : f32 from vector<1xf32>
          %mul3A_1544 = vector.broadcast %squeeze3A_1543 : f32 to vector<16xf32>
          %mul3A_1545 = arith.mulf %get3A_90, %mul3A_1544 : vector<16xf32>
          %add3A_1546 = arith.addf %add3A_1541, %mul3A_1545 : vector<16xf32>
          %slice3A_1547 = vector.extract_strided_slice %get3A_169 {offsets = [14], sizes = [1], strides = [1]} : vector<16xf32> to vector<1xf32>
          %squeeze3A_1548 = vector.extract %slice3A_1547[0] : f32 from vector<1xf32>
          %add3A_1549 = vector.broadcast %squeeze3A_1548 : f32 to vector<16xf32>
          %add3A_1550 = arith.addf %get3A_92, %add3A_1549 : vector<16xf32>
          %add3A_1551 = arith.addf %add3A_1546, %add3A_1546 : vector<16xf32>
          %sub3A_1552 = arith.subf %add3A_1550, %add3A_1551 : vector<16xf32>
          %lt3A_1553 = vector.broadcast %scan3A_67 : f32 to vector<16xf32>
          %lt3A_1554 = arith.cmpf olt, %sub3A_1552, %lt3A_1553 : vector<16xf32>
          %max3A_1555 = arith.constant 9.99999996E-13 : f32
          %max3A_1556 = vector.broadcast %max3A_1555 : f32 to vector<16xf32>
          %max3A_1557 = arith.maximumf %sub3A_1552, %max3A_1556 : vector<16xf32>
          %bitcast_convert_type3A_1558 = tpu.bitcast %max3A_1557 : vector<16xf32> -> vector<16xi32>
          %shift_right_arithmetic3A_1559 = arith.constant 1 : i32
          %shift_right_arithmetic3A_1560 = vector.broadcast %shift_right_arithmetic3A_1559 : i32 to vector<16xi32>
          %shift_right_arithmetic3A_1561 = arith.shrsi %bitcast_convert_type3A_1558, %shift_right_arithmetic3A_1560 : vector<16xi32>
          %sub3A_1562 = arith.constant 1597463007 : i32
          %sub3A_1563 = vector.broadcast %sub3A_1562 : i32 to vector<16xi32>
          %sub3A_1564 = arith.subi %sub3A_1563, %shift_right_arithmetic3A_1561 : vector<16xi32>
          %bitcast_convert_type3A_1565 = tpu.bitcast %sub3A_1564 : vector<16xi32> -> vector<16xf32>
          %mul3A_1566 = arith.constant 5.000000e-01 : f32
          %mul3A_1567 = vector.broadcast %mul3A_1566 : f32 to vector<16xf32>
          %mul3A_1568 = arith.mulf %mul3A_1567, %max3A_1557 : vector<16xf32>
          %mul3A_1569 = arith.mulf %mul3A_1568, %bitcast_convert_type3A_1565 : vector<16xf32>
          %mul3A_1570 = arith.mulf %mul3A_1569, %bitcast_convert_type3A_1565 : vector<16xf32>
          %sub3A_1571 = arith.constant 1.500000e+00 : f32
          %sub3A_1572 = vector.broadcast %sub3A_1571 : f32 to vector<16xf32>
          %sub3A_1573 = arith.subf %sub3A_1572, %mul3A_1570 : vector<16xf32>
          %mul3A_1574 = arith.mulf %bitcast_convert_type3A_1565, %sub3A_1573 : vector<16xf32>
          %mul3A_1575 = arith.mulf %max3A_1557, %mul3A_1574 : vector<16xf32>
          %sub3A_1576 = vector.broadcast %scan3A_68 : f32 to vector<16xf32>
          %sub3A_1577 = arith.subf %sub3A_1576, %mul3A_1575 : vector<16xf32>
          %max3A_1578 = arith.constant 0.000000e+00 : f32
          %max3A_1579 = vector.broadcast %max3A_1578 : f32 to vector<16xf32>
          %max3A_1580 = arith.maximumf %sub3A_1577, %max3A_1579 : vector<16xf32>
          %jit3A_1581 = arith.constant 0.000000e+00 : f32
          %broadcast_in_dim3A_1582 = vector.broadcast %jit3A_1581 : f32 to vector<16xf32>
          %select_n3A_1583 = arith.select %lt3A_1554, %max3A_1580, %broadcast_in_dim3A_1582 : vector<16xi1>, vector<16xf32>
          %max3A_1584 = arith.maximumf %max3A_1511, %select_n3A_1583 : vector<16xf32>
          %min3A_1585 = arith.minimumf %max3A_1511, %select_n3A_1583 : vector<16xf32>
          %max3A_1586 = arith.maximumf %max3A_1513, %min3A_1585 : vector<16xf32>
          %min3A_1587 = arith.minimumf %max3A_1513, %min3A_1585 : vector<16xf32>
          %max3A_1588 = arith.maximumf %max3A_1515, %min3A_1587 : vector<16xf32>
          %min3A_1589 = arith.minimumf %max3A_1515, %min3A_1587 : vector<16xf32>
          %max3A_1590 = arith.maximumf %max3A_1517, %min3A_1589 : vector<16xf32>
          %min3A_1591 = arith.minimumf %max3A_1517, %min3A_1589 : vector<16xf32>
          %max3A_1592 = arith.maximumf %max3A_1519, %min3A_1591 : vector<16xf32>
          %min3A_1593 = arith.minimumf %max3A_1519, %min3A_1591 : vector<16xf32>
          %max3A_1594 = arith.maximumf %max3A_1521, %min3A_1593 : vector<16xf32>
          %min3A_1595 = arith.minimumf %max3A_1521, %min3A_1593 : vector<16xf32>
          %max3A_1596 = arith.maximumf %max3A_1523, %min3A_1595 : vector<16xf32>
          %min3A_1597 = arith.minimumf %max3A_1523, %min3A_1595 : vector<16xf32>
          %max3A_1598 = arith.maximumf %max3A_1525, %min3A_1597 : vector<16xf32>
          %min3A_1599 = arith.minimumf %max3A_1525, %min3A_1597 : vector<16xf32>
          %max3A_1600 = arith.maximumf %max3A_1527, %min3A_1599 : vector<16xf32>
          %min3A_1601 = arith.minimumf %max3A_1527, %min3A_1599 : vector<16xf32>
          %max3A_1602 = arith.maximumf %max3A_1529, %min3A_1601 : vector<16xf32>
          %min3A_1603 = arith.minimumf %max3A_1529, %min3A_1601 : vector<16xf32>
          %max3A_1604 = arith.maximumf %max3A_1531, %min3A_1603 : vector<16xf32>
          %min3A_1605 = arith.minimumf %max3A_1531, %min3A_1603 : vector<16xf32>
          %slice3A_1606 = vector.extract_strided_slice %get3A_163 {offsets = [15], sizes = [1], strides = [1]} : vector<16xf32> to vector<1xf32>
          %squeeze3A_1607 = vector.extract %slice3A_1606[0] : f32 from vector<1xf32>
          %mul3A_1608 = vector.broadcast %squeeze3A_1607 : f32 to vector<16xf32>
          %mul3A_1609 = arith.mulf %get3A_86, %mul3A_1608 : vector<16xf32>
          %slice3A_1610 = vector.extract_strided_slice %get3A_165 {offsets = [15], sizes = [1], strides = [1]} : vector<16xf32> to vector<1xf32>
          %squeeze3A_1611 = vector.extract %slice3A_1610[0] : f32 from vector<1xf32>
          %mul3A_1612 = vector.broadcast %squeeze3A_1611 : f32 to vector<16xf32>
          %mul3A_1613 = arith.mulf %get3A_88, %mul3A_1612 : vector<16xf32>
          %add3A_1614 = arith.addf %mul3A_1609, %mul3A_1613 : vector<16xf32>
          %slice3A_1615 = vector.extract_strided_slice %get3A_167 {offsets = [15], sizes = [1], strides = [1]} : vector<16xf32> to vector<1xf32>
          %squeeze3A_1616 = vector.extract %slice3A_1615[0] : f32 from vector<1xf32>
          %mul3A_1617 = vector.broadcast %squeeze3A_1616 : f32 to vector<16xf32>
          %mul3A_1618 = arith.mulf %get3A_90, %mul3A_1617 : vector<16xf32>
          %add3A_1619 = arith.addf %add3A_1614, %mul3A_1618 : vector<16xf32>
          %slice3A_1620 = vector.extract_strided_slice %get3A_169 {offsets = [15], sizes = [1], strides = [1]} : vector<16xf32> to vector<1xf32>
          %squeeze3A_1621 = vector.extract %slice3A_1620[0] : f32 from vector<1xf32>
          %add3A_1622 = vector.broadcast %squeeze3A_1621 : f32 to vector<16xf32>
          %add3A_1623 = arith.addf %get3A_92, %add3A_1622 : vector<16xf32>
          %add3A_1624 = arith.addf %add3A_1619, %add3A_1619 : vector<16xf32>
          %sub3A_1625 = arith.subf %add3A_1623, %add3A_1624 : vector<16xf32>
          %lt3A_1626 = vector.broadcast %scan3A_67 : f32 to vector<16xf32>
          %lt3A_1627 = arith.cmpf olt, %sub3A_1625, %lt3A_1626 : vector<16xf32>
          %max3A_1628 = arith.constant 9.99999996E-13 : f32
          %max3A_1629 = vector.broadcast %max3A_1628 : f32 to vector<16xf32>
          %max3A_1630 = arith.maximumf %sub3A_1625, %max3A_1629 : vector<16xf32>
          %bitcast_convert_type3A_1631 = tpu.bitcast %max3A_1630 : vector<16xf32> -> vector<16xi32>
          %shift_right_arithmetic3A_1632 = arith.constant 1 : i32
          %shift_right_arithmetic3A_1633 = vector.broadcast %shift_right_arithmetic3A_1632 : i32 to vector<16xi32>
          %shift_right_arithmetic3A_1634 = arith.shrsi %bitcast_convert_type3A_1631, %shift_right_arithmetic3A_1633 : vector<16xi32>
          %sub3A_1635 = arith.constant 1597463007 : i32
          %sub3A_1636 = vector.broadcast %sub3A_1635 : i32 to vector<16xi32>
          %sub3A_1637 = arith.subi %sub3A_1636, %shift_right_arithmetic3A_1634 : vector<16xi32>
          %bitcast_convert_type3A_1638 = tpu.bitcast %sub3A_1637 : vector<16xi32> -> vector<16xf32>
          %mul3A_1639 = arith.constant 5.000000e-01 : f32
          %mul3A_1640 = vector.broadcast %mul3A_1639 : f32 to vector<16xf32>
          %mul3A_1641 = arith.mulf %mul3A_1640, %max3A_1630 : vector<16xf32>
          %mul3A_1642 = arith.mulf %mul3A_1641, %bitcast_convert_type3A_1638 : vector<16xf32>
          %mul3A_1643 = arith.mulf %mul3A_1642, %bitcast_convert_type3A_1638 : vector<16xf32>
          %sub3A_1644 = arith.constant 1.500000e+00 : f32
          %sub3A_1645 = vector.broadcast %sub3A_1644 : f32 to vector<16xf32>
          %sub3A_1646 = arith.subf %sub3A_1645, %mul3A_1643 : vector<16xf32>
          %mul3A_1647 = arith.mulf %bitcast_convert_type3A_1638, %sub3A_1646 : vector<16xf32>
          %mul3A_1648 = arith.mulf %max3A_1630, %mul3A_1647 : vector<16xf32>
          %sub3A_1649 = vector.broadcast %scan3A_68 : f32 to vector<16xf32>
          %sub3A_1650 = arith.subf %sub3A_1649, %mul3A_1648 : vector<16xf32>
          %max3A_1651 = arith.constant 0.000000e+00 : f32
          %max3A_1652 = vector.broadcast %max3A_1651 : f32 to vector<16xf32>
          %max3A_1653 = arith.maximumf %sub3A_1650, %max3A_1652 : vector<16xf32>
          %jit3A_1654 = arith.constant 0.000000e+00 : f32
          %broadcast_in_dim3A_1655 = vector.broadcast %jit3A_1654 : f32 to vector<16xf32>
          %select_n3A_1656 = arith.select %lt3A_1627, %max3A_1653, %broadcast_in_dim3A_1655 : vector<16xi1>, vector<16xf32>
          %max3A_1657 = arith.maximumf %max3A_1584, %select_n3A_1656 : vector<16xf32>
          %min3A_1658 = arith.minimumf %max3A_1584, %select_n3A_1656 : vector<16xf32>
          %max3A_1659 = arith.maximumf %max3A_1586, %min3A_1658 : vector<16xf32>
          %min3A_1660 = arith.minimumf %max3A_1586, %min3A_1658 : vector<16xf32>
          %max3A_1661 = arith.maximumf %max3A_1588, %min3A_1660 : vector<16xf32>
          %min3A_1662 = arith.minimumf %max3A_1588, %min3A_1660 : vector<16xf32>
          %max3A_1663 = arith.maximumf %max3A_1590, %min3A_1662 : vector<16xf32>
          %min3A_1664 = arith.minimumf %max3A_1590, %min3A_1662 : vector<16xf32>
          %max3A_1665 = arith.maximumf %max3A_1592, %min3A_1664 : vector<16xf32>
          %min3A_1666 = arith.minimumf %max3A_1592, %min3A_1664 : vector<16xf32>
          %max3A_1667 = arith.maximumf %max3A_1594, %min3A_1666 : vector<16xf32>
          %min3A_1668 = arith.minimumf %max3A_1594, %min3A_1666 : vector<16xf32>
          %max3A_1669 = arith.maximumf %max3A_1596, %min3A_1668 : vector<16xf32>
          %min3A_1670 = arith.minimumf %max3A_1596, %min3A_1668 : vector<16xf32>
          %max3A_1671 = arith.maximumf %max3A_1598, %min3A_1670 : vector<16xf32>
          %min3A_1672 = arith.minimumf %max3A_1598, %min3A_1670 : vector<16xf32>
          %max3A_1673 = arith.maximumf %max3A_1600, %min3A_1672 : vector<16xf32>
          %min3A_1674 = arith.minimumf %max3A_1600, %min3A_1672 : vector<16xf32>
          %max3A_1675 = arith.maximumf %max3A_1602, %min3A_1674 : vector<16xf32>
          %min3A_1676 = arith.minimumf %max3A_1602, %min3A_1674 : vector<16xf32>
          %max3A_1677 = arith.maximumf %max3A_1604, %min3A_1676 : vector<16xf32>
          %min3A_1678 = arith.minimumf %max3A_1604, %min3A_1676 : vector<16xf32>
          scf.yield %max3A_1657, %max3A_1659, %max3A_1661, %max3A_1663, %max3A_1665, %max3A_1667, %max3A_1669, %max3A_1671, %max3A_1673, %max3A_1675, %max3A_1677 : vector<16xf32>, vector<16xf32>, vector<16xf32>, vector<16xf32>, vector<16xf32>, vector<16xf32>, vector<16xf32>, vector<16xf32>, vector<16xf32>, vector<16xf32>, vector<16xf32>
        } else {
          scf.yield %while3A_149, %while3A_150, %while3A_151, %while3A_152, %while3A_153, %while3A_154, %while3A_155, %while3A_156, %while3A_157, %while3A_158, %while3A_159 : vector<16xf32>, vector<16xf32>, vector<16xf32>, vector<16xf32>, vector<16xf32>, vector<16xf32>, vector<16xf32>, vector<16xf32>, vector<16xf32>, vector<16xf32>, vector<16xf32>
        }
        scf.yield %cond3A_512#0, %cond3A_512#1, %cond3A_512#2, %cond3A_512#3, %cond3A_512#4, %cond3A_512#5, %cond3A_512#6, %cond3A_512#7, %cond3A_512#8, %cond3A_512#9, %cond3A_512#10 : vector<16xf32>, vector<16xf32>, vector<16xf32>, vector<16xf32>, vector<16xf32>, vector<16xf32>, vector<16xf32>, vector<16xf32>, vector<16xf32>, vector<16xf32>, vector<16xf32>
      }
      %add3A_138 = arith.addf %while3A_137#1, %while3A_137#2 : vector<16xf32>
      %add3A_139 = arith.addf %add3A_138, %while3A_137#3 : vector<16xf32>
      %add3A_140 = arith.addf %add3A_139, %while3A_137#4 : vector<16xf32>
      %add3A_141 = arith.addf %add3A_140, %while3A_137#5 : vector<16xf32>
      %add3A_142 = arith.addf %add3A_141, %while3A_137#6 : vector<16xf32>
      %add3A_143 = arith.addf %add3A_142, %while3A_137#7 : vector<16xf32>
      %add3A_144 = arith.addf %add3A_143, %while3A_137#8 : vector<16xf32>
      %add3A_145 = arith.addf %add3A_144, %while3A_137#9 : vector<16xf32>
      %add3A_146 = arith.addf %add3A_145, %while3A_137#10 : vector<16xf32>
      %add3A_147 = arith.addf %scan3A_80, %add3A_146 : vector<16xf32>
      scf.yield %add3A_147 : vector<16xf32>
    }
    %scan3A_74 = arith.constant 32 : i32
    %swap3A_75 = arith.constant 0 : index
    %swap3A_76 = tpu.vector_load %arg11[%swap3A_75] {strides = array<i32>} : memref<16xf32, #tpu.memory_space<vmem>>, vector<16xf32>,
    tpu.vector_store %arg11[%swap3A_75], %scan3A_73 {strides = array<i32>} : memref<16xf32, #tpu.memory_space<vmem>>, vector<16xf32>,
    %mul3A_77 = arith.constant 16 : i32
    %mul3A_78 = arith.muli %add3A, %mul3A_77 : i32
    "tpu.region"() ({
      %run_scoped3A = tpu.sem_alloc : memref<!tpu.dma_semaphore, #tpu.memory_space<semaphore_mem>>
      %dma_start3A = tpu.memref_slice %arg3[%mul3A_78] : memref<512xf32, #tpu.memory_space<hbm>> -> memref<16xf32, #tpu.memory_space<hbm>>
      %dma_start3A_79 = tpu.memref_slice %arg3[%mul3A_78] : memref<512xf32, #tpu.memory_space<hbm>> -> memref<16xf32, #tpu.memory_space<hbm>>
      tpu.enqueue_dma source(%arg11 : memref<16xf32, #tpu.memory_space<vmem>>) target(%dma_start3A_79 : memref<16xf32, #tpu.memory_space<hbm>>) target_semaphore(%run_scoped3A : memref<!tpu.dma_semaphore, #tpu.memory_space<semaphore_mem>>)
      %dma_wait3A = tpu.memref_slice %arg3[%mul3A_78] : memref<512xf32, #tpu.memory_space<hbm>> -> memref<16xf32, #tpu.memory_space<hbm>>
      %dma_wait3A_80 = tpu.memref_slice %arg3[%mul3A_78] : memref<512xf32, #tpu.memory_space<hbm>> -> memref<16xf32, #tpu.memory_space<hbm>>
      tpu.wait_dma2 semaphore(%run_scoped3A : memref<!tpu.dma_semaphore, #tpu.memory_space<semaphore_mem>>) src(%arg11 : memref<16xf32, #tpu.memory_space<vmem>>) dst(%dma_wait3A_80 : memref<16xf32, #tpu.memory_space<hbm>>)
      tpu.yield
    }) : () -> ()
    return
  }
}

</mosaic_0001>

<sc_bundles>
// kernel: kernel.3.cloned.1.call-start
scs
__scs_entry_jumppad:
0x0: {  	(pc) =	sbr.rel $0x88, $3  }
0x1: {  	(tag) =	ssettag $0x0;
	lr =	simm.s32 $0x1  }
0x2: {  	[smem:$0x3FA0] =	sst lr;
	_ =	strace $0xD0000000  }
0x3: {  	_ = 	snop  }
0x4: {  	_ = 	snop  }
0x5: {  	_ = 	snop  }
0x6: {  	_ = 	snop  }
0x7: {  	_ = 	snop  }
__scs_overlays_trampoline_lowered:
0x8: {  	[smem:$0x3FAF] =	sst s0  }
0x9: {  	[smem:$0x3FB0] =	sst s1  }
0xa: {  	[smem:$0x3FB1] =	sst s2  }
0xb: {  	[smem:$0x3FB2] =	sst s3  }
0xc: {  	[smem:$0x3FB3] =	sst s4  }
0xd: {  	[smem:$0x3FB4] =	sst s5  }
0xe: {  	[smem:$0x3FB5] =	sst s6  }
0xf: {  	[smem:$0x3FB6] =	sst s7  }
0x10: {  	[smem:$0x3FB7] =	sst s8  }
0x11: {  	[smem:$0x3FB8] =	sst s9;
	s0 =	simm.s32 @!p0 $0x0  }
0x12: {  	s1 =	sld [smem:$0x3F9E];
	s0 =	simm.s32 @p0 $0x1  }
0x13: {  	[smem:$0x3FB9] =	sst s0;
	s0 =	simm.s32 @!p1 $0x0  }
0x14: {  	s2 =	sld [smem:$0x3F9D];
	s0 =	simm.s32 @p1 $0x1  }
0x15: {  	[smem:$0x3FBA] =	sst s0;
	s0 =	simm.s32 @!p2 $0x0  }
0x16: {  	s3 =	sld [smem:$0x3FDB];
	s0 =	simm.s32 @p2 $0x1  }
0x17: {  	s4 =	simm.s32 $0x1BF5;
	[smem:$0x3FBC] =	sst s0  }
0x18: {  	s0 =	sld [smem:$0x3F9F];
	_ =	swait.ge [sflag:s4], $0x0  }
0x19: {  	s7 =	sld [smem:$0x3FA0]  }
0x1a: {  	s8 =	sadd.s32 $0xFFFFE003, lr  }
0x1b: {  	s9 =	sadd.s32 $0xFFFFFEF7, lr;
	s5 =	simm.s32 $0xFFFFFFFF;
	p2 =	slt.u32 s8, $0xFFFFF086  }
0x1c: {  	p1 =	slt.u32 s9, $0xF7A;
	s5 =	simm.s32 @!p2 $0x0  }
0x1d: {  	s5 =	simm.s32 @p1 $0x1;
	p0 =	seq.s32 s7, s2  }
0x1e: {  	s7 =	smul.u32 @!p0 $0xF7A, s2;
	p2 =	seq.s32 @!p0 s5, $0x0  }
0x1f: {  	s9 =	smul.u32 $0xF7A, s1;
	s8 =	simm.s32 @!p0 $0x1BF5;
	p2 =	por !p2, p0  }
0x20: {  	[sflag:s8] =	ssyncset.s32 @!p0 $0xFFFFF086;
	s6 =	sadd.s32 @!p0 s3, s7;
	s7 =	simm.s32 @!p0 $0x108  }
0x21: {  	s3 =	sadd.s32 s3, s9;
	s6 =	sadd.s32 @!p0 $0x88, s6;
	s7 =	simm.s32 @p2 $0x1082  }
0x22: {  	[simem:s7], [sflag:s8] =	dma.local @!p0 [hbm:s6], $0xF7A  }
0x23: {  	s9 =	sor.u32 $0xD0000000, s2;
	s6 =	simm.s32 $0x108;
	_ =	swait.ge @!p0 [sflag:s8], $0x0  }
0x24: {  	s3 =	sadd.s32 $0x88, s3;
	s6 =	simm.s32 @!p1 $0x1082;
	[sflag:s4] =	ssyncset.s32 $0xFFFFF086  }
0x25: {  	[simem:s6], [sflag:s4] =	dma.local [hbm:s3], $0xF7A  }
0x26: {  	[smem:$0x3FA0] =	sst s1;
	(tag) =	ssettag s2;
	_ =	strace s9  }
0x27: {  	s1 =	sld [smem:$0x3FB0]  }
0x28: {  	s2 =	sld [smem:$0x3FB1]  }
0x29: {  	s4 =	sld [smem:$0x3FB3]  }
0x2a: {  	p0 =	seq.s32 s5, $0x0;
	s5 =	sld [smem:$0x3FB4]  }
0x2b: {  	s6 =	sld [smem:$0x3FB5]  }
0x2c: {  	s7 =	sld [smem:$0x3FB6]  }
0x2d: {  	s3 =	simm.s32 $0x108;
	s8 =	sld [smem:$0x3FB7]  }
0x2e: {  	s3 =	simm.s32 @!p0 $0x1082;
	s9 =	sld [smem:$0x3FB8]  }
0x2f: {  	lr =	sadd.s32 s0, s3;
	s0 =	sld [smem:$0x3FAF]  }
0x30: {  	s3 =	sld [smem:$0x3FB2]  }
0x31: {  	[smem:$0x3FBB] =	sst s10  }
0x32: {  	s10 =	sld [smem:$0x3FB9];
	_ =	sdelay $0x3  }
0x33: {  	p0 =	seq.s32 s10, $0x1;
	s10 =	sld [smem:$0x3FBB];
	_ =	sdelay $0x3  }
0x34: {  	[smem:$0x3FBB] =	sst s10  }
0x35: {  	s10 =	sld [smem:$0x3FBA];
	_ =	sdelay $0x3  }
0x36: {  	p1 =	seq.s32 s10, $0x1;
	s10 =	sld [smem:$0x3FBB];
	_ =	sdelay $0x3  }
0x37: {  	[smem:$0x3FBB] =	sst s10  }
0x38: {  	s10 =	sld [smem:$0x3FBC]  }
0x39: {  	_ = 	snop;
	(pc) =	sbr.ind lr, $3  }
0x3a: {  	_ = 	snop  }
0x3b: {  	_ = 	snop  }
0x3c: {  	p2 =	seq.s32 s10, $0x1;
	s10 =	sld [smem:$0x3FBB]  }
0x3d: {  	_ =	shalt  }
0x3e: {  	_ =	shalt  }
0x3f: {  	_ =	shalt  }
0x40: {  	_ =	shalt  }
0x41: {  	_ =	shalt  }
0x42: {  	_ =	shalt  }
0x43: {  	_ =	shalt  }
0x44: {  	_ =	shalt  }
0x45: {  	_ =	shalt  }
0x46: {  	_ =	shalt  }
0x47: {  	_ =	shalt  }
0x48: {  	_ =	shalt  }
0x49: {  	_ =	shalt  }
0x4a: {  	_ =	shalt  }
0x4b: {  	_ =	shalt  }
0x4c: {  	_ =	shalt  }
0x4d: {  	_ =	shalt  }
0x4e: {  	_ =	shalt  }
0x4f: {  	_ =	shalt  }
0x50: {  	_ =	shalt  }
0x51: {  	_ =	shalt  }
0x52: {  	_ =	shalt  }
0x53: {  	_ =	shalt  }
0x54: {  	_ =	shalt  }
0x55: {  	_ =	shalt  }
0x56: {  	_ =	shalt  }
0x57: {  	_ =	shalt  }
0x58: {  	_ =	shalt  }
0x59: {  	_ =	shalt  }
0x5a: {  	_ =	shalt  }
0x5b: {  	_ =	shalt  }
0x5c: {  	_ =	shalt  }
0x5d: {  	_ =	shalt  }
0x5e: {  	_ =	shalt  }
0x5f: {  	_ =	shalt  }
0x60: {  	_ =	shalt  }
0x61: {  	_ =	shalt  }
0x62: {  	_ =	shalt  }
0x63: {  	_ =	shalt  }
0x64: {  	_ =	shalt  }
0x65: {  	_ =	shalt  }
0x66: {  	_ =	shalt  }
0x67: {  	_ =	shalt  }
0x68: {  	_ =	shalt  }
0x69: {  	_ =	shalt  }
0x6a: {  	_ =	shalt  }
0x6b: {  	_ =	shalt  }
0x6c: {  	_ =	shalt  }
0x6d: {  	_ =	shalt  }
0x6e: {  	_ =	shalt  }
0x6f: {  	_ =	shalt  }
0x70: {  	_ =	shalt  }
0x71: {  	_ =	shalt  }
0x72: {  	_ =	shalt  }
0x73: {  	_ =	shalt  }
0x74: {  	_ =	shalt  }
0x75: {  	_ =	shalt  }
0x76: {  	_ =	shalt  }
0x77: {  	_ =	shalt  }
0x78: {  	_ =	shalt  }
0x79: {  	_ =	shalt  }
0x7a: {  	_ =	shalt  }
0x7b: {  	_ =	shalt  }
0x7c: {  	_ =	shalt  }
0x7d: {  	_ =	shalt  }
0x7e: {  	_ =	shalt  }
0x7f: {  	_ =	shalt  }
0x80: {  	_ =	shalt  }
0x81: {  	_ =	shalt  }
0x82: {  	_ =	shalt  }
0x83: {  	_ =	shalt  }
0x84: {  	_ =	shalt  }
0x85: {  	_ =	shalt  }
0x86: {  	_ =	shalt  }
0x87: {  	_ =	shalt  }
.Lfunc_end0:
.L_simem_size_0:
called_computation_lowered:
.L_overlay_start_0:
0x88: {  	s2 =	sld [smem:$0x3FD9]  }
0x89: {  	s3 =	sld [smem:$0x3FFE];
	_ =	sdelay $0x1  }
0x8a: {  	s1 =	srdreg.scid  }
0x8b: {  	s0 =	sand.u32 $0x1, s1  }
0x8c: {  	s16 =	sshll.u32 s0, $0xA;
	s2 =	sadd.s32 s3, s2  }
0x8d: {  	s2 =	sadd.s32 s2, s16  }
0x8e: {  	[smem:$0x3FC7] =	sst s2  }
0x8f: {  	_ = 	snop  }
0x90: {  	(tm) =	ssettm $0x1  }
0x91: {  	s17 =	sld [smem:$0x3FFB];
	_ =	sdelay $0x3  }
0x92: {  	_ =	strace s17  }
0x93: {  	s2 =	sld [smem:$0x3FFC];
	_ =	sdelay $0x3  }
0x94: {  	_ =	strace s2  }
0x95: {  	s2 =	sld [smem:$0x3FFD];
	_ =	sdelay $0x3  }
0x96: {  	_ =	strace s2  }
0x97: {  	_ =	strace $0x8FFFFFFF  }
0x98: {  	s18 =	sld [smem:$0x3FDB];
	_ =	sdelay $0x1  }
0x99: {  	s19 =	simm.s32 $_scs_section_size  }
0x9a: {  	s4 =	simm.s32 $_size__tile_overlayer_lowered;
	s5 =	simm.s32 $_tile_overlayer_lowered  }
0x9b: {  	s22 =	simm.s32 $0x1BFF;
	s21 =	sshll.u32 s5, $0x1;
	s2 =	sadd.s32 s19, s18  }
0x9c: {  	s6 =	simm.s32 $0x0;
	s20 =	sshll.u32 s4, $0x1;
	s4 =	sadd.s32 s21, s2  }
0x9d: {  	[timem:s6], [sflag:s22] =	dma.local [hbm:s4], s20  }
0x9e: {  	_ =	swait.ge [sflag:s22], s20  }
0x9f: {  	s3 =	ssub.s32 $0x0, s20;
	[sflag:s22] =	ssyncset.done $0x0  }
0xa0: {  	[sflag:s22] =	ssyncadd.s32 s3;
	_ =	sdelay $0x1  }
0xa1: {  	s23 =	simm.s32 $0x1B8B  }
0xa2: {  	_ =	swait.ge [sflag:s23], $0x1  }
0xa3: {  	[sflag:s23] =	ssyncset.done $0x0  }
0xa4: {  	s25 =	simm.s32 $0x1B8E;
	s24 =	sld [smem:$0x3FFE];
	[sflag:s23] =	ssyncadd.s32 $0xFFFFFFFF  }
0xa5: {  	s26 =	simm.s32 $execute0_lowered;
	[smem:$0x3FD2] =	sst s25  }
0xa6: {  	s4 =	sshll.u32 s26, $0x1;
	_ =	strace $0x80000046;
	[dreg:$0x1] =	wrdreg $0xFFFFFFFF  }
0xa7: {  	s28 =	simm.s32 $_size_execute0_lowered;
	s2 =	sadd.s32 s2, s4;
	[dreg:$0x0] =	wrdreg $0x0  }
0xa8: {  	s4 =	sshll.u32 s28, $0x1;
	[dreg:$0x2] =	wrdreg s2  }
0xa9: {  	[dreg:$0x3] =	wrdreg s4  }
0xaa: {  	[dreg:$0x4] =	wrdreg $0xC0  }
0xab: {  	_ =	task [dreg:s6], $0x5FFFF  }
0xac: {  	[dreg:$0x1] =	wrdreg $0xFFFFFFFF  }
0xad: {  	[dreg:$0x0] =	wrdreg $0x60  }
0xae: {  	[dreg:$0x2] =	wrdreg s24  }
0xaf: {  	[dreg:$0x3] =	wrdreg $0x9  }
0xb0: {  	_ =	task.clear_ibuf [dreg:s6], $0x4FFFF;
	_ =	strace $0x90000046  }
0xb1: {  	s29 =	simm.s32 $0x9;
	_ =	strace $0x80000048  }
0xb2: {  	_ =	swait.ge [sflag:s29], $0x1  }
0xb3: {  	[sflag:s29] =	ssyncadd.s32 $0xFFFFFFFF  }
0xb4: {  	_ =	strace $0x90000048  }
0xb5: {  	_ =	sfence  }
0xb6: {  	s30 =	sld [smem:$0x0];
	_ =	sdelay $0x2  }
0xb7: {  	s31 =	sshll.u32 s1, $0xD;
	s1 =	sshrl.u32 s1, $0x2  }
0xb8: {  	s3 =	sand.u32 $0x4000, s31;
	s1 =	sadd.s32 s1, s30  }
0xb9: {  	s0 =	sor.u32 s3, s0;
	s1 =	sshll.u32 s1, $0x11  }
0xba: {  	s0 =	sor.u32 s1, s0  }
0xbb: {  	s0 =	sadd.s32 $0x8F2B, s0  }
0xbc: {  	[sflag:s0] =	ssyncadd.remote.s32 $0x1  }
0xbd: {  	_ =	sfence.sel $0xFFFF  }
0xbe: {  	[dreg:$0x0] =	wrdreg $0xFFFFFFFF;
	(pc) =	sbr.abs _section_cstart, $3  }
0xbf: {  	[dreg:$0x1] =	wrdreg $0xFFFFFFFF  }
0xc0: {  	_ =	task.clear_ibuf [dreg:s6], $0x2FFFF;
	_ =	strace $0x9FFFFFFF  }
0xc1: {  	(tm) =	ssettm $0x7FFFFFFF  }
tec
execute0_lowered:
.L_overlay_start_1:
0x0: {  	(tag) =	ssettag $0x1  }
0x1: {  	s4 =	rddreg [dreg:$0x0];
	s2 =	simm.s32 $0x0  }
0x2: {  	s3 =	srdreg.scid;
	s0 =	stileid.u32;
	s23 =	simm.s32 $0x1800  }
0x3: {  	s25 =	simm.s32 $0x2000;
	s28 =	simm.s32 $0x2800;
	[smem:$0x7FF] =	sst s2  }
0x4: {  	s30 =	simm.s32 $0x3000;
	_ =	strace $0x80000047;
	[dreg:$0x2] =	wrdreg s23  }
0x5: {  	s31 =	simm.s32 $0x3800;
	s3 =	sand.u32 $0x1, s3;
	[dreg:$0x3] =	wrdreg s25  }
0x6: {  	s5 =	sshll.u32 s0, $0x1;
	s7 =	sshrl.u32 s0, $0x1;
	[dreg:$0x4] =	wrdreg s28  }
0x7: {  	s5 =	sor.u32 s3, s5;
	s3 =	ssub.s32 $0x2, s3;
	[dreg:$0x5] =	wrdreg s30  }
0x8: {  	s7 =	smul.u32 $0x300, s7;
	[dreg:$0x6] =	wrdreg s31;
	s6 =	sshll.u32 s5, $0x1  }
.Ltmp0:
0x9: {  	vm0 =	vcmask $0x300;
	vm1 =	vcmask $0x704;
	vm2 =	vcmask $0xB08;
	s8 =	sshrl.u32 s3, $0x1;
	s9 =	sshll.u32 s5, $0x9;
	(pc) =	sbr.rel .LBB2_1-.Ltmp0, $4  }
0xa: {  	vm3 =	vcmask $0xF0C;
	vm4 =	vcmask $0x1310;
	vm5 =	vcmask $0x1714;
	s6 =	sadd.s32 s6, s4;
	s24 =	sadd.s32 s4, s7;
	[dreg:$0x7] =	wrdreg s9  }
0xb: {  	vm6 =	vcmask $0x1B18;
	vm7 =	vcmask $0x1F1C;
	vm8 =	vcmask $0x2320;
	s8 =	ssub.s32 s3, s8;
	[dreg:$0x8] =	wrdreg s24;
	s26 =	sadd.s32 $0x1800, s6  }
0xc: {  	vm9 =	vcmask $0x2724;
	vm10 =	vcmask $0x2B28;
	vm11 =	vcmask $0x2F2C;
	s29 =	smax.u32 s8, $0x1;
	[dreg:$0x9] =	wrdreg s26  }
0xd: {  	s1 =	simm.s32 $0x1;
	vm12 =	vcmask $0x3330;
	vm13 =	vcmask $0x3734;
	vm14 =	vcmask $0x3B38;
	s3 =	simm.s32 $0x0;
	[dreg:$0xa] =	wrdreg s29  }
.LBB2_17:
0xe: {  	[tilespmem:$0x4800] =	vst v0;
	s0 =	rddreg [dreg:$0x9];
	s1 =	simm.s32 $0x4800  }
0xf: {  	[hbm4b:s0+s2] =	stream.linear.scatter [tilespmem:s1], [sflag:$0x1], $0x10, $0x38;
	[tilespmem:$0x4880] =	vst v63  }
0x10: {  	s1 =	simm.s32 $0x1  }
0x11: {  	_ =	swait.ge [sflag:s1], $0x10  }
0x12: {  	s3 =	rddreg [dreg:$0xb]  }
0x13: {  	s31 =	rddreg [dreg:$0xa];
	s3 =	sadd.s32 $0x1, s3  }
0x14: {  	p0 =	sne.s32 s3, s31  }
.Ltmp1:
0x15: {  	_ = 	snop;
	(pc) =	sbr.rel @!p0 .LBB2_18-.Ltmp1, $3  }
0x16: {  	_ =	sdelay $0x1  }
0x17: {  	[sflag:s1] =	ssyncset.done $0x0  }
0x18: {  	[sflag:s1] =	ssyncadd.s32 $0xFFFFFFF0  }
.LBB2_1:
0x19: {  	s0 =	rddreg [dreg:$0x8]  }
0x1a: {  	[tilespmem:s2], [sflag:$0x1] =	stream.linear.gather [hbm4b:s0+s2], $0x1800, $0x38;
	[tilespmem:$0x4880] =	vst v63  }
0x1b: {  	_ =	swait.ge [sflag:s1], $0x1800  }
0x1c: {  	s11 =	simm.s32 $0x4;
	[sflag:s1] =	ssyncset.done $0x0  }
0x1d: {  	s12 =	simm.s32 $0x0;
	s10 =	simm.s32 $0x0;
	[sflag:s1] =	ssyncadd.s32 $0xFFFFE800  }
.LBB2_2:
0x1e: {  	p0 =	sne.s32 s11, $0x1FC  }
0x1f: {  	[smem:s12] =	sst s10;
	s10 =	smov.u32 s11;
	s11 =	sadd.s32 $0x4, s11  }
.Ltmp2:
0x20: {  	(pc) =	sbr.rel @p0 .LBB2_2-.Ltmp2, $2  }
0x21: {  	_ =	sdelay $0x2  }
0x22: {  	s12 =	sshra.s32 s10, $0x2;
	s10 =	simm.s32 $0x0  }
0x23: {  	s11 =	simm.s32 $0x0  }
0x24: {  	v0 =	vld [tilespmem:s11+$0x0];
	_ =	sdelay $0x4  }
0x25: {  	v0 =	vmul.f32 $1.280000000e+02, v0;
	_ =	sdelay $0x1  }
0x26: {  	v0 =	vtrunc.f32 v0  }
0x27: {  	v0 =	vcvt.f32.s32 v0;
	_ =	sdelay $0x1  }
0x28: {  	vm15 =	vgt.s32 v0, $0x0  }
0x29: {  	v0 =	vnsel vm15, $0x0, v0  }
0x2a: {  	v0 =	vmin.u32 v0, $0x7F  }
0x2b: {  	(v2sf) =	vpush v0, $0x0;
	_ =	sdelay $0x3  }
0x2c: {  	(v2sf) =	vpush v0, $0x3  }
0x2d: {  	(v2sf) =	vpush v0, $0x1;
	_ =	sdelay $0x4  }
0x2e: {  	(v2sf) =	vpush v0, $0x2;
	_ =	sdelay $0x4  }
0x2f: {  	[smem:s12] =	sst s10;
	s16 =	spop (v2sf)  }
0x30: {  	s13 =	sld [smem:s16+$0x0];
	_ =	sdelay $0x2  }
0x31: {  	s14 =	spop (v2sf);
	s13 =	sadd.s32 $0x1, s13  }
0x32: {  	(v2sf) =	vpush v0, $0x4;
	s17 =	spop (v2sf);
	[smem:s16] =	sst s13  }
0x33: {  	s13 =	sld [smem:s17+$0x0];
	_ =	sdelay $0x2  }
0x34: {  	s13 =	sadd.s32 $0x1, s13  }
0x35: {  	s18 =	spop (v2sf);
	(v2sf) =	vpush v0, $0x5;
	[smem:s17] =	sst s13  }
0x36: {  	s13 =	sld [smem:s18+$0x0];
	_ =	sdelay $0x2  }
0x37: {  	s13 =	sadd.s32 $0x1, s13  }
0x38: {  	(v2sf) =	vpush v0, $0x6;
	[smem:s18] =	sst s13  }
0x39: {  	s12 =	sld [smem:s14+$0x0];
	_ =	sdelay $0x2  }
0x3a: {  	s12 =	sadd.s32 $0x1, s12  }
0x3b: {  	(v2sf) =	vpush v0, $0x7;
	s19 =	spop (v2sf);
	[smem:s14] =	sst s12  }
0x3c: {  	s13 =	sld [smem:s19+$0x0];
	_ =	sdelay $0x2  }
0x3d: {  	s13 =	sadd.s32 $0x1, s13  }
0x3e: {  	s20 =	spop (v2sf);
	(v2sf) =	vpush v0, $0x8;
	[smem:s19] =	sst s13  }
0x3f: {  	s13 =	sld [smem:s20+$0x0];
	_ =	sdelay $0x2  }
0x40: {  	s13 =	sadd.s32 $0x1, s13  }
0x41: {  	s21 =	spop (v2sf);
	(v2sf) =	vpush v0, $0x9;
	[smem:s20] =	sst s13  }
0x42: {  	s13 =	sld [smem:s21+$0x0];
	_ =	sdelay $0x2  }
0x43: {  	s13 =	sadd.s32 $0x1, s13  }
0x44: {  	s22 =	spop (v2sf);
	(v2sf) =	vpush v0, $0xA;
	[smem:s21] =	sst s13  }
0x45: {  	s13 =	sld [smem:s22+$0x0];
	_ =	sdelay $0x2  }
0x46: {  	s13 =	sadd.s32 $0x1, s13  }
0x47: {  	s23 =	spop (v2sf);
	(v2sf) =	vpush v0, $0xB;
	[smem:s22] =	sst s13  }
0x48: {  	s13 =	sld [smem:s23+$0x0];
	_ =	sdelay $0x2  }
0x49: {  	s13 =	sadd.s32 $0x1, s13  }
0x4a: {  	s24 =	spop (v2sf);
	(v2sf) =	vpush v0, $0xC;
	[smem:s23] =	sst s13  }
0x4b: {  	s13 =	sld [smem:s24+$0x0];
	_ =	sdelay $0x2  }
0x4c: {  	s13 =	sadd.s32 $0x1, s13  }
0x4d: {  	s25 =	spop (v2sf);
	(v2sf) =	vpush v0, $0xD;
	[smem:s24] =	sst s13  }
0x4e: {  	s13 =	sld [smem:s25+$0x0];
	_ =	sdelay $0x2  }
0x4f: {  	s13 =	sadd.s32 $0x1, s13  }
0x50: {  	(v2sf) =	vpush v0, $0xE;
	s26 =	spop (v2sf);
	[smem:s25] =	sst s13  }
0x51: {  	s13 =	sld [smem:s26+$0x0];
	_ =	sdelay $0x2  }
0x52: {  	(v2sf) =	vpush v0, $0xF;
	s13 =	sadd.s32 $0x1, s13  }
0x53: {  	s15 =	simm.s32 $0x10;
	[tilespmem:s11+$0x4000] =	vst v0;
	s28 =	spop (v2sf);
	[smem:s26] =	sst s13  }
0x54: {  	v0 =	vld [tilespmem:s15+$0x0];
	s13 =	sld [smem:s28+$0x0];
	_ =	sdelay $0x2  }
0x55: {  	s13 =	sadd.s32 $0x1, s13  }
0x56: {  	s29 =	spop (v2sf);
	[smem:s28] =	sst s13  }
0x57: {  	v0 =	vmul.f32 $1.280000000e+02, v0;
	s13 =	sld [smem:s29+$0x0];
	_ =	sdelay $0x1  }
0x58: {  	v0 =	vtrunc.f32 v0  }
0x59: {  	v0 =	vcvt.f32.s32 v0;
	s13 =	sadd.s32 $0x1, s13  }
0x5a: {  	s30 =	spop (v2sf);
	[smem:s29] =	sst s13  }
0x5b: {  	vm15 =	vgt.s32 v0, $0x0;
	s13 =	sld [smem:s30+$0x0]  }
0x5c: {  	v0 =	vnsel vm15, $0x0, v0  }
0x5d: {  	v0 =	vmin.u32 v0, $0x7F  }
0x5e: {  	s31 =	sadd.s32 $0x1, s13;
	s13 =	spop (v2sf);
	(v2sf) =	vpush v0, $0x0;
	_ =	sdelay $0x1  }
0x5f: {  	(v2sf) =	vpush v0, $0x3;
	_ =	sdelay $0x3  }
0x60: {  	(v2sf) =	vpush v0, $0x1;
	_ =	sdelay $0x3  }
0x61: {  	[smem:s30] =	sst s31  }
0x62: {  	s12 =	sld [smem:s13+$0x0];
	(v2sf) =	vpush v0, $0x2;
	_ =	sdelay $0x2  }
0x63: {  	s14 =	simm.s32 $0x80;
	[tilespmem:s15+$0x4000] =	vst v0;
	s15 =	sadd.s32 $0x1, s12  }
.LBB2_4:
0x64: {  	s16 =	spop (v2sf)  }
0x65: {  	[smem:s13] =	sst s15;
	s13 =	smov.u32 s14;
	s12 =	sadd.s32 $0x40, s14  }
0x66: {  	p0 =	sne.s32 s14, $0x1FC0;
	s14 =	sld [smem:s16+$0x0];
	s15 =	spop (v2sf)  }
0x67: {  	_ =	sdelay $0x1  }
0x68: {  	s14 =	sadd.s32 $0x1, s14  }
0x69: {  	[smem:s16] =	sst s14;
	s14 =	spop (v2sf);
	(v2sf) =	vpush v0, $0x4  }
0x6a: {  	s16 =	sld [smem:s14+$0x0];
	_ =	sdelay $0x2  }
0x6b: {  	s16 =	sadd.s32 $0x1, s16  }
0x6c: {  	[smem:s14] =	sst s16;
	s14 =	spop (v2sf);
	(v2sf) =	vpush v0, $0x5  }
0x6d: {  	s16 =	sld [smem:s14+$0x0];
	_ =	sdelay $0x2  }
0x6e: {  	s16 =	sadd.s32 $0x1, s16  }
0x6f: {  	[smem:s14] =	sst s16;
	(v2sf) =	vpush v0, $0x6  }
0x70: {  	s14 =	sld [smem:s15+$0x0];
	_ =	sdelay $0x2  }
0x71: {  	s14 =	sadd.s32 $0x1, s14  }
0x72: {  	[smem:s15] =	sst s14;
	s14 =	spop (v2sf);
	(v2sf) =	vpush v0, $0x7  }
0x73: {  	s15 =	sld [smem:s14+$0x0];
	_ =	sdelay $0x2  }
0x74: {  	s15 =	sadd.s32 $0x1, s15  }
0x75: {  	[smem:s14] =	sst s15;
	s14 =	spop (v2sf);
	(v2sf) =	vpush v0, $0x8  }
0x76: {  	s15 =	sld [smem:s14+$0x0];
	_ =	sdelay $0x2  }
0x77: {  	s15 =	sadd.s32 $0x1, s15  }
0x78: {  	[smem:s14] =	sst s15;
	s14 =	spop (v2sf);
	(v2sf) =	vpush v0, $0x9  }
0x79: {  	s15 =	sld [smem:s14+$0x0];
	_ =	sdelay $0x2  }
0x7a: {  	s15 =	sadd.s32 $0x1, s15  }
0x7b: {  	[smem:s14] =	sst s15;
	s14 =	spop (v2sf);
	(v2sf) =	vpush v0, $0xA  }
0x7c: {  	s15 =	sld [smem:s14+$0x0];
	_ =	sdelay $0x2  }
0x7d: {  	s15 =	sadd.s32 $0x1, s15  }
0x7e: {  	[smem:s14] =	sst s15;
	s14 =	spop (v2sf);
	(v2sf) =	vpush v0, $0xB  }
0x7f: {  	s15 =	sld [smem:s14+$0x0];
	_ =	sdelay $0x2  }
0x80: {  	s15 =	sadd.s32 $0x1, s15  }
0x81: {  	[smem:s14] =	sst s15;
	s14 =	spop (v2sf);
	(v2sf) =	vpush v0, $0xC  }
0x82: {  	s15 =	sld [smem:s14+$0x0];
	_ =	sdelay $0x2  }
0x83: {  	s15 =	sadd.s32 $0x1, s15  }
0x84: {  	[smem:s14] =	sst s15;
	s14 =	spop (v2sf);
	(v2sf) =	vpush v0, $0xD  }
0x85: {  	s13 =	sshra.s32 s13, $0x2;
	s15 =	sld [smem:s14+$0x0]  }
0x86: {  	v1 =	vld [tilespmem:s13+$0x0];
	_ =	sdelay $0x1  }
0x87: {  	s15 =	sadd.s32 $0x1, s15  }
0x88: {  	[smem:s14] =	sst s15;
	s14 =	spop (v2sf);
	(v2sf) =	vpush v0, $0xE  }
0x89: {  	s15 =	sld [smem:s14+$0x0]  }
0x8a: {  	v1 =	vmul.f32 $1.280000000e+02, v1;
	_ =	sdelay $0x1  }
0x8b: {  	v1 =	vtrunc.f32 v1;
	s15 =	sadd.s32 $0x1, s15;
	(v2sf) =	vpush v0, $0xF  }
0x8c: {  	v0 =	vcvt.f32.s32 v1;
	[smem:s14] =	sst s15;
	s14 =	spop (v2sf)  }
0x8d: {  	s15 =	sld [smem:s14+$0x0]  }
0x8e: {  	vm15 =	vgt.s32 v0, $0x0  }
0x8f: {  	v0 =	vnsel vm15, $0x0, v0  }
0x90: {  	v0 =	vmin.u32 v0, $0x7F;
	s15 =	sadd.s32 $0x1, s15  }
0x91: {  	[tilespmem:s13+$0x4000] =	vst v0;
	(v2sf) =	vpush v0, $0x0;
	[smem:s14] =	sst s15;
	s13 =	spop (v2sf)  }
0x92: {  	(v2sf) =	vpush v0, $0x3;
	s14 =	sld [smem:s13+$0x0];
	_ =	sdelay $0x2  }
0x93: {  	s14 =	sadd.s32 $0x1, s14  }
0x94: {  	(v2sf) =	vpush v0, $0x1;
	[smem:s13] =	sst s14;
	s14 =	spop (v2sf)  }
0x95: {  	s13 =	sld [smem:s14+$0x0];
	_ =	sdelay $0x2  }
0x96: {  	s15 =	sadd.s32 $0x1, s13;
	s13 =	spop (v2sf)  }
.Ltmp3:
0x97: {  	(v2sf) =	vpush v0, $0x2;
	[smem:s14] =	sst s15;
	(pc) =	sbr.rel @p0 .LBB2_4-.Ltmp3, $2  }
0x98: {  	s14 =	sld [smem:s13+$0x0];
	_ =	sdelay $0x2  }
0x99: {  	s15 =	sadd.s32 $0x1, s14;
	s14 =	smov.u32 s12  }
0x9a: {  	s12 =	spop (v2sf);
	[smem:s13] =	sst s15  }
0x9b: {  	s13 =	sld [smem:s12+$0x0];
	_ =	sdelay $0x2  }
0x9c: {  	s14 =	spop (v2sf);
	s13 =	sadd.s32 $0x1, s13  }
0x9d: {  	[smem:s12] =	sst s13;
	s17 =	spop (v2sf);
	(v2sf) =	vpush v0, $0x4  }
0x9e: {  	s13 =	sld [smem:s17+$0x0];
	_ =	sdelay $0x2  }
0x9f: {  	s13 =	sadd.s32 $0x1, s13  }
0xa0: {  	(v2sf) =	vpush v0, $0x5;
	[smem:s17] =	sst s13;
	s18 =	spop (v2sf)  }
0xa1: {  	s13 =	sld [smem:s18+$0x0];
	_ =	sdelay $0x2  }
0xa2: {  	s13 =	sadd.s32 $0x1, s13  }
0xa3: {  	(v2sf) =	vpush v0, $0x6;
	[smem:s18] =	sst s13  }
0xa4: {  	s12 =	sld [smem:s14+$0x0];
	_ =	sdelay $0x2  }
0xa5: {  	s12 =	sadd.s32 $0x1, s12  }
0xa6: {  	[smem:s14] =	sst s12;
	s19 =	spop (v2sf);
	(v2sf) =	vpush v0, $0x7  }
0xa7: {  	s13 =	sld [smem:s19+$0x0];
	_ =	sdelay $0x2  }
0xa8: {  	s13 =	sadd.s32 $0x1, s13  }
0xa9: {  	s20 =	spop (v2sf);
	(v2sf) =	vpush v0, $0x8;
	[smem:s19] =	sst s13  }
0xaa: {  	s13 =	sld [smem:s20+$0x0];
	_ =	sdelay $0x2  }
0xab: {  	s13 =	sadd.s32 $0x1, s13  }
0xac: {  	s21 =	spop (v2sf);
	(v2sf) =	vpush v0, $0x9;
	[smem:s20] =	sst s13  }
0xad: {  	s13 =	sld [smem:s21+$0x0];
	_ =	sdelay $0x2  }
0xae: {  	s13 =	sadd.s32 $0x1, s13  }
0xaf: {  	[smem:s21] =	sst s13;
	s22 =	spop (v2sf);
	(v2sf) =	vpush v0, $0xA  }
0xb0: {  	s13 =	sld [smem:s22+$0x0];
	_ =	sdelay $0x2  }
0xb1: {  	s13 =	sadd.s32 $0x1, s13  }
0xb2: {  	s23 =	spop (v2sf);
	(v2sf) =	vpush v0, $0xB;
	[smem:s22] =	sst s13  }
0xb3: {  	s13 =	sld [smem:s23+$0x0];
	_ =	sdelay $0x2  }
0xb4: {  	s13 =	sadd.s32 $0x1, s13  }
0xb5: {  	s24 =	spop (v2sf);
	(v2sf) =	vpush v0, $0xC;
	[smem:s23] =	sst s13  }
0xb6: {  	s13 =	sld [smem:s24+$0x0];
	_ =	sdelay $0x2  }
0xb7: {  	s13 =	sadd.s32 $0x1, s13  }
0xb8: {  	[smem:s24] =	sst s13;
	s25 =	spop (v2sf);
	(v2sf) =	vpush v0, $0xD  }
0xb9: {  	s13 =	sld [smem:s25+$0x0];
	_ =	sdelay $0x2  }
0xba: {  	s13 =	sadd.s32 $0x1, s13  }
0xbb: {  	s26 =	spop (v2sf);
	(v2sf) =	vpush v0, $0xE;
	[smem:s25] =	sst s13  }
0xbc: {  	s13 =	sld [smem:s26+$0x0];
	_ =	sdelay $0x2  }
0xbd: {  	s13 =	sadd.s32 $0x1, s13  }
0xbe: {  	(v2sf) =	vpush v0, $0xF;
	s28 =	spop (v2sf);
	[smem:s26] =	sst s13  }
0xbf: {  	s13 =	sld [smem:s28+$0x0];
	_ =	sdelay $0x2  }
0xc0: {  	s13 =	sadd.s32 $0x1, s13  }
0xc1: {  	[smem:s28] =	sst s13;
	s29 =	spop (v2sf)  }
0xc2: {  	s13 =	sld [smem:s29+$0x0];
	_ =	sdelay $0x2  }
0xc3: {  	s13 =	sadd.s32 $0x1, s13  }
0xc4: {  	s30 =	spop (v2sf);
	[smem:s29] =	sst s13  }
0xc5: {  	s13 =	sld [smem:s30+$0x0];
	_ =	sdelay $0x2  }
0xc6: {  	s13 =	sadd.s32 $0x1, s13  }
0xc7: {  	s31 =	spop (v2sf);
	[smem:s30] =	sst s13  }
0xc8: {  	s12 =	sld [smem:s31+$0x0];
	_ =	sdelay $0x2  }
0xc9: {  	[dreg:$0xb] =	wrdreg s3;
	s12 =	sadd.s32 $0x1, s12  }
0xca: {  	[smem:s31] =	sst s12  }
0xcb: {  	s12 =	sld [smem:$0x0]  }
0xcc: {  	[smem:$0x80] =	sst s10  }
0xcd: {  	s13 =	simm.s32 $0x4;
	[smem:s11] =	sst s2  }
.LBB2_6:
0xce: {  	p0 =	sne.s32 s13, $0x1FC  }
0xcf: {  	s10 =	sadd.s32 s10, s12;
	s11 =	smov.u32 s13;
	s13 =	sadd.s32 $0x4, s13  }
.Ltmp4:
0xd0: {  	(pc) =	sbr.rel @p0 .LBB2_6-.Ltmp4, $4  }
0xd1: {  	s11 =	sshra.s32 s11, $0x2  }
0xd2: {  	s12 =	sld [smem:s11+$0x0]  }
0xd3: {  	[smem:s11+$0x80] =	sst s10  }
0xd4: {  	[smem:s11] =	sst s2  }
0xd5: {  	s11 =	simm.s32 $0x4000  }
0xd6: {  	v0 =	vld [tilespmem:s11+$0x0];
	_ =	sdelay $0x4  }
0xd7: {  	(v2sf) =	vpush v0, $0x0;
	_ =	sdelay $0x4  }
0xd8: {  	(v2sf) =	vpush v0, $0x1;
	_ =	sdelay $0x4  }
0xd9: {  	(v2sf) =	vpush v0, $0x2;
	_ =	sdelay $0x3  }
0xda: {  	s10 =	sadd.s32 s10, s12  }
0xdb: {  	[smem:$0x100] =	sst s10;
	s13 =	spop (v2sf);
	(v2sf) =	vpush v0, $0x3  }
0xdc: {  	s10 =	sld [smem:s13+$0x0];
	_ =	sdelay $0x2  }
0xdd: {  	s0 =	sld [smem:s13+$0x80];
	s14 =	sadd.s32 $0x1, s10  }
0xde: {  	s15 =	spop (v2sf);
	(v2sf) =	vpush v0, $0x4;
	[smem:s13] =	sst s14  }
0xdf: {  	s13 =	sld [smem:s15+$0x0];
	_ =	sdelay $0x2  }
0xe0: {  	s8 =	sld [smem:s15+$0x80];
	s16 =	sadd.s32 $0x1, s13  }
0xe1: {  	s17 =	spop (v2sf);
	(v2sf) =	vpush v0, $0x5;
	[smem:s15] =	sst s16  }
0xe2: {  	s15 =	sld [smem:s17+$0x0];
	_ =	sdelay $0x2  }
0xe3: {  	s9 =	sld [smem:s17+$0x80];
	s18 =	sadd.s32 $0x1, s15  }
0xe4: {  	[smem:s17] =	sst s18;
	s19 =	spop (v2sf);
	(v2sf) =	vpush v0, $0x6  }
0xe5: {  	s17 =	sld [smem:s19+$0x0];
	_ =	sdelay $0x2  }
0xe6: {  	s12 =	sld [smem:s19+$0x80];
	s20 =	sadd.s32 $0x1, s17  }
0xe7: {  	s21 =	spop (v2sf);
	(v2sf) =	vpush v0, $0x7;
	[smem:s19] =	sst s20  }
0xe8: {  	s19 =	sld [smem:s21+$0x0];
	_ =	sdelay $0x2  }
0xe9: {  	s14 =	sld [smem:s21+$0x80];
	s22 =	sadd.s32 $0x1, s19  }
0xea: {  	s23 =	spop (v2sf);
	(v2sf) =	vpush v0, $0x8;
	[smem:s21] =	sst s22  }
0xeb: {  	s21 =	sld [smem:s23+$0x0];
	_ =	sdelay $0x2  }
0xec: {  	s22 =	sld [smem:s23+$0x80];
	s24 =	sadd.s32 $0x1, s21  }
0xed: {  	[smem:s23] =	sst s24;
	s25 =	spop (v2sf);
	(v2sf) =	vpush v0, $0x9  }
0xee: {  	s23 =	sld [smem:s25+$0x0];
	_ =	sdelay $0x2  }
0xef: {  	s24 =	sld [smem:s25+$0x80];
	s26 =	sadd.s32 $0x1, s23  }
0xf0: {  	s16 =	spop (v2sf);
	(v2sf) =	vpush v0, $0xA;
	[smem:s25] =	sst s26  }
0xf1: {  	s25 =	sld [smem:s16+$0x0];
	_ =	sdelay $0x2  }
0xf2: {  	s28 =	sld [smem:s16+$0x80];
	s29 =	sadd.s32 $0x1, s25  }
0xf3: {  	s18 =	spop (v2sf);
	(v2sf) =	vpush v0, $0xB;
	[smem:s16] =	sst s29  }
0xf4: {  	s29 =	sld [smem:s18+$0x0];
	_ =	sdelay $0x2  }
0xf5: {  	s30 =	sld [smem:s18+$0x80];
	s31 =	sadd.s32 $0x1, s29  }
0xf6: {  	[smem:s18] =	sst s31;
	s20 =	spop (v2sf);
	(v2sf) =	vpush v0, $0xC  }
0xf7: {  	s31 =	sld [smem:s20+$0x0];
	_ =	sdelay $0x1  }
0xf8: {  	[dreg:$0xc] =	wrdreg s0  }
0xf9: {  	s18 =	sld [smem:s20+$0x80];
	s1 =	sadd.s32 $0x1, s31  }
0xfa: {  	s0 =	spop (v2sf);
	(v2sf) =	vpush v0, $0xD;
	[smem:s20] =	sst s1  }
0xfb: {  	s26 =	sld [smem:s0+$0x0];
	_ =	sdelay $0x1  }
0xfc: {  	[dreg:$0x10] =	wrdreg s14  }
0xfd: {  	s14 =	sld [smem:s0+$0x80];
	s4 =	sadd.s32 $0x1, s26  }
0xfe: {  	s3 =	spop (v2sf);
	(v2sf) =	vpush v0, $0xE;
	[smem:s0] =	sst s4  }
0xff: {  	s4 =	sld [smem:s3+$0x0];
	_ =	sdelay $0x1  }
0x100: {  	[dreg:$0xd] =	wrdreg s8  }
0x101: {  	s8 =	sld [smem:s3+$0x80];
	s6 =	sadd.s32 $0x1, s4  }
0x102: {  	[smem:s3] =	sst s6;
	s5 =	spop (v2sf);
	(v2sf) =	vpush v0, $0xF  }
0x103: {  	s6 =	sld [smem:s5+$0x0]  }
0x104: {  	[dreg:$0xe] =	wrdreg s9  }
0x105: {  	[dreg:$0xf] =	wrdreg s12  }
0x106: {  	s7 =	sld [smem:s5+$0x80];
	s9 =	sadd.s32 $0x1, s6  }
0x107: {  	s12 =	spop (v2sf);
	[smem:s5] =	sst s9  }
0x108: {  	s9 =	sld [smem:s12+$0x0];
	_ =	sdelay $0x2  }
0x109: {  	s5 =	sld [smem:s12+$0x80];
	s16 =	sadd.s32 $0x1, s9  }
0x10a: {  	s20 =	spop (v2sf);
	[smem:s12] =	sst s16  }
0x10b: {  	s12 =	sld [smem:s20+$0x0];
	_ =	sdelay $0x2  }
0x10c: {  	s3 =	sld [smem:s20+$0x80];
	s0 =	sadd.s32 $0x1, s12  }
0x10d: {  	[smem:s20] =	sst s0;
	s1 =	spop (v2sf)  }
0x10e: {  	s16 =	sld [smem:s1+$0x80]  }
0x10f: {  	s0 =	sld [smem:s1+$0x0];
	_ =	sdelay $0x2  }
0x110: {  	s20 =	rddreg [dreg:$0xc];
	s16 =	sadd.s32 s16, s0  }
0x111: {  	s10 =	sadd.s32 s20, s10;
	s20 =	rddreg [dreg:$0xd];
	v0 =	vmov s16  }
0x112: {  	s13 =	sadd.s32 s20, s13;
	s20 =	rddreg [dreg:$0xe];
	v0 =	vsel vm0, s10, v0  }
0x113: {  	s16 =	rddreg [dreg:$0xf];
	s10 =	sadd.s32 s20, s15;
	v0 =	vsel vm1, s13, v0  }
0x114: {  	s13 =	sadd.s32 s16, s17;
	s17 =	rddreg [dreg:$0x10];
	v0 =	vsel vm2, s10, v0  }
0x115: {  	s10 =	sadd.s32 s17, s19;
	v0 =	vsel vm3, s13, v0  }
0x116: {  	s20 =	sadd.s32 s22, s21;
	v0 =	vsel vm4, s10, v0  }
0x117: {  	s21 =	sadd.s32 s24, s23;
	v0 =	vsel vm5, s20, v0  }
0x118: {  	s22 =	sadd.s32 s28, s25;
	v0 =	vsel vm6, s21, v0  }
0x119: {  	s23 =	sadd.s32 s30, s29;
	v0 =	vsel vm7, s22, v0  }
0x11a: {  	s25 =	sadd.s32 s18, s31;
	s10 =	simm.s32 $0x0;
	v0 =	vsel vm8, s23, v0  }
0x11b: {  	s14 =	sadd.s32 s14, s26;
	s24 =	sand.u32 $0x7F0, s10;
	v3 =	vld [tilespmem:s10+$0x0];
	v0 =	vsel vm9, s25, v0  }
0x11c: {  	s4 =	sadd.s32 s8, s4;
	v2 =	vld [tilespmem:s24+$0x800];
	v0 =	vsel vm10, s14, v0  }
0x11d: {  	s6 =	sadd.s32 s7, s6;
	v4 =	vld [tilespmem:s24+$0x1000];
	v0 =	vsel vm11, s4, v0  }
0x11e: {  	s28 =	sadd.s32 s5, s9;
	v0 =	vsel vm12, s6, v0  }
0x11f: {  	s3 =	sadd.s32 s3, s12;
	v0 =	vsel vm13, s28, v0  }
0x120: {  	v7 =	vmul.f32 v3, v3;
	v1 =	vsel vm14, s3, v0  }
0x121: {  	s0 =	sadd.s32 $0x1, s0;
	v5 =	vshrl.u32 v2, $0x10;
	v6 =	vmul.f32 v2, v2;
	v0 =	vshrl.u32 v3, $0x10  }
0x122: {  	[smem:s1] =	sst s0;
	v62 =	vshrl.u32 v4, $0x10;
	v5 =	vand.u32 $0x1, v5;
	v0 =	vand.u32 $0x1, v0  }
0x123: {  	s29 =	rddreg [dreg:$0x2];
	v63 =	vmul.f32 v4, v4;
	v2 =	vadd.s32 v5, v2;
	v0 =	vadd.s32 v0, v3  }
0x124: {  	s30 =	rddreg [dreg:$0x3];
	v5 =	vadd.f32 v6, v7;
	v6 =	vand.u32 $0x1, v62;
	v0 =	vadd.s32 $0x7FFF, v0  }
0x125: {  	s31 =	rddreg [dreg:$0x4];
	v2 =	vadd.s32 $0x7FFF, v2;
	v0 =	vand.u32 $0xFFFF0000, v0;
	[tilespmem:v1+s29+$0x0] =	vst.idx.msk $0xffff, v3;
	v3 =	vadd.s32 v6, v4  }
0x126: {  	s15 =	rddreg [dreg:$0x6];
	v4 =	vand.u32 $0xFFFF0000, v2;
	[tilespmem:v1+s30+$0x0] =	vst.idx.msk $0xffff, v0;
	v0 =	vadd.s32 $0x7FFF, v3  }
0x127: {  	s12 =	simm.s32 $0x10;
	s13 =	simm.s32 $0x0;
	s14 =	rddreg [dreg:$0x5];
	v2 =	vadd.f32 v63, v5;
	[tilespmem:v1+s31+$0x0] =	vst.idx.msk $0xffff, v4;
	v3 =	vand.u32 $0xFFFF0000, v0  }
.LBB2_8:
0x128: {  	[tilespmem:v1+s14+$0x0] =	vst.idx.msk $0xffff, v3  }
0x129: {  	s11 =	sadd.s32 $0x10, s11;
	[tilespmem:v1+s15+$0x0] =	vst.idx.msk $0xffff, v2  }
0x12a: {  	v1 =	vld [tilespmem:s11+$0x0];
	_ =	sdelay $0x4  }
0x12b: {  	(v2sf) =	vpush v1, $0x0;
	_ =	sdelay $0x4  }
0x12c: {  	(v2sf) =	vpush v1, $0x1;
	_ =	sdelay $0x4  }
0x12d: {  	(v2sf) =	vpush v1, $0x2;
	_ =	sdelay $0x4  }
0x12e: {  	s0 =	spop (v2sf);
	(v2sf) =	vpush v1, $0x3  }
0x12f: {  	s1 =	sld [smem:s0+$0x0];
	_ =	sdelay $0x2  }
0x130: {  	s3 =	sld [smem:s0+$0x80];
	s4 =	sadd.s32 $0x1, s1  }
0x131: {  	s30 =	spop (v2sf);
	(v2sf) =	vpush v1, $0x4;
	[smem:s0] =	sst s4  }
0x132: {  	s4 =	sld [smem:s30+$0x0];
	_ =	sdelay $0x2  }
0x133: {  	s31 =	sld [smem:s30+$0x80];
	s5 =	sadd.s32 $0x1, s4  }
0x134: {  	s6 =	spop (v2sf);
	(v2sf) =	vpush v1, $0x5;
	[smem:s30] =	sst s5  }
0x135: {  	s15 =	sadd.s32 s3, s1;
	s3 =	sld [smem:s6+$0x0];
	_ =	sdelay $0x2  }
0x136: {  	s7 =	sld [smem:s6+$0x80];
	s8 =	sadd.s32 $0x1, s3  }
0x137: {  	[smem:s6] =	sst s8;
	s9 =	spop (v2sf);
	(v2sf) =	vpush v1, $0x6  }
0x138: {  	s16 =	sadd.s32 s31, s4;
	s4 =	sld [smem:s9+$0x0];
	_ =	sdelay $0x2  }
0x139: {  	s18 =	sld [smem:s9+$0x80];
	s19 =	sadd.s32 $0x1, s4  }
0x13a: {  	s20 =	spop (v2sf);
	(v2sf) =	vpush v1, $0x7;
	[smem:s9] =	sst s19  }
0x13b: {  	s17 =	sadd.s32 s7, s3;
	s3 =	sld [smem:s20+$0x0];
	_ =	sdelay $0x2  }
0x13c: {  	s21 =	sld [smem:s20+$0x80];
	s22 =	sadd.s32 $0x1, s3  }
0x13d: {  	s23 =	spop (v2sf);
	(v2sf) =	vpush v1, $0x8;
	[smem:s20] =	sst s22  }
0x13e: {  	s18 =	sadd.s32 s18, s4;
	s4 =	sld [smem:s23+$0x0];
	_ =	sdelay $0x2  }
0x13f: {  	s24 =	sld [smem:s23+$0x80];
	s25 =	sadd.s32 $0x1, s4  }
0x140: {  	[smem:s23] =	sst s25;
	s26 =	spop (v2sf);
	(v2sf) =	vpush v1, $0x9  }
0x141: {  	s19 =	sadd.s32 s21, s3;
	s3 =	sld [smem:s26+$0x0];
	_ =	sdelay $0x2  }
0x142: {  	s28 =	sld [smem:s26+$0x80];
	s29 =	sadd.s32 $0x1, s3  }
0x143: {  	s30 =	spop (v2sf);
	(v2sf) =	vpush v1, $0xA;
	[smem:s26] =	sst s29  }
0x144: {  	s20 =	sadd.s32 s24, s4;
	s4 =	sld [smem:s30+$0x0];
	_ =	sdelay $0x2  }
0x145: {  	s31 =	sld [smem:s30+$0x80];
	s5 =	sadd.s32 $0x1, s4  }
0x146: {  	s6 =	spop (v2sf);
	(v2sf) =	vpush v1, $0xB;
	[smem:s30] =	sst s5  }
0x147: {  	s21 =	sadd.s32 s28, s3;
	s3 =	sld [smem:s6+$0x0];
	_ =	sdelay $0x2  }
0x148: {  	s7 =	sld [smem:s6+$0x80];
	s8 =	sadd.s32 $0x1, s3  }
0x149: {  	[smem:s6] =	sst s8;
	s9 =	spop (v2sf);
	(v2sf) =	vpush v1, $0xC  }
0x14a: {  	s24 =	sld [smem:s9+$0x0];
	_ =	sdelay $0x2  }
0x14b: {  	s25 =	sld [smem:s9+$0x80];
	s26 =	sadd.s32 $0x1, s24  }
0x14c: {  	s28 =	spop (v2sf);
	(v2sf) =	vpush v1, $0xD;
	[smem:s9] =	sst s26  }
0x14d: {  	s29 =	sld [smem:s28+$0x0];
	_ =	sdelay $0x2  }
0x14e: {  	s22 =	sadd.s32 s31, s4;
	s30 =	sld [smem:s28+$0x80];
	s31 =	sadd.s32 $0x1, s29  }
0x14f: {  	s5 =	spop (v2sf);
	(v2sf) =	vpush v1, $0xE;
	[smem:s28] =	sst s31  }
0x150: {  	s6 =	sld [smem:s5+$0x0];
	_ =	sdelay $0x2  }
0x151: {  	s23 =	sadd.s32 s7, s3;
	s7 =	sld [smem:s5+$0x80];
	s8 =	sadd.s32 $0x1, s6  }
0x152: {  	[smem:s5] =	sst s8;
	s9 =	spop (v2sf);
	(v2sf) =	vpush v1, $0xF  }
0x153: {  	s28 =	sld [smem:s9+$0x0];
	_ =	sdelay $0x1  }
0x154: {  	s24 =	sadd.s32 s25, s24  }
0x155: {  	s25 =	sadd.s32 s30, s29;
	s29 =	sld [smem:s9+$0x80];
	s30 =	sadd.s32 $0x1, s28  }
0x156: {  	s31 =	spop (v2sf);
	[smem:s9] =	sst s30  }
0x157: {  	s3 =	sld [smem:s31+$0x0];
	_ =	sdelay $0x2  }
0x158: {  	s4 =	sld [smem:s31+$0x80];
	s5 =	sadd.s32 $0x1, s3  }
0x159: {  	s26 =	sadd.s32 s7, s6;
	s6 =	spop (v2sf);
	[smem:s31] =	sst s5  }
0x15a: {  	s7 =	sld [smem:s6+$0x0];
	_ =	sdelay $0x2  }
0x15b: {  	s1 =	sadd.s32 s4, s3;
	s4 =	sld [smem:s6+$0x80];
	s5 =	sadd.s32 $0x1, s7  }
0x15c: {  	[smem:s6] =	sst s5;
	s8 =	spop (v2sf)  }
0x15d: {  	s9 =	sld [smem:s8+$0x80]  }
0x15e: {  	s5 =	sld [smem:s8+$0x0];
	_ =	sdelay $0x2  }
0x15f: {  	s3 =	sadd.s32 s4, s7;
	s4 =	sadd.s32 s9, s5  }
0x160: {  	v1 =	vmov s4  }
0x161: {  	v1 =	vsel vm0, s15, v1  }
0x162: {  	v1 =	vsel vm1, s16, v1  }
0x163: {  	v1 =	vsel vm2, s17, v1  }
0x164: {  	v1 =	vsel vm3, s18, v1  }
0x165: {  	v1 =	vsel vm4, s19, v1  }
0x166: {  	v1 =	vsel vm5, s20, v1  }
0x167: {  	v1 =	vsel vm6, s21, v1  }
0x168: {  	s13 =	sadd.s32 $0x10, s13;
	v1 =	vsel vm7, s22, v1  }
0x169: {  	s14 =	smov.u32 s12;
	v3 =	vld [tilespmem:s13+$0x0];
	v1 =	vsel vm8, s23, v1  }
0x16a: {  	s21 =	sand.u32 $0x7F0, s14;
	v1 =	vsel vm9, s24, v1  }
0x16b: {  	v2 =	vld [tilespmem:s21+$0x800];
	v1 =	vsel vm10, s25, v1  }
0x16c: {  	s28 =	sadd.s32 s29, s28;
	v1 =	vsel vm11, s26, v1  }
0x16d: {  	v4 =	vld [tilespmem:s21+$0x1000];
	v1 =	vsel vm12, s28, v1  }
0x16e: {  	v7 =	vshrl.u32 v3, $0x10;
	v1 =	vsel vm13, s1, v1  }
0x16f: {  	v7 =	vand.u32 $0x1, v7;
	v1 =	vsel vm14, s3, v1  }
0x170: {  	v8 =	vmul.f32 v3, v3;
	v7 =	vadd.s32 v7, v3;
	v5 =	vshrl.u32 v2, $0x10  }
0x171: {  	p0 =	sne.s32 s12, $0x7F0;
	v61 =	vadd.s32 $0x7FFF, v7;
	s29 =	rddreg [dreg:$0x2];
	v6 =	vmul.f32 v2, v2;
	v5 =	vand.u32 $0x1, v5  }
.Ltmp5:
0x172: {  	s30 =	rddreg [dreg:$0x3];
	v62 =	vshrl.u32 v4, $0x10;
	v63 =	vmul.f32 v4, v4;
	v2 =	vadd.s32 v5, v2;
	(pc) =	sbr.rel @p0 .LBB2_8-.Ltmp5, $4  }
0x173: {  	s31 =	rddreg [dreg:$0x4];
	s5 =	sadd.s32 $0x1, s5;
	v7 =	vand.u32 $0x1, v62;
	v5 =	vadd.f32 v6, v8;
	v2 =	vadd.s32 $0x7FFF, v2  }
0x174: {  	[smem:s8] =	sst s5;
	v6 =	vand.u32 $0xFFFF0000, v61;
	[tilespmem:v1+s29+$0x0] =	vst.idx.msk $0xffff, v3;
	v3 =	vand.u32 $0xFFFF0000, v2;
	v2 =	vadd.s32 v7, v4  }
0x175: {  	s15 =	rddreg [dreg:$0x6];
	[tilespmem:v1+s30+$0x0] =	vst.idx.msk $0xffff, v6;
	v4 =	vadd.s32 $0x7FFF, v2  }
0x176: {  	v0 =	vimm.f32 $0.0e+00;
	s12 =	sadd.s32 $0x10, s12;
	s14 =	rddreg [dreg:$0x5];
	v2 =	vadd.f32 v63, v5;
	[tilespmem:v1+s31+$0x0] =	vst.idx.msk $0xffff, v3;
	v3 =	vand.u32 $0xFFFF0000, v4  }
0x177: {  	_ = 	snop  }
.Ltmp6:
0x178: {  	_ = 	snop;
	(pc) =	sbr.rel .LBB2_10-.Ltmp6, $3  }
0x179: {  	_ =	sdelay $0x1  }
0x17a: {  	[tilespmem:v1+s14+$0x0] =	vst.idx.msk $0xffff, v3  }
0x17b: {  	s9 =	rddreg [dreg:$0x7];
	[tilespmem:v1+s15+$0x0] =	vst.idx.msk $0xffff, v2  }
.LBB2_15:
0x17c: {  	v1 =	vadd.f32 v25, v26;
	_ =	sdelay $0x1  }
0x17d: {  	v1 =	vadd.f32 v24, v1;
	_ =	sdelay $0x1  }
0x17e: {  	v1 =	vadd.f32 v23, v1;
	_ =	sdelay $0x1  }
0x17f: {  	v1 =	vadd.f32 v22, v1;
	_ =	sdelay $0x1  }
0x180: {  	v1 =	vadd.f32 v20, v1;
	_ =	sdelay $0x1  }
0x181: {  	v1 =	vadd.f32 v18, v1;
	_ =	sdelay $0x1  }
0x182: {  	v1 =	vadd.f32 v17, v1;
	_ =	sdelay $0x1  }
0x183: {  	v1 =	vadd.f32 v16, v1;
	_ =	sdelay $0x1  }
0x184: {  	v5 =	vadd.f32 v15, v1  }
.LBB2_16:
0x185: {  	s10 =	sadd.s32 $0x1, s10  }
0x186: {  	p0 =	sne.s32 s10, $0x20  }
.Ltmp7:
0x187: {  	_ = 	snop;
	(pc) =	sbr.rel @!p0 .LBB2_17-.Ltmp7, $2  }
0x188: {  	_ =	sdelay $0x1  }
0x189: {  	v0 =	vadd.f32 v5, v0;
	_ =	sdelay $0x1  }
.LBB2_10:
0x18a: {  	s0 =	sshll.u32 s10, $0x4  }
0x18b: {  	s1 =	sadd.s32 s9, s0  }
0x18c: {  	s0 =	sand.u32 $0x70, s0;
	s1 =	sand.u32 $0x780, s1  }
0x18d: {  	s0 =	sor.u32 s0, s1  }
0x18e: {  	v1 =	vld [tilespmem:s0+$0x1800];
	_ =	sdelay $0x4  }
0x18f: {  	(v2sf) =	vpush v1, $0x0  }
0x190: {  	(v2sf) =	vpush v1, $0xF;
	_ =	sdelay $0xd  }
0x191: {  	s31 =	spop (v2sf)  }
0x192: {  	s3 =	spop (v2sf)  }
0x193: {  	s3 =	smul.f32 $1.280000000e+02, s3  }
0x194: {  	s1 =	smul.f32 $1.280000000e+02, s31  }
0x195: {  	s3 =	scvt.f32.s32 s3  }
0x196: {  	s1 =	scvt.f32.s32 s1  }
0x197: {  	p0 =	sgt.s32 s3, $0x0  }
0x198: {  	s3 =	simm.s32 @!p0 $0x0;
	p0 =	sgt.s32 s1, $0x16  }
0x199: {  	s1 =	simm.s32 @!p0 $0x16;
	s3 =	smin.u32 s3, $0x69  }
0x19a: {  	s1 =	smin.u32 s1, $0x7F;
	s3 =	sld [smem:s3+$0x97]  }
0x19b: {  	s1 =	sld [smem:s1+$0x6A];
	_ =	sdelay $0x1  }
0x19c: {  	s3 =	sadd.s32 $0xF, s3  }
0x19d: {  	s11 =	sshrl.u32 s1, $0x4;
	s12 =	sshrl.u32 s3, $0x4  }
0x19e: {  	p0 =	sle.u32 s12, s11  }
.Ltmp8:
0x19f: {  	_ = 	snop;
	(pc) =	sbr.rel @p0 .LBB2_16-.Ltmp8, $4  }
0x1a0: {  	v2 =	vld [tilespmem:s0+$0x2800]  }
0x1a1: {  	v3 =	vld [tilespmem:s0+$0x3000]  }
0x1a2: {  	v4 =	vld [tilespmem:s0+$0x3800]  }
0x1a3: {  	v5 =	vimm.f32 $0.0e+00;
	v1 =	vld [tilespmem:s0+$0x2000]  }
.Ltmp9:
0x1a4: {  	(pc) =	sbr.rel .LBB2_12-.Ltmp9, $4  }
0x1a5: {  	s0 =	sshll.u32 s11, $0x6;
	v15 =	vimm.f32 $0.0e+00;
	v16 =	vimm.f32 $0.0e+00  }
0x1a6: {  	v17 =	vimm.f32 $0.0e+00;
	v18 =	vimm.f32 $0.0e+00;
	v20 =	vimm.f32 $0.0e+00;
	s0 =	sshra.s32 s0, $0x2  }
0x1a7: {  	s11 =	ssub.s32 s12, s11;
	v22 =	vimm.f32 $0.0e+00;
	v23 =	vimm.f32 $0.0e+00;
	v24 =	vimm.f32 $0.0e+00;
	s12 =	sadd.s32 $0x2000, s0  }
0x1a8: {  	v25 =	vimm.f32 $0.0e+00;
	v26 =	vimm.f32 $0.0e+00;
	v28 =	vimm.f32 $0.0e+00;
	s13 =	sadd.s32 $0x2800, s0;
	s14 =	sadd.s32 $0x3000, s0;
	s15 =	sadd.s32 $0x3800, s0  }
.LBB2_14:
0x1a9: {  	s11 =	sadd.s32 $0xFFFFFFFF, s11  }
0x1aa: {  	p0 =	sne.s32 s11, $0x0  }
.Ltmp10:
0x1ab: {  	_ = 	snop;
	(pc) =	sbr.rel @!p0 .LBB2_15-.Ltmp10, $3  }
0x1ac: {  	_ =	sdelay $0x1  }
0x1ad: {  	s12 =	sadd.s32 $0x10, s12  }
0x1ae: {  	s13 =	sadd.s32 $0x10, s13;
	s14 =	sadd.s32 $0x10, s14;
	s15 =	sadd.s32 $0x10, s15  }
.LBB2_12:
0x1af: {  	v7 =	vld [tilespmem:s12+$0x0]  }
0x1b0: {  	v32 =	vld [tilespmem:s13+$0x0]  }
0x1b1: {  	v6 =	vld [tilespmem:s14+$0x0];
	_ =	sdelay $0x3  }
0x1b2: {  	v5 =	vld [tilespmem:s15+$0x0];
	v8 =	vbroadcast v7, $0x0  }
0x1b3: {  	v9 =	vbroadcast v32, $0x0;
	v10 =	vbroadcast v6, $0x0  }
0x1b4: {  	v11 =	vbroadcast v7, $0x1;
	v12 =	vbroadcast v7, $0x2  }
0x1b5: {  	v13 =	vbroadcast v32, $0x2;
	v14 =	vbroadcast v6, $0x1  }
0x1b6: {  	v19 =	vbroadcast v32, $0x6;
	v33 =	vbroadcast v7, $0x8  }
0x1b7: {  	v34 =	vbroadcast v32, $0x8;
	v35 =	vbroadcast v5, $0x7  }
0x1b8: {  	v57 =	vbroadcast v32, $0x9;
	v58 =	vbroadcast v6, $0x9  }
0x1b9: {  	v60 =	vbroadcast v32, $0xA;
	v36 =	vbroadcast v5, $0xA  }
0x1ba: {  	v37 =	vbroadcast v32, $0xB;
	v38 =	vbroadcast v7, $0xC  }
0x1bb: {  	v40 =	vbroadcast v6, $0xB;
	v42 =	vbroadcast v6, $0xC  }
0x1bc: {  	v44 =	vbroadcast v5, $0xB;
	v47 =	vbroadcast v7, $0xD  }
0x1bd: {  	v8 =	vmul.f32 v8, v1;
	v9 =	vmul.f32 v9, v2  }
0x1be: {  	v49 =	vbroadcast v32, $0xD;
	v39 =	vbroadcast v6, $0xD  }
0x1bf: {  	v51 =	vbroadcast v7, $0xE;
	v8 =	vadd.f32 v9, v8;
	v9 =	vmul.f32 v10, v3  }
0x1c0: {  	v54 =	vbroadcast v32, $0xE;
	v11 =	vmul.f32 v11, v1  }
0x1c1: {  	v12 =	vmul.f32 v12, v1;
	v10 =	vbroadcast v5, $0x0;
	v8 =	vadd.f32 v9, v8  }
0x1c2: {  	v33 =	vmul.f32 v33, v1;
	v9 =	vbroadcast v32, $0x1  }
0x1c3: {  	v59 =	vmul.f32 v58, v3;
	v10 =	vadd.f32 v10, v4;
	v8 =	vadd.f32 v8, v8  }
0x1c4: {  	v61 =	vmul.f32 v60, v2;
	v9 =	vmul.f32 v9, v2  }
0x1c5: {  	v31 =	vsub.f32 v10, v8;
	v8 =	vmul.f32 v13, v2;
	v10 =	vbroadcast v6, $0x2  }
0x1c6: {  	v9 =	vadd.f32 v9, v11;
	v11 =	vmul.f32 v14, v3;
	v13 =	vbroadcast v5, $0x1  }
0x1c7: {  	v8 =	vadd.f32 v8, v12;
	v10 =	vmul.f32 v10, v3;
	v12 =	vbroadcast v7, $0x3  }
0x1c8: {  	v9 =	vadd.f32 v11, v9;
	v11 =	vadd.f32 v13, v4;
	v13 =	vbroadcast v32, $0x3  }
0x1c9: {  	v14 =	vbroadcast v6, $0x3;
	v8 =	vadd.f32 v10, v8;
	v10 =	vbroadcast v5, $0x2  }
0x1ca: {  	v12 =	vmul.f32 v12, v1;
	v9 =	vadd.f32 v9, v9;
	v13 =	vmul.f32 v13, v2  }
0x1cb: {  	v41 =	vmul.f32 v38, v1;
	v10 =	vadd.f32 v10, v4;
	v8 =	vadd.f32 v8, v8  }
0x1cc: {  	v12 =	vadd.f32 v13, v12;
	v13 =	vmul.f32 v14, v3;
	v14 =	vbroadcast v7, $0x4  }
0x1cd: {  	v30 =	vsub.f32 v11, v9;
	v29 =	vsub.f32 v10, v8;
	v8 =	vbroadcast v32, $0x4  }
0x1ce: {  	v9 =	vadd.f32 v13, v12;
	v10 =	vbroadcast v5, $0x3;
	v11 =	vmul.f32 v14, v1  }
0x1cf: {  	v13 =	vbroadcast v6, $0x4;
	v8 =	vmul.f32 v8, v2  }
0x1d0: {  	v43 =	vmul.f32 v40, v3;
	v10 =	vadd.f32 v10, v4;
	v9 =	vadd.f32 v9, v9  }
0x1d1: {  	v8 =	vadd.f32 v8, v11;
	v11 =	vmul.f32 v13, v3;
	v13 =	vbroadcast v7, $0x5  }
0x1d2: {  	v14 =	vbroadcast v7, $0x6;
	v27 =	vsub.f32 v10, v9;
	v10 =	vbroadcast v32, $0x5  }
0x1d3: {  	v9 =	vbroadcast v5, $0x4;
	v8 =	vadd.f32 v11, v8;
	v11 =	vmul.f32 v13, v1  }
0x1d4: {  	v36 =	vadd.f32 v36, v4;
	v13 =	vbroadcast v6, $0x5;
	v10 =	vmul.f32 v10, v2  }
0x1d5: {  	v12 =	vmin.f32 v31, v30;
	v9 =	vadd.f32 v9, v4;
	v8 =	vadd.f32 v8, v8  }
0x1d6: {  	v14 =	vmul.f32 v14, v1;
	v13 =	vmul.f32 v13, v3;
	v10 =	vadd.f32 v10, v11  }
0x1d7: {  	v21 =	vsub.f32 v9, v8;
	v8 =	vmul.f32 v19, v2;
	v9 =	vbroadcast v6, $0x6  }
0x1d8: {  	v11 =	vbroadcast v5, $0x5;
	v10 =	vadd.f32 v13, v10;
	v19 =	vbroadcast v32, $0x7  }
0x1d9: {  	v13 =	vbroadcast v7, $0x7;
	v8 =	vadd.f32 v8, v14;
	v9 =	vmul.f32 v9, v3  }
0x1da: {  	v11 =	vadd.f32 v11, v4;
	v14 =	vbroadcast v5, $0x6;
	v19 =	vmul.f32 v19, v2  }
0x1db: {  	v8 =	vadd.f32 v9, v8;
	v9 =	vmul.f32 v13, v1;
	v13 =	vbroadcast v6, $0x7  }
0x1dc: {  	v12 =	vmin.f32 v12, v29;
	v10 =	vadd.f32 v10, v10;
	v14 =	vadd.f32 v14, v4  }
0x1dd: {  	v8 =	vadd.f32 v8, v8;
	v13 =	vmul.f32 v13, v3;
	v9 =	vadd.f32 v19, v9  }
0x1de: {  	v19 =	vsub.f32 v11, v10;
	v10 =	vmul.f32 v34, v2;
	v11 =	vbroadcast v6, $0x8  }
0x1df: {  	v12 =	vmin.f32 v12, v27;
	v14 =	vsub.f32 v14, v8;
	v8 =	vadd.f32 v13, v9  }
0x1e0: {  	v56 =	vmin.f32 v12, v21;
	v10 =	vadd.f32 v10, v33;
	v11 =	vmul.f32 v11, v3  }
0x1e1: {  	v12 =	vbroadcast v7, $0x9;
	v9 =	vadd.f32 v35, v4;
	v8 =	vadd.f32 v8, v8  }
0x1e2: {  	v45 =	vadd.f32 v44, v4;
	v10 =	vadd.f32 v11, v10;
	v11 =	vbroadcast v5, $0x8  }
0x1e3: {  	v13 =	vsub.f32 v9, v8;
	v8 =	vmul.f32 v12, v1;
	v9 =	vmul.f32 v57, v2  }
0x1e4: {  	v38 =	vmul.f32 v42, v3;
	v11 =	vadd.f32 v11, v4;
	v10 =	vadd.f32 v10, v10  }
0x1e5: {  	v50 =	vmul.f32 v49, v2;
	v52 =	vmul.f32 v39, v3;
	v8 =	vadd.f32 v9, v8  }
0x1e6: {  	v9 =	vbroadcast v7, $0xA;
	v12 =	vsub.f32 v11, v10;
	v10 =	vbroadcast v5, $0x9  }
0x1e7: {  	v53 =	vmul.f32 v51, v1;
	v11 =	vbroadcast v6, $0xA;
	v8 =	vadd.f32 v59, v8  }
0x1e8: {  	v55 =	vmul.f32 v54, v2;
	v9 =	vmul.f32 v9, v1;
	v10 =	vadd.f32 v10, v4  }
0x1e9: {  	v62 =	vmul.f32 v11, v3;
	v11 =	vbroadcast v7, $0xB;
	v8 =	vadd.f32 v8, v8  }
0x1ea: {  	v34 =	vmin.f32 v56, v19;
	v56 =	vbroadcast v6, $0xE;
	v9 =	vadd.f32 v61, v9  }
0x1eb: {  	v63 =	vmul.f32 v11, v1;
	v11 =	vsub.f32 v10, v8;
	v10 =	vbroadcast v32, $0xC  }
0x1ec: {  	v60 =	vbroadcast v5, $0xE;
	v34 =	vmin.f32 v34, v14;
	v8 =	vmul.f32 v37, v2  }
0x1ed: {  	v58 =	vmul.f32 v56, v3;
	v9 =	vadd.f32 v62, v9;
	v10 =	vmul.f32 v10, v2  }
0x1ee: {  	v57 =	vbroadcast v5, $0xD;
	v34 =	vmin.f32 v34, v13;
	v8 =	vadd.f32 v8, v63  }
0x1ef: {  	v6 =	vbroadcast v6, $0xF;
	v9 =	vadd.f32 v9, v9;
	v37 =	vadd.f32 v10, v41  }
0x1f0: {  	v7 =	vbroadcast v7, $0xF;
	v32 =	vbroadcast v32, $0xF;
	v8 =	vadd.f32 v43, v8  }
0x1f1: {  	v10 =	vsub.f32 v36, v9;
	v9 =	vbroadcast v5, $0xC;
	v46 =	vadd.f32 v38, v37  }
0x1f2: {  	v62 =	vadd.f32 v60, v4;
	v36 =	vmul.f32 v47, v1;
	v8 =	vadd.f32 v8, v8  }
0x1f3: {  	v7 =	vmul.f32 v7, v1;
	v48 =	vadd.f32 v9, v4;
	v35 =	vadd.f32 v46, v46  }
0x1f4: {  	v32 =	vmul.f32 v32, v2;
	v33 =	vadd.f32 v50, v36;
	v9 =	vsub.f32 v45, v8  }
0x1f5: {  	v6 =	vmul.f32 v6, v3;
	v8 =	vsub.f32 v48, v35;
	v35 =	vadd.f32 v55, v53  }
0x1f6: {  	v32 =	vadd.f32 v32, v7;
	v7 =	vmin.f32 v34, v12;
	v33 =	vadd.f32 v52, v33  }
0x1f7: {  	v5 =	vbroadcast v5, $0xF;
	v36 =	vadd.f32 v57, v4;
	v34 =	vadd.f32 v58, v35  }
0x1f8: {  	v59 =	vmin.f32 v7, v11;
	v6 =	vadd.f32 v6, v32;
	v33 =	vadd.f32 v33, v33  }
0x1f9: {  	v61 =	vmin.f32 v59, v10;
	v5 =	vadd.f32 v5, v4;
	v34 =	vadd.f32 v34, v34  }
0x1fa: {  	v63 =	vadd.f32 v6, v6;
	v32 =	vmin.f32 v61, v9;
	v7 =	vsub.f32 v36, v33  }
0x1fb: {  	v32 =	vmin.f32 v32, v8;
	v6 =	vsub.f32 v62, v34  }
0x1fc: {  	v5 =	vsub.f32 v5, v63;
	v32 =	vmin.f32 v32, v7  }
0x1fd: {  	v32 =	vmin.f32 v32, v6  }
0x1fe: {  	v32 =	vmin.f32 v32, v5  }
0x1ff: {  	vm15 =	vlt.f32 v32, $4.900000060e-03  }
0x200: {  	v32 =	vmpcnt.ones.xlane vm15;
	_ =	sdelay $0x1  }
0x201: {  	(v2sf) =	vpush v32, $0x0;
	_ =	sdelay $0xe  }
0x202: {  	s0 =	spop (v2sf)  }
0x203: {  	p0 =	slt.s32 s0, $0x1  }
.Ltmp11:
0x204: {  	_ = 	snop;
	(pc) =	sbr.rel @p0 .LBB2_14-.Ltmp11, $1  }
0x205: {  	_ =	sdelay $0x3  }
0x206: {  	v32 =	vmax.f32 v31, $9.999999960e-13  }
0x207: {  	v33 =	vshra.s32 v32, $0x1;
	v34 =	vmul.f32 $5.000000000e-01, v32  }
0x208: {  	v33 =	vsub.s32 $0x5F3759DF, v33  }
0x209: {  	v34 =	vmul.f32 v33, v34;
	_ =	sdelay $0x1  }
0x20a: {  	v34 =	vmul.f32 v33, v34;
	_ =	sdelay $0x1  }
0x20b: {  	v34 =	vsub.f32 $1.500000000e+00, v34;
	_ =	sdelay $0x1  }
0x20c: {  	v53 =	vmax.f32 v30, $9.999999960e-13;
	v33 =	vmul.f32 v33, v34  }
0x20d: {  	v54 =	vshra.s32 v53, $0x1;
	v35 =	vmul.f32 $5.000000000e-01, v53  }
0x20e: {  	v34 =	vsub.s32 $0x5F3759DF, v54;
	v32 =	vmul.f32 v33, v32  }
0x20f: {  	v35 =	vmul.f32 v34, v35  }
0x210: {  	v32 =	vsub.f32 $7.000000030e-02, v32  }
0x211: {  	v55 =	vmul.f32 v34, v35  }
0x212: {  	vm15 =	vlt.f32 v31, $4.900000060e-03;
	v31 =	vmax.f32 v32, $0.0e+00  }
0x213: {  	v32 =	vsub.f32 $1.500000000e+00, v55;
	v31 =	vnsel vm15, $0x0, v31  }
0x214: {  	v59 =	vmax.f32 v29, $9.999999960e-13;
	v56 =	vmin.f32 v28, v31  }
0x215: {  	v40 =	vmax.f32 v27, $9.999999960e-13;
	v32 =	vmul.f32 v34, v32;
	v36 =	vmin.f32 v26, v56  }
0x216: {  	v60 =	vmul.f32 $5.000000000e-01, v59;
	v28 =	vmax.f32 v28, v31;
	v31 =	vmin.f32 v25, v36  }
0x217: {  	v41 =	vshra.s32 v40, $0x1;
	v32 =	vmul.f32 v32, v53;
	v57 =	vmin.f32 v24, v31  }
0x218: {  	v24 =	vmax.f32 v24, v31;
	v31 =	vmax.f32 v23, v57;
	v23 =	vmin.f32 v23, v57  }
0x219: {  	v58 =	vmax.f32 v22, v23;
	v22 =	vmin.f32 v22, v23;
	v23 =	vshra.s32 v59, $0x1  }
0x21a: {  	v42 =	vmul.f32 $5.000000000e-01, v40;
	vm15 =	vlt.f32 v30, $4.900000060e-03;
	v23 =	vsub.s32 $0x5F3759DF, v23  }
0x21b: {  	v34 =	vsub.s32 $0x5F3759DF, v41;
	v32 =	vsub.f32 $7.000000030e-02, v32;
	v35 =	vmul.f32 v23, v60  }
0x21c: {  	v26 =	vmax.f32 v26, v56;
	v25 =	vmax.f32 v25, v36;
	v61 =	vmin.f32 v20, v22  }
0x21d: {  	v20 =	vmax.f32 v20, v22;
	v30 =	vmax.f32 v32, $0.0e+00;
	v35 =	vmul.f32 v23, v35  }
0x21e: {  	v22 =	vmax.f32 v18, v61;
	v18 =	vmin.f32 v18, v61;
	v30 =	vnsel vm15, $0x0, v30  }
0x21f: {  	vm15 =	vlt.f32 v29, $4.900000060e-03;
	v29 =	vmul.f32 v34, v42;
	v35 =	vsub.f32 $1.500000000e+00, v35  }
0x220: {  	v62 =	vmin.f32 v17, v18;
	v17 =	vmax.f32 v17, v18;
	v63 =	vmin.f32 v28, v30  }
0x221: {  	v18 =	vmax.f32 v16, v62;
	v16 =	vmin.f32 v16, v62;
	v23 =	vmul.f32 v23, v35  }
0x222: {  	v38 =	vmin.f32 v26, v63;
	v26 =	vmax.f32 v26, v63;
	v15 =	vmax.f32 v15, v16  }
0x223: {  	v16 =	vmax.f32 v28, v30;
	v28 =	vmin.f32 v25, v38;
	v23 =	vmul.f32 v23, v59  }
0x224: {  	v29 =	vmul.f32 v34, v29;
	v25 =	vmax.f32 v25, v38;
	v30 =	vmin.f32 v24, v28  }
0x225: {  	v24 =	vmax.f32 v24, v28;
	v28 =	vmin.f32 v31, v30;
	v23 =	vsub.f32 $7.000000030e-02, v23  }
0x226: {  	v29 =	vsub.f32 $1.500000000e+00, v29;
	v30 =	vmax.f32 v31, v30;
	v31 =	vmin.f32 v58, v28  }
0x227: {  	v28 =	vmax.f32 v58, v28;
	v39 =	vmin.f32 v20, v31;
	v23 =	vmax.f32 v23, $0.0e+00  }
0x228: {  	v20 =	vmax.f32 v20, v31;
	v31 =	vmin.f32 v22, v39;
	v23 =	vnsel vm15, $0x0, v23  }
0x229: {  	v43 =	vmax.f32 v17, v31;
	v17 =	vmin.f32 v17, v31;
	v31 =	vmin.f32 v16, v23  }
0x22a: {  	v44 =	vmax.f32 v18, v17;
	v17 =	vmin.f32 v18, v17;
	v18 =	vmin.f32 v26, v31  }
0x22b: {  	v29 =	vmul.f32 v34, v29;
	v15 =	vmax.f32 v15, v17;
	v17 =	vmin.f32 v25, v18  }
0x22c: {  	v16 =	vmax.f32 v16, v23;
	v23 =	vmax.f32 v26, v31;
	v26 =	vmin.f32 v24, v17  }
0x22d: {  	v22 =	vmax.f32 v22, v39;
	v18 =	vmax.f32 v25, v18;
	v25 =	vmin.f32 v30, v26  }
0x22e: {  	v17 =	vmax.f32 v24, v17;
	v24 =	vmax.f32 v30, v26;
	v26 =	vmax.f32 v28, v25  }
0x22f: {  	v25 =	vmin.f32 v28, v25;
	v28 =	vmul.f32 v29, v40;
	v29 =	vmax.f32 v21, $9.999999960e-13  }
0x230: {  	v30 =	vmax.f32 v20, v25;
	v31 =	vshra.s32 v29, $0x1;
	v45 =	vmul.f32 $5.000000000e-01, v29  }
0x231: {  	v20 =	vmin.f32 v20, v25;
	v25 =	vsub.f32 $7.000000030e-02, v28;
	v28 =	vsub.s32 $0x5F3759DF, v31  }
0x232: {  	v31 =	vmax.f32 v22, v20;
	v20 =	vmin.f32 v22, v20;
	v22 =	vmul.f32 v28, v45  }
0x233: {  	vm15 =	vlt.f32 v27, $4.900000060e-03;
	v27 =	vmax.f32 v43, v20;
	v25 =	vmax.f32 v25, $0.0e+00  }
0x234: {  	v20 =	vmin.f32 v43, v20;
	v25 =	vnsel vm15, $0x0, v25;
	v22 =	vmul.f32 v28, v22  }
0x235: {  	v32 =	vmax.f32 v44, v20;
	v20 =	vmin.f32 v44, v20;
	v46 =	vmin.f32 v16, v25  }
0x236: {  	v15 =	vmax.f32 v15, v20;
	v20 =	vmin.f32 v23, v46;
	v22 =	vsub.f32 $1.500000000e+00, v22  }
0x237: {  	vm15 =	vlt.f32 v21, $4.900000060e-03;
	v16 =	vmax.f32 v16, v25;
	v25 =	vmin.f32 v18, v20  }
0x238: {  	v18 =	vmax.f32 v18, v20;
	v20 =	vmin.f32 v17, v25;
	v22 =	vmul.f32 v28, v22  }
0x239: {  	v17 =	vmax.f32 v17, v25;
	v25 =	vmax.f32 v24, v20;
	v20 =	vmin.f32 v24, v20  }
0x23a: {  	v28 =	vmax.f32 v19, $9.999999960e-13;
	v24 =	vmax.f32 v26, v20;
	v22 =	vmul.f32 v22, v29  }
0x23b: {  	v20 =	vmin.f32 v26, v20;
	v26 =	vshra.s32 v28, $0x1;
	v29 =	vmul.f32 $5.000000000e-01, v28  }
0x23c: {  	v23 =	vmax.f32 v23, v46;
	v26 =	vsub.s32 $0x5F3759DF, v26;
	v22 =	vsub.f32 $7.000000030e-02, v22  }
0x23d: {  	v47 =	vmin.f32 v30, v20;
	v20 =	vmax.f32 v30, v20;
	v29 =	vmul.f32 v26, v29  }
0x23e: {  	v30 =	vmax.f32 v31, v47;
	v31 =	vmin.f32 v31, v47;
	v21 =	vmax.f32 v22, $0.0e+00  }
0x23f: {  	v22 =	vmin.f32 v27, v31;
	v29 =	vmul.f32 v26, v29;
	v27 =	vmax.f32 v27, v31  }
0x240: {  	v21 =	vnsel vm15, $0x0, v21;
	v31 =	vmax.f32 v32, v22;
	v22 =	vmin.f32 v32, v22  }
0x241: {  	vm15 =	vlt.f32 v19, $4.900000060e-03;
	v48 =	vmin.f32 v16, v21;
	v29 =	vsub.f32 $1.500000000e+00, v29  }
0x242: {  	v15 =	vmax.f32 v15, v22;
	v16 =	vmax.f32 v16, v21;
	v49 =	vmin.f32 v23, v48  }
0x243: {  	v22 =	vmax.f32 v23, v48;
	v21 =	vmin.f32 v18, v49;
	v26 =	vmul.f32 v26, v29  }
0x244: {  	v18 =	vmax.f32 v18, v49;
	v23 =	vmin.f32 v17, v21;
	v17 =	vmax.f32 v17, v21  }
0x245: {  	v21 =	vmin.f32 v25, v23;
	v23 =	vmax.f32 v25, v23;
	v26 =	vmul.f32 v26, v28  }
0x246: {  	v28 =	vmax.f32 v14, $9.999999960e-13;
	v25 =	vmin.f32 v24, v21;
	v21 =	vmax.f32 v24, v21  }
0x247: {  	v29 =	vshra.s32 v28, $0x1;
	v50 =	vmul.f32 $5.000000000e-01, v28;
	v26 =	vsub.f32 $7.000000030e-02, v26  }
0x248: {  	v24 =	vmin.f32 v20, v25;
	v20 =	vmax.f32 v20, v25;
	v29 =	vsub.s32 $0x5F3759DF, v29  }
0x249: {  	v25 =	vmin.f32 v30, v24;
	v19 =	vmax.f32 v26, $0.0e+00;
	v26 =	vmul.f32 v29, v50  }
0x24a: {  	v24 =	vmax.f32 v30, v24;
	v30 =	vmax.f32 v27, v25;
	v19 =	vnsel vm15, $0x0, v19  }
0x24b: {  	v25 =	vmin.f32 v27, v25;
	v27 =	vmin.f32 v16, v19;
	v26 =	vmul.f32 v29, v26  }
0x24c: {  	v51 =	vmax.f32 v31, v25;
	v25 =	vmin.f32 v31, v25;
	v31 =	vmin.f32 v22, v27  }
0x24d: {  	v15 =	vmax.f32 v15, v25;
	v25 =	vmin.f32 v18, v31;
	v26 =	vsub.f32 $1.500000000e+00, v26  }
0x24e: {  	v16 =	vmax.f32 v16, v19;
	v19 =	vmax.f32 v22, v27;
	v22 =	vmin.f32 v17, v25  }
0x24f: {  	vm15 =	vlt.f32 v14, $4.900000060e-03;
	v27 =	vmin.f32 v23, v22;
	v26 =	vmul.f32 v29, v26  }
0x250: {  	v17 =	vmax.f32 v17, v25;
	v22 =	vmax.f32 v23, v22;
	v23 =	vmax.f32 v21, v27  }
0x251: {  	v21 =	vmin.f32 v21, v27;
	v25 =	vmul.f32 v26, v28;
	v26 =	vmax.f32 v13, $9.999999960e-13  }
0x252: {  	v27 =	vmax.f32 v20, v21;
	v28 =	vshra.s32 v26, $0x1;
	v29 =	vmul.f32 $5.000000000e-01, v26  }
0x253: {  	v20 =	vmin.f32 v20, v21;
	v21 =	vsub.f32 $7.000000030e-02, v25;
	v25 =	vsub.s32 $0x5F3759DF, v28  }
0x254: {  	v28 =	vmax.f32 v24, v20;
	v20 =	vmin.f32 v24, v20;
	v24 =	vmul.f32 v25, v29  }
0x255: {  	v18 =	vmax.f32 v18, v31;
	v29 =	vmax.f32 v30, v20;
	v14 =	vmax.f32 v21, $0.0e+00  }
0x256: {  	v20 =	vmin.f32 v30, v20;
	v14 =	vnsel vm15, $0x0, v14;
	v21 =	vmul.f32 v25, v24  }
0x257: {  	v24 =	vmax.f32 v51, v20;
	v20 =	vmin.f32 v51, v20;
	v30 =	vmin.f32 v16, v14  }
0x258: {  	v15 =	vmax.f32 v15, v20;
	v20 =	vmin.f32 v19, v30;
	v21 =	vsub.f32 $1.500000000e+00, v21  }
0x259: {  	v14 =	vmax.f32 v16, v14;
	v16 =	vmax.f32 v19, v30;
	v19 =	vmin.f32 v18, v20  }
0x25a: {  	v18 =	vmax.f32 v18, v20;
	v20 =	vmin.f32 v17, v19;
	v21 =	vmul.f32 v25, v21  }
0x25b: {  	v17 =	vmax.f32 v17, v19;
	v19 =	vmax.f32 v22, v20;
	v20 =	vmin.f32 v22, v20  }
0x25c: {  	v25 =	vmax.f32 v12, $9.999999960e-13;
	v22 =	vmax.f32 v23, v20;
	v21 =	vmul.f32 v21, v26  }
0x25d: {  	v20 =	vmin.f32 v23, v20;
	v23 =	vshra.s32 v25, $0x1;
	v26 =	vmul.f32 $5.000000000e-01, v25  }
0x25e: {  	vm15 =	vlt.f32 v13, $4.900000060e-03;
	v23 =	vsub.s32 $0x5F3759DF, v23;
	v21 =	vsub.f32 $7.000000030e-02, v21  }
0x25f: {  	v30 =	vmin.f32 v27, v20;
	v20 =	vmax.f32 v27, v20;
	v26 =	vmul.f32 v23, v26  }
0x260: {  	v27 =	vmax.f32 v28, v30;
	v28 =	vmin.f32 v28, v30;
	v13 =	vmax.f32 v21, $0.0e+00  }
0x261: {  	v21 =	vmin.f32 v29, v28;
	v26 =	vmul.f32 v23, v26;
	v28 =	vmax.f32 v29, v28  }
0x262: {  	v13 =	vnsel vm15, $0x0, v13;
	v29 =	vmax.f32 v24, v21;
	v21 =	vmin.f32 v24, v21  }
0x263: {  	vm15 =	vlt.f32 v12, $4.900000060e-03;
	v30 =	vmin.f32 v14, v13;
	v26 =	vsub.f32 $1.500000000e+00, v26  }
0x264: {  	v15 =	vmax.f32 v15, v21;
	v13 =	vmax.f32 v14, v13;
	v24 =	vmin.f32 v16, v30  }
0x265: {  	v16 =	vmax.f32 v16, v30;
	v14 =	vmin.f32 v18, v24;
	v23 =	vmul.f32 v23, v26  }
0x266: {  	v18 =	vmax.f32 v18, v24;
	v24 =	vmax.f32 v11, $9.999999960e-13;
	v21 =	vmin.f32 v17, v14  }
0x267: {  	v14 =	vmax.f32 v17, v14;
	v26 =	vmul.f32 $5.000000000e-01, v24;
	v23 =	vmul.f32 v23, v25  }
0x268: {  	v17 =	vmin.f32 v19, v21;
	v19 =	vmax.f32 v19, v21;
	v25 =	vshra.s32 v24, $0x1  }
0x269: {  	v21 =	vmin.f32 v22, v17;
	v17 =	vmax.f32 v22, v17;
	v23 =	vsub.f32 $7.000000030e-02, v23  }
0x26a: {  	v25 =	vsub.s32 $0x5F3759DF, v25;
	v22 =	vmin.f32 v20, v21;
	v20 =	vmax.f32 v20, v21  }
0x26b: {  	v21 =	vmin.f32 v27, v22;
	v12 =	vmax.f32 v23, $0.0e+00;
	v23 =	vmul.f32 v25, v26  }
0x26c: {  	v22 =	vmax.f32 v27, v22;
	v26 =	vmax.f32 v28, v21;
	v12 =	vnsel vm15, $0x0, v12  }
0x26d: {  	v21 =	vmin.f32 v28, v21;
	v27 =	vmin.f32 v13, v12;
	v23 =	vmul.f32 v25, v23  }
0x26e: {  	v28 =	vmax.f32 v29, v21;
	v21 =	vmin.f32 v29, v21;
	v29 =	vmin.f32 v16, v27  }
0x26f: {  	v15 =	vmax.f32 v15, v21;
	v21 =	vmin.f32 v18, v29;
	v23 =	vsub.f32 $1.500000000e+00, v23  }
0x270: {  	v12 =	vmax.f32 v13, v12;
	v13 =	vmax.f32 v16, v27;
	v16 =	vmin.f32 v14, v21  }
0x271: {  	vm15 =	vlt.f32 v11, $4.900000060e-03;
	v27 =	vmin.f32 v19, v16;
	v23 =	vmul.f32 v25, v23  }
0x272: {  	v14 =	vmax.f32 v14, v21;
	v16 =	vmax.f32 v19, v16;
	v19 =	vmax.f32 v17, v27  }
0x273: {  	v17 =	vmin.f32 v17, v27;
	v21 =	vmul.f32 v23, v24;
	v23 =	vmax.f32 v10, $9.999999960e-13  }
0x274: {  	v24 =	vmax.f32 v20, v17;
	v25 =	vshra.s32 v23, $0x1;
	v27 =	vmul.f32 $5.000000000e-01, v23  }
0x275: {  	v17 =	vmin.f32 v20, v17;
	v20 =	vsub.f32 $7.000000030e-02, v21;
	v21 =	vsub.s32 $0x5F3759DF, v25  }
0x276: {  	v25 =	vmax.f32 v22, v17;
	v17 =	vmin.f32 v22, v17;
	v22 =	vmul.f32 v21, v27  }
0x277: {  	v18 =	vmax.f32 v18, v29;
	v27 =	vmax.f32 v26, v17;
	v52 =	vmax.f32 v20, $0.0e+00  }
0x278: {  	v17 =	vmin.f32 v26, v17;
	v11 =	vnsel vm15, $0x0, v52;
	v20 =	vmul.f32 v21, v22  }
0x279: {  	v22 =	vmax.f32 v28, v17;
	v17 =	vmin.f32 v28, v17;
	v26 =	vmin.f32 v12, v11  }
0x27a: {  	v15 =	vmax.f32 v15, v17;
	v17 =	vmin.f32 v13, v26;
	v20 =	vsub.f32 $1.500000000e+00, v20  }
0x27b: {  	v11 =	vmax.f32 v12, v11;
	v12 =	vmax.f32 v13, v26;
	v13 =	vmin.f32 v18, v17  }
0x27c: {  	v17 =	vmax.f32 v18, v17;
	v18 =	vmin.f32 v14, v13;
	v20 =	vmul.f32 v21, v20  }
0x27d: {  	v13 =	vmax.f32 v14, v13;
	v14 =	vmax.f32 v16, v18;
	v16 =	vmin.f32 v16, v18  }
0x27e: {  	v21 =	vmax.f32 v9, $9.999999960e-13;
	v18 =	vmax.f32 v19, v16;
	v20 =	vmul.f32 v20, v23  }
0x27f: {  	v16 =	vmin.f32 v19, v16;
	v19 =	vshra.s32 v21, $0x1;
	v23 =	vmul.f32 $5.000000000e-01, v21  }
0x280: {  	vm15 =	vlt.f32 v10, $4.900000060e-03;
	v19 =	vsub.s32 $0x5F3759DF, v19;
	v20 =	vsub.f32 $7.000000030e-02, v20  }
0x281: {  	v26 =	vmin.f32 v24, v16;
	v16 =	vmax.f32 v24, v16;
	v23 =	vmul.f32 v19, v23  }
0x282: {  	v24 =	vmax.f32 v25, v26;
	v25 =	vmin.f32 v25, v26;
	v53 =	vmax.f32 v20, $0.0e+00  }
0x283: {  	v20 =	vmin.f32 v27, v25;
	v23 =	vmul.f32 v19, v23;
	v10 =	vnsel vm15, $0x0, v53  }
0x284: {  	v25 =	vmax.f32 v27, v25;
	v26 =	vmax.f32 v22, v20;
	v27 =	vmin.f32 v11, v10  }
0x285: {  	v20 =	vmin.f32 v22, v20;
	v23 =	vsub.f32 $1.500000000e+00, v23;
	v22 =	vmin.f32 v12, v27  }
0x286: {  	vm15 =	vlt.f32 v9, $4.900000060e-03;
	v15 =	vmax.f32 v15, v20;
	v54 =	vmin.f32 v17, v22  }
0x287: {  	v10 =	vmax.f32 v11, v10;
	v19 =	vmul.f32 v19, v23;
	v20 =	vmin.f32 v13, v54  }
0x288: {  	v17 =	vmax.f32 v17, v22;
	v11 =	vmax.f32 v13, v54;
	v13 =	vmax.f32 v14, v20  }
0x289: {  	v14 =	vmin.f32 v14, v20;
	v19 =	vmul.f32 v19, v21;
	v20 =	vmax.f32 v8, $9.999999960e-13  }
0x28a: {  	v21 =	vmax.f32 v18, v14;
	v22 =	vshra.s32 v20, $0x1;
	v23 =	vmul.f32 $5.000000000e-01, v20  }
0x28b: {  	v14 =	vmin.f32 v18, v14;
	v18 =	vsub.f32 $7.000000030e-02, v19;
	v19 =	vsub.s32 $0x5F3759DF, v22  }
0x28c: {  	v22 =	vmax.f32 v16, v14;
	v14 =	vmin.f32 v16, v14;
	v16 =	vmul.f32 v19, v23  }
0x28d: {  	v23 =	vmax.f32 v24, v14;
	v14 =	vmin.f32 v24, v14;
	v55 =	vmax.f32 v18, $0.0e+00  }
0x28e: {  	v18 =	vmax.f32 v25, v14;
	v14 =	vmin.f32 v25, v14;
	v16 =	vmul.f32 v19, v16  }
0x28f: {  	v12 =	vmax.f32 v12, v27;
	v9 =	vnsel vm15, $0x0, v55;
	v25 =	vmin.f32 v26, v14  }
0x290: {  	v14 =	vmax.f32 v26, v14;
	v24 =	vmin.f32 v10, v9;
	v16 =	vsub.f32 $1.500000000e+00, v16  }
0x291: {  	vm15 =	vlt.f32 v8, $4.900000060e-03;
	v15 =	vmax.f32 v15, v25;
	v27 =	vmin.f32 v12, v24  }
0x292: {  	v9 =	vmax.f32 v10, v9;
	v25 =	vmin.f32 v17, v27;
	v16 =	vmul.f32 v19, v16  }
0x293: {  	v12 =	vmax.f32 v12, v24;
	v56 =	vmin.f32 v11, v25;
	v11 =	vmax.f32 v11, v25  }
0x294: {  	v19 =	vmin.f32 v13, v56;
	v10 =	vmax.f32 v13, v56;
	v16 =	vmul.f32 v16, v20  }
0x295: {  	v24 =	vmin.f32 v21, v19;
	v13 =	vmax.f32 v21, v19;
	v21 =	vmax.f32 v7, $9.999999960e-13  }
0x296: {  	v19 =	vmax.f32 v22, v24;
	v20 =	vmin.f32 v22, v24;
	v16 =	vsub.f32 $7.000000030e-02, v16  }
0x297: {  	v24 =	vshra.s32 v21, $0x1;
	v25 =	vmul.f32 $5.000000000e-01, v21;
	v22 =	vmax.f32 v23, v20  }
0x298: {  	v20 =	vmin.f32 v23, v20;
	v57 =	vmax.f32 v16, $0.0e+00;
	v16 =	vsub.s32 $0x5F3759DF, v24  }
0x299: {  	v24 =	vmax.f32 v18, v20;
	v18 =	vmin.f32 v18, v20;
	v23 =	vmul.f32 v16, v25  }
0x29a: {  	v17 =	vmax.f32 v17, v27;
	v8 =	vnsel vm15, $0x0, v57;
	v25 =	vmin.f32 v14, v18  }
0x29b: {  	v14 =	vmax.f32 v14, v18;
	v20 =	vmin.f32 v9, v8;
	v23 =	vmul.f32 v16, v23  }
0x29c: {  	vm15 =	vlt.f32 v7, $4.900000060e-03;
	v15 =	vmax.f32 v15, v25;
	v26 =	vmin.f32 v12, v20  }
0x29d: {  	v8 =	vmax.f32 v9, v8;
	v18 =	vmin.f32 v17, v26;
	v23 =	vsub.f32 $1.500000000e+00, v23  }
0x29e: {  	v12 =	vmax.f32 v12, v20;
	v17 =	vmax.f32 v17, v26;
	v58 =	vmin.f32 v11, v18  }
0x29f: {  	v11 =	vmax.f32 v11, v18;
	v20 =	vmin.f32 v10, v58;
	v16 =	vmul.f32 v16, v23  }
0x2a0: {  	v9 =	vmax.f32 v10, v58;
	v18 =	vmin.f32 v13, v20;
	v59 =	vmax.f32 v13, v20  }
0x2a1: {  	v13 =	vmin.f32 v19, v18;
	v18 =	vmax.f32 v19, v18;
	v16 =	vmul.f32 v16, v21  }
0x2a2: {  	v19 =	vmin.f32 v22, v13;
	v13 =	vmax.f32 v22, v13;
	v21 =	vmax.f32 v6, $9.999999960e-13  }
0x2a3: {  	v22 =	vshra.s32 v21, $0x1;
	v23 =	vmul.f32 $5.000000000e-01, v21;
	v16 =	vsub.f32 $7.000000030e-02, v16  }
0x2a4: {  	v20 =	vmin.f32 v24, v19;
	v19 =	vmax.f32 v24, v19;
	v22 =	vsub.s32 $0x5F3759DF, v22  }
0x2a5: {  	v24 =	vmin.f32 v14, v20;
	v7 =	vmax.f32 v16, $0.0e+00;
	v16 =	vmul.f32 v22, v23  }
0x2a6: {  	v14 =	vmax.f32 v14, v20;
	v15 =	vmax.f32 v15, v24;
	v23 =	vmax.f32 v5, $9.999999960e-13  }
0x2a7: {  	v7 =	vnsel vm15, $0x0, v7;
	v60 =	vshra.s32 v23, $0x1;
	v16 =	vmul.f32 v22, v16  }
0x2a8: {  	v24 =	vmul.f32 $5.000000000e-01, v23;
	vm15 =	vlt.f32 v6, $4.900000060e-03;
	v20 =	vmax.f32 v8, v7  }
0x2a9: {  	v7 =	vmin.f32 v8, v7;
	v8 =	vsub.s32 $0x5F3759DF, v60;
	v16 =	vsub.f32 $1.500000000e+00, v16  }
0x2aa: {  	v25 =	vmin.f32 v12, v7;
	v7 =	vmax.f32 v12, v7;
	v24 =	vmul.f32 v8, v24  }
0x2ab: {  	v12 =	vmin.f32 v17, v25;
	v17 =	vmax.f32 v17, v25;
	v16 =	vmul.f32 v22, v16  }
0x2ac: {  	v25 =	vmin.f32 v11, v12;
	v11 =	vmax.f32 v11, v12;
	v22 =	vmul.f32 v8, v24  }
0x2ad: {  	v12 =	vmin.f32 v9, v25;
	v9 =	vmax.f32 v9, v25;
	v16 =	vmul.f32 v16, v21  }
0x2ae: {  	v24 =	vmin.f32 v59, v12;
	v10 =	vmax.f32 v59, v12;
	v21 =	vsub.f32 $1.500000000e+00, v22  }
0x2af: {  	v12 =	vmin.f32 v18, v24;
	v18 =	vmax.f32 v18, v24;
	v16 =	vsub.f32 $7.000000030e-02, v16  }
0x2b0: {  	v22 =	vmin.f32 v13, v12;
	v12 =	vmax.f32 v13, v12;
	v8 =	vmul.f32 v8, v21  }
0x2b1: {  	v13 =	vmax.f32 v19, v22;
	v19 =	vmin.f32 v19, v22;
	v6 =	vmax.f32 v16, $0.0e+00  }
0x2b2: {  	v16 =	vmin.f32 v14, v19;
	v8 =	vmul.f32 v8, v23;
	v6 =	vnsel vm15, $0x0, v6  }
0x2b3: {  	v14 =	vmax.f32 v14, v19;
	v15 =	vmax.f32 v15, v16;
	v16 =	vmin.f32 v20, v6  }
0x2b4: {  	vm15 =	vlt.f32 v5, $4.900000060e-03;
	v8 =	vsub.f32 $7.000000030e-02, v8;
	v19 =	vmin.f32 v7, v16  }
0x2b5: {  	v7 =	vmax.f32 v7, v16;
	v16 =	vmax.f32 v17, v19;
	v17 =	vmin.f32 v17, v19  }
0x2b6: {  	v6 =	vmax.f32 v20, v6;
	v5 =	vmax.f32 v8, $0.0e+00;
	v19 =	vmin.f32 v11, v17  }
0x2b7: {  	v61 =	vmax.f32 v11, v17;
	v5 =	vnsel vm15, $0x0, v5;
	v62 =	vmin.f32 v9, v19  }
0x2b8: {  	v9 =	vmax.f32 v9, v19;
	v19 =	vmin.f32 v6, v5;
	v17 =	vmin.f32 v10, v62  }
0x2b9: {  	v10 =	vmax.f32 v10, v62;
	v20 =	vmin.f32 v7, v19;
	v63 =	vmin.f32 v18, v17  }
0x2ba: {  	v17 =	vmax.f32 v18, v17;
	v21 =	vmin.f32 v16, v20;
	v18 =	vmin.f32 v12, v63  }
0x2bb: {  	v11 =	vmax.f32 v12, v63;
	v22 =	vmin.f32 v61, v21;
	v12 =	vmin.f32 v13, v18  }
0x2bc: {  	v13 =	vmax.f32 v13, v18;
	v27 =	vmin.f32 v9, v22;
	v18 =	vmin.f32 v14, v12  }
0x2bd: {  	v12 =	vmax.f32 v14, v12;
	v14 =	vmax.f32 v15, v18;
	v15 =	vmin.f32 v10, v27  }
.Ltmp12:
0x2be: {  	v28 =	vmax.f32 v6, v5;
	v26 =	vmax.f32 v7, v19;
	v5 =	vmin.f32 v17, v15;
	(pc) =	sbr.rel .LBB2_14-.Ltmp12, $4  }
0x2bf: {  	v25 =	vmax.f32 v16, v20;
	v24 =	vmax.f32 v61, v21;
	v6 =	vmin.f32 v11, v5  }
0x2c0: {  	v23 =	vmax.f32 v9, v22;
	v22 =	vmax.f32 v10, v27;
	v7 =	vmin.f32 v13, v6  }
0x2c1: {  	v20 =	vmax.f32 v17, v15;
	v18 =	vmax.f32 v11, v5;
	v5 =	vmin.f32 v12, v7  }
0x2c2: {  	v17 =	vmax.f32 v13, v6;
	v16 =	vmax.f32 v12, v7;
	v15 =	vmax.f32 v14, v5  }
.LBB2_18:
0x2c3: {  	_ =	sfence.sel $0x180000  }
0x2c4: {  	[bflag:$0x0] =	sbarrier.arrive $0xFFFF  }
0x2c5: {  	_ =	strace $0x90000047  }
0x2c6: {  	s0 =	stileid.u32;
	[bflag:$0x2] =	sbarrier.arrive $0xFFFF  }
0x2c7: {  	p0 =	sne.s32 s0, $0x0;
	s0 =	rddreg [dreg:$0x1]  }
0x2c8: {  	s0 =	sadd.s32 @!p0 $0x100000, s0  }
0x2c9: {  	[sflag:s0] =	ssyncadd.tile.s32 @!p0 $0x1;
	_ =	shalt  }
.Lfunc_end2:
_tile_overlayer_lowered:
.L_overlay_start_2:
0x2ca: {  	(tag) =	ssettag $0x2  }
0x2cb: {  	s0 =	rddreg [dreg:$0x0];
	s2 =	stileid.u32  }
0x2cc: {  	s1 =	rddreg [dreg:$0x1];
	p0 =	sne.s32 s2, $0x0  }
0x2cd: {  	s3 =	rddreg [dreg:$0x2];
	[bflag:$0x3] =	sbarrier.arrive $0xFFFF;
	s2 =	simm.s32 @!p0 $0x1C01  }
0x2ce: {  	[timem:s3], [sflag:s2] =	dma.local @!p0 [hbm:s0], s1  }
0x2cf: {  	s0 =	simm.s32 @!p0 $0x1  }
0x2d0: {  	_ =	swait.ge @!p0 [sflag:s0], s1  }
0x2d1: {  	s1 =	ssub.s32 @!p0 $0x0, s1;
	[sflag:s0] =	ssyncset.done @!p0 $0x0  }
0x2d2: {  	[sflag:s0] =	ssyncadd.s32 @!p0 s1  }
0x2d3: {  	[bflag:$0x3] =	sbarrier.arrive $0xFFFF  }
0x2d4: {  	_ =	shalt  }

</sc_bundles>
